<compile_context>
chip_gen: v7x
topology: tpu7x:2x2x1
jax: 0.10.2.dev20260603
libtpu: 0.0.44.dev20260713+nightly
codegen_flags: <defaults>
</compile_context>

<pallas_src>
import functools

import jax
import jax.numpy as jnp
from jax import lax
from jax.experimental import pallas as pl
from jax.experimental.pallas import tpu as pltpu
from jax.experimental.pallas import tpu_sc as plsc

EMB = 16
N_NODES = 100000
N_EDGES = 3200000

NC = 2
NS = 16
NW = NC * NS

NPAD = 100352
N8 = NPAD // 8
TSLICE = NPAD // NS

CHUNK_P = 256
CHUNK_D = 2048
E_PAD = NW * CHUNK_D * (-(-N_EDGES // (NW * CHUNK_D)))
EW = E_PAD // NW



def _gather_rows(table_hbm, idx_ref, dst_ref, sem):
    return pltpu.async_copy(table_hbm.at[idx_ref], dst_ref, sem)


def _gather_drain(table_hbm, idx_ref, dst_ref, sem):
    pltpu.make_async_copy(table_hbm.at[idx_ref], dst_ref, sem).wait()


def _scatter_add(src_ref, acc_ref, idx_ref):
    pltpu.sync_copy(src_ref, acc_ref.at[idx_ref], add=True)


def _gather16(ref, idx0):
    return plsc.load_gather(ref, [idx0])


def _edge_loop(n, fn, unroll):
    plsc.parallel_loop(0, n, 1, unroll=unroll)(fn)


def _axis_index(name):
    return lax.axis_index(name)


def _barrier():
    plsc.subcore_barrier()


def _sc_mesh():
    return plsc.VectorSubcoreMesh(core_axis_name="c", subcore_axis_name="s",
                                  num_cores=NC, num_subcores=NS)


_SC_PARAMS = dict(
    compiler_params=pltpu.CompilerParams(
        needs_layout_passes=False, use_tc_tiling_on_sc=False))


def _build_sc_deg():
    g_n = EW // CHUNK_D
    out_type = [jax.ShapeDtypeStruct((NPAD,), jnp.float32)
                for _ in range(2 * NC)]
    scratch = [
        pltpu.VMEM_SHARED((NPAD,), jnp.float32),
        pltpu.VMEM_SHARED((NPAD,), jnp.float32),
        pltpu.VMEM((CHUNK_D,), jnp.int32),
        pltpu.VMEM((CHUNK_D,), jnp.int32),
        pltpu.VMEM((CHUNK_D,), jnp.float32),
    ]

    def body(aidx_hbm, bidx_hbm, z1d_hbm, *rest):
        dega_outs = rest[:NC]
        degb_outs = rest[NC:2 * NC]
        dega_sh, degb_sh, aidx_v, bidx_v, ones_v = rest[2 * NC:]

        cid = _axis_index("c")
        sid = _axis_index("s")
        wid = cid * NS + sid
        toff = sid * TSLICE

        pltpu.sync_copy(z1d_hbm, dega_sh.at[pl.ds(toff, TSLICE)])
        pltpu.sync_copy(z1d_hbm, degb_sh.at[pl.ds(toff, TSLICE)])
        ones16 = jnp.full((16,), 1.0, jnp.float32)
        for t in range(CHUNK_D // 16):
            ones_v[pl.ds(16 * t, 16)] = ones16
        _barrier()

        eb0 = wid * EW

        def super_body(g, carry):
            eb = eb0 + g * CHUNK_D
            pltpu.sync_copy(aidx_hbm.at[pl.ds(eb, CHUNK_D)], aidx_v)
            pltpu.sync_copy(bidx_hbm.at[pl.ds(eb, CHUNK_D)], bidx_v)
            _scatter_add(ones_v, dega_sh, aidx_v)
            _scatter_add(ones_v, degb_sh, bidx_v)
            return carry

        lax.fori_loop(0, g_n, super_body, 0)
        _barrier()

        for k in range(NC):
            @pl.when(cid == k)
            def _copy_degs(k=k):
                pltpu.sync_copy(dega_sh.at[pl.ds(toff, TSLICE)],
                                dega_outs[k].at[pl.ds(toff, TSLICE)])
                pltpu.sync_copy(degb_sh.at[pl.ds(toff, TSLICE)],
                                degb_outs[k].at[pl.ds(toff, TSLICE)])

    return pl.kernel(body, out_type=out_type, mesh=_sc_mesh(),
                     scratch_types=scratch, **_SC_PARAMS)


def _build_sc_pass():
    sub = CHUNK_P // 128
    g_n = EW // CHUNK_P
    assert g_n % 2 == 0
    out_type = [jax.ShapeDtypeStruct((NC, NPAD, EMB), jnp.float32)]
    buf = lambda: [
        pltpu.VMEM((CHUNK_P,), jnp.int32),
        pltpu.VMEM((CHUNK_P,), jnp.int32),
        pltpu.VMEM((CHUNK_P,), jnp.float32),
        pltpu.VMEM((CHUNK_P, EMB), jnp.float32),
        pltpu.VMEM((CHUNK_P, EMB), jnp.float32),
        pltpu.SemaphoreType.DMA,
    ]
    scratch = (
        [pltpu.VMEM_SHARED((NPAD, EMB), jnp.float32)]
        + buf() + buf()
        + [pltpu.VMEM((4, EMB), jnp.float32)]
    )

    def body(aidx_hbm, bidx_hbm, ef_hbm, left_hbm, right_hbm, w_hbm,
             z2d_hbm, s_out, s_sh, *rest):
        bufs = [rest[0:6], rest[6:12]]
        w_v = rest[12]
        cid = _axis_index("c")
        sid = _axis_index("s")
        wid = cid * NS + sid
        toff = sid * TSLICE

        pltpu.sync_copy(z2d_hbm, s_sh.at[pl.ds(toff, TSLICE), :])
        pltpu.sync_copy(w_hbm, w_v)
        _barrier()

        fe = w_v[0]
        eew = w_v[1]
        eeb = w_v[2]
        zero16 = jnp.zeros((16,), jnp.float32)

        eb0 = wid * EW

        def load_and_fire(g, b):
            aidx_v, bidx_v, ef_v, l_v, r_v, sem = bufs[b]
            eb = eb0 + g * CHUNK_P
            pltpu.sync_copy(aidx_hbm.at[pl.ds(eb, CHUNK_P)], aidx_v)
            pltpu.sync_copy(bidx_hbm.at[pl.ds(eb, CHUNK_P)], bidx_v)
            pltpu.sync_copy(ef_hbm.at[pl.ds(eb, CHUNK_P)], ef_v)
            _gather_rows(left_hbm, aidx_v, l_v, sem)
            _gather_rows(right_hbm, bidx_v, r_v, sem)
            for t in range(CHUNK_P // 16):
                s = pl.ds(16 * t, 16)
                ef_v[s] = jnp.maximum(ef_v[s] * eew + eeb, zero16)

        def drain_compute_scatter(b):
            aidx_v, bidx_v, ef_v, l_v, r_v, sem = bufs[b]
            _gather_drain(left_hbm, aidx_v, l_v, sem)
            _gather_drain(right_hbm, bidx_v, r_v, sem)

            def edge_body(j):
                bj = jnp.broadcast_to(j, (16,))
                e16 = _gather16(ef_v, bj)
                l_v[j] = jnp.maximum(l_v[j] + r_v[j] + e16 * fe, zero16)
            _edge_loop(CHUNK_P, edge_body, 8)

            _scatter_add(l_v, s_sh, bidx_v)

        load_and_fire(0, 0)

        def super_body(h, carry):
            g = 2 * h
            load_and_fire(g + 1, 1)
            drain_compute_scatter(0)

            @pl.when(h < g_n // 2 - 1)
            def _prefetch():
                load_and_fire(g + 2, 0)
            drain_compute_scatter(1)
            return carry

        lax.fori_loop(0, g_n // 2, super_body, 0)
        _barrier()

        pltpu.sync_copy(s_sh.at[pl.ds(toff, TSLICE), :],
                        s_out.at[cid, pl.ds(toff, TSLICE), :])

    return pl.kernel(body, out_type=out_type, mesh=_sc_mesh(),
                     scratch_types=scratch, **_SC_PARAMS)



BR8 = 3136


def _kron8(w):
    return jnp.kron(jnp.eye(8, dtype=jnp.float32), w.astype(jnp.float32))


def _tile8(b):
    return jnp.tile(b.astype(jnp.float32), 8).reshape(1, 128)


def _dot(x, w):
    return jnp.dot(x, w, preferred_element_type=jnp.float32,
                   precision=jax.lax.Precision.HIGHEST)


def _tc_embed_kernel(cf_ref, vf_ref, ce1, ceb1, ce2, ceb2, ve1, veb1, ve2,
                     veb2, fl1, flb1, fr1, fl2, flb2,
                     c0_ref, rt1_ref, v0_ref, lt1_ref, rt2_ref):
    c = jnp.maximum(_dot(cf_ref[...], ce1[...]) + ceb1[...], 0.0)
    c = jnp.maximum(_dot(c, ce2[...]) + ceb2[...], 0.0)
    c0_ref[...] = c
    rt1_ref[...] = _dot(c, fl1[...]) + flb1[...]
    v = jnp.maximum(_dot(vf_ref[...], ve1[...]) + veb1[...], 0.0)
    v = jnp.maximum(_dot(v, ve2[...]) + veb2[...], 0.0)
    v0_ref[...] = v
    lt1_ref[...] = _dot(v, fr1[...])
    rt2_ref[...] = _dot(v, fl2[...]) + flb2[...]


def _tc_post_kernel(s_ref, deg_ref, right_ref, rep, ff, ffb, pc, pcb, o1a,
                    o1b, o1bias, o2, o2b, fr_next, outw, outb,
                    lt_ref, oo_ref):
    s = jnp.sum(s_ref[...], axis=0)
    deg = jnp.sum(deg_ref[...], axis=0)
    agg = _dot(s, ff[...]) + _dot(deg, rep[...]) * ffb[...]
    h = _dot(jnp.maximum(agg, 0.0), pc[...]) + pcb[...]
    right = right_ref[...]
    h2 = jnp.maximum(_dot(h, o1a[...]) + _dot(right, o1b[...]) + o1bias[...],
                     0.0)
    node = _dot(h2, o2[...]) + o2b[...]
    if lt_ref is not None:
        lt_ref[...] = _dot(node, fr_next[...])
    oo_ref[...] = jnp.maximum(_dot(node, outw[...]) + outb[...], 0.0)


def _run_embed(cfp, vfp, mats):
    grid = N8 // BR8
    row_spec = pl.BlockSpec((BR8, 128), lambda i: (i, 0))
    mat_specs = [pl.BlockSpec(m.shape, lambda i: (0, 0)) for m in mats]
    out_sds = jax.ShapeDtypeStruct((N8, 128), jnp.float32)
    return pl.pallas_call(
        _tc_embed_kernel,
        grid=(grid,),
        in_specs=[row_spec, row_spec] + mat_specs,
        out_specs=[row_spec] * 5,
        out_shape=[out_sds] * 5,
    )(cfp, vfp, *mats)


def _run_post(s_parts, deg_parts, rightp, mats, with_lt):
    grid = N8 // BR8
    s_spec = pl.BlockSpec((NC, BR8, 128), lambda i: (0, i, 0))
    deg_spec = pl.BlockSpec((NC, BR8, 8), lambda i: (0, i, 0))
    row_spec = pl.BlockSpec((BR8, 128), lambda i: (i, 0))
    mat_specs = [pl.BlockSpec(m.shape, lambda i: (0, 0)) for m in mats]
    out_sds = jax.ShapeDtypeStruct((N8, 128), jnp.float32)
    if with_lt:
        kern = lambda *a: _tc_post_kernel(*a[:16], a[16], a[17])
        out_specs, out_shape = [row_spec] * 2, [out_sds] * 2
    else:
        kern = lambda *a: _tc_post_kernel(*a[:13], None, a[13], a[14], None,
                                          a[15])
        out_specs, out_shape = [row_spec], [out_sds]
    return pl.pallas_call(
        kern,
        grid=(grid,),
        in_specs=[s_spec, deg_spec, row_spec] + mat_specs,
        out_specs=out_specs,
        out_shape=out_shape,
    )(s_parts, deg_parts, rightp, *mats)



def kernel(constraint_features, edge_indices, edge_features, variable_features,
           params):
    p = params
    f32 = jnp.float32

    def pack_nodes(x):
        x = jnp.pad(x.astype(f32), ((0, NPAD - N_NODES), (0, 0)))
        return x.reshape(N8, 128)

    cfp = pack_nodes(constraint_features)
    vfp = pack_nodes(variable_features)

    e0 = edge_indices[0].astype(jnp.int32)
    e1 = edge_indices[1].astype(jnp.int32)
    pad_e = E_PAD - N_EDGES
    e0 = jnp.pad(e0, (0, pad_e), constant_values=N_NODES)
    e1 = jnp.pad(e1, (0, pad_e), constant_values=N_NODES)
    ef = jnp.pad(edge_features.astype(f32).reshape(-1), (0, pad_e))

    z2d = jnp.zeros((TSLICE, EMB), f32)
    z1d = jnp.zeros((TSLICE,), f32)

    def wrow(fe_w, eew, eeb):
        return jnp.stack([fe_w.astype(f32).reshape(EMB),
                          jnp.full((EMB,), eew, f32),
                          jnp.full((EMB,), eeb, f32),
                          jnp.zeros((EMB,), f32)])

    eew = p['ee_w'].reshape(())
    eeb = p['ee_b'].reshape(())
    w1 = wrow(p['cv']['fe_w'], eew, eeb)
    w2 = wrow(p['cc']['fe_w'], eew, eeb)

    rep = jnp.repeat(jnp.eye(8, dtype=f32), 16, axis=1)

    embed_mats = [
        _kron8(p['ce_w1']), _tile8(p['ce_b1']),
        _kron8(p['ce_w2']), _tile8(p['ce_b2']),
        _kron8(p['ve_w1']), _tile8(p['ve_b1']),
        _kron8(p['ve_w2']), _tile8(p['ve_b2']),
        _kron8(p['cv']['fl_w']), _tile8(p['cv']['fl_b']),
        _kron8(p['cv']['fr_w']),
        _kron8(p['cc']['fl_w']), _tile8(p['cc']['fl_b']),
    ]
    c0p, rt1p, v0p, lt1p, rt2p = _run_embed(cfp, vfp, embed_mats)

    deg_outs = _build_sc_deg()(e1, e0, z1d)
    dega = jnp.stack(deg_outs[:NC])
    degb = jnp.stack(deg_outs[NC:])
    deg1 = degb.reshape(NC, N8, 8)
    deg2 = dega.reshape(NC, N8, 8)

    sc_edge = _build_sc_pass()
    lt1 = lt1p.reshape(NPAD, EMB)
    rt1 = rt1p.reshape(NPAD, EMB)
    (s1_parts,) = sc_edge(e1, e0, ef, lt1, rt1, w1, z2d)
    s1 = s1_parts.reshape(NC, N8, 128)

    pcv = p['cv']
    post1_mats = [
        rep, _kron8(pcv['ff_w']), _tile8(pcv['ff_b']),
        _kron8(pcv['pc_w']), _tile8(pcv['pc_b']),
        _kron8(pcv['o1_w'][:EMB]), _kron8(pcv['o1_w'][EMB:]),
        _tile8(pcv['o1_b']),
        _kron8(pcv['o2_w']), _tile8(pcv['o2_b']),
        _kron8(p['cc']['fr_w']),
        _kron8(p['oc_w']), _tile8(p['oc_b']),
    ]
    lt2p, ocp = _run_post(s1, deg1, c0p, post1_mats, with_lt=True)

    lt2 = lt2p.reshape(NPAD, EMB)
    rt2 = rt2p.reshape(NPAD, EMB)
    (s2_parts,) = sc_edge(e0, e1, ef, lt2, rt2, w2, z2d)
    s2 = s2_parts.reshape(NC, N8, 128)

    pcc = p['cc']
    post2_mats = [
        rep, _kron8(pcc['ff_w']), _tile8(pcc['ff_b']),
        _kron8(pcc['pc_w']), _tile8(pcc['pc_b']),
        _kron8(pcc['o1_w'][:EMB]), _kron8(pcc['o1_w'][EMB:]),
        _tile8(pcc['o1_b']),
        _kron8(pcc['o2_w']), _tile8(pcc['o2_b']),
        _kron8(p['ov_w']), _tile8(p['ov_b']),
    ]
    (ovp,) = _run_post(s2, deg2, v0p, post2_mats, with_lt=False)

    out_var = ovp.reshape(NPAD, EMB)[:N_NODES]
    out_cons = ocp.reshape(NPAD, EMB)[:N_NODES]
    return (out_var, out_cons)

# --- scband reference (transcript-rebuilt; emitter-appended) ---
"""Pipeline reference for scband-gnnpolicy-60610578481399 (READ-ONLY COPY).

The authoritative reference and input builder live on the scoring server;
editing this copy changes nothing except your own understanding.
"""

import jax, jax.numpy as jnp
import numpy as np

EMB = 16
N_NODES = 100000
N_EDGES = 3200000


def _linear(x, w, b=None):
    y = x @ w
    if b is not None:
        y = y + b
    return y


def _init_params(key):
    keys = iter(jax.random.split(key, 64))

    def w(shape):
        s = 1.0 / np.sqrt(shape[0])
        return jax.random.normal(next(keys), shape, dtype=jnp.float32) * s

    def zeros(n):
        return jnp.zeros((n,), dtype=jnp.float32)

    def conv_params():
        return {
            'fl_w': w((EMB, EMB)), 'fl_b': zeros(EMB),
            'fe_w': w((1, EMB)),
            'fr_w': w((EMB, EMB)),
            'ff_w': w((EMB, EMB)), 'ff_b': zeros(EMB),
            'pc_w': w((EMB, EMB)), 'pc_b': zeros(EMB),
            'o1_w': w((2 * EMB, EMB)), 'o1_b': zeros(EMB),
            'o2_w': w((EMB, EMB)), 'o2_b': zeros(EMB),
        }

    return {
        'ce_w1': w((EMB, EMB)), 'ce_b1': zeros(EMB),
        'ce_w2': w((EMB, EMB)), 'ce_b2': zeros(EMB),
        've_w1': w((EMB, EMB)), 've_b1': zeros(EMB),
        've_w2': w((EMB, EMB)), 've_b2': zeros(EMB),
        'ee_w': w((1, 1)), 'ee_b': zeros(1),
        'cv': conv_params(),  # conv_v_to_c
        'cc': conv_params(),  # conv_c_to_v
        'ov_w': w((EMB, EMB)), 'ov_b': zeros(EMB),
        'oc_w': w((EMB, EMB)), 'oc_b': zeros(EMB),
    }


def _bipartite_conv(p, left, edge_idx, edge_feat, right):
    # PyG semantics: edge_idx[0] = source (left / _j), edge_idx[1] = target (right / _i)
    src = edge_idx[0]
    dst = edge_idx[1]
    nf_i = jnp.take(right, dst, axis=0)
    nf_j = jnp.take(left, src, axis=0)
    pre = _linear(nf_i, p['fl_w'], p['fl_b']) + _linear(edge_feat, p['fe_w']) + _linear(nf_j, p['fr_w'])
    msg = _linear(jax.nn.relu(pre), p['ff_w'], p['ff_b'])
    agg = jax.ops.segment_sum(msg, dst, num_segments=right.shape[0])
    h = _linear(jax.nn.relu(agg), p['pc_w'], p['pc_b'])
    h = jnp.concatenate([h, right], axis=-1)
    h = jax.nn.relu(_linear(h, p['o1_w'], p['o1_b']))
    return _linear(h, p['o2_w'], p['o2_b'])


def _gnn_forward(params, constraint_features, edge_indices, edge_features, variable_features):
    reversed_edges = jnp.stack([edge_indices[1], edge_indices[0]], axis=0)
    c = jax.nn.relu(_linear(constraint_features, params['ce_w1'], params['ce_b1']))
    c = jax.nn.relu(_linear(c, params['ce_w2'], params['ce_b2']))
    e = jax.nn.relu(_linear(edge_features, params['ee_w'], params['ee_b']))
    v = jax.nn.relu(_linear(variable_features, params['ve_w1'], params['ve_b1']))
    v = jax.nn.relu(_linear(v, params['ve_w2'], params['ve_b2']))
    c = _bipartite_conv(params['cv'], v, reversed_edges, e, c)
    v = _bipartite_conv(params['cc'], c, edge_indices, e, v)
    out_var = jax.nn.relu(_linear(v, params['ov_w'], params['ov_b']))  # torch .squeeze(-1) is a no-op for dim 16
    out_cons = jax.nn.relu(_linear(c, params['oc_w'], params['oc_b']))
    return (out_var, out_cons)


def setup_inputs(seed: int = 0) -> dict:
    key = jax.random.key(seed)
    k1, k2, k3, k4, k5 = jax.random.split(key, 5)
    constraint_features = jax.random.normal(k1, (N_NODES, EMB), dtype=jnp.float32)
    variable_features = jax.random.normal(k2, (N_NODES, EMB), dtype=jnp.float32)
    edge_features = jax.random.uniform(k3, (N_EDGES, 1), dtype=jnp.float32)
    edge_indices = jax.random.randint(k4, (2, N_EDGES), 0, N_NODES, dtype=jnp.int64 if jax.config.jax_enable_x64 else jnp.int32)
    params = _init_params(k5)
    return {
        'constraint_features': constraint_features,
        'edge_indices': edge_indices,
        'edge_features': edge_features,
        'variable_features': variable_features,
        'params': params,
    }


def reference(constraint_features, edge_indices, edge_features, variable_features, params):
    return _gnn_forward(params, constraint_features, edge_indices, edge_features, variable_features)

if __name__ == "__main__":
    import jax
    _d = setup_inputs()
    print(jax.jit(kernel)(*tuple(_d.values())))

</pallas_src>

<mosaic_0001>
#map = affine_map<(d0, d1) -> (0)>
#map1 = affine_map<(d0, d1) -> (0, 0)>
#map2 = affine_map<(d0, d1) -> (0, 0, 0)>
module attributes {stable_mosaic.version = 14 : i64} {
  func.func @body(%arg0: i32, %arg1: i32, %arg2: memref<3211264xi32, #tpu.memory_space<hbm>>, %arg3: memref<3211264xi32, #tpu.memory_space<hbm>>, %arg4: memref<3211264xf32, #tpu.memory_space<hbm>>, %arg5: memref<100352x16xf32, #tpu.memory_space<hbm>>, %arg6: memref<100352x16xf32, #tpu.memory_space<hbm>>, %arg7: memref<4x16xf32, #tpu.memory_space<hbm>>, %arg8: memref<6272x16xf32, #tpu.memory_space<hbm>>, %arg9: memref<2x100352x16xf32, #tpu.memory_space<hbm>>, %arg10: memref<100352x16xf32, #tpu.memory_space<vmem_shared>>, %arg11: memref<256xi32, #tpu.memory_space<vmem>>, %arg12: memref<256xi32, #tpu.memory_space<vmem>>, %arg13: memref<256xf32, #tpu.memory_space<vmem>>, %arg14: memref<256x16xf32, #tpu.memory_space<vmem>>, %arg15: memref<256x16xf32, #tpu.memory_space<vmem>>, %arg16: memref<!tpu.dma_semaphore, #tpu.memory_space<semaphore_mem>>, %arg17: memref<256xi32, #tpu.memory_space<vmem>>, %arg18: memref<256xi32, #tpu.memory_space<vmem>>, %arg19: memref<256xf32, #tpu.memory_space<vmem>>, %arg20: memref<256x16xf32, #tpu.memory_space<vmem>>, %arg21: memref<256x16xf32, #tpu.memory_space<vmem>>, %arg22: memref<!tpu.dma_semaphore, #tpu.memory_space<semaphore_mem>>, %arg23: memref<4x16xf32, #tpu.memory_space<vmem>>) attributes {dimension_semantics = [#tpu.dimension_semantics<core_parallel>, #tpu.dimension_semantics<subcore_parallel>], iteration_bounds = array<i64: 2, 16>, scalar_prefetch = 0 : i64, scratch_operands = 14 : i64, tpu.core_type = #tpu.core_type<sc_vector_subcore>, window_params = [{transform_indices = #map}, {transform_indices = #map}, {transform_indices = #map}, {transform_indices = #map1}, {transform_indices = #map1}, {transform_indices = #map1}, {transform_indices = #map1}, {transform_indices = #map2}]} {
    %mul3A = arith.constant 16 : i32
    %mul3A_0 = arith.muli %arg0, %mul3A : i32
    %add3A = arith.addi %mul3A_0, %arg1 : i32
    %mul3A_1 = arith.constant 6272 : i32
    %mul3A_2 = arith.muli %arg1, %mul3A_1 : i32
    "tpu.region"() ({
      %run_scoped3A = tpu.sem_alloc : memref<!tpu.dma_semaphore, #tpu.memory_space<semaphore_mem>>
      %dma_start3A_140 = arith.constant 0 : i32
      %dma_start3A_141 = tpu.memref_slice %arg10[%mul3A_2, %dma_start3A_140] : memref<100352x16xf32, #tpu.memory_space<vmem_shared>> -> memref<6272x16xf32, #tpu.memory_space<vmem_shared>>
      tpu.enqueue_dma source(%arg8 : memref<6272x16xf32, #tpu.memory_space<hbm>>) target(%dma_start3A_141 : memref<6272x16xf32, #tpu.memory_space<vmem_shared>>) target_semaphore(%run_scoped3A : memref<!tpu.dma_semaphore, #tpu.memory_space<semaphore_mem>>)
      %dma_wait3A = arith.constant 0 : i32
      %dma_wait3A_142 = tpu.memref_slice %arg10[%mul3A_2, %dma_wait3A] : memref<100352x16xf32, #tpu.memory_space<vmem_shared>> -> memref<6272x16xf32, #tpu.memory_space<vmem_shared>>
      tpu.wait_dma2 semaphore(%run_scoped3A : memref<!tpu.dma_semaphore, #tpu.memory_space<semaphore_mem>>) src(%arg8 : memref<6272x16xf32, #tpu.memory_space<hbm>>) dst(%dma_wait3A_142 : memref<6272x16xf32, #tpu.memory_space<vmem_shared>>)
      tpu.yield
    }) : () -> ()
    "tpu.region"() ({
      %run_scoped3A = tpu.sem_alloc : memref<!tpu.dma_semaphore, #tpu.memory_space<semaphore_mem>>
      tpu.enqueue_dma source(%arg7 : memref<4x16xf32, #tpu.memory_space<hbm>>) target(%arg23 : memref<4x16xf32, #tpu.memory_space<vmem>>) target_semaphore(%run_scoped3A : memref<!tpu.dma_semaphore, #tpu.memory_space<semaphore_mem>>)
      tpu.wait_dma2 semaphore(%run_scoped3A : memref<!tpu.dma_semaphore, #tpu.memory_space<semaphore_mem>>) src(%arg7 : memref<4x16xf32, #tpu.memory_space<hbm>>) dst(%arg23 : memref<4x16xf32, #tpu.memory_space<vmem>>)
      tpu.yield
    }) : () -> ()
    %barrier3A = arith.constant 0 : index
    tpu.barrier barrier_id(%barrier3A)
    %get3A = arith.constant 0 : i32
    %get3A_3 = arith.index_cast %get3A : i32 to index
    %get3A_4 = arith.constant 0 : index
    %get3A_5 = tpu.vector_load %arg23[%get3A_3, %get3A_4] {strides = array<i32>} : memref<4x16xf32, #tpu.memory_space<vmem>>, vector<16xf32>,
    %get3A_6 = arith.constant 1 : i32
    %get3A_7 = arith.index_cast %get3A_6 : i32 to index
    %get3A_8 = arith.constant 0 : index
    %get3A_9 = tpu.vector_load %arg23[%get3A_7, %get3A_8] {strides = array<i32>} : memref<4x16xf32, #tpu.memory_space<vmem>>, vector<16xf32>,
    %get3A_10 = arith.constant 2 : i32
    %get3A_11 = arith.index_cast %get3A_10 : i32 to index
    %get3A_12 = arith.constant 0 : index
    %get3A_13 = tpu.vector_load %arg23[%get3A_11, %get3A_12] {strides = array<i32>} : memref<4x16xf32, #tpu.memory_space<vmem>>, vector<16xf32>,
    %broadcast_in_dim3A = arith.constant 0.000000e+00 : f32
    %broadcast_in_dim3A_14 = vector.broadcast %broadcast_in_dim3A : f32 to vector<16xf32>
    %mul3A_15 = arith.constant 100352 : i32
    %mul3A_16 = arith.muli %add3A, %mul3A_15 : i32
    %add3A_17 = arith.constant 0 : i32
    %add3A_18 = arith.addi %mul3A_16, %add3A_17 : i32
    "tpu.region"() ({
      %run_scoped3A = tpu.sem_alloc : memref<!tpu.dma_semaphore, #tpu.memory_space<semaphore_mem>>
      %dma_start3A_140 = tpu.memref_slice %arg2[%add3A_18] : memref<3211264xi32, #tpu.memory_space<hbm>> -> memref<256xi32, #tpu.memory_space<hbm>>
      %dma_start3A_141 = tpu.memref_slice %arg2[%add3A_18] : memref<3211264xi32, #tpu.memory_space<hbm>> -> memref<256xi32, #tpu.memory_space<hbm>>
      tpu.enqueue_dma source(%dma_start3A_141 : memref<256xi32, #tpu.memory_space<hbm>>) target(%arg11 : memref<256xi32, #tpu.memory_space<vmem>>) target_semaphore(%run_scoped3A : memref<!tpu.dma_semaphore, #tpu.memory_space<semaphore_mem>>)
      %dma_wait3A = tpu.memref_slice %arg2[%add3A_18] : memref<3211264xi32, #tpu.memory_space<hbm>> -> memref<256xi32, #tpu.memory_space<hbm>>
      %dma_wait3A_142 = tpu.memref_slice %arg2[%add3A_18] : memref<3211264xi32, #tpu.memory_space<hbm>> -> memref<256xi32, #tpu.memory_space<hbm>>
      tpu.wait_dma2 semaphore(%run_scoped3A : memref<!tpu.dma_semaphore, #tpu.memory_space<semaphore_mem>>) src(%dma_wait3A_142 : memref<256xi32, #tpu.memory_space<hbm>>) dst(%arg11 : memref<256xi32, #tpu.memory_space<vmem>>)
      tpu.yield
    }) : () -> ()
    "tpu.region"() ({
      %run_scoped3A = tpu.sem_alloc : memref<!tpu.dma_semaphore, #tpu.memory_space<semaphore_mem>>
      %dma_start3A_140 = tpu.memref_slice %arg3[%add3A_18] : memref<3211264xi32, #tpu.memory_space<hbm>> -> memref<256xi32, #tpu.memory_space<hbm>>
      %dma_start3A_141 = tpu.memref_slice %arg3[%add3A_18] : memref<3211264xi32, #tpu.memory_space<hbm>> -> memref<256xi32, #tpu.memory_space<hbm>>
      tpu.enqueue_dma source(%dma_start3A_141 : memref<256xi32, #tpu.memory_space<hbm>>) target(%arg12 : memref<256xi32, #tpu.memory_space<vmem>>) target_semaphore(%run_scoped3A : memref<!tpu.dma_semaphore, #tpu.memory_space<semaphore_mem>>)
      %dma_wait3A = tpu.memref_slice %arg3[%add3A_18] : memref<3211264xi32, #tpu.memory_space<hbm>> -> memref<256xi32, #tpu.memory_space<hbm>>
      %dma_wait3A_142 = tpu.memref_slice %arg3[%add3A_18] : memref<3211264xi32, #tpu.memory_space<hbm>> -> memref<256xi32, #tpu.memory_space<hbm>>
      tpu.wait_dma2 semaphore(%run_scoped3A : memref<!tpu.dma_semaphore, #tpu.memory_space<semaphore_mem>>) src(%dma_wait3A_142 : memref<256xi32, #tpu.memory_space<hbm>>) dst(%arg12 : memref<256xi32, #tpu.memory_space<vmem>>)
      tpu.yield
    }) : () -> ()
    "tpu.region"() ({
      %run_scoped3A = tpu.sem_alloc : memref<!tpu.dma_semaphore, #tpu.memory_space<semaphore_mem>>
      %dma_start3A_140 = tpu.memref_slice %arg4[%add3A_18] : memref<3211264xf32, #tpu.memory_space<hbm>> -> memref<256xf32, #tpu.memory_space<hbm>>
      %dma_start3A_141 = tpu.memref_slice %arg4[%add3A_18] : memref<3211264xf32, #tpu.memory_space<hbm>> -> memref<256xf32, #tpu.memory_space<hbm>>
      tpu.enqueue_dma source(%dma_start3A_141 : memref<256xf32, #tpu.memory_space<hbm>>) target(%arg13 : memref<256xf32, #tpu.memory_space<vmem>>) target_semaphore(%run_scoped3A : memref<!tpu.dma_semaphore, #tpu.memory_space<semaphore_mem>>)
      %dma_wait3A = tpu.memref_slice %arg4[%add3A_18] : memref<3211264xf32, #tpu.memory_space<hbm>> -> memref<256xf32, #tpu.memory_space<hbm>>
      %dma_wait3A_142 = tpu.memref_slice %arg4[%add3A_18] : memref<3211264xf32, #tpu.memory_space<hbm>> -> memref<256xf32, #tpu.memory_space<hbm>>
      tpu.wait_dma2 semaphore(%run_scoped3A : memref<!tpu.dma_semaphore, #tpu.memory_space<semaphore_mem>>) src(%dma_wait3A_142 : memref<256xf32, #tpu.memory_space<hbm>>) dst(%arg13 : memref<256xf32, #tpu.memory_space<vmem>>)
      tpu.yield
    }) : () -> ()
    %dma_start3A = arith.constant 0 : i32
    %dma_start3A_19 = arith.constant 0 : i32
    %dma_start3A_20 = tpu.memref_slice %arg5[%dma_start3A, %dma_start3A_19] : memref<100352x16xf32, #tpu.memory_space<hbm>> -> memref<100352x16xf32, #tpu.memory_space<hbm>>
    tpu.enqueue_indirect_dma source(%dma_start3A_20 : memref<100352x16xf32, #tpu.memory_space<hbm>>) target(%arg14 : memref<256x16xf32, #tpu.memory_space<vmem>>) offsets(%arg11 : memref<256xi32, #tpu.memory_space<vmem>>) semaphore(%arg16 : memref<!tpu.dma_semaphore, #tpu.memory_space<semaphore_mem>>)
    %dma_start3A_21 = arith.constant 0 : i32
    %dma_start3A_22 = arith.constant 0 : i32
    %dma_start3A_23 = tpu.memref_slice %arg6[%dma_start3A_21, %dma_start3A_22] : memref<100352x16xf32, #tpu.memory_space<hbm>> -> memref<100352x16xf32, #tpu.memory_space<hbm>>
    tpu.enqueue_indirect_dma source(%dma_start3A_23 : memref<100352x16xf32, #tpu.memory_space<hbm>>) target(%arg15 : memref<256x16xf32, #tpu.memory_space<vmem>>) offsets(%arg12 : memref<256xi32, #tpu.memory_space<vmem>>) semaphore(%arg16 : memref<!tpu.dma_semaphore, #tpu.memory_space<semaphore_mem>>)
    %get3A_24 = arith.constant 0 : index
    %get3A_25 = tpu.vector_load %arg13[%get3A_24] {strides = array<i32>} : memref<256xf32, #tpu.memory_space<vmem>>, vector<16xf32>,
    %mul3A_26 = arith.mulf %get3A_25, %get3A_9 : vector<16xf32>
    %add3A_27 = arith.addf %mul3A_26, %get3A_13 : vector<16xf32>
    %max3A = arith.maximumf %add3A_27, %broadcast_in_dim3A_14 : vector<16xf32>
    %swap3A = arith.constant 0 : index
    %swap3A_28 = tpu.vector_load %arg13[%swap3A] {strides = array<i32>} : memref<256xf32, #tpu.memory_space<vmem>>, vector<16xf32>,
    tpu.vector_store %arg13[%swap3A], %max3A {strides = array<i32>} : memref<256xf32, #tpu.memory_space<vmem>>, vector<16xf32>,
    %get3A_29 = arith.constant 16 : index
    %get3A_30 = tpu.vector_load %arg13[%get3A_29] {strides = array<i32>} : memref<256xf32, #tpu.memory_space<vmem>>, vector<16xf32>,
    %mul3A_31 = arith.mulf %get3A_30, %get3A_9 : vector<16xf32>
    %add3A_32 = arith.addf %mul3A_31, %get3A_13 : vector<16xf32>
    %max3A_33 = arith.maximumf %add3A_32, %broadcast_in_dim3A_14 : vector<16xf32>
    %swap3A_34 = arith.constant 16 : index
    %swap3A_35 = tpu.vector_load %arg13[%swap3A_34] {strides = array<i32>} : memref<256xf32, #tpu.memory_space<vmem>>, vector<16xf32>,
    tpu.vector_store %arg13[%swap3A_34], %max3A_33 {strides = array<i32>} : memref<256xf32, #tpu.memory_space<vmem>>, vector<16xf32>,
    %get3A_36 = arith.constant 32 : index
    %get3A_37 = tpu.vector_load %arg13[%get3A_36] {strides = array<i32>} : memref<256xf32, #tpu.memory_space<vmem>>, vector<16xf32>,
    %mul3A_38 = arith.mulf %get3A_37, %get3A_9 : vector<16xf32>
    %add3A_39 = arith.addf %mul3A_38, %get3A_13 : vector<16xf32>
    %max3A_40 = arith.maximumf %add3A_39, %broadcast_in_dim3A_14 : vector<16xf32>
    %swap3A_41 = arith.constant 32 : index
    %swap3A_42 = tpu.vector_load %arg13[%swap3A_41] {strides = array<i32>} : memref<256xf32, #tpu.memory_space<vmem>>, vector<16xf32>,
    tpu.vector_store %arg13[%swap3A_41], %max3A_40 {strides = array<i32>} : memref<256xf32, #tpu.memory_space<vmem>>, vector<16xf32>,
    %get3A_43 = arith.constant 48 : index
    %get3A_44 = tpu.vector_load %arg13[%get3A_43] {strides = array<i32>} : memref<256xf32, #tpu.memory_space<vmem>>, vector<16xf32>,
    %mul3A_45 = arith.mulf %get3A_44, %get3A_9 : vector<16xf32>
    %add3A_46 = arith.addf %mul3A_45, %get3A_13 : vector<16xf32>
    %max3A_47 = arith.maximumf %add3A_46, %broadcast_in_dim3A_14 : vector<16xf32>
    %swap3A_48 = arith.constant 48 : index
    %swap3A_49 = tpu.vector_load %arg13[%swap3A_48] {strides = array<i32>} : memref<256xf32, #tpu.memory_space<vmem>>, vector<16xf32>,
    tpu.vector_store %arg13[%swap3A_48], %max3A_47 {strides = array<i32>} : memref<256xf32, #tpu.memory_space<vmem>>, vector<16xf32>,
    %get3A_50 = arith.constant 64 : index
    %get3A_51 = tpu.vector_load %arg13[%get3A_50] {strides = array<i32>} : memref<256xf32, #tpu.memory_space<vmem>>, vector<16xf32>,
    %mul3A_52 = arith.mulf %get3A_51, %get3A_9 : vector<16xf32>
    %add3A_53 = arith.addf %mul3A_52, %get3A_13 : vector<16xf32>
    %max3A_54 = arith.maximumf %add3A_53, %broadcast_in_dim3A_14 : vector<16xf32>
    %swap3A_55 = arith.constant 64 : index
    %swap3A_56 = tpu.vector_load %arg13[%swap3A_55] {strides = array<i32>} : memref<256xf32, #tpu.memory_space<vmem>>, vector<16xf32>,
    tpu.vector_store %arg13[%swap3A_55], %max3A_54 {strides = array<i32>} : memref<256xf32, #tpu.memory_space<vmem>>, vector<16xf32>,
    %get3A_57 = arith.constant 80 : index
    %get3A_58 = tpu.vector_load %arg13[%get3A_57] {strides = array<i32>} : memref<256xf32, #tpu.memory_space<vmem>>, vector<16xf32>,
    %mul3A_59 = arith.mulf %get3A_58, %get3A_9 : vector<16xf32>
    %add3A_60 = arith.addf %mul3A_59, %get3A_13 : vector<16xf32>
    %max3A_61 = arith.maximumf %add3A_60, %broadcast_in_dim3A_14 : vector<16xf32>
    %swap3A_62 = arith.constant 80 : index
    %swap3A_63 = tpu.vector_load %arg13[%swap3A_62] {strides = array<i32>} : memref<256xf32, #tpu.memory_space<vmem>>, vector<16xf32>,
    tpu.vector_store %arg13[%swap3A_62], %max3A_61 {strides = array<i32>} : memref<256xf32, #tpu.memory_space<vmem>>, vector<16xf32>,
    %get3A_64 = arith.constant 96 : index
    %get3A_65 = tpu.vector_load %arg13[%get3A_64] {strides = array<i32>} : memref<256xf32, #tpu.memory_space<vmem>>, vector<16xf32>,
    %mul3A_66 = arith.mulf %get3A_65, %get3A_9 : vector<16xf32>
    %add3A_67 = arith.addf %mul3A_66, %get3A_13 : vector<16xf32>
    %max3A_68 = arith.maximumf %add3A_67, %broadcast_in_dim3A_14 : vector<16xf32>
    %swap3A_69 = arith.constant 96 : index
    %swap3A_70 = tpu.vector_load %arg13[%swap3A_69] {strides = array<i32>} : memref<256xf32, #tpu.memory_space<vmem>>, vector<16xf32>,
    tpu.vector_store %arg13[%swap3A_69], %max3A_68 {strides = array<i32>} : memref<256xf32, #tpu.memory_space<vmem>>, vector<16xf32>,
    %get3A_71 = arith.constant 112 : index
    %get3A_72 = tpu.vector_load %arg13[%get3A_71] {strides = array<i32>} : memref<256xf32, #tpu.memory_space<vmem>>, vector<16xf32>,
    %mul3A_73 = arith.mulf %get3A_72, %get3A_9 : vector<16xf32>
    %add3A_74 = arith.addf %mul3A_73, %get3A_13 : vector<16xf32>
    %max3A_75 = arith.maximumf %add3A_74, %broadcast_in_dim3A_14 : vector<16xf32>
    %swap3A_76 = arith.constant 112 : index
    %swap3A_77 = tpu.vector_load %arg13[%swap3A_76] {strides = array<i32>} : memref<256xf32, #tpu.memory_space<vmem>>, vector<16xf32>,
    tpu.vector_store %arg13[%swap3A_76], %max3A_75 {strides = array<i32>} : memref<256xf32, #tpu.memory_space<vmem>>, vector<16xf32>,
    %get3A_78 = arith.constant 128 : index
    %get3A_79 = tpu.vector_load %arg13[%get3A_78] {strides = array<i32>} : memref<256xf32, #tpu.memory_space<vmem>>, vector<16xf32>,
    %mul3A_80 = arith.mulf %get3A_79, %get3A_9 : vector<16xf32>
    %add3A_81 = arith.addf %mul3A_80, %get3A_13 : vector<16xf32>
    %max3A_82 = arith.maximumf %add3A_81, %broadcast_in_dim3A_14 : vector<16xf32>
    %swap3A_83 = arith.constant 128 : index
    %swap3A_84 = tpu.vector_load %arg13[%swap3A_83] {strides = array<i32>} : memref<256xf32, #tpu.memory_space<vmem>>, vector<16xf32>,
    tpu.vector_store %arg13[%swap3A_83], %max3A_82 {strides = array<i32>} : memref<256xf32, #tpu.memory_space<vmem>>, vector<16xf32>,
    %get3A_85 = arith.constant 144 : index
    %get3A_86 = tpu.vector_load %arg13[%get3A_85] {strides = array<i32>} : memref<256xf32, #tpu.memory_space<vmem>>, vector<16xf32>,
    %mul3A_87 = arith.mulf %get3A_86, %get3A_9 : vector<16xf32>
    %add3A_88 = arith.addf %mul3A_87, %get3A_13 : vector<16xf32>
    %max3A_89 = arith.maximumf %add3A_88, %broadcast_in_dim3A_14 : vector<16xf32>
    %swap3A_90 = arith.constant 144 : index
    %swap3A_91 = tpu.vector_load %arg13[%swap3A_90] {strides = array<i32>} : memref<256xf32, #tpu.memory_space<vmem>>, vector<16xf32>,
    tpu.vector_store %arg13[%swap3A_90], %max3A_89 {strides = array<i32>} : memref<256xf32, #tpu.memory_space<vmem>>, vector<16xf32>,
    %get3A_92 = arith.constant 160 : index
    %get3A_93 = tpu.vector_load %arg13[%get3A_92] {strides = array<i32>} : memref<256xf32, #tpu.memory_space<vmem>>, vector<16xf32>,
    %mul3A_94 = arith.mulf %get3A_93, %get3A_9 : vector<16xf32>
    %add3A_95 = arith.addf %mul3A_94, %get3A_13 : vector<16xf32>
    %max3A_96 = arith.maximumf %add3A_95, %broadcast_in_dim3A_14 : vector<16xf32>
    %swap3A_97 = arith.constant 160 : index
    %swap3A_98 = tpu.vector_load %arg13[%swap3A_97] {strides = array<i32>} : memref<256xf32, #tpu.memory_space<vmem>>, vector<16xf32>,
    tpu.vector_store %arg13[%swap3A_97], %max3A_96 {strides = array<i32>} : memref<256xf32, #tpu.memory_space<vmem>>, vector<16xf32>,
    %get3A_99 = arith.constant 176 : index
    %get3A_100 = tpu.vector_load %arg13[%get3A_99] {strides = array<i32>} : memref<256xf32, #tpu.memory_space<vmem>>, vector<16xf32>,
    %mul3A_101 = arith.mulf %get3A_100, %get3A_9 : vector<16xf32>
    %add3A_102 = arith.addf %mul3A_101, %get3A_13 : vector<16xf32>
    %max3A_103 = arith.maximumf %add3A_102, %broadcast_in_dim3A_14 : vector<16xf32>
    %swap3A_104 = arith.constant 176 : index
    %swap3A_105 = tpu.vector_load %arg13[%swap3A_104] {strides = array<i32>} : memref<256xf32, #tpu.memory_space<vmem>>, vector<16xf32>,
    tpu.vector_store %arg13[%swap3A_104], %max3A_103 {strides = array<i32>} : memref<256xf32, #tpu.memory_space<vmem>>, vector<16xf32>,
    %get3A_106 = arith.constant 192 : index
    %get3A_107 = tpu.vector_load %arg13[%get3A_106] {strides = array<i32>} : memref<256xf32, #tpu.memory_space<vmem>>, vector<16xf32>,
    %mul3A_108 = arith.mulf %get3A_107, %get3A_9 : vector<16xf32>
    %add3A_109 = arith.addf %mul3A_108, %get3A_13 : vector<16xf32>
    %max3A_110 = arith.maximumf %add3A_109, %broadcast_in_dim3A_14 : vector<16xf32>
    %swap3A_111 = arith.constant 192 : index
    %swap3A_112 = tpu.vector_load %arg13[%swap3A_111] {strides = array<i32>} : memref<256xf32, #tpu.memory_space<vmem>>, vector<16xf32>,
    tpu.vector_store %arg13[%swap3A_111], %max3A_110 {strides = array<i32>} : memref<256xf32, #tpu.memory_space<vmem>>, vector<16xf32>,
    %get3A_113 = arith.constant 208 : index
    %get3A_114 = tpu.vector_load %arg13[%get3A_113] {strides = array<i32>} : memref<256xf32, #tpu.memory_space<vmem>>, vector<16xf32>,
    %mul3A_115 = arith.mulf %get3A_114, %get3A_9 : vector<16xf32>
    %add3A_116 = arith.addf %mul3A_115, %get3A_13 : vector<16xf32>
    %max3A_117 = arith.maximumf %add3A_116, %broadcast_in_dim3A_14 : vector<16xf32>
    %swap3A_118 = arith.constant 208 : index
    %swap3A_119 = tpu.vector_load %arg13[%swap3A_118] {strides = array<i32>} : memref<256xf32, #tpu.memory_space<vmem>>, vector<16xf32>,
    tpu.vector_store %arg13[%swap3A_118], %max3A_117 {strides = array<i32>} : memref<256xf32, #tpu.memory_space<vmem>>, vector<16xf32>,
    %get3A_120 = arith.constant 224 : index
    %get3A_121 = tpu.vector_load %arg13[%get3A_120] {strides = array<i32>} : memref<256xf32, #tpu.memory_space<vmem>>, vector<16xf32>,
    %mul3A_122 = arith.mulf %get3A_121, %get3A_9 : vector<16xf32>
    %add3A_123 = arith.addf %mul3A_122, %get3A_13 : vector<16xf32>
    %max3A_124 = arith.maximumf %add3A_123, %broadcast_in_dim3A_14 : vector<16xf32>
    %swap3A_125 = arith.constant 224 : index
    %swap3A_126 = tpu.vector_load %arg13[%swap3A_125] {strides = array<i32>} : memref<256xf32, #tpu.memory_space<vmem>>, vector<16xf32>,
    tpu.vector_store %arg13[%swap3A_125], %max3A_124 {strides = array<i32>} : memref<256xf32, #tpu.memory_space<vmem>>, vector<16xf32>,
    %get3A_127 = arith.constant 240 : index
    %get3A_128 = tpu.vector_load %arg13[%get3A_127] {strides = array<i32>} : memref<256xf32, #tpu.memory_space<vmem>>, vector<16xf32>,
    %mul3A_129 = arith.mulf %get3A_128, %get3A_9 : vector<16xf32>
    %add3A_130 = arith.addf %mul3A_129, %get3A_13 : vector<16xf32>
    %max3A_131 = arith.maximumf %add3A_130, %broadcast_in_dim3A_14 : vector<16xf32>
    %swap3A_132 = arith.constant 240 : index
    %swap3A_133 = tpu.vector_load %arg13[%swap3A_132] {strides = array<i32>} : memref<256xf32, #tpu.memory_space<vmem>>, vector<16xf32>,
    tpu.vector_store %arg13[%swap3A_132], %max3A_131 {strides = array<i32>} : memref<256xf32, #tpu.memory_space<vmem>>, vector<16xf32>,
    %scan3A = arith.constant 0 : i32
    %scan3A_134 = arith.constant 0 : i32
    %scan3A_135 = arith.constant 196 : i32
    %scan3A_136 = arith.addi %scan3A_134, %scan3A_135 : i32
    %scan3A_137 = arith.constant 1 : i32
    scf.for %scan3A_140 = %scan3A_134 to %scan3A_136 step %scan3A_137  : i32 {
      %mul3A_141 = arith.constant 2 : i32
      %mul3A_142 = arith.muli %mul3A_141, %scan3A_140 : i32
      %add3A_143 = arith.constant 1 : i32
      %add3A_144 = arith.addi %mul3A_142, %add3A_143 : i32
      %mul3A_145 = arith.constant 256 : i32
      %mul3A_146 = arith.muli %add3A_144, %mul3A_145 : i32
      %add3A_147 = arith.addi %mul3A_16, %mul3A_146 : i32
      "tpu.region"() ({
        %run_scoped3A = tpu.sem_alloc : memref<!tpu.dma_semaphore, #tpu.memory_space<semaphore_mem>>
        %dma_start3A_284 = tpu.memref_slice %arg2[%add3A_147] : memref<3211264xi32, #tpu.memory_space<hbm>> -> memref<256xi32, #tpu.memory_space<hbm>>
        %dma_start3A_285 = tpu.memref_slice %arg2[%add3A_147] : memref<3211264xi32, #tpu.memory_space<hbm>> -> memref<256xi32, #tpu.memory_space<hbm>>
        tpu.enqueue_dma source(%dma_start3A_285 : memref<256xi32, #tpu.memory_space<hbm>>) target(%arg17 : memref<256xi32, #tpu.memory_space<vmem>>) target_semaphore(%run_scoped3A : memref<!tpu.dma_semaphore, #tpu.memory_space<semaphore_mem>>)
        %dma_wait3A_286 = tpu.memref_slice %arg2[%add3A_147] : memref<3211264xi32, #tpu.memory_space<hbm>> -> memref<256xi32, #tpu.memory_space<hbm>>
        %dma_wait3A_287 = tpu.memref_slice %arg2[%add3A_147] : memref<3211264xi32, #tpu.memory_space<hbm>> -> memref<256xi32, #tpu.memory_space<hbm>>
        tpu.wait_dma2 semaphore(%run_scoped3A : memref<!tpu.dma_semaphore, #tpu.memory_space<semaphore_mem>>) src(%dma_wait3A_287 : memref<256xi32, #tpu.memory_space<hbm>>) dst(%arg17 : memref<256xi32, #tpu.memory_space<vmem>>)
        tpu.yield
      }) : () -> ()
      "tpu.region"() ({
        %run_scoped3A = tpu.sem_alloc : memref<!tpu.dma_semaphore, #tpu.memory_space<semaphore_mem>>
        %dma_start3A_284 = tpu.memref_slice %arg3[%add3A_147] : memref<3211264xi32, #tpu.memory_space<hbm>> -> memref<256xi32, #tpu.memory_space<hbm>>
        %dma_start3A_285 = tpu.memref_slice %arg3[%add3A_147] : memref<3211264xi32, #tpu.memory_space<hbm>> -> memref<256xi32, #tpu.memory_space<hbm>>
        tpu.enqueue_dma source(%dma_start3A_285 : memref<256xi32, #tpu.memory_space<hbm>>) target(%arg18 : memref<256xi32, #tpu.memory_space<vmem>>) target_semaphore(%run_scoped3A : memref<!tpu.dma_semaphore, #tpu.memory_space<semaphore_mem>>)
        %dma_wait3A_286 = tpu.memref_slice %arg3[%add3A_147] : memref<3211264xi32, #tpu.memory_space<hbm>> -> memref<256xi32, #tpu.memory_space<hbm>>
        %dma_wait3A_287 = tpu.memref_slice %arg3[%add3A_147] : memref<3211264xi32, #tpu.memory_space<hbm>> -> memref<256xi32, #tpu.memory_space<hbm>>
        tpu.wait_dma2 semaphore(%run_scoped3A : memref<!tpu.dma_semaphore, #tpu.memory_space<semaphore_mem>>) src(%dma_wait3A_287 : memref<256xi32, #tpu.memory_space<hbm>>) dst(%arg18 : memref<256xi32, #tpu.memory_space<vmem>>)
        tpu.yield
      }) : () -> ()
      "tpu.region"() ({
        %run_scoped3A = tpu.sem_alloc : memref<!tpu.dma_semaphore, #tpu.memory_space<semaphore_mem>>
        %dma_start3A_284 = tpu.memref_slice %arg4[%add3A_147] : memref<3211264xf32, #tpu.memory_space<hbm>> -> memref<256xf32, #tpu.memory_space<hbm>>
        %dma_start3A_285 = tpu.memref_slice %arg4[%add3A_147] : memref<3211264xf32, #tpu.memory_space<hbm>> -> memref<256xf32, #tpu.memory_space<hbm>>
        tpu.enqueue_dma source(%dma_start3A_285 : memref<256xf32, #tpu.memory_space<hbm>>) target(%arg19 : memref<256xf32, #tpu.memory_space<vmem>>) target_semaphore(%run_scoped3A : memref<!tpu.dma_semaphore, #tpu.memory_space<semaphore_mem>>)
        %dma_wait3A_286 = tpu.memref_slice %arg4[%add3A_147] : memref<3211264xf32, #tpu.memory_space<hbm>> -> memref<256xf32, #tpu.memory_space<hbm>>
        %dma_wait3A_287 = tpu.memref_slice %arg4[%add3A_147] : memref<3211264xf32, #tpu.memory_space<hbm>> -> memref<256xf32, #tpu.memory_space<hbm>>
        tpu.wait_dma2 semaphore(%run_scoped3A : memref<!tpu.dma_semaphore, #tpu.memory_space<semaphore_mem>>) src(%dma_wait3A_287 : memref<256xf32, #tpu.memory_space<hbm>>) dst(%arg19 : memref<256xf32, #tpu.memory_space<vmem>>)
        tpu.yield
      }) : () -> ()
      %dma_start3A_148 = arith.constant 0 : i32
      %dma_start3A_149 = arith.constant 0 : i32
      %dma_start3A_150 = tpu.memref_slice %arg5[%dma_start3A_148, %dma_start3A_149] : memref<100352x16xf32, #tpu.memory_space<hbm>> -> memref<100352x16xf32, #tpu.memory_space<hbm>>
      tpu.enqueue_indirect_dma source(%dma_start3A_150 : memref<100352x16xf32, #tpu.memory_space<hbm>>) target(%arg20 : memref<256x16xf32, #tpu.memory_space<vmem>>) offsets(%arg17 : memref<256xi32, #tpu.memory_space<vmem>>) semaphore(%arg22 : memref<!tpu.dma_semaphore, #tpu.memory_space<semaphore_mem>>)
      %dma_start3A_151 = arith.constant 0 : i32
      %dma_start3A_152 = arith.constant 0 : i32
      %dma_start3A_153 = tpu.memref_slice %arg6[%dma_start3A_151, %dma_start3A_152] : memref<100352x16xf32, #tpu.memory_space<hbm>> -> memref<100352x16xf32, #tpu.memory_space<hbm>>
      tpu.enqueue_indirect_dma source(%dma_start3A_153 : memref<100352x16xf32, #tpu.memory_space<hbm>>) target(%arg21 : memref<256x16xf32, #tpu.memory_space<vmem>>) offsets(%arg18 : memref<256xi32, #tpu.memory_space<vmem>>) semaphore(%arg22 : memref<!tpu.dma_semaphore, #tpu.memory_space<semaphore_mem>>)
      %get3A_154 = arith.constant 0 : index
      %get3A_155 = tpu.vector_load %arg19[%get3A_154] {strides = array<i32>} : memref<256xf32, #tpu.memory_space<vmem>>, vector<16xf32>,
      %mul3A_156 = arith.mulf %get3A_155, %get3A_9 : vector<16xf32>
      %add3A_157 = arith.addf %mul3A_156, %get3A_13 : vector<16xf32>
      %max3A_158 = arith.maximumf %add3A_157, %broadcast_in_dim3A_14 : vector<16xf32>
      %swap3A_159 = arith.constant 0 : index
      %swap3A_160 = tpu.vector_load %arg19[%swap3A_159] {strides = array<i32>} : memref<256xf32, #tpu.memory_space<vmem>>, vector<16xf32>,
      tpu.vector_store %arg19[%swap3A_159], %max3A_158 {strides = array<i32>} : memref<256xf32, #tpu.memory_space<vmem>>, vector<16xf32>,
      %get3A_161 = arith.constant 16 : index
      %get3A_162 = tpu.vector_load %arg19[%get3A_161] {strides = array<i32>} : memref<256xf32, #tpu.memory_space<vmem>>, vector<16xf32>,
      %mul3A_163 = arith.mulf %get3A_162, %get3A_9 : vector<16xf32>
      %add3A_164 = arith.addf %mul3A_163, %get3A_13 : vector<16xf32>
      %max3A_165 = arith.maximumf %add3A_164, %broadcast_in_dim3A_14 : vector<16xf32>
      %swap3A_166 = arith.constant 16 : index
      %swap3A_167 = tpu.vector_load %arg19[%swap3A_166] {strides = array<i32>} : memref<256xf32, #tpu.memory_space<vmem>>, vector<16xf32>,
      tpu.vector_store %arg19[%swap3A_166], %max3A_165 {strides = array<i32>} : memref<256xf32, #tpu.memory_space<vmem>>, vector<16xf32>,
      %get3A_168 = arith.constant 32 : index
      %get3A_169 = tpu.vector_load %arg19[%get3A_168] {strides = array<i32>} : memref<256xf32, #tpu.memory_space<vmem>>, vector<16xf32>,
      %mul3A_170 = arith.mulf %get3A_169, %get3A_9 : vector<16xf32>
      %add3A_171 = arith.addf %mul3A_170, %get3A_13 : vector<16xf32>
      %max3A_172 = arith.maximumf %add3A_171, %broadcast_in_dim3A_14 : vector<16xf32>
      %swap3A_173 = arith.constant 32 : index
      %swap3A_174 = tpu.vector_load %arg19[%swap3A_173] {strides = array<i32>} : memref<256xf32, #tpu.memory_space<vmem>>, vector<16xf32>,
      tpu.vector_store %arg19[%swap3A_173], %max3A_172 {strides = array<i32>} : memref<256xf32, #tpu.memory_space<vmem>>, vector<16xf32>,
      %get3A_175 = arith.constant 48 : index
      %get3A_176 = tpu.vector_load %arg19[%get3A_175] {strides = array<i32>} : memref<256xf32, #tpu.memory_space<vmem>>, vector<16xf32>,
      %mul3A_177 = arith.mulf %get3A_176, %get3A_9 : vector<16xf32>
      %add3A_178 = arith.addf %mul3A_177, %get3A_13 : vector<16xf32>
      %max3A_179 = arith.maximumf %add3A_178, %broadcast_in_dim3A_14 : vector<16xf32>
      %swap3A_180 = arith.constant 48 : index
      %swap3A_181 = tpu.vector_load %arg19[%swap3A_180] {strides = array<i32>} : memref<256xf32, #tpu.memory_space<vmem>>, vector<16xf32>,
      tpu.vector_store %arg19[%swap3A_180], %max3A_179 {strides = array<i32>} : memref<256xf32, #tpu.memory_space<vmem>>, vector<16xf32>,
      %get3A_182 = arith.constant 64 : index
      %get3A_183 = tpu.vector_load %arg19[%get3A_182] {strides = array<i32>} : memref<256xf32, #tpu.memory_space<vmem>>, vector<16xf32>,
      %mul3A_184 = arith.mulf %get3A_183, %get3A_9 : vector<16xf32>
      %add3A_185 = arith.addf %mul3A_184, %get3A_13 : vector<16xf32>
      %max3A_186 = arith.maximumf %add3A_185, %broadcast_in_dim3A_14 : vector<16xf32>
      %swap3A_187 = arith.constant 64 : index
      %swap3A_188 = tpu.vector_load %arg19[%swap3A_187] {strides = array<i32>} : memref<256xf32, #tpu.memory_space<vmem>>, vector<16xf32>,
      tpu.vector_store %arg19[%swap3A_187], %max3A_186 {strides = array<i32>} : memref<256xf32, #tpu.memory_space<vmem>>, vector<16xf32>,
      %get3A_189 = arith.constant 80 : index
      %get3A_190 = tpu.vector_load %arg19[%get3A_189] {strides = array<i32>} : memref<256xf32, #tpu.memory_space<vmem>>, vector<16xf32>,
      %mul3A_191 = arith.mulf %get3A_190, %get3A_9 : vector<16xf32>
      %add3A_192 = arith.addf %mul3A_191, %get3A_13 : vector<16xf32>
      %max3A_193 = arith.maximumf %add3A_192, %broadcast_in_dim3A_14 : vector<16xf32>
      %swap3A_194 = arith.constant 80 : index
      %swap3A_195 = tpu.vector_load %arg19[%swap3A_194] {strides = array<i32>} : memref<256xf32, #tpu.memory_space<vmem>>, vector<16xf32>,
      tpu.vector_store %arg19[%swap3A_194], %max3A_193 {strides = array<i32>} : memref<256xf32, #tpu.memory_space<vmem>>, vector<16xf32>,
      %get3A_196 = arith.constant 96 : index
      %get3A_197 = tpu.vector_load %arg19[%get3A_196] {strides = array<i32>} : memref<256xf32, #tpu.memory_space<vmem>>, vector<16xf32>,
      %mul3A_198 = arith.mulf %get3A_197, %get3A_9 : vector<16xf32>
      %add3A_199 = arith.addf %mul3A_198, %get3A_13 : vector<16xf32>
      %max3A_200 = arith.maximumf %add3A_199, %broadcast_in_dim3A_14 : vector<16xf32>
      %swap3A_201 = arith.constant 96 : index
      %swap3A_202 = tpu.vector_load %arg19[%swap3A_201] {strides = array<i32>} : memref<256xf32, #tpu.memory_space<vmem>>, vector<16xf32>,
      tpu.vector_store %arg19[%swap3A_201], %max3A_200 {strides = array<i32>} : memref<256xf32, #tpu.memory_space<vmem>>, vector<16xf32>,
      %get3A_203 = arith.constant 112 : index
      %get3A_204 = tpu.vector_load %arg19[%get3A_203] {strides = array<i32>} : memref<256xf32, #tpu.memory_space<vmem>>, vector<16xf32>,
      %mul3A_205 = arith.mulf %get3A_204, %get3A_9 : vector<16xf32>
      %add3A_206 = arith.addf %mul3A_205, %get3A_13 : vector<16xf32>
      %max3A_207 = arith.maximumf %add3A_206, %broadcast_in_dim3A_14 : vector<16xf32>
      %swap3A_208 = arith.constant 112 : index
      %swap3A_209 = tpu.vector_load %arg19[%swap3A_208] {strides = array<i32>} : memref<256xf32, #tpu.memory_space<vmem>>, vector<16xf32>,
      tpu.vector_store %arg19[%swap3A_208], %max3A_207 {strides = array<i32>} : memref<256xf32, #tpu.memory_space<vmem>>, vector<16xf32>,
      %get3A_210 = arith.constant 128 : index
      %get3A_211 = tpu.vector_load %arg19[%get3A_210] {strides = array<i32>} : memref<256xf32, #tpu.memory_space<vmem>>, vector<16xf32>,
      %mul3A_212 = arith.mulf %get3A_211, %get3A_9 : vector<16xf32>
      %add3A_213 = arith.addf %mul3A_212, %get3A_13 : vector<16xf32>
      %max3A_214 = arith.maximumf %add3A_213, %broadcast_in_dim3A_14 : vector<16xf32>
      %swap3A_215 = arith.constant 128 : index
      %swap3A_216 = tpu.vector_load %arg19[%swap3A_215] {strides = array<i32>} : memref<256xf32, #tpu.memory_space<vmem>>, vector<16xf32>,
      tpu.vector_store %arg19[%swap3A_215], %max3A_214 {strides = array<i32>} : memref<256xf32, #tpu.memory_space<vmem>>, vector<16xf32>,
      %get3A_217 = arith.constant 144 : index
      %get3A_218 = tpu.vector_load %arg19[%get3A_217] {strides = array<i32>} : memref<256xf32, #tpu.memory_space<vmem>>, vector<16xf32>,
      %mul3A_219 = arith.mulf %get3A_218, %get3A_9 : vector<16xf32>
      %add3A_220 = arith.addf %mul3A_219, %get3A_13 : vector<16xf32>
      %max3A_221 = arith.maximumf %add3A_220, %broadcast_in_dim3A_14 : vector<16xf32>
      %swap3A_222 = arith.constant 144 : index
      %swap3A_223 = tpu.vector_load %arg19[%swap3A_222] {strides = array<i32>} : memref<256xf32, #tpu.memory_space<vmem>>, vector<16xf32>,
      tpu.vector_store %arg19[%swap3A_222], %max3A_221 {strides = array<i32>} : memref<256xf32, #tpu.memory_space<vmem>>, vector<16xf32>,
      %get3A_224 = arith.constant 160 : index
      %get3A_225 = tpu.vector_load %arg19[%get3A_224] {strides = array<i32>} : memref<256xf32, #tpu.memory_space<vmem>>, vector<16xf32>,
      %mul3A_226 = arith.mulf %get3A_225, %get3A_9 : vector<16xf32>
      %add3A_227 = arith.addf %mul3A_226, %get3A_13 : vector<16xf32>
      %max3A_228 = arith.maximumf %add3A_227, %broadcast_in_dim3A_14 : vector<16xf32>
      %swap3A_229 = arith.constant 160 : index
      %swap3A_230 = tpu.vector_load %arg19[%swap3A_229] {strides = array<i32>} : memref<256xf32, #tpu.memory_space<vmem>>, vector<16xf32>,
      tpu.vector_store %arg19[%swap3A_229], %max3A_228 {strides = array<i32>} : memref<256xf32, #tpu.memory_space<vmem>>, vector<16xf32>,
      %get3A_231 = arith.constant 176 : index
      %get3A_232 = tpu.vector_load %arg19[%get3A_231] {strides = array<i32>} : memref<256xf32, #tpu.memory_space<vmem>>, vector<16xf32>,
      %mul3A_233 = arith.mulf %get3A_232, %get3A_9 : vector<16xf32>
      %add3A_234 = arith.addf %mul3A_233, %get3A_13 : vector<16xf32>
      %max3A_235 = arith.maximumf %add3A_234, %broadcast_in_dim3A_14 : vector<16xf32>
      %swap3A_236 = arith.constant 176 : index
      %swap3A_237 = tpu.vector_load %arg19[%swap3A_236] {strides = array<i32>} : memref<256xf32, #tpu.memory_space<vmem>>, vector<16xf32>,
      tpu.vector_store %arg19[%swap3A_236], %max3A_235 {strides = array<i32>} : memref<256xf32, #tpu.memory_space<vmem>>, vector<16xf32>,
      %get3A_238 = arith.constant 192 : index
      %get3A_239 = tpu.vector_load %arg19[%get3A_238] {strides = array<i32>} : memref<256xf32, #tpu.memory_space<vmem>>, vector<16xf32>,
      %mul3A_240 = arith.mulf %get3A_239, %get3A_9 : vector<16xf32>
      %add3A_241 = arith.addf %mul3A_240, %get3A_13 : vector<16xf32>
      %max3A_242 = arith.maximumf %add3A_241, %broadcast_in_dim3A_14 : vector<16xf32>
      %swap3A_243 = arith.constant 192 : index
      %swap3A_244 = tpu.vector_load %arg19[%swap3A_243] {strides = array<i32>} : memref<256xf32, #tpu.memory_space<vmem>>, vector<16xf32>,
      tpu.vector_store %arg19[%swap3A_243], %max3A_242 {strides = array<i32>} : memref<256xf32, #tpu.memory_space<vmem>>, vector<16xf32>,
      %get3A_245 = arith.constant 208 : index
      %get3A_246 = tpu.vector_load %arg19[%get3A_245] {strides = array<i32>} : memref<256xf32, #tpu.memory_space<vmem>>, vector<16xf32>,
      %mul3A_247 = arith.mulf %get3A_246, %get3A_9 : vector<16xf32>
      %add3A_248 = arith.addf %mul3A_247, %get3A_13 : vector<16xf32>
      %max3A_249 = arith.maximumf %add3A_248, %broadcast_in_dim3A_14 : vector<16xf32>
      %swap3A_250 = arith.constant 208 : index
      %swap3A_251 = tpu.vector_load %arg19[%swap3A_250] {strides = array<i32>} : memref<256xf32, #tpu.memory_space<vmem>>, vector<16xf32>,
      tpu.vector_store %arg19[%swap3A_250], %max3A_249 {strides = array<i32>} : memref<256xf32, #tpu.memory_space<vmem>>, vector<16xf32>,
      %get3A_252 = arith.constant 224 : index
      %get3A_253 = tpu.vector_load %arg19[%get3A_252] {strides = array<i32>} : memref<256xf32, #tpu.memory_space<vmem>>, vector<16xf32>,
      %mul3A_254 = arith.mulf %get3A_253, %get3A_9 : vector<16xf32>
      %add3A_255 = arith.addf %mul3A_254, %get3A_13 : vector<16xf32>
      %max3A_256 = arith.maximumf %add3A_255, %broadcast_in_dim3A_14 : vector<16xf32>
      %swap3A_257 = arith.constant 224 : index
      %swap3A_258 = tpu.vector_load %arg19[%swap3A_257] {strides = array<i32>} : memref<256xf32, #tpu.memory_space<vmem>>, vector<16xf32>,
      tpu.vector_store %arg19[%swap3A_257], %max3A_256 {strides = array<i32>} : memref<256xf32, #tpu.memory_space<vmem>>, vector<16xf32>,
      %get3A_259 = arith.constant 240 : index
      %get3A_260 = tpu.vector_load %arg19[%get3A_259] {strides = array<i32>} : memref<256xf32, #tpu.memory_space<vmem>>, vector<16xf32>,
      %mul3A_261 = arith.mulf %get3A_260, %get3A_9 : vector<16xf32>
      %add3A_262 = arith.addf %mul3A_261, %get3A_13 : vector<16xf32>
      %max3A_263 = arith.maximumf %add3A_262, %broadcast_in_dim3A_14 : vector<16xf32>
      %swap3A_264 = arith.constant 240 : index
      %swap3A_265 = tpu.vector_load %arg19[%swap3A_264] {strides = array<i32>} : memref<256xf32, #tpu.memory_space<vmem>>, vector<16xf32>,
      tpu.vector_store %arg19[%swap3A_264], %max3A_263 {strides = array<i32>} : memref<256xf32, #tpu.memory_space<vmem>>, vector<16xf32>,
      %dma_wait3A = arith.constant 0 : i32
      %dma_wait3A_266 = arith.constant 0 : i32
      %dma_wait3A_267 = tpu.memref_slice %arg5[%dma_wait3A, %dma_wait3A_266] : memref<100352x16xf32, #tpu.memory_space<hbm>> -> memref<100352x16xf32, #tpu.memory_space<hbm>>
      tpu.wait_indirect_dma semaphore(%arg16 : memref<!tpu.dma_semaphore, #tpu.memory_space<semaphore_mem>>) src(%dma_wait3A_267 : memref<100352x16xf32, #tpu.memory_space<hbm>>) dst(%arg14 : memref<256x16xf32, #tpu.memory_space<vmem>>)
      %dma_wait3A_268 = arith.constant 0 : i32
      %dma_wait3A_269 = arith.constant 0 : i32
      %dma_wait3A_270 = tpu.memref_slice %arg6[%dma_wait3A_268, %dma_wait3A_269] : memref<100352x16xf32, #tpu.memory_space<hbm>> -> memref<100352x16xf32, #tpu.memory_space<hbm>>
      tpu.wait_indirect_dma semaphore(%arg16 : memref<!tpu.dma_semaphore, #tpu.memory_space<semaphore_mem>>) src(%dma_wait3A_270 : memref<100352x16xf32, #tpu.memory_space<hbm>>) dst(%arg15 : memref<256x16xf32, #tpu.memory_space<vmem>>)
      %parallel_loop3A = arith.constant 0 : i32
      %parallel_loop3A_271 = arith.constant 256 : i32
      %parallel_loop3A_272 = arith.constant 1 : i32
      scf.for %parallel_loop3A_284 = %parallel_loop3A to %parallel_loop3A_271 step %parallel_loop3A_272  : i32 {
        %parallel_loop3A_285 = vector.broadcast %parallel_loop3A_284 : i32 to vector<16xi32>
        %parallel_loop3A_286 = tpu.vector_load_idx %arg13[%parallel_loop3A_285] : memref<256xf32, #tpu.memory_space<vmem>>[vector<16xi32>], vector<16xf32>,
        %parallel_loop3A_287 = arith.index_cast %parallel_loop3A_284 : i32 to index
        %parallel_loop3A_288 = arith.constant 0 : index
        %parallel_loop3A_289 = tpu.vector_load %arg14[%parallel_loop3A_287, %parallel_loop3A_288] {strides = array<i32>} : memref<256x16xf32, #tpu.memory_space<vmem>>, vector<16xf32>,
        %parallel_loop3A_290 = arith.index_cast %parallel_loop3A_284 : i32 to index
        %parallel_loop3A_291 = arith.constant 0 : index
        %parallel_loop3A_292 = tpu.vector_load %arg15[%parallel_loop3A_290, %parallel_loop3A_291] {strides = array<i32>} : memref<256x16xf32, #tpu.memory_space<vmem>>, vector<16xf32>,
        %parallel_loop3A_293 = arith.addf %parallel_loop3A_289, %parallel_loop3A_292 : vector<16xf32>
        %parallel_loop3A_294 = arith.mulf %parallel_loop3A_286, %get3A_5 : vector<16xf32>
        %parallel_loop3A_295 = arith.addf %parallel_loop3A_293, %parallel_loop3A_294 : vector<16xf32>
        %parallel_loop3A_296 = arith.maximumf %parallel_loop3A_295, %broadcast_in_dim3A_14 : vector<16xf32>
        %parallel_loop3A_297 = arith.index_cast %parallel_loop3A_284 : i32 to index
        %parallel_loop3A_298 = arith.constant 0 : index
        %parallel_loop3A_299 = tpu.vector_load %arg14[%parallel_loop3A_297, %parallel_loop3A_298] {strides = array<i32>} : memref<256x16xf32, #tpu.memory_space<vmem>>, vector<16xf32>,
        tpu.vector_store %arg14[%parallel_loop3A_297, %parallel_loop3A_298], %parallel_loop3A_296 {strides = array<i32>} : memref<256x16xf32, #tpu.memory_space<vmem>>, vector<16xf32>,
      } {sc.loop_unroll_factor = 8 : i64, sc.parallel_access}
      "tpu.region"() ({
        %run_scoped3A = tpu.sem_alloc : memref<!tpu.dma_semaphore, #tpu.memory_space<semaphore_mem>>
        %dma_start3A_284 = arith.constant 0 : i32
        %dma_start3A_285 = arith.constant 0 : i32
        %dma_start3A_286 = tpu.memref_slice %arg10[%dma_start3A_284, %dma_start3A_285] : memref<100352x16xf32, #tpu.memory_space<vmem_shared>> -> memref<100352x16xf32, #tpu.memory_space<vmem_shared>>
        tpu.enqueue_indirect_dma source(%arg14 : memref<256x16xf32, #tpu.memory_space<vmem>>) target(%dma_start3A_286 : memref<100352x16xf32, #tpu.memory_space<vmem_shared>>) offsets(%arg12 : memref<256xi32, #tpu.memory_space<vmem>>) semaphore(%run_scoped3A : memref<!tpu.dma_semaphore, #tpu.memory_space<semaphore_mem>>) {add = true}
        %dma_wait3A_287 = arith.constant 0 : i32
        %dma_wait3A_288 = arith.constant 0 : i32
        %dma_wait3A_289 = tpu.memref_slice %arg10[%dma_wait3A_287, %dma_wait3A_288] : memref<100352x16xf32, #tpu.memory_space<vmem_shared>> -> memref<100352x16xf32, #tpu.memory_space<vmem_shared>>
        tpu.wait_indirect_dma semaphore(%run_scoped3A : memref<!tpu.dma_semaphore, #tpu.memory_space<semaphore_mem>>) src(%arg14 : memref<256x16xf32, #tpu.memory_space<vmem>>) dst(%dma_wait3A_289 : memref<100352x16xf32, #tpu.memory_space<vmem_shared>>)
        tpu.yield
      }) : () -> ()
      %lt3A = arith.constant 195 : i32
      %lt3A_273 = arith.cmpi slt, %scan3A_140, %lt3A : i32
      %convert_element_type3A = arith.extui %lt3A_273 : i1 to i32
      %cond3A = arith.constant 0 : i32
      %cond3A_274 = arith.cmpi ne, %convert_element_type3A, %cond3A : i32
      scf.if %cond3A_274 {
        %add3A_284 = arith.constant 2 : i32
        %add3A_285 = arith.addi %mul3A_142, %add3A_284 : i32
        %mul3A_286 = arith.constant 256 : i32
        %mul3A_287 = arith.muli %add3A_285, %mul3A_286 : i32
        %add3A_288 = arith.addi %mul3A_16, %mul3A_287 : i32
        "tpu.region"() ({
          %run_scoped3A = tpu.sem_alloc : memref<!tpu.dma_semaphore, #tpu.memory_space<semaphore_mem>>
          %dma_start3A_407 = tpu.memref_slice %arg2[%add3A_288] : memref<3211264xi32, #tpu.memory_space<hbm>> -> memref<256xi32, #tpu.memory_space<hbm>>
          %dma_start3A_408 = tpu.memref_slice %arg2[%add3A_288] : memref<3211264xi32, #tpu.memory_space<hbm>> -> memref<256xi32, #tpu.memory_space<hbm>>
          tpu.enqueue_dma source(%dma_start3A_408 : memref<256xi32, #tpu.memory_space<hbm>>) target(%arg11 : memref<256xi32, #tpu.memory_space<vmem>>) target_semaphore(%run_scoped3A : memref<!tpu.dma_semaphore, #tpu.memory_space<semaphore_mem>>)
          %dma_wait3A_409 = tpu.memref_slice %arg2[%add3A_288] : memref<3211264xi32, #tpu.memory_space<hbm>> -> memref<256xi32, #tpu.memory_space<hbm>>
          %dma_wait3A_410 = tpu.memref_slice %arg2[%add3A_288] : memref<3211264xi32, #tpu.memory_space<hbm>> -> memref<256xi32, #tpu.memory_space<hbm>>
          tpu.wait_dma2 semaphore(%run_scoped3A : memref<!tpu.dma_semaphore, #tpu.memory_space<semaphore_mem>>) src(%dma_wait3A_410 : memref<256xi32, #tpu.memory_space<hbm>>) dst(%arg11 : memref<256xi32, #tpu.memory_space<vmem>>)
          tpu.yield
        }) : () -> ()
        "tpu.region"() ({
          %run_scoped3A = tpu.sem_alloc : memref<!tpu.dma_semaphore, #tpu.memory_space<semaphore_mem>>
          %dma_start3A_407 = tpu.memref_slice %arg3[%add3A_288] : memref<3211264xi32, #tpu.memory_space<hbm>> -> memref<256xi32, #tpu.memory_space<hbm>>
          %dma_start3A_408 = tpu.memref_slice %arg3[%add3A_288] : memref<3211264xi32, #tpu.memory_space<hbm>> -> memref<256xi32, #tpu.memory_space<hbm>>
          tpu.enqueue_dma source(%dma_start3A_408 : memref<256xi32, #tpu.memory_space<hbm>>) target(%arg12 : memref<256xi32, #tpu.memory_space<vmem>>) target_semaphore(%run_scoped3A : memref<!tpu.dma_semaphore, #tpu.memory_space<semaphore_mem>>)
          %dma_wait3A_409 = tpu.memref_slice %arg3[%add3A_288] : memref<3211264xi32, #tpu.memory_space<hbm>> -> memref<256xi32, #tpu.memory_space<hbm>>
          %dma_wait3A_410 = tpu.memref_slice %arg3[%add3A_288] : memref<3211264xi32, #tpu.memory_space<hbm>> -> memref<256xi32, #tpu.memory_space<hbm>>
          tpu.wait_dma2 semaphore(%run_scoped3A : memref<!tpu.dma_semaphore, #tpu.memory_space<semaphore_mem>>) src(%dma_wait3A_410 : memref<256xi32, #tpu.memory_space<hbm>>) dst(%arg12 : memref<256xi32, #tpu.memory_space<vmem>>)
          tpu.yield
        }) : () -> ()
        "tpu.region"() ({
          %run_scoped3A = tpu.sem_alloc : memref<!tpu.dma_semaphore, #tpu.memory_space<semaphore_mem>>
          %dma_start3A_407 = tpu.memref_slice %arg4[%add3A_288] : memref<3211264xf32, #tpu.memory_space<hbm>> -> memref<256xf32, #tpu.memory_space<hbm>>
          %dma_start3A_408 = tpu.memref_slice %arg4[%add3A_288] : memref<3211264xf32, #tpu.memory_space<hbm>> -> memref<256xf32, #tpu.memory_space<hbm>>
          tpu.enqueue_dma source(%dma_start3A_408 : memref<256xf32, #tpu.memory_space<hbm>>) target(%arg13 : memref<256xf32, #tpu.memory_space<vmem>>) target_semaphore(%run_scoped3A : memref<!tpu.dma_semaphore, #tpu.memory_space<semaphore_mem>>)
          %dma_wait3A_409 = tpu.memref_slice %arg4[%add3A_288] : memref<3211264xf32, #tpu.memory_space<hbm>> -> memref<256xf32, #tpu.memory_space<hbm>>
          %dma_wait3A_410 = tpu.memref_slice %arg4[%add3A_288] : memref<3211264xf32, #tpu.memory_space<hbm>> -> memref<256xf32, #tpu.memory_space<hbm>>
          tpu.wait_dma2 semaphore(%run_scoped3A : memref<!tpu.dma_semaphore, #tpu.memory_space<semaphore_mem>>) src(%dma_wait3A_410 : memref<256xf32, #tpu.memory_space<hbm>>) dst(%arg13 : memref<256xf32, #tpu.memory_space<vmem>>)
          tpu.yield
        }) : () -> ()
        %dma_start3A_289 = arith.constant 0 : i32
        %dma_start3A_290 = arith.constant 0 : i32
        %dma_start3A_291 = tpu.memref_slice %arg5[%dma_start3A_289, %dma_start3A_290] : memref<100352x16xf32, #tpu.memory_space<hbm>> -> memref<100352x16xf32, #tpu.memory_space<hbm>>
        tpu.enqueue_indirect_dma source(%dma_start3A_291 : memref<100352x16xf32, #tpu.memory_space<hbm>>) target(%arg14 : memref<256x16xf32, #tpu.memory_space<vmem>>) offsets(%arg11 : memref<256xi32, #tpu.memory_space<vmem>>) semaphore(%arg16 : memref<!tpu.dma_semaphore, #tpu.memory_space<semaphore_mem>>)
        %dma_start3A_292 = arith.constant 0 : i32
        %dma_start3A_293 = arith.constant 0 : i32
        %dma_start3A_294 = tpu.memref_slice %arg6[%dma_start3A_292, %dma_start3A_293] : memref<100352x16xf32, #tpu.memory_space<hbm>> -> memref<100352x16xf32, #tpu.memory_space<hbm>>
        tpu.enqueue_indirect_dma source(%dma_start3A_294 : memref<100352x16xf32, #tpu.memory_space<hbm>>) target(%arg15 : memref<256x16xf32, #tpu.memory_space<vmem>>) offsets(%arg12 : memref<256xi32, #tpu.memory_space<vmem>>) semaphore(%arg16 : memref<!tpu.dma_semaphore, #tpu.memory_space<semaphore_mem>>)
        %get3A_295 = arith.constant 0 : index
        %get3A_296 = tpu.vector_load %arg13[%get3A_295] {strides = array<i32>} : memref<256xf32, #tpu.memory_space<vmem>>, vector<16xf32>,
        %mul3A_297 = arith.mulf %get3A_296, %get3A_9 : vector<16xf32>
        %add3A_298 = arith.addf %mul3A_297, %get3A_13 : vector<16xf32>
        %max3A_299 = arith.maximumf %add3A_298, %broadcast_in_dim3A_14 : vector<16xf32>
        %swap3A_300 = arith.constant 0 : index
        %swap3A_301 = tpu.vector_load %arg13[%swap3A_300] {strides = array<i32>} : memref<256xf32, #tpu.memory_space<vmem>>, vector<16xf32>,
        tpu.vector_store %arg13[%swap3A_300], %max3A_299 {strides = array<i32>} : memref<256xf32, #tpu.memory_space<vmem>>, vector<16xf32>,
        %get3A_302 = arith.constant 16 : index
        %get3A_303 = tpu.vector_load %arg13[%get3A_302] {strides = array<i32>} : memref<256xf32, #tpu.memory_space<vmem>>, vector<16xf32>,
        %mul3A_304 = arith.mulf %get3A_303, %get3A_9 : vector<16xf32>
        %add3A_305 = arith.addf %mul3A_304, %get3A_13 : vector<16xf32>
        %max3A_306 = arith.maximumf %add3A_305, %broadcast_in_dim3A_14 : vector<16xf32>
        %swap3A_307 = arith.constant 16 : index
        %swap3A_308 = tpu.vector_load %arg13[%swap3A_307] {strides = array<i32>} : memref<256xf32, #tpu.memory_space<vmem>>, vector<16xf32>,
        tpu.vector_store %arg13[%swap3A_307], %max3A_306 {strides = array<i32>} : memref<256xf32, #tpu.memory_space<vmem>>, vector<16xf32>,
        %get3A_309 = arith.constant 32 : index
        %get3A_310 = tpu.vector_load %arg13[%get3A_309] {strides = array<i32>} : memref<256xf32, #tpu.memory_space<vmem>>, vector<16xf32>,
        %mul3A_311 = arith.mulf %get3A_310, %get3A_9 : vector<16xf32>
        %add3A_312 = arith.addf %mul3A_311, %get3A_13 : vector<16xf32>
        %max3A_313 = arith.maximumf %add3A_312, %broadcast_in_dim3A_14 : vector<16xf32>
        %swap3A_314 = arith.constant 32 : index
        %swap3A_315 = tpu.vector_load %arg13[%swap3A_314] {strides = array<i32>} : memref<256xf32, #tpu.memory_space<vmem>>, vector<16xf32>,
        tpu.vector_store %arg13[%swap3A_314], %max3A_313 {strides = array<i32>} : memref<256xf32, #tpu.memory_space<vmem>>, vector<16xf32>,
        %get3A_316 = arith.constant 48 : index
        %get3A_317 = tpu.vector_load %arg13[%get3A_316] {strides = array<i32>} : memref<256xf32, #tpu.memory_space<vmem>>, vector<16xf32>,
        %mul3A_318 = arith.mulf %get3A_317, %get3A_9 : vector<16xf32>
        %add3A_319 = arith.addf %mul3A_318, %get3A_13 : vector<16xf32>
        %max3A_320 = arith.maximumf %add3A_319, %broadcast_in_dim3A_14 : vector<16xf32>
        %swap3A_321 = arith.constant 48 : index
        %swap3A_322 = tpu.vector_load %arg13[%swap3A_321] {strides = array<i32>} : memref<256xf32, #tpu.memory_space<vmem>>, vector<16xf32>,
        tpu.vector_store %arg13[%swap3A_321], %max3A_320 {strides = array<i32>} : memref<256xf32, #tpu.memory_space<vmem>>, vector<16xf32>,
        %get3A_323 = arith.constant 64 : index
        %get3A_324 = tpu.vector_load %arg13[%get3A_323] {strides = array<i32>} : memref<256xf32, #tpu.memory_space<vmem>>, vector<16xf32>,
        %mul3A_325 = arith.mulf %get3A_324, %get3A_9 : vector<16xf32>
        %add3A_326 = arith.addf %mul3A_325, %get3A_13 : vector<16xf32>
        %max3A_327 = arith.maximumf %add3A_326, %broadcast_in_dim3A_14 : vector<16xf32>
        %swap3A_328 = arith.constant 64 : index
        %swap3A_329 = tpu.vector_load %arg13[%swap3A_328] {strides = array<i32>} : memref<256xf32, #tpu.memory_space<vmem>>, vector<16xf32>,
        tpu.vector_store %arg13[%swap3A_328], %max3A_327 {strides = array<i32>} : memref<256xf32, #tpu.memory_space<vmem>>, vector<16xf32>,
        %get3A_330 = arith.constant 80 : index
        %get3A_331 = tpu.vector_load %arg13[%get3A_330] {strides = array<i32>} : memref<256xf32, #tpu.memory_space<vmem>>, vector<16xf32>,
        %mul3A_332 = arith.mulf %get3A_331, %get3A_9 : vector<16xf32>
        %add3A_333 = arith.addf %mul3A_332, %get3A_13 : vector<16xf32>
        %max3A_334 = arith.maximumf %add3A_333, %broadcast_in_dim3A_14 : vector<16xf32>
        %swap3A_335 = arith.constant 80 : index
        %swap3A_336 = tpu.vector_load %arg13[%swap3A_335] {strides = array<i32>} : memref<256xf32, #tpu.memory_space<vmem>>, vector<16xf32>,
        tpu.vector_store %arg13[%swap3A_335], %max3A_334 {strides = array<i32>} : memref<256xf32, #tpu.memory_space<vmem>>, vector<16xf32>,
        %get3A_337 = arith.constant 96 : index
        %get3A_338 = tpu.vector_load %arg13[%get3A_337] {strides = array<i32>} : memref<256xf32, #tpu.memory_space<vmem>>, vector<16xf32>,
        %mul3A_339 = arith.mulf %get3A_338, %get3A_9 : vector<16xf32>
        %add3A_340 = arith.addf %mul3A_339, %get3A_13 : vector<16xf32>
        %max3A_341 = arith.maximumf %add3A_340, %broadcast_in_dim3A_14 : vector<16xf32>
        %swap3A_342 = arith.constant 96 : index
        %swap3A_343 = tpu.vector_load %arg13[%swap3A_342] {strides = array<i32>} : memref<256xf32, #tpu.memory_space<vmem>>, vector<16xf32>,
        tpu.vector_store %arg13[%swap3A_342], %max3A_341 {strides = array<i32>} : memref<256xf32, #tpu.memory_space<vmem>>, vector<16xf32>,
        %get3A_344 = arith.constant 112 : index
        %get3A_345 = tpu.vector_load %arg13[%get3A_344] {strides = array<i32>} : memref<256xf32, #tpu.memory_space<vmem>>, vector<16xf32>,
        %mul3A_346 = arith.mulf %get3A_345, %get3A_9 : vector<16xf32>
        %add3A_347 = arith.addf %mul3A_346, %get3A_13 : vector<16xf32>
        %max3A_348 = arith.maximumf %add3A_347, %broadcast_in_dim3A_14 : vector<16xf32>
        %swap3A_349 = arith.constant 112 : index
        %swap3A_350 = tpu.vector_load %arg13[%swap3A_349] {strides = array<i32>} : memref<256xf32, #tpu.memory_space<vmem>>, vector<16xf32>,
        tpu.vector_store %arg13[%swap3A_349], %max3A_348 {strides = array<i32>} : memref<256xf32, #tpu.memory_space<vmem>>, vector<16xf32>,
        %get3A_351 = arith.constant 128 : index
        %get3A_352 = tpu.vector_load %arg13[%get3A_351] {strides = array<i32>} : memref<256xf32, #tpu.memory_space<vmem>>, vector<16xf32>,
        %mul3A_353 = arith.mulf %get3A_352, %get3A_9 : vector<16xf32>
        %add3A_354 = arith.addf %mul3A_353, %get3A_13 : vector<16xf32>
        %max3A_355 = arith.maximumf %add3A_354, %broadcast_in_dim3A_14 : vector<16xf32>
        %swap3A_356 = arith.constant 128 : index
        %swap3A_357 = tpu.vector_load %arg13[%swap3A_356] {strides = array<i32>} : memref<256xf32, #tpu.memory_space<vmem>>, vector<16xf32>,
        tpu.vector_store %arg13[%swap3A_356], %max3A_355 {strides = array<i32>} : memref<256xf32, #tpu.memory_space<vmem>>, vector<16xf32>,
        %get3A_358 = arith.constant 144 : index
        %get3A_359 = tpu.vector_load %arg13[%get3A_358] {strides = array<i32>} : memref<256xf32, #tpu.memory_space<vmem>>, vector<16xf32>,
        %mul3A_360 = arith.mulf %get3A_359, %get3A_9 : vector<16xf32>
        %add3A_361 = arith.addf %mul3A_360, %get3A_13 : vector<16xf32>
        %max3A_362 = arith.maximumf %add3A_361, %broadcast_in_dim3A_14 : vector<16xf32>
        %swap3A_363 = arith.constant 144 : index
        %swap3A_364 = tpu.vector_load %arg13[%swap3A_363] {strides = array<i32>} : memref<256xf32, #tpu.memory_space<vmem>>, vector<16xf32>,
        tpu.vector_store %arg13[%swap3A_363], %max3A_362 {strides = array<i32>} : memref<256xf32, #tpu.memory_space<vmem>>, vector<16xf32>,
        %get3A_365 = arith.constant 160 : index
        %get3A_366 = tpu.vector_load %arg13[%get3A_365] {strides = array<i32>} : memref<256xf32, #tpu.memory_space<vmem>>, vector<16xf32>,
        %mul3A_367 = arith.mulf %get3A_366, %get3A_9 : vector<16xf32>
        %add3A_368 = arith.addf %mul3A_367, %get3A_13 : vector<16xf32>
        %max3A_369 = arith.maximumf %add3A_368, %broadcast_in_dim3A_14 : vector<16xf32>
        %swap3A_370 = arith.constant 160 : index
        %swap3A_371 = tpu.vector_load %arg13[%swap3A_370] {strides = array<i32>} : memref<256xf32, #tpu.memory_space<vmem>>, vector<16xf32>,
        tpu.vector_store %arg13[%swap3A_370], %max3A_369 {strides = array<i32>} : memref<256xf32, #tpu.memory_space<vmem>>, vector<16xf32>,
        %get3A_372 = arith.constant 176 : index
        %get3A_373 = tpu.vector_load %arg13[%get3A_372] {strides = array<i32>} : memref<256xf32, #tpu.memory_space<vmem>>, vector<16xf32>,
        %mul3A_374 = arith.mulf %get3A_373, %get3A_9 : vector<16xf32>
        %add3A_375 = arith.addf %mul3A_374, %get3A_13 : vector<16xf32>
        %max3A_376 = arith.maximumf %add3A_375, %broadcast_in_dim3A_14 : vector<16xf32>
        %swap3A_377 = arith.constant 176 : index
        %swap3A_378 = tpu.vector_load %arg13[%swap3A_377] {strides = array<i32>} : memref<256xf32, #tpu.memory_space<vmem>>, vector<16xf32>,
        tpu.vector_store %arg13[%swap3A_377], %max3A_376 {strides = array<i32>} : memref<256xf32, #tpu.memory_space<vmem>>, vector<16xf32>,
        %get3A_379 = arith.constant 192 : index
        %get3A_380 = tpu.vector_load %arg13[%get3A_379] {strides = array<i32>} : memref<256xf32, #tpu.memory_space<vmem>>, vector<16xf32>,
        %mul3A_381 = arith.mulf %get3A_380, %get3A_9 : vector<16xf32>
        %add3A_382 = arith.addf %mul3A_381, %get3A_13 : vector<16xf32>
        %max3A_383 = arith.maximumf %add3A_382, %broadcast_in_dim3A_14 : vector<16xf32>
        %swap3A_384 = arith.constant 192 : index
        %swap3A_385 = tpu.vector_load %arg13[%swap3A_384] {strides = array<i32>} : memref<256xf32, #tpu.memory_space<vmem>>, vector<16xf32>,
        tpu.vector_store %arg13[%swap3A_384], %max3A_383 {strides = array<i32>} : memref<256xf32, #tpu.memory_space<vmem>>, vector<16xf32>,
        %get3A_386 = arith.constant 208 : index
        %get3A_387 = tpu.vector_load %arg13[%get3A_386] {strides = array<i32>} : memref<256xf32, #tpu.memory_space<vmem>>, vector<16xf32>,
        %mul3A_388 = arith.mulf %get3A_387, %get3A_9 : vector<16xf32>
        %add3A_389 = arith.addf %mul3A_388, %get3A_13 : vector<16xf32>
        %max3A_390 = arith.maximumf %add3A_389, %broadcast_in_dim3A_14 : vector<16xf32>
        %swap3A_391 = arith.constant 208 : index
        %swap3A_392 = tpu.vector_load %arg13[%swap3A_391] {strides = array<i32>} : memref<256xf32, #tpu.memory_space<vmem>>, vector<16xf32>,
        tpu.vector_store %arg13[%swap3A_391], %max3A_390 {strides = array<i32>} : memref<256xf32, #tpu.memory_space<vmem>>, vector<16xf32>,
        %get3A_393 = arith.constant 224 : index
        %get3A_394 = tpu.vector_load %arg13[%get3A_393] {strides = array<i32>} : memref<256xf32, #tpu.memory_space<vmem>>, vector<16xf32>,
        %mul3A_395 = arith.mulf %get3A_394, %get3A_9 : vector<16xf32>
        %add3A_396 = arith.addf %mul3A_395, %get3A_13 : vector<16xf32>
        %max3A_397 = arith.maximumf %add3A_396, %broadcast_in_dim3A_14 : vector<16xf32>
        %swap3A_398 = arith.constant 224 : index
        %swap3A_399 = tpu.vector_load %arg13[%swap3A_398] {strides = array<i32>} : memref<256xf32, #tpu.memory_space<vmem>>, vector<16xf32>,
        tpu.vector_store %arg13[%swap3A_398], %max3A_397 {strides = array<i32>} : memref<256xf32, #tpu.memory_space<vmem>>, vector<16xf32>,
        %get3A_400 = arith.constant 240 : index
        %get3A_401 = tpu.vector_load %arg13[%get3A_400] {strides = array<i32>} : memref<256xf32, #tpu.memory_space<vmem>>, vector<16xf32>,
        %mul3A_402 = arith.mulf %get3A_401, %get3A_9 : vector<16xf32>
        %add3A_403 = arith.addf %mul3A_402, %get3A_13 : vector<16xf32>
        %max3A_404 = arith.maximumf %add3A_403, %broadcast_in_dim3A_14 : vector<16xf32>
        %swap3A_405 = arith.constant 240 : index
        %swap3A_406 = tpu.vector_load %arg13[%swap3A_405] {strides = array<i32>} : memref<256xf32, #tpu.memory_space<vmem>>, vector<16xf32>,
        tpu.vector_store %arg13[%swap3A_405], %max3A_404 {strides = array<i32>} : memref<256xf32, #tpu.memory_space<vmem>>, vector<16xf32>,
      } else {
      }
      %dma_wait3A_275 = arith.constant 0 : i32
      %dma_wait3A_276 = arith.constant 0 : i32
      %dma_wait3A_277 = tpu.memref_slice %arg5[%dma_wait3A_275, %dma_wait3A_276] : memref<100352x16xf32, #tpu.memory_space<hbm>> -> memref<100352x16xf32, #tpu.memory_space<hbm>>
      tpu.wait_indirect_dma semaphore(%arg22 : memref<!tpu.dma_semaphore, #tpu.memory_space<semaphore_mem>>) src(%dma_wait3A_277 : memref<100352x16xf32, #tpu.memory_space<hbm>>) dst(%arg20 : memref<256x16xf32, #tpu.memory_space<vmem>>)
      %dma_wait3A_278 = arith.constant 0 : i32
      %dma_wait3A_279 = arith.constant 0 : i32
      %dma_wait3A_280 = tpu.memref_slice %arg6[%dma_wait3A_278, %dma_wait3A_279] : memref<100352x16xf32, #tpu.memory_space<hbm>> -> memref<100352x16xf32, #tpu.memory_space<hbm>>
      tpu.wait_indirect_dma semaphore(%arg22 : memref<!tpu.dma_semaphore, #tpu.memory_space<semaphore_mem>>) src(%dma_wait3A_280 : memref<100352x16xf32, #tpu.memory_space<hbm>>) dst(%arg21 : memref<256x16xf32, #tpu.memory_space<vmem>>)
      %parallel_loop3A_281 = arith.constant 0 : i32
      %parallel_loop3A_282 = arith.constant 256 : i32
      %parallel_loop3A_283 = arith.constant 1 : i32
      scf.for %parallel_loop3A_284 = %parallel_loop3A_281 to %parallel_loop3A_282 step %parallel_loop3A_283  : i32 {
        %parallel_loop3A_285 = vector.broadcast %parallel_loop3A_284 : i32 to vector<16xi32>
        %parallel_loop3A_286 = tpu.vector_load_idx %arg19[%parallel_loop3A_285] : memref<256xf32, #tpu.memory_space<vmem>>[vector<16xi32>], vector<16xf32>,
        %parallel_loop3A_287 = arith.index_cast %parallel_loop3A_284 : i32 to index
        %parallel_loop3A_288 = arith.constant 0 : index
        %parallel_loop3A_289 = tpu.vector_load %arg20[%parallel_loop3A_287, %parallel_loop3A_288] {strides = array<i32>} : memref<256x16xf32, #tpu.memory_space<vmem>>, vector<16xf32>,
        %parallel_loop3A_290 = arith.index_cast %parallel_loop3A_284 : i32 to index
        %parallel_loop3A_291 = arith.constant 0 : index
        %parallel_loop3A_292 = tpu.vector_load %arg21[%parallel_loop3A_290, %parallel_loop3A_291] {strides = array<i32>} : memref<256x16xf32, #tpu.memory_space<vmem>>, vector<16xf32>,
        %parallel_loop3A_293 = arith.addf %parallel_loop3A_289, %parallel_loop3A_292 : vector<16xf32>
        %parallel_loop3A_294 = arith.mulf %parallel_loop3A_286, %get3A_5 : vector<16xf32>
        %parallel_loop3A_295 = arith.addf %parallel_loop3A_293, %parallel_loop3A_294 : vector<16xf32>
        %parallel_loop3A_296 = arith.maximumf %parallel_loop3A_295, %broadcast_in_dim3A_14 : vector<16xf32>
        %parallel_loop3A_297 = arith.index_cast %parallel_loop3A_284 : i32 to index
        %parallel_loop3A_298 = arith.constant 0 : index
        %parallel_loop3A_299 = tpu.vector_load %arg20[%parallel_loop3A_297, %parallel_loop3A_298] {strides = array<i32>} : memref<256x16xf32, #tpu.memory_space<vmem>>, vector<16xf32>,
        tpu.vector_store %arg20[%parallel_loop3A_297, %parallel_loop3A_298], %parallel_loop3A_296 {strides = array<i32>} : memref<256x16xf32, #tpu.memory_space<vmem>>, vector<16xf32>,
      } {sc.loop_unroll_factor = 8 : i64, sc.parallel_access}
      "tpu.region"() ({
        %run_scoped3A = tpu.sem_alloc : memref<!tpu.dma_semaphore, #tpu.memory_space<semaphore_mem>>
        %dma_start3A_284 = arith.constant 0 : i32
        %dma_start3A_285 = arith.constant 0 : i32
        %dma_start3A_286 = tpu.memref_slice %arg10[%dma_start3A_284, %dma_start3A_285] : memref<100352x16xf32, #tpu.memory_space<vmem_shared>> -> memref<100352x16xf32, #tpu.memory_space<vmem_shared>>
        tpu.enqueue_indirect_dma source(%arg20 : memref<256x16xf32, #tpu.memory_space<vmem>>) target(%dma_start3A_286 : memref<100352x16xf32, #tpu.memory_space<vmem_shared>>) offsets(%arg18 : memref<256xi32, #tpu.memory_space<vmem>>) semaphore(%run_scoped3A : memref<!tpu.dma_semaphore, #tpu.memory_space<semaphore_mem>>) {add = true}
        %dma_wait3A_287 = arith.constant 0 : i32
        %dma_wait3A_288 = arith.constant 0 : i32
        %dma_wait3A_289 = tpu.memref_slice %arg10[%dma_wait3A_287, %dma_wait3A_288] : memref<100352x16xf32, #tpu.memory_space<vmem_shared>> -> memref<100352x16xf32, #tpu.memory_space<vmem_shared>>
        tpu.wait_indirect_dma semaphore(%run_scoped3A : memref<!tpu.dma_semaphore, #tpu.memory_space<semaphore_mem>>) src(%arg20 : memref<256x16xf32, #tpu.memory_space<vmem>>) dst(%dma_wait3A_289 : memref<100352x16xf32, #tpu.memory_space<vmem_shared>>)
        tpu.yield
      }) : () -> ()
    }
    %scan3A_138 = arith.constant 196 : i32
    %barrier3A_139 = arith.constant 0 : index
    tpu.barrier barrier_id(%barrier3A_139)
    "tpu.region"() ({
      %run_scoped3A = tpu.sem_alloc : memref<!tpu.dma_semaphore, #tpu.memory_space<semaphore_mem>>
      %dma_start3A_140 = arith.constant 0 : i32
      %dma_start3A_141 = tpu.memref_slice %arg9[%arg0, %mul3A_2, %dma_start3A_140] : memref<2x100352x16xf32, #tpu.memory_space<hbm>> -> memref<1x6272x16xf32, #tpu.memory_space<hbm>>
      %dma_start3A_142 = tpu.memref_squeeze %dma_start3A_141 : memref<1x6272x16xf32, #tpu.memory_space<hbm>> -> memref<6272x16xf32, #tpu.memory_space<hbm>>
      %dma_start3A_143 = arith.constant 0 : i32
      %dma_start3A_144 = tpu.memref_slice %arg10[%mul3A_2, %dma_start3A_143] : memref<100352x16xf32, #tpu.memory_space<vmem_shared>> -> memref<6272x16xf32, #tpu.memory_space<vmem_shared>>
      tpu.enqueue_dma source(%dma_start3A_144 : memref<6272x16xf32, #tpu.memory_space<vmem_shared>>) target(%dma_start3A_142 : memref<6272x16xf32, #tpu.memory_space<hbm>>) target_semaphore(%run_scoped3A : memref<!tpu.dma_semaphore, #tpu.memory_space<semaphore_mem>>)
      %dma_wait3A = arith.constant 0 : i32
      %dma_wait3A_145 = tpu.memref_slice %arg9[%arg0, %mul3A_2, %dma_wait3A] : memref<2x100352x16xf32, #tpu.memory_space<hbm>> -> memref<1x6272x16xf32, #tpu.memory_space<hbm>>
      %dma_wait3A_146 = tpu.memref_squeeze %dma_wait3A_145 : memref<1x6272x16xf32, #tpu.memory_space<hbm>> -> memref<6272x16xf32, #tpu.memory_space<hbm>>
      %dma_wait3A_147 = arith.constant 0 : i32
      %dma_wait3A_148 = tpu.memref_slice %arg10[%mul3A_2, %dma_wait3A_147] : memref<100352x16xf32, #tpu.memory_space<vmem_shared>> -> memref<6272x16xf32, #tpu.memory_space<vmem_shared>>
      tpu.wait_dma2 semaphore(%run_scoped3A : memref<!tpu.dma_semaphore, #tpu.memory_space<semaphore_mem>>) src(%dma_wait3A_148 : memref<6272x16xf32, #tpu.memory_space<vmem_shared>>) dst(%dma_wait3A_146 : memref<6272x16xf32, #tpu.memory_space<hbm>>)
      tpu.yield
    }) : () -> ()
    return
  }
}

#map = affine_map<(d0, d1) -> (0)>
module attributes {stable_mosaic.version = 14 : i64} {
  func.func @body(%arg0: i32, %arg1: i32, %arg2: memref<3211264xi32, #tpu.memory_space<hbm>>, %arg3: memref<3211264xi32, #tpu.memory_space<hbm>>, %arg4: memref<6272xf32, #tpu.memory_space<hbm>>, %arg5: memref<100352xf32, #tpu.memory_space<hbm>>, %arg6: memref<100352xf32, #tpu.memory_space<hbm>>, %arg7: memref<100352xf32, #tpu.memory_space<hbm>>, %arg8: memref<100352xf32, #tpu.memory_space<hbm>>, %arg9: memref<100352xf32, #tpu.memory_space<vmem_shared>>, %arg10: memref<100352xf32, #tpu.memory_space<vmem_shared>>, %arg11: memref<2048xi32, #tpu.memory_space<vmem>>, %arg12: memref<2048xi32, #tpu.memory_space<vmem>>, %arg13: memref<2048xf32, #tpu.memory_space<vmem>>) attributes {dimension_semantics = [#tpu.dimension_semantics<core_parallel>, #tpu.dimension_semantics<subcore_parallel>], iteration_bounds = array<i64: 2, 16>, scalar_prefetch = 0 : i64, scratch_operands = 5 : i64, tpu.core_type = #tpu.core_type<sc_vector_subcore>, window_params = [{transform_indices = #map}, {transform_indices = #map}, {transform_indices = #map}, {transform_indices = #map}, {transform_indices = #map}, {transform_indices = #map}, {transform_indices = #map}]} {
    %mul3A = arith.constant 16 : i32
    %mul3A_0 = arith.muli %arg0, %mul3A : i32
    %add3A = arith.addi %mul3A_0, %arg1 : i32
    %mul3A_1 = arith.constant 6272 : i32
    %mul3A_2 = arith.muli %arg1, %mul3A_1 : i32
    "tpu.region"() ({
      %run_scoped3A = tpu.sem_alloc : memref<!tpu.dma_semaphore, #tpu.memory_space<semaphore_mem>>
      %dma_start3A = tpu.memref_slice %arg9[%mul3A_2] : memref<100352xf32, #tpu.memory_space<vmem_shared>> -> memref<6272xf32, #tpu.memory_space<vmem_shared>>
      tpu.enqueue_dma source(%arg4 : memref<6272xf32, #tpu.memory_space<hbm>>) target(%dma_start3A : memref<6272xf32, #tpu.memory_space<vmem_shared>>) target_semaphore(%run_scoped3A : memref<!tpu.dma_semaphore, #tpu.memory_space<semaphore_mem>>)
      %dma_wait3A = tpu.memref_slice %arg9[%mul3A_2] : memref<100352xf32, #tpu.memory_space<vmem_shared>> -> memref<6272xf32, #tpu.memory_space<vmem_shared>>
      tpu.wait_dma2 semaphore(%run_scoped3A : memref<!tpu.dma_semaphore, #tpu.memory_space<semaphore_mem>>) src(%arg4 : memref<6272xf32, #tpu.memory_space<hbm>>) dst(%dma_wait3A : memref<6272xf32, #tpu.memory_space<vmem_shared>>)
      tpu.yield
    }) : () -> ()
    "tpu.region"() ({
      %run_scoped3A = tpu.sem_alloc : memref<!tpu.dma_semaphore, #tpu.memory_space<semaphore_mem>>
      %dma_start3A = tpu.memref_slice %arg10[%mul3A_2] : memref<100352xf32, #tpu.memory_space<vmem_shared>> -> memref<6272xf32, #tpu.memory_space<vmem_shared>>
      tpu.enqueue_dma source(%arg4 : memref<6272xf32, #tpu.memory_space<hbm>>) target(%dma_start3A : memref<6272xf32, #tpu.memory_space<vmem_shared>>) target_semaphore(%run_scoped3A : memref<!tpu.dma_semaphore, #tpu.memory_space<semaphore_mem>>)
      %dma_wait3A = tpu.memref_slice %arg10[%mul3A_2] : memref<100352xf32, #tpu.memory_space<vmem_shared>> -> memref<6272xf32, #tpu.memory_space<vmem_shared>>
      tpu.wait_dma2 semaphore(%run_scoped3A : memref<!tpu.dma_semaphore, #tpu.memory_space<semaphore_mem>>) src(%arg4 : memref<6272xf32, #tpu.memory_space<hbm>>) dst(%dma_wait3A : memref<6272xf32, #tpu.memory_space<vmem_shared>>)
      tpu.yield
    }) : () -> ()
    %broadcast_in_dim3A = arith.constant 1.000000e+00 : f32
    %broadcast_in_dim3A_3 = vector.broadcast %broadcast_in_dim3A : f32 to vector<16xf32>
    %swap3A = arith.constant 0 : index
    %swap3A_4 = tpu.vector_load %arg13[%swap3A] {strides = array<i32>} : memref<2048xf32, #tpu.memory_space<vmem>>, vector<16xf32>,
    tpu.vector_store %arg13[%swap3A], %broadcast_in_dim3A_3 {strides = array<i32>} : memref<2048xf32, #tpu.memory_space<vmem>>, vector<16xf32>,
    %swap3A_5 = arith.constant 16 : index
    %swap3A_6 = tpu.vector_load %arg13[%swap3A_5] {strides = array<i32>} : memref<2048xf32, #tpu.memory_space<vmem>>, vector<16xf32>,
    tpu.vector_store %arg13[%swap3A_5], %broadcast_in_dim3A_3 {strides = array<i32>} : memref<2048xf32, #tpu.memory_space<vmem>>, vector<16xf32>,
    %swap3A_7 = arith.constant 32 : index
    %swap3A_8 = tpu.vector_load %arg13[%swap3A_7] {strides = array<i32>} : memref<2048xf32, #tpu.memory_space<vmem>>, vector<16xf32>,
    tpu.vector_store %arg13[%swap3A_7], %broadcast_in_dim3A_3 {strides = array<i32>} : memref<2048xf32, #tpu.memory_space<vmem>>, vector<16xf32>,
    %swap3A_9 = arith.constant 48 : index
    %swap3A_10 = tpu.vector_load %arg13[%swap3A_9] {strides = array<i32>} : memref<2048xf32, #tpu.memory_space<vmem>>, vector<16xf32>,
    tpu.vector_store %arg13[%swap3A_9], %broadcast_in_dim3A_3 {strides = array<i32>} : memref<2048xf32, #tpu.memory_space<vmem>>, vector<16xf32>,
    %swap3A_11 = arith.constant 64 : index
    %swap3A_12 = tpu.vector_load %arg13[%swap3A_11] {strides = array<i32>} : memref<2048xf32, #tpu.memory_space<vmem>>, vector<16xf32>,
    tpu.vector_store %arg13[%swap3A_11], %broadcast_in_dim3A_3 {strides = array<i32>} : memref<2048xf32, #tpu.memory_space<vmem>>, vector<16xf32>,
    %swap3A_13 = arith.constant 80 : index
    %swap3A_14 = tpu.vector_load %arg13[%swap3A_13] {strides = array<i32>} : memref<2048xf32, #tpu.memory_space<vmem>>, vector<16xf32>,
    tpu.vector_store %arg13[%swap3A_13], %broadcast_in_dim3A_3 {strides = array<i32>} : memref<2048xf32, #tpu.memory_space<vmem>>, vector<16xf32>,
    %swap3A_15 = arith.constant 96 : index
    %swap3A_16 = tpu.vector_load %arg13[%swap3A_15] {strides = array<i32>} : memref<2048xf32, #tpu.memory_space<vmem>>, vector<16xf32>,
    tpu.vector_store %arg13[%swap3A_15], %broadcast_in_dim3A_3 {strides = array<i32>} : memref<2048xf32, #tpu.memory_space<vmem>>, vector<16xf32>,
    %swap3A_17 = arith.constant 112 : index
    %swap3A_18 = tpu.vector_load %arg13[%swap3A_17] {strides = array<i32>} : memref<2048xf32, #tpu.memory_space<vmem>>, vector<16xf32>,
    tpu.vector_store %arg13[%swap3A_17], %broadcast_in_dim3A_3 {strides = array<i32>} : memref<2048xf32, #tpu.memory_space<vmem>>, vector<16xf32>,
    %swap3A_19 = arith.constant 128 : index
    %swap3A_20 = tpu.vector_load %arg13[%swap3A_19] {strides = array<i32>} : memref<2048xf32, #tpu.memory_space<vmem>>, vector<16xf32>,
    tpu.vector_store %arg13[%swap3A_19], %broadcast_in_dim3A_3 {strides = array<i32>} : memref<2048xf32, #tpu.memory_space<vmem>>, vector<16xf32>,
    %swap3A_21 = arith.constant 144 : index
    %swap3A_22 = tpu.vector_load %arg13[%swap3A_21] {strides = array<i32>} : memref<2048xf32, #tpu.memory_space<vmem>>, vector<16xf32>,
    tpu.vector_store %arg13[%swap3A_21], %broadcast_in_dim3A_3 {strides = array<i32>} : memref<2048xf32, #tpu.memory_space<vmem>>, vector<16xf32>,
    %swap3A_23 = arith.constant 160 : index
    %swap3A_24 = tpu.vector_load %arg13[%swap3A_23] {strides = array<i32>} : memref<2048xf32, #tpu.memory_space<vmem>>, vector<16xf32>,
    tpu.vector_store %arg13[%swap3A_23], %broadcast_in_dim3A_3 {strides = array<i32>} : memref<2048xf32, #tpu.memory_space<vmem>>, vector<16xf32>,
    %swap3A_25 = arith.constant 176 : index
    %swap3A_26 = tpu.vector_load %arg13[%swap3A_25] {strides = array<i32>} : memref<2048xf32, #tpu.memory_space<vmem>>, vector<16xf32>,
    tpu.vector_store %arg13[%swap3A_25], %broadcast_in_dim3A_3 {strides = array<i32>} : memref<2048xf32, #tpu.memory_space<vmem>>, vector<16xf32>,
    %swap3A_27 = arith.constant 192 : index
    %swap3A_28 = tpu.vector_load %arg13[%swap3A_27] {strides = array<i32>} : memref<2048xf32, #tpu.memory_space<vmem>>, vector<16xf32>,
    tpu.vector_store %arg13[%swap3A_27], %broadcast_in_dim3A_3 {strides = array<i32>} : memref<2048xf32, #tpu.memory_space<vmem>>, vector<16xf32>,
    %swap3A_29 = arith.constant 208 : index
    %swap3A_30 = tpu.vector_load %arg13[%swap3A_29] {strides = array<i32>} : memref<2048xf32, #tpu.memory_space<vmem>>, vector<16xf32>,
    tpu.vector_store %arg13[%swap3A_29], %broadcast_in_dim3A_3 {strides = array<i32>} : memref<2048xf32, #tpu.memory_space<vmem>>, vector<16xf32>,
    %swap3A_31 = arith.constant 224 : index
    %swap3A_32 = tpu.vector_load %arg13[%swap3A_31] {strides = array<i32>} : memref<2048xf32, #tpu.memory_space<vmem>>, vector<16xf32>,
    tpu.vector_store %arg13[%swap3A_31], %broadcast_in_dim3A_3 {strides = array<i32>} : memref<2048xf32, #tpu.memory_space<vmem>>, vector<16xf32>,
    %swap3A_33 = arith.constant 240 : index
    %swap3A_34 = tpu.vector_load %arg13[%swap3A_33] {strides = array<i32>} : memref<2048xf32, #tpu.memory_space<vmem>>, vector<16xf32>,
    tpu.vector_store %arg13[%swap3A_33], %broadcast_in_dim3A_3 {strides = array<i32>} : memref<2048xf32, #tpu.memory_space<vmem>>, vector<16xf32>,
    %swap3A_35 = arith.constant 256 : index
    %swap3A_36 = tpu.vector_load %arg13[%swap3A_35] {strides = array<i32>} : memref<2048xf32, #tpu.memory_space<vmem>>, vector<16xf32>,
    tpu.vector_store %arg13[%swap3A_35], %broadcast_in_dim3A_3 {strides = array<i32>} : memref<2048xf32, #tpu.memory_space<vmem>>, vector<16xf32>,
    %swap3A_37 = arith.constant 272 : index
    %swap3A_38 = tpu.vector_load %arg13[%swap3A_37] {strides = array<i32>} : memref<2048xf32, #tpu.memory_space<vmem>>, vector<16xf32>,
    tpu.vector_store %arg13[%swap3A_37], %broadcast_in_dim3A_3 {strides = array<i32>} : memref<2048xf32, #tpu.memory_space<vmem>>, vector<16xf32>,
    %swap3A_39 = arith.constant 288 : index
    %swap3A_40 = tpu.vector_load %arg13[%swap3A_39] {strides = array<i32>} : memref<2048xf32, #tpu.memory_space<vmem>>, vector<16xf32>,
    tpu.vector_store %arg13[%swap3A_39], %broadcast_in_dim3A_3 {strides = array<i32>} : memref<2048xf32, #tpu.memory_space<vmem>>, vector<16xf32>,
    %swap3A_41 = arith.constant 304 : index
    %swap3A_42 = tpu.vector_load %arg13[%swap3A_41] {strides = array<i32>} : memref<2048xf32, #tpu.memory_space<vmem>>, vector<16xf32>,
    tpu.vector_store %arg13[%swap3A_41], %broadcast_in_dim3A_3 {strides = array<i32>} : memref<2048xf32, #tpu.memory_space<vmem>>, vector<16xf32>,
    %swap3A_43 = arith.constant 320 : index
    %swap3A_44 = tpu.vector_load %arg13[%swap3A_43] {strides = array<i32>} : memref<2048xf32, #tpu.memory_space<vmem>>, vector<16xf32>,
    tpu.vector_store %arg13[%swap3A_43], %broadcast_in_dim3A_3 {strides = array<i32>} : memref<2048xf32, #tpu.memory_space<vmem>>, vector<16xf32>,
    %swap3A_45 = arith.constant 336 : index
    %swap3A_46 = tpu.vector_load %arg13[%swap3A_45] {strides = array<i32>} : memref<2048xf32, #tpu.memory_space<vmem>>, vector<16xf32>,
    tpu.vector_store %arg13[%swap3A_45], %broadcast_in_dim3A_3 {strides = array<i32>} : memref<2048xf32, #tpu.memory_space<vmem>>, vector<16xf32>,
    %swap3A_47 = arith.constant 352 : index
    %swap3A_48 = tpu.vector_load %arg13[%swap3A_47] {strides = array<i32>} : memref<2048xf32, #tpu.memory_space<vmem>>, vector<16xf32>,
    tpu.vector_store %arg13[%swap3A_47], %broadcast_in_dim3A_3 {strides = array<i32>} : memref<2048xf32, #tpu.memory_space<vmem>>, vector<16xf32>,
    %swap3A_49 = arith.constant 368 : index
    %swap3A_50 = tpu.vector_load %arg13[%swap3A_49] {strides = array<i32>} : memref<2048xf32, #tpu.memory_space<vmem>>, vector<16xf32>,
    tpu.vector_store %arg13[%swap3A_49], %broadcast_in_dim3A_3 {strides = array<i32>} : memref<2048xf32, #tpu.memory_space<vmem>>, vector<16xf32>,
    %swap3A_51 = arith.constant 384 : index
    %swap3A_52 = tpu.vector_load %arg13[%swap3A_51] {strides = array<i32>} : memref<2048xf32, #tpu.memory_space<vmem>>, vector<16xf32>,
    tpu.vector_store %arg13[%swap3A_51], %broadcast_in_dim3A_3 {strides = array<i32>} : memref<2048xf32, #tpu.memory_space<vmem>>, vector<16xf32>,
    %swap3A_53 = arith.constant 400 : index
    %swap3A_54 = tpu.vector_load %arg13[%swap3A_53] {strides = array<i32>} : memref<2048xf32, #tpu.memory_space<vmem>>, vector<16xf32>,
    tpu.vector_store %arg13[%swap3A_53], %broadcast_in_dim3A_3 {strides = array<i32>} : memref<2048xf32, #tpu.memory_space<vmem>>, vector<16xf32>,
    %swap3A_55 = arith.constant 416 : index
    %swap3A_56 = tpu.vector_load %arg13[%swap3A_55] {strides = array<i32>} : memref<2048xf32, #tpu.memory_space<vmem>>, vector<16xf32>,
    tpu.vector_store %arg13[%swap3A_55], %broadcast_in_dim3A_3 {strides = array<i32>} : memref<2048xf32, #tpu.memory_space<vmem>>, vector<16xf32>,
    %swap3A_57 = arith.constant 432 : index
    %swap3A_58 = tpu.vector_load %arg13[%swap3A_57] {strides = array<i32>} : memref<2048xf32, #tpu.memory_space<vmem>>, vector<16xf32>,
    tpu.vector_store %arg13[%swap3A_57], %broadcast_in_dim3A_3 {strides = array<i32>} : memref<2048xf32, #tpu.memory_space<vmem>>, vector<16xf32>,
    %swap3A_59 = arith.constant 448 : index
    %swap3A_60 = tpu.vector_load %arg13[%swap3A_59] {strides = array<i32>} : memref<2048xf32, #tpu.memory_space<vmem>>, vector<16xf32>,
    tpu.vector_store %arg13[%swap3A_59], %broadcast_in_dim3A_3 {strides = array<i32>} : memref<2048xf32, #tpu.memory_space<vmem>>, vector<16xf32>,
    %swap3A_61 = arith.constant 464 : index
    %swap3A_62 = tpu.vector_load %arg13[%swap3A_61] {strides = array<i32>} : memref<2048xf32, #tpu.memory_space<vmem>>, vector<16xf32>,
    tpu.vector_store %arg13[%swap3A_61], %broadcast_in_dim3A_3 {strides = array<i32>} : memref<2048xf32, #tpu.memory_space<vmem>>, vector<16xf32>,
    %swap3A_63 = arith.constant 480 : index
    %swap3A_64 = tpu.vector_load %arg13[%swap3A_63] {strides = array<i32>} : memref<2048xf32, #tpu.memory_space<vmem>>, vector<16xf32>,
    tpu.vector_store %arg13[%swap3A_63], %broadcast_in_dim3A_3 {strides = array<i32>} : memref<2048xf32, #tpu.memory_space<vmem>>, vector<16xf32>,
    %swap3A_65 = arith.constant 496 : index
    %swap3A_66 = tpu.vector_load %arg13[%swap3A_65] {strides = array<i32>} : memref<2048xf32, #tpu.memory_space<vmem>>, vector<16xf32>,
    tpu.vector_store %arg13[%swap3A_65], %broadcast_in_dim3A_3 {strides = array<i32>} : memref<2048xf32, #tpu.memory_space<vmem>>, vector<16xf32>,
    %swap3A_67 = arith.constant 512 : index
    %swap3A_68 = tpu.vector_load %arg13[%swap3A_67] {strides = array<i32>} : memref<2048xf32, #tpu.memory_space<vmem>>, vector<16xf32>,
    tpu.vector_store %arg13[%swap3A_67], %broadcast_in_dim3A_3 {strides = array<i32>} : memref<2048xf32, #tpu.memory_space<vmem>>, vector<16xf32>,
    %swap3A_69 = arith.constant 528 : index
    %swap3A_70 = tpu.vector_load %arg13[%swap3A_69] {strides = array<i32>} : memref<2048xf32, #tpu.memory_space<vmem>>, vector<16xf32>,
    tpu.vector_store %arg13[%swap3A_69], %broadcast_in_dim3A_3 {strides = array<i32>} : memref<2048xf32, #tpu.memory_space<vmem>>, vector<16xf32>,
    %swap3A_71 = arith.constant 544 : index
    %swap3A_72 = tpu.vector_load %arg13[%swap3A_71] {strides = array<i32>} : memref<2048xf32, #tpu.memory_space<vmem>>, vector<16xf32>,
    tpu.vector_store %arg13[%swap3A_71], %broadcast_in_dim3A_3 {strides = array<i32>} : memref<2048xf32, #tpu.memory_space<vmem>>, vector<16xf32>,
    %swap3A_73 = arith.constant 560 : index
    %swap3A_74 = tpu.vector_load %arg13[%swap3A_73] {strides = array<i32>} : memref<2048xf32, #tpu.memory_space<vmem>>, vector<16xf32>,
    tpu.vector_store %arg13[%swap3A_73], %broadcast_in_dim3A_3 {strides = array<i32>} : memref<2048xf32, #tpu.memory_space<vmem>>, vector<16xf32>,
    %swap3A_75 = arith.constant 576 : index
    %swap3A_76 = tpu.vector_load %arg13[%swap3A_75] {strides = array<i32>} : memref<2048xf32, #tpu.memory_space<vmem>>, vector<16xf32>,
    tpu.vector_store %arg13[%swap3A_75], %broadcast_in_dim3A_3 {strides = array<i32>} : memref<2048xf32, #tpu.memory_space<vmem>>, vector<16xf32>,
    %swap3A_77 = arith.constant 592 : index
    %swap3A_78 = tpu.vector_load %arg13[%swap3A_77] {strides = array<i32>} : memref<2048xf32, #tpu.memory_space<vmem>>, vector<16xf32>,
    tpu.vector_store %arg13[%swap3A_77], %broadcast_in_dim3A_3 {strides = array<i32>} : memref<2048xf32, #tpu.memory_space<vmem>>, vector<16xf32>,
    %swap3A_79 = arith.constant 608 : index
    %swap3A_80 = tpu.vector_load %arg13[%swap3A_79] {strides = array<i32>} : memref<2048xf32, #tpu.memory_space<vmem>>, vector<16xf32>,
    tpu.vector_store %arg13[%swap3A_79], %broadcast_in_dim3A_3 {strides = array<i32>} : memref<2048xf32, #tpu.memory_space<vmem>>, vector<16xf32>,
    %swap3A_81 = arith.constant 624 : index
    %swap3A_82 = tpu.vector_load %arg13[%swap3A_81] {strides = array<i32>} : memref<2048xf32, #tpu.memory_space<vmem>>, vector<16xf32>,
    tpu.vector_store %arg13[%swap3A_81], %broadcast_in_dim3A_3 {strides = array<i32>} : memref<2048xf32, #tpu.memory_space<vmem>>, vector<16xf32>,
    %swap3A_83 = arith.constant 640 : index
    %swap3A_84 = tpu.vector_load %arg13[%swap3A_83] {strides = array<i32>} : memref<2048xf32, #tpu.memory_space<vmem>>, vector<16xf32>,
    tpu.vector_store %arg13[%swap3A_83], %broadcast_in_dim3A_3 {strides = array<i32>} : memref<2048xf32, #tpu.memory_space<vmem>>, vector<16xf32>,
    %swap3A_85 = arith.constant 656 : index
    %swap3A_86 = tpu.vector_load %arg13[%swap3A_85] {strides = array<i32>} : memref<2048xf32, #tpu.memory_space<vmem>>, vector<16xf32>,
    tpu.vector_store %arg13[%swap3A_85], %broadcast_in_dim3A_3 {strides = array<i32>} : memref<2048xf32, #tpu.memory_space<vmem>>, vector<16xf32>,
    %swap3A_87 = arith.constant 672 : index
    %swap3A_88 = tpu.vector_load %arg13[%swap3A_87] {strides = array<i32>} : memref<2048xf32, #tpu.memory_space<vmem>>, vector<16xf32>,
    tpu.vector_store %arg13[%swap3A_87], %broadcast_in_dim3A_3 {strides = array<i32>} : memref<2048xf32, #tpu.memory_space<vmem>>, vector<16xf32>,
    %swap3A_89 = arith.constant 688 : index
    %swap3A_90 = tpu.vector_load %arg13[%swap3A_89] {strides = array<i32>} : memref<2048xf32, #tpu.memory_space<vmem>>, vector<16xf32>,
    tpu.vector_store %arg13[%swap3A_89], %broadcast_in_dim3A_3 {strides = array<i32>} : memref<2048xf32, #tpu.memory_space<vmem>>, vector<16xf32>,
    %swap3A_91 = arith.constant 704 : index
    %swap3A_92 = tpu.vector_load %arg13[%swap3A_91] {strides = array<i32>} : memref<2048xf32, #tpu.memory_space<vmem>>, vector<16xf32>,
    tpu.vector_store %arg13[%swap3A_91], %broadcast_in_dim3A_3 {strides = array<i32>} : memref<2048xf32, #tpu.memory_space<vmem>>, vector<16xf32>,
    %swap3A_93 = arith.constant 720 : index
    %swap3A_94 = tpu.vector_load %arg13[%swap3A_93] {strides = array<i32>} : memref<2048xf32, #tpu.memory_space<vmem>>, vector<16xf32>,
    tpu.vector_store %arg13[%swap3A_93], %broadcast_in_dim3A_3 {strides = array<i32>} : memref<2048xf32, #tpu.memory_space<vmem>>, vector<16xf32>,
    %swap3A_95 = arith.constant 736 : index
    %swap3A_96 = tpu.vector_load %arg13[%swap3A_95] {strides = array<i32>} : memref<2048xf32, #tpu.memory_space<vmem>>, vector<16xf32>,
    tpu.vector_store %arg13[%swap3A_95], %broadcast_in_dim3A_3 {strides = array<i32>} : memref<2048xf32, #tpu.memory_space<vmem>>, vector<16xf32>,
    %swap3A_97 = arith.constant 752 : index
    %swap3A_98 = tpu.vector_load %arg13[%swap3A_97] {strides = array<i32>} : memref<2048xf32, #tpu.memory_space<vmem>>, vector<16xf32>,
    tpu.vector_store %arg13[%swap3A_97], %broadcast_in_dim3A_3 {strides = array<i32>} : memref<2048xf32, #tpu.memory_space<vmem>>, vector<16xf32>,
    %swap3A_99 = arith.constant 768 : index
    %swap3A_100 = tpu.vector_load %arg13[%swap3A_99] {strides = array<i32>} : memref<2048xf32, #tpu.memory_space<vmem>>, vector<16xf32>,
    tpu.vector_store %arg13[%swap3A_99], %broadcast_in_dim3A_3 {strides = array<i32>} : memref<2048xf32, #tpu.memory_space<vmem>>, vector<16xf32>,
    %swap3A_101 = arith.constant 784 : index
    %swap3A_102 = tpu.vector_load %arg13[%swap3A_101] {strides = array<i32>} : memref<2048xf32, #tpu.memory_space<vmem>>, vector<16xf32>,
    tpu.vector_store %arg13[%swap3A_101], %broadcast_in_dim3A_3 {strides = array<i32>} : memref<2048xf32, #tpu.memory_space<vmem>>, vector<16xf32>,
    %swap3A_103 = arith.constant 800 : index
    %swap3A_104 = tpu.vector_load %arg13[%swap3A_103] {strides = array<i32>} : memref<2048xf32, #tpu.memory_space<vmem>>, vector<16xf32>,
    tpu.vector_store %arg13[%swap3A_103], %broadcast_in_dim3A_3 {strides = array<i32>} : memref<2048xf32, #tpu.memory_space<vmem>>, vector<16xf32>,
    %swap3A_105 = arith.constant 816 : index
    %swap3A_106 = tpu.vector_load %arg13[%swap3A_105] {strides = array<i32>} : memref<2048xf32, #tpu.memory_space<vmem>>, vector<16xf32>,
    tpu.vector_store %arg13[%swap3A_105], %broadcast_in_dim3A_3 {strides = array<i32>} : memref<2048xf32, #tpu.memory_space<vmem>>, vector<16xf32>,
    %swap3A_107 = arith.constant 832 : index
    %swap3A_108 = tpu.vector_load %arg13[%swap3A_107] {strides = array<i32>} : memref<2048xf32, #tpu.memory_space<vmem>>, vector<16xf32>,
    tpu.vector_store %arg13[%swap3A_107], %broadcast_in_dim3A_3 {strides = array<i32>} : memref<2048xf32, #tpu.memory_space<vmem>>, vector<16xf32>,
    %swap3A_109 = arith.constant 848 : index
    %swap3A_110 = tpu.vector_load %arg13[%swap3A_109] {strides = array<i32>} : memref<2048xf32, #tpu.memory_space<vmem>>, vector<16xf32>,
    tpu.vector_store %arg13[%swap3A_109], %broadcast_in_dim3A_3 {strides = array<i32>} : memref<2048xf32, #tpu.memory_space<vmem>>, vector<16xf32>,
    %swap3A_111 = arith.constant 864 : index
    %swap3A_112 = tpu.vector_load %arg13[%swap3A_111] {strides = array<i32>} : memref<2048xf32, #tpu.memory_space<vmem>>, vector<16xf32>,
    tpu.vector_store %arg13[%swap3A_111], %broadcast_in_dim3A_3 {strides = array<i32>} : memref<2048xf32, #tpu.memory_space<vmem>>, vector<16xf32>,
    %swap3A_113 = arith.constant 880 : index
    %swap3A_114 = tpu.vector_load %arg13[%swap3A_113] {strides = array<i32>} : memref<2048xf32, #tpu.memory_space<vmem>>, vector<16xf32>,
    tpu.vector_store %arg13[%swap3A_113], %broadcast_in_dim3A_3 {strides = array<i32>} : memref<2048xf32, #tpu.memory_space<vmem>>, vector<16xf32>,
    %swap3A_115 = arith.constant 896 : index
    %swap3A_116 = tpu.vector_load %arg13[%swap3A_115] {strides = array<i32>} : memref<2048xf32, #tpu.memory_space<vmem>>, vector<16xf32>,
    tpu.vector_store %arg13[%swap3A_115], %broadcast_in_dim3A_3 {strides = array<i32>} : memref<2048xf32, #tpu.memory_space<vmem>>, vector<16xf32>,
    %swap3A_117 = arith.constant 912 : index
    %swap3A_118 = tpu.vector_load %arg13[%swap3A_117] {strides = array<i32>} : memref<2048xf32, #tpu.memory_space<vmem>>, vector<16xf32>,
    tpu.vector_store %arg13[%swap3A_117], %broadcast_in_dim3A_3 {strides = array<i32>} : memref<2048xf32, #tpu.memory_space<vmem>>, vector<16xf32>,
    %swap3A_119 = arith.constant 928 : index
    %swap3A_120 = tpu.vector_load %arg13[%swap3A_119] {strides = array<i32>} : memref<2048xf32, #tpu.memory_space<vmem>>, vector<16xf32>,
    tpu.vector_store %arg13[%swap3A_119], %broadcast_in_dim3A_3 {strides = array<i32>} : memref<2048xf32, #tpu.memory_space<vmem>>, vector<16xf32>,
    %swap3A_121 = arith.constant 944 : index
    %swap3A_122 = tpu.vector_load %arg13[%swap3A_121] {strides = array<i32>} : memref<2048xf32, #tpu.memory_space<vmem>>, vector<16xf32>,
    tpu.vector_store %arg13[%swap3A_121], %broadcast_in_dim3A_3 {strides = array<i32>} : memref<2048xf32, #tpu.memory_space<vmem>>, vector<16xf32>,
    %swap3A_123 = arith.constant 960 : index
    %swap3A_124 = tpu.vector_load %arg13[%swap3A_123] {strides = array<i32>} : memref<2048xf32, #tpu.memory_space<vmem>>, vector<16xf32>,
    tpu.vector_store %arg13[%swap3A_123], %broadcast_in_dim3A_3 {strides = array<i32>} : memref<2048xf32, #tpu.memory_space<vmem>>, vector<16xf32>,
    %swap3A_125 = arith.constant 976 : index
    %swap3A_126 = tpu.vector_load %arg13[%swap3A_125] {strides = array<i32>} : memref<2048xf32, #tpu.memory_space<vmem>>, vector<16xf32>,
    tpu.vector_store %arg13[%swap3A_125], %broadcast_in_dim3A_3 {strides = array<i32>} : memref<2048xf32, #tpu.memory_space<vmem>>, vector<16xf32>,
    %swap3A_127 = arith.constant 992 : index
    %swap3A_128 = tpu.vector_load %arg13[%swap3A_127] {strides = array<i32>} : memref<2048xf32, #tpu.memory_space<vmem>>, vector<16xf32>,
    tpu.vector_store %arg13[%swap3A_127], %broadcast_in_dim3A_3 {strides = array<i32>} : memref<2048xf32, #tpu.memory_space<vmem>>, vector<16xf32>,
    %swap3A_129 = arith.constant 1008 : index
    %swap3A_130 = tpu.vector_load %arg13[%swap3A_129] {strides = array<i32>} : memref<2048xf32, #tpu.memory_space<vmem>>, vector<16xf32>,
    tpu.vector_store %arg13[%swap3A_129], %broadcast_in_dim3A_3 {strides = array<i32>} : memref<2048xf32, #tpu.memory_space<vmem>>, vector<16xf32>,
    %swap3A_131 = arith.constant 1024 : index
    %swap3A_132 = tpu.vector_load %arg13[%swap3A_131] {strides = array<i32>} : memref<2048xf32, #tpu.memory_space<vmem>>, vector<16xf32>,
    tpu.vector_store %arg13[%swap3A_131], %broadcast_in_dim3A_3 {strides = array<i32>} : memref<2048xf32, #tpu.memory_space<vmem>>, vector<16xf32>,
    %swap3A_133 = arith.constant 1040 : index
    %swap3A_134 = tpu.vector_load %arg13[%swap3A_133] {strides = array<i32>} : memref<2048xf32, #tpu.memory_space<vmem>>, vector<16xf32>,
    tpu.vector_store %arg13[%swap3A_133], %broadcast_in_dim3A_3 {strides = array<i32>} : memref<2048xf32, #tpu.memory_space<vmem>>, vector<16xf32>,
    %swap3A_135 = arith.constant 1056 : index
    %swap3A_136 = tpu.vector_load %arg13[%swap3A_135] {strides = array<i32>} : memref<2048xf32, #tpu.memory_space<vmem>>, vector<16xf32>,
    tpu.vector_store %arg13[%swap3A_135], %broadcast_in_dim3A_3 {strides = array<i32>} : memref<2048xf32, #tpu.memory_space<vmem>>, vector<16xf32>,
    %swap3A_137 = arith.constant 1072 : index
    %swap3A_138 = tpu.vector_load %arg13[%swap3A_137] {strides = array<i32>} : memref<2048xf32, #tpu.memory_space<vmem>>, vector<16xf32>,
    tpu.vector_store %arg13[%swap3A_137], %broadcast_in_dim3A_3 {strides = array<i32>} : memref<2048xf32, #tpu.memory_space<vmem>>, vector<16xf32>,
    %swap3A_139 = arith.constant 1088 : index
    %swap3A_140 = tpu.vector_load %arg13[%swap3A_139] {strides = array<i32>} : memref<2048xf32, #tpu.memory_space<vmem>>, vector<16xf32>,
    tpu.vector_store %arg13[%swap3A_139], %broadcast_in_dim3A_3 {strides = array<i32>} : memref<2048xf32, #tpu.memory_space<vmem>>, vector<16xf32>,
    %swap3A_141 = arith.constant 1104 : index
    %swap3A_142 = tpu.vector_load %arg13[%swap3A_141] {strides = array<i32>} : memref<2048xf32, #tpu.memory_space<vmem>>, vector<16xf32>,
    tpu.vector_store %arg13[%swap3A_141], %broadcast_in_dim3A_3 {strides = array<i32>} : memref<2048xf32, #tpu.memory_space<vmem>>, vector<16xf32>,
    %swap3A_143 = arith.constant 1120 : index
    %swap3A_144 = tpu.vector_load %arg13[%swap3A_143] {strides = array<i32>} : memref<2048xf32, #tpu.memory_space<vmem>>, vector<16xf32>,
    tpu.vector_store %arg13[%swap3A_143], %broadcast_in_dim3A_3 {strides = array<i32>} : memref<2048xf32, #tpu.memory_space<vmem>>, vector<16xf32>,
    %swap3A_145 = arith.constant 1136 : index
    %swap3A_146 = tpu.vector_load %arg13[%swap3A_145] {strides = array<i32>} : memref<2048xf32, #tpu.memory_space<vmem>>, vector<16xf32>,
    tpu.vector_store %arg13[%swap3A_145], %broadcast_in_dim3A_3 {strides = array<i32>} : memref<2048xf32, #tpu.memory_space<vmem>>, vector<16xf32>,
    %swap3A_147 = arith.constant 1152 : index
    %swap3A_148 = tpu.vector_load %arg13[%swap3A_147] {strides = array<i32>} : memref<2048xf32, #tpu.memory_space<vmem>>, vector<16xf32>,
    tpu.vector_store %arg13[%swap3A_147], %broadcast_in_dim3A_3 {strides = array<i32>} : memref<2048xf32, #tpu.memory_space<vmem>>, vector<16xf32>,
    %swap3A_149 = arith.constant 1168 : index
    %swap3A_150 = tpu.vector_load %arg13[%swap3A_149] {strides = array<i32>} : memref<2048xf32, #tpu.memory_space<vmem>>, vector<16xf32>,
    tpu.vector_store %arg13[%swap3A_149], %broadcast_in_dim3A_3 {strides = array<i32>} : memref<2048xf32, #tpu.memory_space<vmem>>, vector<16xf32>,
    %swap3A_151 = arith.constant 1184 : index
    %swap3A_152 = tpu.vector_load %arg13[%swap3A_151] {strides = array<i32>} : memref<2048xf32, #tpu.memory_space<vmem>>, vector<16xf32>,
    tpu.vector_store %arg13[%swap3A_151], %broadcast_in_dim3A_3 {strides = array<i32>} : memref<2048xf32, #tpu.memory_space<vmem>>, vector<16xf32>,
    %swap3A_153 = arith.constant 1200 : index
    %swap3A_154 = tpu.vector_load %arg13[%swap3A_153] {strides = array<i32>} : memref<2048xf32, #tpu.memory_space<vmem>>, vector<16xf32>,
    tpu.vector_store %arg13[%swap3A_153], %broadcast_in_dim3A_3 {strides = array<i32>} : memref<2048xf32, #tpu.memory_space<vmem>>, vector<16xf32>,
    %swap3A_155 = arith.constant 1216 : index
    %swap3A_156 = tpu.vector_load %arg13[%swap3A_155] {strides = array<i32>} : memref<2048xf32, #tpu.memory_space<vmem>>, vector<16xf32>,
    tpu.vector_store %arg13[%swap3A_155], %broadcast_in_dim3A_3 {strides = array<i32>} : memref<2048xf32, #tpu.memory_space<vmem>>, vector<16xf32>,
    %swap3A_157 = arith.constant 1232 : index
    %swap3A_158 = tpu.vector_load %arg13[%swap3A_157] {strides = array<i32>} : memref<2048xf32, #tpu.memory_space<vmem>>, vector<16xf32>,
    tpu.vector_store %arg13[%swap3A_157], %broadcast_in_dim3A_3 {strides = array<i32>} : memref<2048xf32, #tpu.memory_space<vmem>>, vector<16xf32>,
    %swap3A_159 = arith.constant 1248 : index
    %swap3A_160 = tpu.vector_load %arg13[%swap3A_159] {strides = array<i32>} : memref<2048xf32, #tpu.memory_space<vmem>>, vector<16xf32>,
    tpu.vector_store %arg13[%swap3A_159], %broadcast_in_dim3A_3 {strides = array<i32>} : memref<2048xf32, #tpu.memory_space<vmem>>, vector<16xf32>,
    %swap3A_161 = arith.constant 1264 : index
    %swap3A_162 = tpu.vector_load %arg13[%swap3A_161] {strides = array<i32>} : memref<2048xf32, #tpu.memory_space<vmem>>, vector<16xf32>,
    tpu.vector_store %arg13[%swap3A_161], %broadcast_in_dim3A_3 {strides = array<i32>} : memref<2048xf32, #tpu.memory_space<vmem>>, vector<16xf32>,
    %swap3A_163 = arith.constant 1280 : index
    %swap3A_164 = tpu.vector_load %arg13[%swap3A_163] {strides = array<i32>} : memref<2048xf32, #tpu.memory_space<vmem>>, vector<16xf32>,
    tpu.vector_store %arg13[%swap3A_163], %broadcast_in_dim3A_3 {strides = array<i32>} : memref<2048xf32, #tpu.memory_space<vmem>>, vector<16xf32>,
    %swap3A_165 = arith.constant 1296 : index
    %swap3A_166 = tpu.vector_load %arg13[%swap3A_165] {strides = array<i32>} : memref<2048xf32, #tpu.memory_space<vmem>>, vector<16xf32>,
    tpu.vector_store %arg13[%swap3A_165], %broadcast_in_dim3A_3 {strides = array<i32>} : memref<2048xf32, #tpu.memory_space<vmem>>, vector<16xf32>,
    %swap3A_167 = arith.constant 1312 : index
    %swap3A_168 = tpu.vector_load %arg13[%swap3A_167] {strides = array<i32>} : memref<2048xf32, #tpu.memory_space<vmem>>, vector<16xf32>,
    tpu.vector_store %arg13[%swap3A_167], %broadcast_in_dim3A_3 {strides = array<i32>} : memref<2048xf32, #tpu.memory_space<vmem>>, vector<16xf32>,
    %swap3A_169 = arith.constant 1328 : index
    %swap3A_170 = tpu.vector_load %arg13[%swap3A_169] {strides = array<i32>} : memref<2048xf32, #tpu.memory_space<vmem>>, vector<16xf32>,
    tpu.vector_store %arg13[%swap3A_169], %broadcast_in_dim3A_3 {strides = array<i32>} : memref<2048xf32, #tpu.memory_space<vmem>>, vector<16xf32>,
    %swap3A_171 = arith.constant 1344 : index
    %swap3A_172 = tpu.vector_load %arg13[%swap3A_171] {strides = array<i32>} : memref<2048xf32, #tpu.memory_space<vmem>>, vector<16xf32>,
    tpu.vector_store %arg13[%swap3A_171], %broadcast_in_dim3A_3 {strides = array<i32>} : memref<2048xf32, #tpu.memory_space<vmem>>, vector<16xf32>,
    %swap3A_173 = arith.constant 1360 : index
    %swap3A_174 = tpu.vector_load %arg13[%swap3A_173] {strides = array<i32>} : memref<2048xf32, #tpu.memory_space<vmem>>, vector<16xf32>,
    tpu.vector_store %arg13[%swap3A_173], %broadcast_in_dim3A_3 {strides = array<i32>} : memref<2048xf32, #tpu.memory_space<vmem>>, vector<16xf32>,
    %swap3A_175 = arith.constant 1376 : index
    %swap3A_176 = tpu.vector_load %arg13[%swap3A_175] {strides = array<i32>} : memref<2048xf32, #tpu.memory_space<vmem>>, vector<16xf32>,
    tpu.vector_store %arg13[%swap3A_175], %broadcast_in_dim3A_3 {strides = array<i32>} : memref<2048xf32, #tpu.memory_space<vmem>>, vector<16xf32>,
    %swap3A_177 = arith.constant 1392 : index
    %swap3A_178 = tpu.vector_load %arg13[%swap3A_177] {strides = array<i32>} : memref<2048xf32, #tpu.memory_space<vmem>>, vector<16xf32>,
    tpu.vector_store %arg13[%swap3A_177], %broadcast_in_dim3A_3 {strides = array<i32>} : memref<2048xf32, #tpu.memory_space<vmem>>, vector<16xf32>,
    %swap3A_179 = arith.constant 1408 : index
    %swap3A_180 = tpu.vector_load %arg13[%swap3A_179] {strides = array<i32>} : memref<2048xf32, #tpu.memory_space<vmem>>, vector<16xf32>,
    tpu.vector_store %arg13[%swap3A_179], %broadcast_in_dim3A_3 {strides = array<i32>} : memref<2048xf32, #tpu.memory_space<vmem>>, vector<16xf32>,
    %swap3A_181 = arith.constant 1424 : index
    %swap3A_182 = tpu.vector_load %arg13[%swap3A_181] {strides = array<i32>} : memref<2048xf32, #tpu.memory_space<vmem>>, vector<16xf32>,
    tpu.vector_store %arg13[%swap3A_181], %broadcast_in_dim3A_3 {strides = array<i32>} : memref<2048xf32, #tpu.memory_space<vmem>>, vector<16xf32>,
    %swap3A_183 = arith.constant 1440 : index
    %swap3A_184 = tpu.vector_load %arg13[%swap3A_183] {strides = array<i32>} : memref<2048xf32, #tpu.memory_space<vmem>>, vector<16xf32>,
    tpu.vector_store %arg13[%swap3A_183], %broadcast_in_dim3A_3 {strides = array<i32>} : memref<2048xf32, #tpu.memory_space<vmem>>, vector<16xf32>,
    %swap3A_185 = arith.constant 1456 : index
    %swap3A_186 = tpu.vector_load %arg13[%swap3A_185] {strides = array<i32>} : memref<2048xf32, #tpu.memory_space<vmem>>, vector<16xf32>,
    tpu.vector_store %arg13[%swap3A_185], %broadcast_in_dim3A_3 {strides = array<i32>} : memref<2048xf32, #tpu.memory_space<vmem>>, vector<16xf32>,
    %swap3A_187 = arith.constant 1472 : index
    %swap3A_188 = tpu.vector_load %arg13[%swap3A_187] {strides = array<i32>} : memref<2048xf32, #tpu.memory_space<vmem>>, vector<16xf32>,
    tpu.vector_store %arg13[%swap3A_187], %broadcast_in_dim3A_3 {strides = array<i32>} : memref<2048xf32, #tpu.memory_space<vmem>>, vector<16xf32>,
    %swap3A_189 = arith.constant 1488 : index
    %swap3A_190 = tpu.vector_load %arg13[%swap3A_189] {strides = array<i32>} : memref<2048xf32, #tpu.memory_space<vmem>>, vector<16xf32>,
    tpu.vector_store %arg13[%swap3A_189], %broadcast_in_dim3A_3 {strides = array<i32>} : memref<2048xf32, #tpu.memory_space<vmem>>, vector<16xf32>,
    %swap3A_191 = arith.constant 1504 : index
    %swap3A_192 = tpu.vector_load %arg13[%swap3A_191] {strides = array<i32>} : memref<2048xf32, #tpu.memory_space<vmem>>, vector<16xf32>,
    tpu.vector_store %arg13[%swap3A_191], %broadcast_in_dim3A_3 {strides = array<i32>} : memref<2048xf32, #tpu.memory_space<vmem>>, vector<16xf32>,
    %swap3A_193 = arith.constant 1520 : index
    %swap3A_194 = tpu.vector_load %arg13[%swap3A_193] {strides = array<i32>} : memref<2048xf32, #tpu.memory_space<vmem>>, vector<16xf32>,
    tpu.vector_store %arg13[%swap3A_193], %broadcast_in_dim3A_3 {strides = array<i32>} : memref<2048xf32, #tpu.memory_space<vmem>>, vector<16xf32>,
    %swap3A_195 = arith.constant 1536 : index
    %swap3A_196 = tpu.vector_load %arg13[%swap3A_195] {strides = array<i32>} : memref<2048xf32, #tpu.memory_space<vmem>>, vector<16xf32>,
    tpu.vector_store %arg13[%swap3A_195], %broadcast_in_dim3A_3 {strides = array<i32>} : memref<2048xf32, #tpu.memory_space<vmem>>, vector<16xf32>,
    %swap3A_197 = arith.constant 1552 : index
    %swap3A_198 = tpu.vector_load %arg13[%swap3A_197] {strides = array<i32>} : memref<2048xf32, #tpu.memory_space<vmem>>, vector<16xf32>,
    tpu.vector_store %arg13[%swap3A_197], %broadcast_in_dim3A_3 {strides = array<i32>} : memref<2048xf32, #tpu.memory_space<vmem>>, vector<16xf32>,
    %swap3A_199 = arith.constant 1568 : index
    %swap3A_200 = tpu.vector_load %arg13[%swap3A_199] {strides = array<i32>} : memref<2048xf32, #tpu.memory_space<vmem>>, vector<16xf32>,
    tpu.vector_store %arg13[%swap3A_199], %broadcast_in_dim3A_3 {strides = array<i32>} : memref<2048xf32, #tpu.memory_space<vmem>>, vector<16xf32>,
    %swap3A_201 = arith.constant 1584 : index
    %swap3A_202 = tpu.vector_load %arg13[%swap3A_201] {strides = array<i32>} : memref<2048xf32, #tpu.memory_space<vmem>>, vector<16xf32>,
    tpu.vector_store %arg13[%swap3A_201], %broadcast_in_dim3A_3 {strides = array<i32>} : memref<2048xf32, #tpu.memory_space<vmem>>, vector<16xf32>,
    %swap3A_203 = arith.constant 1600 : index
    %swap3A_204 = tpu.vector_load %arg13[%swap3A_203] {strides = array<i32>} : memref<2048xf32, #tpu.memory_space<vmem>>, vector<16xf32>,
    tpu.vector_store %arg13[%swap3A_203], %broadcast_in_dim3A_3 {strides = array<i32>} : memref<2048xf32, #tpu.memory_space<vmem>>, vector<16xf32>,
    %swap3A_205 = arith.constant 1616 : index
    %swap3A_206 = tpu.vector_load %arg13[%swap3A_205] {strides = array<i32>} : memref<2048xf32, #tpu.memory_space<vmem>>, vector<16xf32>,
    tpu.vector_store %arg13[%swap3A_205], %broadcast_in_dim3A_3 {strides = array<i32>} : memref<2048xf32, #tpu.memory_space<vmem>>, vector<16xf32>,
    %swap3A_207 = arith.constant 1632 : index
    %swap3A_208 = tpu.vector_load %arg13[%swap3A_207] {strides = array<i32>} : memref<2048xf32, #tpu.memory_space<vmem>>, vector<16xf32>,
    tpu.vector_store %arg13[%swap3A_207], %broadcast_in_dim3A_3 {strides = array<i32>} : memref<2048xf32, #tpu.memory_space<vmem>>, vector<16xf32>,
    %swap3A_209 = arith.constant 1648 : index
    %swap3A_210 = tpu.vector_load %arg13[%swap3A_209] {strides = array<i32>} : memref<2048xf32, #tpu.memory_space<vmem>>, vector<16xf32>,
    tpu.vector_store %arg13[%swap3A_209], %broadcast_in_dim3A_3 {strides = array<i32>} : memref<2048xf32, #tpu.memory_space<vmem>>, vector<16xf32>,
    %swap3A_211 = arith.constant 1664 : index
    %swap3A_212 = tpu.vector_load %arg13[%swap3A_211] {strides = array<i32>} : memref<2048xf32, #tpu.memory_space<vmem>>, vector<16xf32>,
    tpu.vector_store %arg13[%swap3A_211], %broadcast_in_dim3A_3 {strides = array<i32>} : memref<2048xf32, #tpu.memory_space<vmem>>, vector<16xf32>,
    %swap3A_213 = arith.constant 1680 : index
    %swap3A_214 = tpu.vector_load %arg13[%swap3A_213] {strides = array<i32>} : memref<2048xf32, #tpu.memory_space<vmem>>, vector<16xf32>,
    tpu.vector_store %arg13[%swap3A_213], %broadcast_in_dim3A_3 {strides = array<i32>} : memref<2048xf32, #tpu.memory_space<vmem>>, vector<16xf32>,
    %swap3A_215 = arith.constant 1696 : index
    %swap3A_216 = tpu.vector_load %arg13[%swap3A_215] {strides = array<i32>} : memref<2048xf32, #tpu.memory_space<vmem>>, vector<16xf32>,
    tpu.vector_store %arg13[%swap3A_215], %broadcast_in_dim3A_3 {strides = array<i32>} : memref<2048xf32, #tpu.memory_space<vmem>>, vector<16xf32>,
    %swap3A_217 = arith.constant 1712 : index
    %swap3A_218 = tpu.vector_load %arg13[%swap3A_217] {strides = array<i32>} : memref<2048xf32, #tpu.memory_space<vmem>>, vector<16xf32>,
    tpu.vector_store %arg13[%swap3A_217], %broadcast_in_dim3A_3 {strides = array<i32>} : memref<2048xf32, #tpu.memory_space<vmem>>, vector<16xf32>,
    %swap3A_219 = arith.constant 1728 : index
    %swap3A_220 = tpu.vector_load %arg13[%swap3A_219] {strides = array<i32>} : memref<2048xf32, #tpu.memory_space<vmem>>, vector<16xf32>,
    tpu.vector_store %arg13[%swap3A_219], %broadcast_in_dim3A_3 {strides = array<i32>} : memref<2048xf32, #tpu.memory_space<vmem>>, vector<16xf32>,
    %swap3A_221 = arith.constant 1744 : index
    %swap3A_222 = tpu.vector_load %arg13[%swap3A_221] {strides = array<i32>} : memref<2048xf32, #tpu.memory_space<vmem>>, vector<16xf32>,
    tpu.vector_store %arg13[%swap3A_221], %broadcast_in_dim3A_3 {strides = array<i32>} : memref<2048xf32, #tpu.memory_space<vmem>>, vector<16xf32>,
    %swap3A_223 = arith.constant 1760 : index
    %swap3A_224 = tpu.vector_load %arg13[%swap3A_223] {strides = array<i32>} : memref<2048xf32, #tpu.memory_space<vmem>>, vector<16xf32>,
    tpu.vector_store %arg13[%swap3A_223], %broadcast_in_dim3A_3 {strides = array<i32>} : memref<2048xf32, #tpu.memory_space<vmem>>, vector<16xf32>,
    %swap3A_225 = arith.constant 1776 : index
    %swap3A_226 = tpu.vector_load %arg13[%swap3A_225] {strides = array<i32>} : memref<2048xf32, #tpu.memory_space<vmem>>, vector<16xf32>,
    tpu.vector_store %arg13[%swap3A_225], %broadcast_in_dim3A_3 {strides = array<i32>} : memref<2048xf32, #tpu.memory_space<vmem>>, vector<16xf32>,
    %swap3A_227 = arith.constant 1792 : index
    %swap3A_228 = tpu.vector_load %arg13[%swap3A_227] {strides = array<i32>} : memref<2048xf32, #tpu.memory_space<vmem>>, vector<16xf32>,
    tpu.vector_store %arg13[%swap3A_227], %broadcast_in_dim3A_3 {strides = array<i32>} : memref<2048xf32, #tpu.memory_space<vmem>>, vector<16xf32>,
    %swap3A_229 = arith.constant 1808 : index
    %swap3A_230 = tpu.vector_load %arg13[%swap3A_229] {strides = array<i32>} : memref<2048xf32, #tpu.memory_space<vmem>>, vector<16xf32>,
    tpu.vector_store %arg13[%swap3A_229], %broadcast_in_dim3A_3 {strides = array<i32>} : memref<2048xf32, #tpu.memory_space<vmem>>, vector<16xf32>,
    %swap3A_231 = arith.constant 1824 : index
    %swap3A_232 = tpu.vector_load %arg13[%swap3A_231] {strides = array<i32>} : memref<2048xf32, #tpu.memory_space<vmem>>, vector<16xf32>,
    tpu.vector_store %arg13[%swap3A_231], %broadcast_in_dim3A_3 {strides = array<i32>} : memref<2048xf32, #tpu.memory_space<vmem>>, vector<16xf32>,
    %swap3A_233 = arith.constant 1840 : index
    %swap3A_234 = tpu.vector_load %arg13[%swap3A_233] {strides = array<i32>} : memref<2048xf32, #tpu.memory_space<vmem>>, vector<16xf32>,
    tpu.vector_store %arg13[%swap3A_233], %broadcast_in_dim3A_3 {strides = array<i32>} : memref<2048xf32, #tpu.memory_space<vmem>>, vector<16xf32>,
    %swap3A_235 = arith.constant 1856 : index
    %swap3A_236 = tpu.vector_load %arg13[%swap3A_235] {strides = array<i32>} : memref<2048xf32, #tpu.memory_space<vmem>>, vector<16xf32>,
    tpu.vector_store %arg13[%swap3A_235], %broadcast_in_dim3A_3 {strides = array<i32>} : memref<2048xf32, #tpu.memory_space<vmem>>, vector<16xf32>,
    %swap3A_237 = arith.constant 1872 : index
    %swap3A_238 = tpu.vector_load %arg13[%swap3A_237] {strides = array<i32>} : memref<2048xf32, #tpu.memory_space<vmem>>, vector<16xf32>,
    tpu.vector_store %arg13[%swap3A_237], %broadcast_in_dim3A_3 {strides = array<i32>} : memref<2048xf32, #tpu.memory_space<vmem>>, vector<16xf32>,
    %swap3A_239 = arith.constant 1888 : index
    %swap3A_240 = tpu.vector_load %arg13[%swap3A_239] {strides = array<i32>} : memref<2048xf32, #tpu.memory_space<vmem>>, vector<16xf32>,
    tpu.vector_store %arg13[%swap3A_239], %broadcast_in_dim3A_3 {strides = array<i32>} : memref<2048xf32, #tpu.memory_space<vmem>>, vector<16xf32>,
    %swap3A_241 = arith.constant 1904 : index
    %swap3A_242 = tpu.vector_load %arg13[%swap3A_241] {strides = array<i32>} : memref<2048xf32, #tpu.memory_space<vmem>>, vector<16xf32>,
    tpu.vector_store %arg13[%swap3A_241], %broadcast_in_dim3A_3 {strides = array<i32>} : memref<2048xf32, #tpu.memory_space<vmem>>, vector<16xf32>,
    %swap3A_243 = arith.constant 1920 : index
    %swap3A_244 = tpu.vector_load %arg13[%swap3A_243] {strides = array<i32>} : memref<2048xf32, #tpu.memory_space<vmem>>, vector<16xf32>,
    tpu.vector_store %arg13[%swap3A_243], %broadcast_in_dim3A_3 {strides = array<i32>} : memref<2048xf32, #tpu.memory_space<vmem>>, vector<16xf32>,
    %swap3A_245 = arith.constant 1936 : index
    %swap3A_246 = tpu.vector_load %arg13[%swap3A_245] {strides = array<i32>} : memref<2048xf32, #tpu.memory_space<vmem>>, vector<16xf32>,
    tpu.vector_store %arg13[%swap3A_245], %broadcast_in_dim3A_3 {strides = array<i32>} : memref<2048xf32, #tpu.memory_space<vmem>>, vector<16xf32>,
    %swap3A_247 = arith.constant 1952 : index
    %swap3A_248 = tpu.vector_load %arg13[%swap3A_247] {strides = array<i32>} : memref<2048xf32, #tpu.memory_space<vmem>>, vector<16xf32>,
    tpu.vector_store %arg13[%swap3A_247], %broadcast_in_dim3A_3 {strides = array<i32>} : memref<2048xf32, #tpu.memory_space<vmem>>, vector<16xf32>,
    %swap3A_249 = arith.constant 1968 : index
    %swap3A_250 = tpu.vector_load %arg13[%swap3A_249] {strides = array<i32>} : memref<2048xf32, #tpu.memory_space<vmem>>, vector<16xf32>,
    tpu.vector_store %arg13[%swap3A_249], %broadcast_in_dim3A_3 {strides = array<i32>} : memref<2048xf32, #tpu.memory_space<vmem>>, vector<16xf32>,
    %swap3A_251 = arith.constant 1984 : index
    %swap3A_252 = tpu.vector_load %arg13[%swap3A_251] {strides = array<i32>} : memref<2048xf32, #tpu.memory_space<vmem>>, vector<16xf32>,
    tpu.vector_store %arg13[%swap3A_251], %broadcast_in_dim3A_3 {strides = array<i32>} : memref<2048xf32, #tpu.memory_space<vmem>>, vector<16xf32>,
    %swap3A_253 = arith.constant 2000 : index
    %swap3A_254 = tpu.vector_load %arg13[%swap3A_253] {strides = array<i32>} : memref<2048xf32, #tpu.memory_space<vmem>>, vector<16xf32>,
    tpu.vector_store %arg13[%swap3A_253], %broadcast_in_dim3A_3 {strides = array<i32>} : memref<2048xf32, #tpu.memory_space<vmem>>, vector<16xf32>,
    %swap3A_255 = arith.constant 2016 : index
    %swap3A_256 = tpu.vector_load %arg13[%swap3A_255] {strides = array<i32>} : memref<2048xf32, #tpu.memory_space<vmem>>, vector<16xf32>,
    tpu.vector_store %arg13[%swap3A_255], %broadcast_in_dim3A_3 {strides = array<i32>} : memref<2048xf32, #tpu.memory_space<vmem>>, vector<16xf32>,
    %swap3A_257 = arith.constant 2032 : index
    %swap3A_258 = tpu.vector_load %arg13[%swap3A_257] {strides = array<i32>} : memref<2048xf32, #tpu.memory_space<vmem>>, vector<16xf32>,
    tpu.vector_store %arg13[%swap3A_257], %broadcast_in_dim3A_3 {strides = array<i32>} : memref<2048xf32, #tpu.memory_space<vmem>>, vector<16xf32>,
    %barrier3A = arith.constant 0 : index
    tpu.barrier barrier_id(%barrier3A)
    %mul3A_259 = arith.constant 100352 : i32
    %mul3A_260 = arith.muli %add3A, %mul3A_259 : i32
    %scan3A = arith.constant 0 : i32
    %scan3A_261 = arith.constant 0 : i32
    %scan3A_262 = arith.constant 49 : i32
    %scan3A_263 = arith.addi %scan3A_261, %scan3A_262 : i32
    %scan3A_264 = arith.constant 1 : i32
    scf.for %scan3A_274 = %scan3A_261 to %scan3A_263 step %scan3A_264  : i32 {
      %mul3A_275 = arith.constant 2048 : i32
      %mul3A_276 = arith.muli %scan3A_274, %mul3A_275 : i32
      %add3A_277 = arith.addi %mul3A_260, %mul3A_276 : i32
      "tpu.region"() ({
        %run_scoped3A = tpu.sem_alloc : memref<!tpu.dma_semaphore, #tpu.memory_space<semaphore_mem>>
        %dma_start3A = tpu.memref_slice %arg2[%add3A_277] : memref<3211264xi32, #tpu.memory_space<hbm>> -> memref<2048xi32, #tpu.memory_space<hbm>>
        %dma_start3A_278 = tpu.memref_slice %arg2[%add3A_277] : memref<3211264xi32, #tpu.memory_space<hbm>> -> memref<2048xi32, #tpu.memory_space<hbm>>
        tpu.enqueue_dma source(%dma_start3A_278 : memref<2048xi32, #tpu.memory_space<hbm>>) target(%arg11 : memref<2048xi32, #tpu.memory_space<vmem>>) target_semaphore(%run_scoped3A : memref<!tpu.dma_semaphore, #tpu.memory_space<semaphore_mem>>)
        %dma_wait3A = tpu.memref_slice %arg2[%add3A_277] : memref<3211264xi32, #tpu.memory_space<hbm>> -> memref<2048xi32, #tpu.memory_space<hbm>>
        %dma_wait3A_279 = tpu.memref_slice %arg2[%add3A_277] : memref<3211264xi32, #tpu.memory_space<hbm>> -> memref<2048xi32, #tpu.memory_space<hbm>>
        tpu.wait_dma2 semaphore(%run_scoped3A : memref<!tpu.dma_semaphore, #tpu.memory_space<semaphore_mem>>) src(%dma_wait3A_279 : memref<2048xi32, #tpu.memory_space<hbm>>) dst(%arg11 : memref<2048xi32, #tpu.memory_space<vmem>>)
        tpu.yield
      }) : () -> ()
      "tpu.region"() ({
        %run_scoped3A = tpu.sem_alloc : memref<!tpu.dma_semaphore, #tpu.memory_space<semaphore_mem>>
        %dma_start3A = tpu.memref_slice %arg3[%add3A_277] : memref<3211264xi32, #tpu.memory_space<hbm>> -> memref<2048xi32, #tpu.memory_space<hbm>>
        %dma_start3A_278 = tpu.memref_slice %arg3[%add3A_277] : memref<3211264xi32, #tpu.memory_space<hbm>> -> memref<2048xi32, #tpu.memory_space<hbm>>
        tpu.enqueue_dma source(%dma_start3A_278 : memref<2048xi32, #tpu.memory_space<hbm>>) target(%arg12 : memref<2048xi32, #tpu.memory_space<vmem>>) target_semaphore(%run_scoped3A : memref<!tpu.dma_semaphore, #tpu.memory_space<semaphore_mem>>)
        %dma_wait3A = tpu.memref_slice %arg3[%add3A_277] : memref<3211264xi32, #tpu.memory_space<hbm>> -> memref<2048xi32, #tpu.memory_space<hbm>>
        %dma_wait3A_279 = tpu.memref_slice %arg3[%add3A_277] : memref<3211264xi32, #tpu.memory_space<hbm>> -> memref<2048xi32, #tpu.memory_space<hbm>>
        tpu.wait_dma2 semaphore(%run_scoped3A : memref<!tpu.dma_semaphore, #tpu.memory_space<semaphore_mem>>) src(%dma_wait3A_279 : memref<2048xi32, #tpu.memory_space<hbm>>) dst(%arg12 : memref<2048xi32, #tpu.memory_space<vmem>>)
        tpu.yield
      }) : () -> ()
      "tpu.region"() ({
        %run_scoped3A = tpu.sem_alloc : memref<!tpu.dma_semaphore, #tpu.memory_space<semaphore_mem>>
        %dma_start3A = arith.constant 0 : i32
        %dma_start3A_278 = tpu.memref_slice %arg9[%dma_start3A] : memref<100352xf32, #tpu.memory_space<vmem_shared>> -> memref<100352xf32, #tpu.memory_space<vmem_shared>>
        tpu.enqueue_indirect_dma source(%arg13 : memref<2048xf32, #tpu.memory_space<vmem>>) target(%dma_start3A_278 : memref<100352xf32, #tpu.memory_space<vmem_shared>>) offsets(%arg11 : memref<2048xi32, #tpu.memory_space<vmem>>) semaphore(%run_scoped3A : memref<!tpu.dma_semaphore, #tpu.memory_space<semaphore_mem>>) {add = true}
        %dma_wait3A = arith.constant 0 : i32
        %dma_wait3A_279 = tpu.memref_slice %arg9[%dma_wait3A] : memref<100352xf32, #tpu.memory_space<vmem_shared>> -> memref<100352xf32, #tpu.memory_space<vmem_shared>>
        tpu.wait_indirect_dma semaphore(%run_scoped3A : memref<!tpu.dma_semaphore, #tpu.memory_space<semaphore_mem>>) src(%arg13 : memref<2048xf32, #tpu.memory_space<vmem>>) dst(%dma_wait3A_279 : memref<100352xf32, #tpu.memory_space<vmem_shared>>)
        tpu.yield
      }) : () -> ()
      "tpu.region"() ({
        %run_scoped3A = tpu.sem_alloc : memref<!tpu.dma_semaphore, #tpu.memory_space<semaphore_mem>>
        %dma_start3A = arith.constant 0 : i32
        %dma_start3A_278 = tpu.memref_slice %arg10[%dma_start3A] : memref<100352xf32, #tpu.memory_space<vmem_shared>> -> memref<100352xf32, #tpu.memory_space<vmem_shared>>
        tpu.enqueue_indirect_dma source(%arg13 : memref<2048xf32, #tpu.memory_space<vmem>>) target(%dma_start3A_278 : memref<100352xf32, #tpu.memory_space<vmem_shared>>) offsets(%arg12 : memref<2048xi32, #tpu.memory_space<vmem>>) semaphore(%run_scoped3A : memref<!tpu.dma_semaphore, #tpu.memory_space<semaphore_mem>>) {add = true}
        %dma_wait3A = arith.constant 0 : i32
        %dma_wait3A_279 = tpu.memref_slice %arg10[%dma_wait3A] : memref<100352xf32, #tpu.memory_space<vmem_shared>> -> memref<100352xf32, #tpu.memory_space<vmem_shared>>
        tpu.wait_indirect_dma semaphore(%run_scoped3A : memref<!tpu.dma_semaphore, #tpu.memory_space<semaphore_mem>>) src(%arg13 : memref<2048xf32, #tpu.memory_space<vmem>>) dst(%dma_wait3A_279 : memref<100352xf32, #tpu.memory_space<vmem_shared>>)
        tpu.yield
      }) : () -> ()
    }
    %scan3A_265 = arith.constant 49 : i32
    %barrier3A_266 = arith.constant 0 : index
    tpu.barrier barrier_id(%barrier3A_266)
    %eq3A = arith.constant 0 : i32
    %eq3A_267 = arith.cmpi eq, %arg0, %eq3A : i32
    %convert_element_type3A = arith.extui %eq3A_267 : i1 to i32
    %cond3A = arith.constant 0 : i32
    %cond3A_268 = arith.cmpi ne, %convert_element_type3A, %cond3A : i32
    scf.if %cond3A_268 {
      "tpu.region"() ({
        %run_scoped3A = tpu.sem_alloc : memref<!tpu.dma_semaphore, #tpu.memory_space<semaphore_mem>>
        %dma_start3A = tpu.memref_slice %arg5[%mul3A_2] : memref<100352xf32, #tpu.memory_space<hbm>> -> memref<6272xf32, #tpu.memory_space<hbm>>
        %dma_start3A_274 = tpu.memref_slice %arg9[%mul3A_2] : memref<100352xf32, #tpu.memory_space<vmem_shared>> -> memref<6272xf32, #tpu.memory_space<vmem_shared>>
        tpu.enqueue_dma source(%dma_start3A_274 : memref<6272xf32, #tpu.memory_space<vmem_shared>>) target(%dma_start3A : memref<6272xf32, #tpu.memory_space<hbm>>) target_semaphore(%run_scoped3A : memref<!tpu.dma_semaphore, #tpu.memory_space<semaphore_mem>>)
        %dma_wait3A = tpu.memref_slice %arg5[%mul3A_2] : memref<100352xf32, #tpu.memory_space<hbm>> -> memref<6272xf32, #tpu.memory_space<hbm>>
        %dma_wait3A_275 = tpu.memref_slice %arg9[%mul3A_2] : memref<100352xf32, #tpu.memory_space<vmem_shared>> -> memref<6272xf32, #tpu.memory_space<vmem_shared>>
        tpu.wait_dma2 semaphore(%run_scoped3A : memref<!tpu.dma_semaphore, #tpu.memory_space<semaphore_mem>>) src(%dma_wait3A_275 : memref<6272xf32, #tpu.memory_space<vmem_shared>>) dst(%dma_wait3A : memref<6272xf32, #tpu.memory_space<hbm>>)
        tpu.yield
      }) : () -> ()
      "tpu.region"() ({
        %run_scoped3A = tpu.sem_alloc : memref<!tpu.dma_semaphore, #tpu.memory_space<semaphore_mem>>
        %dma_start3A = tpu.memref_slice %arg7[%mul3A_2] : memref<100352xf32, #tpu.memory_space<hbm>> -> memref<6272xf32, #tpu.memory_space<hbm>>
        %dma_start3A_274 = tpu.memref_slice %arg10[%mul3A_2] : memref<100352xf32, #tpu.memory_space<vmem_shared>> -> memref<6272xf32, #tpu.memory_space<vmem_shared>>
        tpu.enqueue_dma source(%dma_start3A_274 : memref<6272xf32, #tpu.memory_space<vmem_shared>>) target(%dma_start3A : memref<6272xf32, #tpu.memory_space<hbm>>) target_semaphore(%run_scoped3A : memref<!tpu.dma_semaphore, #tpu.memory_space<semaphore_mem>>)
        %dma_wait3A = tpu.memref_slice %arg7[%mul3A_2] : memref<100352xf32, #tpu.memory_space<hbm>> -> memref<6272xf32, #tpu.memory_space<hbm>>
        %dma_wait3A_275 = tpu.memref_slice %arg10[%mul3A_2] : memref<100352xf32, #tpu.memory_space<vmem_shared>> -> memref<6272xf32, #tpu.memory_space<vmem_shared>>
        tpu.wait_dma2 semaphore(%run_scoped3A : memref<!tpu.dma_semaphore, #tpu.memory_space<semaphore_mem>>) src(%dma_wait3A_275 : memref<6272xf32, #tpu.memory_space<vmem_shared>>) dst(%dma_wait3A : memref<6272xf32, #tpu.memory_space<hbm>>)
        tpu.yield
      }) : () -> ()
    } else {
    }
    %eq3A_269 = arith.constant 1 : i32
    %eq3A_270 = arith.cmpi eq, %arg0, %eq3A_269 : i32
    %convert_element_type3A_271 = arith.extui %eq3A_270 : i1 to i32
    %cond3A_272 = arith.constant 0 : i32
    %cond3A_273 = arith.cmpi ne, %convert_element_type3A_271, %cond3A_272 : i32
    scf.if %cond3A_273 {
      "tpu.region"() ({
        %run_scoped3A = tpu.sem_alloc : memref<!tpu.dma_semaphore, #tpu.memory_space<semaphore_mem>>
        %dma_start3A = tpu.memref_slice %arg6[%mul3A_2] : memref<100352xf32, #tpu.memory_space<hbm>> -> memref<6272xf32, #tpu.memory_space<hbm>>
        %dma_start3A_274 = tpu.memref_slice %arg9[%mul3A_2] : memref<100352xf32, #tpu.memory_space<vmem_shared>> -> memref<6272xf32, #tpu.memory_space<vmem_shared>>
        tpu.enqueue_dma source(%dma_start3A_274 : memref<6272xf32, #tpu.memory_space<vmem_shared>>) target(%dma_start3A : memref<6272xf32, #tpu.memory_space<hbm>>) target_semaphore(%run_scoped3A : memref<!tpu.dma_semaphore, #tpu.memory_space<semaphore_mem>>)
        %dma_wait3A = tpu.memref_slice %arg6[%mul3A_2] : memref<100352xf32, #tpu.memory_space<hbm>> -> memref<6272xf32, #tpu.memory_space<hbm>>
        %dma_wait3A_275 = tpu.memref_slice %arg9[%mul3A_2] : memref<100352xf32, #tpu.memory_space<vmem_shared>> -> memref<6272xf32, #tpu.memory_space<vmem_shared>>
        tpu.wait_dma2 semaphore(%run_scoped3A : memref<!tpu.dma_semaphore, #tpu.memory_space<semaphore_mem>>) src(%dma_wait3A_275 : memref<6272xf32, #tpu.memory_space<vmem_shared>>) dst(%dma_wait3A : memref<6272xf32, #tpu.memory_space<hbm>>)
        tpu.yield
      }) : () -> ()
      "tpu.region"() ({
        %run_scoped3A = tpu.sem_alloc : memref<!tpu.dma_semaphore, #tpu.memory_space<semaphore_mem>>
        %dma_start3A = tpu.memref_slice %arg8[%mul3A_2] : memref<100352xf32, #tpu.memory_space<hbm>> -> memref<6272xf32, #tpu.memory_space<hbm>>
        %dma_start3A_274 = tpu.memref_slice %arg10[%mul3A_2] : memref<100352xf32, #tpu.memory_space<vmem_shared>> -> memref<6272xf32, #tpu.memory_space<vmem_shared>>
        tpu.enqueue_dma source(%dma_start3A_274 : memref<6272xf32, #tpu.memory_space<vmem_shared>>) target(%dma_start3A : memref<6272xf32, #tpu.memory_space<hbm>>) target_semaphore(%run_scoped3A : memref<!tpu.dma_semaphore, #tpu.memory_space<semaphore_mem>>)
        %dma_wait3A = tpu.memref_slice %arg8[%mul3A_2] : memref<100352xf32, #tpu.memory_space<hbm>> -> memref<6272xf32, #tpu.memory_space<hbm>>
        %dma_wait3A_275 = tpu.memref_slice %arg10[%mul3A_2] : memref<100352xf32, #tpu.memory_space<vmem_shared>> -> memref<6272xf32, #tpu.memory_space<vmem_shared>>
        tpu.wait_dma2 semaphore(%run_scoped3A : memref<!tpu.dma_semaphore, #tpu.memory_space<semaphore_mem>>) src(%dma_wait3A_275 : memref<6272xf32, #tpu.memory_space<vmem_shared>>) dst(%dma_wait3A : memref<6272xf32, #tpu.memory_space<hbm>>)
        tpu.yield
      }) : () -> ()
    } else {
    }
    return
  }
}

#map = affine_map<(d0, d1) -> (0)>
#map1 = affine_map<(d0, d1) -> (0, 0)>
#map2 = affine_map<(d0, d1) -> (0, 0, 0)>
module attributes {stable_mosaic.version = 14 : i64} {
  func.func @body(%arg0: i32, %arg1: i32, %arg2: memref<3211264xi32, #tpu.memory_space<hbm>>, %arg3: memref<3211264xi32, #tpu.memory_space<hbm>>, %arg4: memref<3211264xf32, #tpu.memory_space<hbm>>, %arg5: memref<100352x16xf32, #tpu.memory_space<hbm>>, %arg6: memref<100352x16xf32, #tpu.memory_space<hbm>>, %arg7: memref<4x16xf32, #tpu.memory_space<hbm>>, %arg8: memref<6272x16xf32, #tpu.memory_space<hbm>>, %arg9: memref<2x100352x16xf32, #tpu.memory_space<hbm>>, %arg10: memref<100352x16xf32, #tpu.memory_space<vmem_shared>>, %arg11: memref<256xi32, #tpu.memory_space<vmem>>, %arg12: memref<256xi32, #tpu.memory_space<vmem>>, %arg13: memref<256xf32, #tpu.memory_space<vmem>>, %arg14: memref<256x16xf32, #tpu.memory_space<vmem>>, %arg15: memref<256x16xf32, #tpu.memory_space<vmem>>, %arg16: memref<!tpu.dma_semaphore, #tpu.memory_space<semaphore_mem>>, %arg17: memref<256xi32, #tpu.memory_space<vmem>>, %arg18: memref<256xi32, #tpu.memory_space<vmem>>, %arg19: memref<256xf32, #tpu.memory_space<vmem>>, %arg20: memref<256x16xf32, #tpu.memory_space<vmem>>, %arg21: memref<256x16xf32, #tpu.memory_space<vmem>>, %arg22: memref<!tpu.dma_semaphore, #tpu.memory_space<semaphore_mem>>, %arg23: memref<4x16xf32, #tpu.memory_space<vmem>>) attributes {dimension_semantics = [#tpu.dimension_semantics<core_parallel>, #tpu.dimension_semantics<subcore_parallel>], iteration_bounds = array<i64: 2, 16>, scalar_prefetch = 0 : i64, scratch_operands = 14 : i64, tpu.core_type = #tpu.core_type<sc_vector_subcore>, window_params = [{transform_indices = #map}, {transform_indices = #map}, {transform_indices = #map}, {transform_indices = #map1}, {transform_indices = #map1}, {transform_indices = #map1}, {transform_indices = #map1}, {transform_indices = #map2}]} {
    %mul3A = arith.constant 16 : i32
    %mul3A_0 = arith.muli %arg0, %mul3A : i32
    %add3A = arith.addi %mul3A_0, %arg1 : i32
    %mul3A_1 = arith.constant 6272 : i32
    %mul3A_2 = arith.muli %arg1, %mul3A_1 : i32
    "tpu.region"() ({
      %run_scoped3A = tpu.sem_alloc : memref<!tpu.dma_semaphore, #tpu.memory_space<semaphore_mem>>
      %dma_start3A_140 = arith.constant 0 : i32
      %dma_start3A_141 = tpu.memref_slice %arg10[%mul3A_2, %dma_start3A_140] : memref<100352x16xf32, #tpu.memory_space<vmem_shared>> -> memref<6272x16xf32, #tpu.memory_space<vmem_shared>>
      tpu.enqueue_dma source(%arg8 : memref<6272x16xf32, #tpu.memory_space<hbm>>) target(%dma_start3A_141 : memref<6272x16xf32, #tpu.memory_space<vmem_shared>>) target_semaphore(%run_scoped3A : memref<!tpu.dma_semaphore, #tpu.memory_space<semaphore_mem>>)
      %dma_wait3A = arith.constant 0 : i32
      %dma_wait3A_142 = tpu.memref_slice %arg10[%mul3A_2, %dma_wait3A] : memref<100352x16xf32, #tpu.memory_space<vmem_shared>> -> memref<6272x16xf32, #tpu.memory_space<vmem_shared>>
      tpu.wait_dma2 semaphore(%run_scoped3A : memref<!tpu.dma_semaphore, #tpu.memory_space<semaphore_mem>>) src(%arg8 : memref<6272x16xf32, #tpu.memory_space<hbm>>) dst(%dma_wait3A_142 : memref<6272x16xf32, #tpu.memory_space<vmem_shared>>)
      tpu.yield
    }) : () -> ()
    "tpu.region"() ({
      %run_scoped3A = tpu.sem_alloc : memref<!tpu.dma_semaphore, #tpu.memory_space<semaphore_mem>>
      tpu.enqueue_dma source(%arg7 : memref<4x16xf32, #tpu.memory_space<hbm>>) target(%arg23 : memref<4x16xf32, #tpu.memory_space<vmem>>) target_semaphore(%run_scoped3A : memref<!tpu.dma_semaphore, #tpu.memory_space<semaphore_mem>>)
      tpu.wait_dma2 semaphore(%run_scoped3A : memref<!tpu.dma_semaphore, #tpu.memory_space<semaphore_mem>>) src(%arg7 : memref<4x16xf32, #tpu.memory_space<hbm>>) dst(%arg23 : memref<4x16xf32, #tpu.memory_space<vmem>>)
      tpu.yield
    }) : () -> ()
    %barrier3A = arith.constant 0 : index
    tpu.barrier barrier_id(%barrier3A)
    %get3A = arith.constant 0 : i32
    %get3A_3 = arith.index_cast %get3A : i32 to index
    %get3A_4 = arith.constant 0 : index
    %get3A_5 = tpu.vector_load %arg23[%get3A_3, %get3A_4] {strides = array<i32>} : memref<4x16xf32, #tpu.memory_space<vmem>>, vector<16xf32>,
    %get3A_6 = arith.constant 1 : i32
    %get3A_7 = arith.index_cast %get3A_6 : i32 to index
    %get3A_8 = arith.constant 0 : index
    %get3A_9 = tpu.vector_load %arg23[%get3A_7, %get3A_8] {strides = array<i32>} : memref<4x16xf32, #tpu.memory_space<vmem>>, vector<16xf32>,
    %get3A_10 = arith.constant 2 : i32
    %get3A_11 = arith.index_cast %get3A_10 : i32 to index
    %get3A_12 = arith.constant 0 : index
    %get3A_13 = tpu.vector_load %arg23[%get3A_11, %get3A_12] {strides = array<i32>} : memref<4x16xf32, #tpu.memory_space<vmem>>, vector<16xf32>,
    %broadcast_in_dim3A = arith.constant 0.000000e+00 : f32
    %broadcast_in_dim3A_14 = vector.broadcast %broadcast_in_dim3A : f32 to vector<16xf32>
    %mul3A_15 = arith.constant 100352 : i32
    %mul3A_16 = arith.muli %add3A, %mul3A_15 : i32
    %add3A_17 = arith.constant 0 : i32
    %add3A_18 = arith.addi %mul3A_16, %add3A_17 : i32
    "tpu.region"() ({
      %run_scoped3A = tpu.sem_alloc : memref<!tpu.dma_semaphore, #tpu.memory_space<semaphore_mem>>
      %dma_start3A_140 = tpu.memref_slice %arg2[%add3A_18] : memref<3211264xi32, #tpu.memory_space<hbm>> -> memref<256xi32, #tpu.memory_space<hbm>>
      %dma_start3A_141 = tpu.memref_slice %arg2[%add3A_18] : memref<3211264xi32, #tpu.memory_space<hbm>> -> memref<256xi32, #tpu.memory_space<hbm>>
      tpu.enqueue_dma source(%dma_start3A_141 : memref<256xi32, #tpu.memory_space<hbm>>) target(%arg11 : memref<256xi32, #tpu.memory_space<vmem>>) target_semaphore(%run_scoped3A : memref<!tpu.dma_semaphore, #tpu.memory_space<semaphore_mem>>)
      %dma_wait3A = tpu.memref_slice %arg2[%add3A_18] : memref<3211264xi32, #tpu.memory_space<hbm>> -> memref<256xi32, #tpu.memory_space<hbm>>
      %dma_wait3A_142 = tpu.memref_slice %arg2[%add3A_18] : memref<3211264xi32, #tpu.memory_space<hbm>> -> memref<256xi32, #tpu.memory_space<hbm>>
      tpu.wait_dma2 semaphore(%run_scoped3A : memref<!tpu.dma_semaphore, #tpu.memory_space<semaphore_mem>>) src(%dma_wait3A_142 : memref<256xi32, #tpu.memory_space<hbm>>) dst(%arg11 : memref<256xi32, #tpu.memory_space<vmem>>)
      tpu.yield
    }) : () -> ()
    "tpu.region"() ({
      %run_scoped3A = tpu.sem_alloc : memref<!tpu.dma_semaphore, #tpu.memory_space<semaphore_mem>>
      %dma_start3A_140 = tpu.memref_slice %arg3[%add3A_18] : memref<3211264xi32, #tpu.memory_space<hbm>> -> memref<256xi32, #tpu.memory_space<hbm>>
      %dma_start3A_141 = tpu.memref_slice %arg3[%add3A_18] : memref<3211264xi32, #tpu.memory_space<hbm>> -> memref<256xi32, #tpu.memory_space<hbm>>
      tpu.enqueue_dma source(%dma_start3A_141 : memref<256xi32, #tpu.memory_space<hbm>>) target(%arg12 : memref<256xi32, #tpu.memory_space<vmem>>) target_semaphore(%run_scoped3A : memref<!tpu.dma_semaphore, #tpu.memory_space<semaphore_mem>>)
      %dma_wait3A = tpu.memref_slice %arg3[%add3A_18] : memref<3211264xi32, #tpu.memory_space<hbm>> -> memref<256xi32, #tpu.memory_space<hbm>>
      %dma_wait3A_142 = tpu.memref_slice %arg3[%add3A_18] : memref<3211264xi32, #tpu.memory_space<hbm>> -> memref<256xi32, #tpu.memory_space<hbm>>
      tpu.wait_dma2 semaphore(%run_scoped3A : memref<!tpu.dma_semaphore, #tpu.memory_space<semaphore_mem>>) src(%dma_wait3A_142 : memref<256xi32, #tpu.memory_space<hbm>>) dst(%arg12 : memref<256xi32, #tpu.memory_space<vmem>>)
      tpu.yield
    }) : () -> ()
    "tpu.region"() ({
      %run_scoped3A = tpu.sem_alloc : memref<!tpu.dma_semaphore, #tpu.memory_space<semaphore_mem>>
      %dma_start3A_140 = tpu.memref_slice %arg4[%add3A_18] : memref<3211264xf32, #tpu.memory_space<hbm>> -> memref<256xf32, #tpu.memory_space<hbm>>
      %dma_start3A_141 = tpu.memref_slice %arg4[%add3A_18] : memref<3211264xf32, #tpu.memory_space<hbm>> -> memref<256xf32, #tpu.memory_space<hbm>>
      tpu.enqueue_dma source(%dma_start3A_141 : memref<256xf32, #tpu.memory_space<hbm>>) target(%arg13 : memref<256xf32, #tpu.memory_space<vmem>>) target_semaphore(%run_scoped3A : memref<!tpu.dma_semaphore, #tpu.memory_space<semaphore_mem>>)
      %dma_wait3A = tpu.memref_slice %arg4[%add3A_18] : memref<3211264xf32, #tpu.memory_space<hbm>> -> memref<256xf32, #tpu.memory_space<hbm>>
      %dma_wait3A_142 = tpu.memref_slice %arg4[%add3A_18] : memref<3211264xf32, #tpu.memory_space<hbm>> -> memref<256xf32, #tpu.memory_space<hbm>>
      tpu.wait_dma2 semaphore(%run_scoped3A : memref<!tpu.dma_semaphore, #tpu.memory_space<semaphore_mem>>) src(%dma_wait3A_142 : memref<256xf32, #tpu.memory_space<hbm>>) dst(%arg13 : memref<256xf32, #tpu.memory_space<vmem>>)
      tpu.yield
    }) : () -> ()
    %dma_start3A = arith.constant 0 : i32
    %dma_start3A_19 = arith.constant 0 : i32
    %dma_start3A_20 = tpu.memref_slice %arg5[%dma_start3A, %dma_start3A_19] : memref<100352x16xf32, #tpu.memory_space<hbm>> -> memref<100352x16xf32, #tpu.memory_space<hbm>>
    tpu.enqueue_indirect_dma source(%dma_start3A_20 : memref<100352x16xf32, #tpu.memory_space<hbm>>) target(%arg14 : memref<256x16xf32, #tpu.memory_space<vmem>>) offsets(%arg11 : memref<256xi32, #tpu.memory_space<vmem>>) semaphore(%arg16 : memref<!tpu.dma_semaphore, #tpu.memory_space<semaphore_mem>>)
    %dma_start3A_21 = arith.constant 0 : i32
    %dma_start3A_22 = arith.constant 0 : i32
    %dma_start3A_23 = tpu.memref_slice %arg6[%dma_start3A_21, %dma_start3A_22] : memref<100352x16xf32, #tpu.memory_space<hbm>> -> memref<100352x16xf32, #tpu.memory_space<hbm>>
    tpu.enqueue_indirect_dma source(%dma_start3A_23 : memref<100352x16xf32, #tpu.memory_space<hbm>>) target(%arg15 : memref<256x16xf32, #tpu.memory_space<vmem>>) offsets(%arg12 : memref<256xi32, #tpu.memory_space<vmem>>) semaphore(%arg16 : memref<!tpu.dma_semaphore, #tpu.memory_space<semaphore_mem>>)
    %get3A_24 = arith.constant 0 : index
    %get3A_25 = tpu.vector_load %arg13[%get3A_24] {strides = array<i32>} : memref<256xf32, #tpu.memory_space<vmem>>, vector<16xf32>,
    %mul3A_26 = arith.mulf %get3A_25, %get3A_9 : vector<16xf32>
    %add3A_27 = arith.addf %mul3A_26, %get3A_13 : vector<16xf32>
    %max3A = arith.maximumf %add3A_27, %broadcast_in_dim3A_14 : vector<16xf32>
    %swap3A = arith.constant 0 : index
    %swap3A_28 = tpu.vector_load %arg13[%swap3A] {strides = array<i32>} : memref<256xf32, #tpu.memory_space<vmem>>, vector<16xf32>,
    tpu.vector_store %arg13[%swap3A], %max3A {strides = array<i32>} : memref<256xf32, #tpu.memory_space<vmem>>, vector<16xf32>,
    %get3A_29 = arith.constant 16 : index
    %get3A_30 = tpu.vector_load %arg13[%get3A_29] {strides = array<i32>} : memref<256xf32, #tpu.memory_space<vmem>>, vector<16xf32>,
    %mul3A_31 = arith.mulf %get3A_30, %get3A_9 : vector<16xf32>
    %add3A_32 = arith.addf %mul3A_31, %get3A_13 : vector<16xf32>
    %max3A_33 = arith.maximumf %add3A_32, %broadcast_in_dim3A_14 : vector<16xf32>
    %swap3A_34 = arith.constant 16 : index
    %swap3A_35 = tpu.vector_load %arg13[%swap3A_34] {strides = array<i32>} : memref<256xf32, #tpu.memory_space<vmem>>, vector<16xf32>,
    tpu.vector_store %arg13[%swap3A_34], %max3A_33 {strides = array<i32>} : memref<256xf32, #tpu.memory_space<vmem>>, vector<16xf32>,
    %get3A_36 = arith.constant 32 : index
    %get3A_37 = tpu.vector_load %arg13[%get3A_36] {strides = array<i32>} : memref<256xf32, #tpu.memory_space<vmem>>, vector<16xf32>,
    %mul3A_38 = arith.mulf %get3A_37, %get3A_9 : vector<16xf32>
    %add3A_39 = arith.addf %mul3A_38, %get3A_13 : vector<16xf32>
    %max3A_40 = arith.maximumf %add3A_39, %broadcast_in_dim3A_14 : vector<16xf32>
    %swap3A_41 = arith.constant 32 : index
    %swap3A_42 = tpu.vector_load %arg13[%swap3A_41] {strides = array<i32>} : memref<256xf32, #tpu.memory_space<vmem>>, vector<16xf32>,
    tpu.vector_store %arg13[%swap3A_41], %max3A_40 {strides = array<i32>} : memref<256xf32, #tpu.memory_space<vmem>>, vector<16xf32>,
    %get3A_43 = arith.constant 48 : index
    %get3A_44 = tpu.vector_load %arg13[%get3A_43] {strides = array<i32>} : memref<256xf32, #tpu.memory_space<vmem>>, vector<16xf32>,
    %mul3A_45 = arith.mulf %get3A_44, %get3A_9 : vector<16xf32>
    %add3A_46 = arith.addf %mul3A_45, %get3A_13 : vector<16xf32>
    %max3A_47 = arith.maximumf %add3A_46, %broadcast_in_dim3A_14 : vector<16xf32>
    %swap3A_48 = arith.constant 48 : index
    %swap3A_49 = tpu.vector_load %arg13[%swap3A_48] {strides = array<i32>} : memref<256xf32, #tpu.memory_space<vmem>>, vector<16xf32>,
    tpu.vector_store %arg13[%swap3A_48], %max3A_47 {strides = array<i32>} : memref<256xf32, #tpu.memory_space<vmem>>, vector<16xf32>,
    %get3A_50 = arith.constant 64 : index
    %get3A_51 = tpu.vector_load %arg13[%get3A_50] {strides = array<i32>} : memref<256xf32, #tpu.memory_space<vmem>>, vector<16xf32>,
    %mul3A_52 = arith.mulf %get3A_51, %get3A_9 : vector<16xf32>
    %add3A_53 = arith.addf %mul3A_52, %get3A_13 : vector<16xf32>
    %max3A_54 = arith.maximumf %add3A_53, %broadcast_in_dim3A_14 : vector<16xf32>
    %swap3A_55 = arith.constant 64 : index
    %swap3A_56 = tpu.vector_load %arg13[%swap3A_55] {strides = array<i32>} : memref<256xf32, #tpu.memory_space<vmem>>, vector<16xf32>,
    tpu.vector_store %arg13[%swap3A_55], %max3A_54 {strides = array<i32>} : memref<256xf32, #tpu.memory_space<vmem>>, vector<16xf32>,
    %get3A_57 = arith.constant 80 : index
    %get3A_58 = tpu.vector_load %arg13[%get3A_57] {strides = array<i32>} : memref<256xf32, #tpu.memory_space<vmem>>, vector<16xf32>,
    %mul3A_59 = arith.mulf %get3A_58, %get3A_9 : vector<16xf32>
    %add3A_60 = arith.addf %mul3A_59, %get3A_13 : vector<16xf32>
    %max3A_61 = arith.maximumf %add3A_60, %broadcast_in_dim3A_14 : vector<16xf32>
    %swap3A_62 = arith.constant 80 : index
    %swap3A_63 = tpu.vector_load %arg13[%swap3A_62] {strides = array<i32>} : memref<256xf32, #tpu.memory_space<vmem>>, vector<16xf32>,
    tpu.vector_store %arg13[%swap3A_62], %max3A_61 {strides = array<i32>} : memref<256xf32, #tpu.memory_space<vmem>>, vector<16xf32>,
    %get3A_64 = arith.constant 96 : index
    %get3A_65 = tpu.vector_load %arg13[%get3A_64] {strides = array<i32>} : memref<256xf32, #tpu.memory_space<vmem>>, vector<16xf32>,
    %mul3A_66 = arith.mulf %get3A_65, %get3A_9 : vector<16xf32>
    %add3A_67 = arith.addf %mul3A_66, %get3A_13 : vector<16xf32>
    %max3A_68 = arith.maximumf %add3A_67, %broadcast_in_dim3A_14 : vector<16xf32>
    %swap3A_69 = arith.constant 96 : index
    %swap3A_70 = tpu.vector_load %arg13[%swap3A_69] {strides = array<i32>} : memref<256xf32, #tpu.memory_space<vmem>>, vector<16xf32>,
    tpu.vector_store %arg13[%swap3A_69], %max3A_68 {strides = array<i32>} : memref<256xf32, #tpu.memory_space<vmem>>, vector<16xf32>,
    %get3A_71 = arith.constant 112 : index
    %get3A_72 = tpu.vector_load %arg13[%get3A_71] {strides = array<i32>} : memref<256xf32, #tpu.memory_space<vmem>>, vector<16xf32>,
    %mul3A_73 = arith.mulf %get3A_72, %get3A_9 : vector<16xf32>
    %add3A_74 = arith.addf %mul3A_73, %get3A_13 : vector<16xf32>
    %max3A_75 = arith.maximumf %add3A_74, %broadcast_in_dim3A_14 : vector<16xf32>
    %swap3A_76 = arith.constant 112 : index
    %swap3A_77 = tpu.vector_load %arg13[%swap3A_76] {strides = array<i32>} : memref<256xf32, #tpu.memory_space<vmem>>, vector<16xf32>,
    tpu.vector_store %arg13[%swap3A_76], %max3A_75 {strides = array<i32>} : memref<256xf32, #tpu.memory_space<vmem>>, vector<16xf32>,
    %get3A_78 = arith.constant 128 : index
    %get3A_79 = tpu.vector_load %arg13[%get3A_78] {strides = array<i32>} : memref<256xf32, #tpu.memory_space<vmem>>, vector<16xf32>,
    %mul3A_80 = arith.mulf %get3A_79, %get3A_9 : vector<16xf32>
    %add3A_81 = arith.addf %mul3A_80, %get3A_13 : vector<16xf32>
    %max3A_82 = arith.maximumf %add3A_81, %broadcast_in_dim3A_14 : vector<16xf32>
    %swap3A_83 = arith.constant 128 : index
    %swap3A_84 = tpu.vector_load %arg13[%swap3A_83] {strides = array<i32>} : memref<256xf32, #tpu.memory_space<vmem>>, vector<16xf32>,
    tpu.vector_store %arg13[%swap3A_83], %max3A_82 {strides = array<i32>} : memref<256xf32, #tpu.memory_space<vmem>>, vector<16xf32>,
    %get3A_85 = arith.constant 144 : index
    %get3A_86 = tpu.vector_load %arg13[%get3A_85] {strides = array<i32>} : memref<256xf32, #tpu.memory_space<vmem>>, vector<16xf32>,
    %mul3A_87 = arith.mulf %get3A_86, %get3A_9 : vector<16xf32>
    %add3A_88 = arith.addf %mul3A_87, %get3A_13 : vector<16xf32>
    %max3A_89 = arith.maximumf %add3A_88, %broadcast_in_dim3A_14 : vector<16xf32>
    %swap3A_90 = arith.constant 144 : index
    %swap3A_91 = tpu.vector_load %arg13[%swap3A_90] {strides = array<i32>} : memref<256xf32, #tpu.memory_space<vmem>>, vector<16xf32>,
    tpu.vector_store %arg13[%swap3A_90], %max3A_89 {strides = array<i32>} : memref<256xf32, #tpu.memory_space<vmem>>, vector<16xf32>,
    %get3A_92 = arith.constant 160 : index
    %get3A_93 = tpu.vector_load %arg13[%get3A_92] {strides = array<i32>} : memref<256xf32, #tpu.memory_space<vmem>>, vector<16xf32>,
    %mul3A_94 = arith.mulf %get3A_93, %get3A_9 : vector<16xf32>
    %add3A_95 = arith.addf %mul3A_94, %get3A_13 : vector<16xf32>
    %max3A_96 = arith.maximumf %add3A_95, %broadcast_in_dim3A_14 : vector<16xf32>
    %swap3A_97 = arith.constant 160 : index
    %swap3A_98 = tpu.vector_load %arg13[%swap3A_97] {strides = array<i32>} : memref<256xf32, #tpu.memory_space<vmem>>, vector<16xf32>,
    tpu.vector_store %arg13[%swap3A_97], %max3A_96 {strides = array<i32>} : memref<256xf32, #tpu.memory_space<vmem>>, vector<16xf32>,
    %get3A_99 = arith.constant 176 : index
    %get3A_100 = tpu.vector_load %arg13[%get3A_99] {strides = array<i32>} : memref<256xf32, #tpu.memory_space<vmem>>, vector<16xf32>,
    %mul3A_101 = arith.mulf %get3A_100, %get3A_9 : vector<16xf32>
    %add3A_102 = arith.addf %mul3A_101, %get3A_13 : vector<16xf32>
    %max3A_103 = arith.maximumf %add3A_102, %broadcast_in_dim3A_14 : vector<16xf32>
    %swap3A_104 = arith.constant 176 : index
    %swap3A_105 = tpu.vector_load %arg13[%swap3A_104] {strides = array<i32>} : memref<256xf32, #tpu.memory_space<vmem>>, vector<16xf32>,
    tpu.vector_store %arg13[%swap3A_104], %max3A_103 {strides = array<i32>} : memref<256xf32, #tpu.memory_space<vmem>>, vector<16xf32>,
    %get3A_106 = arith.constant 192 : index
    %get3A_107 = tpu.vector_load %arg13[%get3A_106] {strides = array<i32>} : memref<256xf32, #tpu.memory_space<vmem>>, vector<16xf32>,
    %mul3A_108 = arith.mulf %get3A_107, %get3A_9 : vector<16xf32>
    %add3A_109 = arith.addf %mul3A_108, %get3A_13 : vector<16xf32>
    %max3A_110 = arith.maximumf %add3A_109, %broadcast_in_dim3A_14 : vector<16xf32>
    %swap3A_111 = arith.constant 192 : index
    %swap3A_112 = tpu.vector_load %arg13[%swap3A_111] {strides = array<i32>} : memref<256xf32, #tpu.memory_space<vmem>>, vector<16xf32>,
    tpu.vector_store %arg13[%swap3A_111], %max3A_110 {strides = array<i32>} : memref<256xf32, #tpu.memory_space<vmem>>, vector<16xf32>,
    %get3A_113 = arith.constant 208 : index
    %get3A_114 = tpu.vector_load %arg13[%get3A_113] {strides = array<i32>} : memref<256xf32, #tpu.memory_space<vmem>>, vector<16xf32>,
    %mul3A_115 = arith.mulf %get3A_114, %get3A_9 : vector<16xf32>
    %add3A_116 = arith.addf %mul3A_115, %get3A_13 : vector<16xf32>
    %max3A_117 = arith.maximumf %add3A_116, %broadcast_in_dim3A_14 : vector<16xf32>
    %swap3A_118 = arith.constant 208 : index
    %swap3A_119 = tpu.vector_load %arg13[%swap3A_118] {strides = array<i32>} : memref<256xf32, #tpu.memory_space<vmem>>, vector<16xf32>,
    tpu.vector_store %arg13[%swap3A_118], %max3A_117 {strides = array<i32>} : memref<256xf32, #tpu.memory_space<vmem>>, vector<16xf32>,
    %get3A_120 = arith.constant 224 : index
    %get3A_121 = tpu.vector_load %arg13[%get3A_120] {strides = array<i32>} : memref<256xf32, #tpu.memory_space<vmem>>, vector<16xf32>,
    %mul3A_122 = arith.mulf %get3A_121, %get3A_9 : vector<16xf32>
    %add3A_123 = arith.addf %mul3A_122, %get3A_13 : vector<16xf32>
    %max3A_124 = arith.maximumf %add3A_123, %broadcast_in_dim3A_14 : vector<16xf32>
    %swap3A_125 = arith.constant 224 : index
    %swap3A_126 = tpu.vector_load %arg13[%swap3A_125] {strides = array<i32>} : memref<256xf32, #tpu.memory_space<vmem>>, vector<16xf32>,
    tpu.vector_store %arg13[%swap3A_125], %max3A_124 {strides = array<i32>} : memref<256xf32, #tpu.memory_space<vmem>>, vector<16xf32>,
    %get3A_127 = arith.constant 240 : index
    %get3A_128 = tpu.vector_load %arg13[%get3A_127] {strides = array<i32>} : memref<256xf32, #tpu.memory_space<vmem>>, vector<16xf32>,
    %mul3A_129 = arith.mulf %get3A_128, %get3A_9 : vector<16xf32>
    %add3A_130 = arith.addf %mul3A_129, %get3A_13 : vector<16xf32>
    %max3A_131 = arith.maximumf %add3A_130, %broadcast_in_dim3A_14 : vector<16xf32>
    %swap3A_132 = arith.constant 240 : index
    %swap3A_133 = tpu.vector_load %arg13[%swap3A_132] {strides = array<i32>} : memref<256xf32, #tpu.memory_space<vmem>>, vector<16xf32>,
    tpu.vector_store %arg13[%swap3A_132], %max3A_131 {strides = array<i32>} : memref<256xf32, #tpu.memory_space<vmem>>, vector<16xf32>,
    %scan3A = arith.constant 0 : i32
    %scan3A_134 = arith.constant 0 : i32
    %scan3A_135 = arith.constant 196 : i32
    %scan3A_136 = arith.addi %scan3A_134, %scan3A_135 : i32
    %scan3A_137 = arith.constant 1 : i32
    scf.for %scan3A_140 = %scan3A_134 to %scan3A_136 step %scan3A_137  : i32 {
      %mul3A_141 = arith.constant 2 : i32
      %mul3A_142 = arith.muli %mul3A_141, %scan3A_140 : i32
      %add3A_143 = arith.constant 1 : i32
      %add3A_144 = arith.addi %mul3A_142, %add3A_143 : i32
      %mul3A_145 = arith.constant 256 : i32
      %mul3A_146 = arith.muli %add3A_144, %mul3A_145 : i32
      %add3A_147 = arith.addi %mul3A_16, %mul3A_146 : i32
      "tpu.region"() ({
        %run_scoped3A = tpu.sem_alloc : memref<!tpu.dma_semaphore, #tpu.memory_space<semaphore_mem>>
        %dma_start3A_284 = tpu.memref_slice %arg2[%add3A_147] : memref<3211264xi32, #tpu.memory_space<hbm>> -> memref<256xi32, #tpu.memory_space<hbm>>
        %dma_start3A_285 = tpu.memref_slice %arg2[%add3A_147] : memref<3211264xi32, #tpu.memory_space<hbm>> -> memref<256xi32, #tpu.memory_space<hbm>>
        tpu.enqueue_dma source(%dma_start3A_285 : memref<256xi32, #tpu.memory_space<hbm>>) target(%arg17 : memref<256xi32, #tpu.memory_space<vmem>>) target_semaphore(%run_scoped3A : memref<!tpu.dma_semaphore, #tpu.memory_space<semaphore_mem>>)
        %dma_wait3A_286 = tpu.memref_slice %arg2[%add3A_147] : memref<3211264xi32, #tpu.memory_space<hbm>> -> memref<256xi32, #tpu.memory_space<hbm>>
        %dma_wait3A_287 = tpu.memref_slice %arg2[%add3A_147] : memref<3211264xi32, #tpu.memory_space<hbm>> -> memref<256xi32, #tpu.memory_space<hbm>>
        tpu.wait_dma2 semaphore(%run_scoped3A : memref<!tpu.dma_semaphore, #tpu.memory_space<semaphore_mem>>) src(%dma_wait3A_287 : memref<256xi32, #tpu.memory_space<hbm>>) dst(%arg17 : memref<256xi32, #tpu.memory_space<vmem>>)
        tpu.yield
      }) : () -> ()
      "tpu.region"() ({
        %run_scoped3A = tpu.sem_alloc : memref<!tpu.dma_semaphore, #tpu.memory_space<semaphore_mem>>
        %dma_start3A_284 = tpu.memref_slice %arg3[%add3A_147] : memref<3211264xi32, #tpu.memory_space<hbm>> -> memref<256xi32, #tpu.memory_space<hbm>>
        %dma_start3A_285 = tpu.memref_slice %arg3[%add3A_147] : memref<3211264xi32, #tpu.memory_space<hbm>> -> memref<256xi32, #tpu.memory_space<hbm>>
        tpu.enqueue_dma source(%dma_start3A_285 : memref<256xi32, #tpu.memory_space<hbm>>) target(%arg18 : memref<256xi32, #tpu.memory_space<vmem>>) target_semaphore(%run_scoped3A : memref<!tpu.dma_semaphore, #tpu.memory_space<semaphore_mem>>)
        %dma_wait3A_286 = tpu.memref_slice %arg3[%add3A_147] : memref<3211264xi32, #tpu.memory_space<hbm>> -> memref<256xi32, #tpu.memory_space<hbm>>
        %dma_wait3A_287 = tpu.memref_slice %arg3[%add3A_147] : memref<3211264xi32, #tpu.memory_space<hbm>> -> memref<256xi32, #tpu.memory_space<hbm>>
        tpu.wait_dma2 semaphore(%run_scoped3A : memref<!tpu.dma_semaphore, #tpu.memory_space<semaphore_mem>>) src(%dma_wait3A_287 : memref<256xi32, #tpu.memory_space<hbm>>) dst(%arg18 : memref<256xi32, #tpu.memory_space<vmem>>)
        tpu.yield
      }) : () -> ()
      "tpu.region"() ({
        %run_scoped3A = tpu.sem_alloc : memref<!tpu.dma_semaphore, #tpu.memory_space<semaphore_mem>>
        %dma_start3A_284 = tpu.memref_slice %arg4[%add3A_147] : memref<3211264xf32, #tpu.memory_space<hbm>> -> memref<256xf32, #tpu.memory_space<hbm>>
        %dma_start3A_285 = tpu.memref_slice %arg4[%add3A_147] : memref<3211264xf32, #tpu.memory_space<hbm>> -> memref<256xf32, #tpu.memory_space<hbm>>
        tpu.enqueue_dma source(%dma_start3A_285 : memref<256xf32, #tpu.memory_space<hbm>>) target(%arg19 : memref<256xf32, #tpu.memory_space<vmem>>) target_semaphore(%run_scoped3A : memref<!tpu.dma_semaphore, #tpu.memory_space<semaphore_mem>>)
        %dma_wait3A_286 = tpu.memref_slice %arg4[%add3A_147] : memref<3211264xf32, #tpu.memory_space<hbm>> -> memref<256xf32, #tpu.memory_space<hbm>>
        %dma_wait3A_287 = tpu.memref_slice %arg4[%add3A_147] : memref<3211264xf32, #tpu.memory_space<hbm>> -> memref<256xf32, #tpu.memory_space<hbm>>
        tpu.wait_dma2 semaphore(%run_scoped3A : memref<!tpu.dma_semaphore, #tpu.memory_space<semaphore_mem>>) src(%dma_wait3A_287 : memref<256xf32, #tpu.memory_space<hbm>>) dst(%arg19 : memref<256xf32, #tpu.memory_space<vmem>>)
        tpu.yield
      }) : () -> ()
      %dma_start3A_148 = arith.constant 0 : i32
      %dma_start3A_149 = arith.constant 0 : i32
      %dma_start3A_150 = tpu.memref_slice %arg5[%dma_start3A_148, %dma_start3A_149] : memref<100352x16xf32, #tpu.memory_space<hbm>> -> memref<100352x16xf32, #tpu.memory_space<hbm>>
      tpu.enqueue_indirect_dma source(%dma_start3A_150 : memref<100352x16xf32, #tpu.memory_space<hbm>>) target(%arg20 : memref<256x16xf32, #tpu.memory_space<vmem>>) offsets(%arg17 : memref<256xi32, #tpu.memory_space<vmem>>) semaphore(%arg22 : memref<!tpu.dma_semaphore, #tpu.memory_space<semaphore_mem>>)
      %dma_start3A_151 = arith.constant 0 : i32
      %dma_start3A_152 = arith.constant 0 : i32
      %dma_start3A_153 = tpu.memref_slice %arg6[%dma_start3A_151, %dma_start3A_152] : memref<100352x16xf32, #tpu.memory_space<hbm>> -> memref<100352x16xf32, #tpu.memory_space<hbm>>
      tpu.enqueue_indirect_dma source(%dma_start3A_153 : memref<100352x16xf32, #tpu.memory_space<hbm>>) target(%arg21 : memref<256x16xf32, #tpu.memory_space<vmem>>) offsets(%arg18 : memref<256xi32, #tpu.memory_space<vmem>>) semaphore(%arg22 : memref<!tpu.dma_semaphore, #tpu.memory_space<semaphore_mem>>)
      %get3A_154 = arith.constant 0 : index
      %get3A_155 = tpu.vector_load %arg19[%get3A_154] {strides = array<i32>} : memref<256xf32, #tpu.memory_space<vmem>>, vector<16xf32>,
      %mul3A_156 = arith.mulf %get3A_155, %get3A_9 : vector<16xf32>
      %add3A_157 = arith.addf %mul3A_156, %get3A_13 : vector<16xf32>
      %max3A_158 = arith.maximumf %add3A_157, %broadcast_in_dim3A_14 : vector<16xf32>
      %swap3A_159 = arith.constant 0 : index
      %swap3A_160 = tpu.vector_load %arg19[%swap3A_159] {strides = array<i32>} : memref<256xf32, #tpu.memory_space<vmem>>, vector<16xf32>,
      tpu.vector_store %arg19[%swap3A_159], %max3A_158 {strides = array<i32>} : memref<256xf32, #tpu.memory_space<vmem>>, vector<16xf32>,
      %get3A_161 = arith.constant 16 : index
      %get3A_162 = tpu.vector_load %arg19[%get3A_161] {strides = array<i32>} : memref<256xf32, #tpu.memory_space<vmem>>, vector<16xf32>,
      %mul3A_163 = arith.mulf %get3A_162, %get3A_9 : vector<16xf32>
      %add3A_164 = arith.addf %mul3A_163, %get3A_13 : vector<16xf32>
      %max3A_165 = arith.maximumf %add3A_164, %broadcast_in_dim3A_14 : vector<16xf32>
      %swap3A_166 = arith.constant 16 : index
      %swap3A_167 = tpu.vector_load %arg19[%swap3A_166] {strides = array<i32>} : memref<256xf32, #tpu.memory_space<vmem>>, vector<16xf32>,
      tpu.vector_store %arg19[%swap3A_166], %max3A_165 {strides = array<i32>} : memref<256xf32, #tpu.memory_space<vmem>>, vector<16xf32>,
      %get3A_168 = arith.constant 32 : index
      %get3A_169 = tpu.vector_load %arg19[%get3A_168] {strides = array<i32>} : memref<256xf32, #tpu.memory_space<vmem>>, vector<16xf32>,
      %mul3A_170 = arith.mulf %get3A_169, %get3A_9 : vector<16xf32>
      %add3A_171 = arith.addf %mul3A_170, %get3A_13 : vector<16xf32>
      %max3A_172 = arith.maximumf %add3A_171, %broadcast_in_dim3A_14 : vector<16xf32>
      %swap3A_173 = arith.constant 32 : index
      %swap3A_174 = tpu.vector_load %arg19[%swap3A_173] {strides = array<i32>} : memref<256xf32, #tpu.memory_space<vmem>>, vector<16xf32>,
      tpu.vector_store %arg19[%swap3A_173], %max3A_172 {strides = array<i32>} : memref<256xf32, #tpu.memory_space<vmem>>, vector<16xf32>,
      %get3A_175 = arith.constant 48 : index
      %get3A_176 = tpu.vector_load %arg19[%get3A_175] {strides = array<i32>} : memref<256xf32, #tpu.memory_space<vmem>>, vector<16xf32>,
      %mul3A_177 = arith.mulf %get3A_176, %get3A_9 : vector<16xf32>
      %add3A_178 = arith.addf %mul3A_177, %get3A_13 : vector<16xf32>
      %max3A_179 = arith.maximumf %add3A_178, %broadcast_in_dim3A_14 : vector<16xf32>
      %swap3A_180 = arith.constant 48 : index
      %swap3A_181 = tpu.vector_load %arg19[%swap3A_180] {strides = array<i32>} : memref<256xf32, #tpu.memory_space<vmem>>, vector<16xf32>,
      tpu.vector_store %arg19[%swap3A_180], %max3A_179 {strides = array<i32>} : memref<256xf32, #tpu.memory_space<vmem>>, vector<16xf32>,
      %get3A_182 = arith.constant 64 : index
      %get3A_183 = tpu.vector_load %arg19[%get3A_182] {strides = array<i32>} : memref<256xf32, #tpu.memory_space<vmem>>, vector<16xf32>,
      %mul3A_184 = arith.mulf %get3A_183, %get3A_9 : vector<16xf32>
      %add3A_185 = arith.addf %mul3A_184, %get3A_13 : vector<16xf32>
      %max3A_186 = arith.maximumf %add3A_185, %broadcast_in_dim3A_14 : vector<16xf32>
      %swap3A_187 = arith.constant 64 : index
      %swap3A_188 = tpu.vector_load %arg19[%swap3A_187] {strides = array<i32>} : memref<256xf32, #tpu.memory_space<vmem>>, vector<16xf32>,
      tpu.vector_store %arg19[%swap3A_187], %max3A_186 {strides = array<i32>} : memref<256xf32, #tpu.memory_space<vmem>>, vector<16xf32>,
      %get3A_189 = arith.constant 80 : index
      %get3A_190 = tpu.vector_load %arg19[%get3A_189] {strides = array<i32>} : memref<256xf32, #tpu.memory_space<vmem>>, vector<16xf32>,
      %mul3A_191 = arith.mulf %get3A_190, %get3A_9 : vector<16xf32>
      %add3A_192 = arith.addf %mul3A_191, %get3A_13 : vector<16xf32>
      %max3A_193 = arith.maximumf %add3A_192, %broadcast_in_dim3A_14 : vector<16xf32>
      %swap3A_194 = arith.constant 80 : index
      %swap3A_195 = tpu.vector_load %arg19[%swap3A_194] {strides = array<i32>} : memref<256xf32, #tpu.memory_space<vmem>>, vector<16xf32>,
      tpu.vector_store %arg19[%swap3A_194], %max3A_193 {strides = array<i32>} : memref<256xf32, #tpu.memory_space<vmem>>, vector<16xf32>,
      %get3A_196 = arith.constant 96 : index
      %get3A_197 = tpu.vector_load %arg19[%get3A_196] {strides = array<i32>} : memref<256xf32, #tpu.memory_space<vmem>>, vector<16xf32>,
      %mul3A_198 = arith.mulf %get3A_197, %get3A_9 : vector<16xf32>
      %add3A_199 = arith.addf %mul3A_198, %get3A_13 : vector<16xf32>
      %max3A_200 = arith.maximumf %add3A_199, %broadcast_in_dim3A_14 : vector<16xf32>
      %swap3A_201 = arith.constant 96 : index
      %swap3A_202 = tpu.vector_load %arg19[%swap3A_201] {strides = array<i32>} : memref<256xf32, #tpu.memory_space<vmem>>, vector<16xf32>,
      tpu.vector_store %arg19[%swap3A_201], %max3A_200 {strides = array<i32>} : memref<256xf32, #tpu.memory_space<vmem>>, vector<16xf32>,
      %get3A_203 = arith.constant 112 : index
      %get3A_204 = tpu.vector_load %arg19[%get3A_203] {strides = array<i32>} : memref<256xf32, #tpu.memory_space<vmem>>, vector<16xf32>,
      %mul3A_205 = arith.mulf %get3A_204, %get3A_9 : vector<16xf32>
      %add3A_206 = arith.addf %mul3A_205, %get3A_13 : vector<16xf32>
      %max3A_207 = arith.maximumf %add3A_206, %broadcast_in_dim3A_14 : vector<16xf32>
      %swap3A_208 = arith.constant 112 : index
      %swap3A_209 = tpu.vector_load %arg19[%swap3A_208] {strides = array<i32>} : memref<256xf32, #tpu.memory_space<vmem>>, vector<16xf32>,
      tpu.vector_store %arg19[%swap3A_208], %max3A_207 {strides = array<i32>} : memref<256xf32, #tpu.memory_space<vmem>>, vector<16xf32>,
      %get3A_210 = arith.constant 128 : index
      %get3A_211 = tpu.vector_load %arg19[%get3A_210] {strides = array<i32>} : memref<256xf32, #tpu.memory_space<vmem>>, vector<16xf32>,
      %mul3A_212 = arith.mulf %get3A_211, %get3A_9 : vector<16xf32>
      %add3A_213 = arith.addf %mul3A_212, %get3A_13 : vector<16xf32>
      %max3A_214 = arith.maximumf %add3A_213, %broadcast_in_dim3A_14 : vector<16xf32>
      %swap3A_215 = arith.constant 128 : index
      %swap3A_216 = tpu.vector_load %arg19[%swap3A_215] {strides = array<i32>} : memref<256xf32, #tpu.memory_space<vmem>>, vector<16xf32>,
      tpu.vector_store %arg19[%swap3A_215], %max3A_214 {strides = array<i32>} : memref<256xf32, #tpu.memory_space<vmem>>, vector<16xf32>,
      %get3A_217 = arith.constant 144 : index
      %get3A_218 = tpu.vector_load %arg19[%get3A_217] {strides = array<i32>} : memref<256xf32, #tpu.memory_space<vmem>>, vector<16xf32>,
      %mul3A_219 = arith.mulf %get3A_218, %get3A_9 : vector<16xf32>
      %add3A_220 = arith.addf %mul3A_219, %get3A_13 : vector<16xf32>
      %max3A_221 = arith.maximumf %add3A_220, %broadcast_in_dim3A_14 : vector<16xf32>
      %swap3A_222 = arith.constant 144 : index
      %swap3A_223 = tpu.vector_load %arg19[%swap3A_222] {strides = array<i32>} : memref<256xf32, #tpu.memory_space<vmem>>, vector<16xf32>,
      tpu.vector_store %arg19[%swap3A_222], %max3A_221 {strides = array<i32>} : memref<256xf32, #tpu.memory_space<vmem>>, vector<16xf32>,
      %get3A_224 = arith.constant 160 : index
      %get3A_225 = tpu.vector_load %arg19[%get3A_224] {strides = array<i32>} : memref<256xf32, #tpu.memory_space<vmem>>, vector<16xf32>,
      %mul3A_226 = arith.mulf %get3A_225, %get3A_9 : vector<16xf32>
      %add3A_227 = arith.addf %mul3A_226, %get3A_13 : vector<16xf32>
      %max3A_228 = arith.maximumf %add3A_227, %broadcast_in_dim3A_14 : vector<16xf32>
      %swap3A_229 = arith.constant 160 : index
      %swap3A_230 = tpu.vector_load %arg19[%swap3A_229] {strides = array<i32>} : memref<256xf32, #tpu.memory_space<vmem>>, vector<16xf32>,
      tpu.vector_store %arg19[%swap3A_229], %max3A_228 {strides = array<i32>} : memref<256xf32, #tpu.memory_space<vmem>>, vector<16xf32>,
      %get3A_231 = arith.constant 176 : index
      %get3A_232 = tpu.vector_load %arg19[%get3A_231] {strides = array<i32>} : memref<256xf32, #tpu.memory_space<vmem>>, vector<16xf32>,
      %mul3A_233 = arith.mulf %get3A_232, %get3A_9 : vector<16xf32>
      %add3A_234 = arith.addf %mul3A_233, %get3A_13 : vector<16xf32>
      %max3A_235 = arith.maximumf %add3A_234, %broadcast_in_dim3A_14 : vector<16xf32>
      %swap3A_236 = arith.constant 176 : index
      %swap3A_237 = tpu.vector_load %arg19[%swap3A_236] {strides = array<i32>} : memref<256xf32, #tpu.memory_space<vmem>>, vector<16xf32>,
      tpu.vector_store %arg19[%swap3A_236], %max3A_235 {strides = array<i32>} : memref<256xf32, #tpu.memory_space<vmem>>, vector<16xf32>,
      %get3A_238 = arith.constant 192 : index
      %get3A_239 = tpu.vector_load %arg19[%get3A_238] {strides = array<i32>} : memref<256xf32, #tpu.memory_space<vmem>>, vector<16xf32>,
      %mul3A_240 = arith.mulf %get3A_239, %get3A_9 : vector<16xf32>
      %add3A_241 = arith.addf %mul3A_240, %get3A_13 : vector<16xf32>
      %max3A_242 = arith.maximumf %add3A_241, %broadcast_in_dim3A_14 : vector<16xf32>
      %swap3A_243 = arith.constant 192 : index
      %swap3A_244 = tpu.vector_load %arg19[%swap3A_243] {strides = array<i32>} : memref<256xf32, #tpu.memory_space<vmem>>, vector<16xf32>,
      tpu.vector_store %arg19[%swap3A_243], %max3A_242 {strides = array<i32>} : memref<256xf32, #tpu.memory_space<vmem>>, vector<16xf32>,
      %get3A_245 = arith.constant 208 : index
      %get3A_246 = tpu.vector_load %arg19[%get3A_245] {strides = array<i32>} : memref<256xf32, #tpu.memory_space<vmem>>, vector<16xf32>,
      %mul3A_247 = arith.mulf %get3A_246, %get3A_9 : vector<16xf32>
      %add3A_248 = arith.addf %mul3A_247, %get3A_13 : vector<16xf32>
      %max3A_249 = arith.maximumf %add3A_248, %broadcast_in_dim3A_14 : vector<16xf32>
      %swap3A_250 = arith.constant 208 : index
      %swap3A_251 = tpu.vector_load %arg19[%swap3A_250] {strides = array<i32>} : memref<256xf32, #tpu.memory_space<vmem>>, vector<16xf32>,
      tpu.vector_store %arg19[%swap3A_250], %max3A_249 {strides = array<i32>} : memref<256xf32, #tpu.memory_space<vmem>>, vector<16xf32>,
      %get3A_252 = arith.constant 224 : index
      %get3A_253 = tpu.vector_load %arg19[%get3A_252] {strides = array<i32>} : memref<256xf32, #tpu.memory_space<vmem>>, vector<16xf32>,
      %mul3A_254 = arith.mulf %get3A_253, %get3A_9 : vector<16xf32>
      %add3A_255 = arith.addf %mul3A_254, %get3A_13 : vector<16xf32>
      %max3A_256 = arith.maximumf %add3A_255, %broadcast_in_dim3A_14 : vector<16xf32>
      %swap3A_257 = arith.constant 224 : index
      %swap3A_258 = tpu.vector_load %arg19[%swap3A_257] {strides = array<i32>} : memref<256xf32, #tpu.memory_space<vmem>>, vector<16xf32>,
      tpu.vector_store %arg19[%swap3A_257], %max3A_256 {strides = array<i32>} : memref<256xf32, #tpu.memory_space<vmem>>, vector<16xf32>,
      %get3A_259 = arith.constant 240 : index
      %get3A_260 = tpu.vector_load %arg19[%get3A_259] {strides = array<i32>} : memref<256xf32, #tpu.memory_space<vmem>>, vector<16xf32>,
      %mul3A_261 = arith.mulf %get3A_260, %get3A_9 : vector<16xf32>
      %add3A_262 = arith.addf %mul3A_261, %get3A_13 : vector<16xf32>
      %max3A_263 = arith.maximumf %add3A_262, %broadcast_in_dim3A_14 : vector<16xf32>
      %swap3A_264 = arith.constant 240 : index
      %swap3A_265 = tpu.vector_load %arg19[%swap3A_264] {strides = array<i32>} : memref<256xf32, #tpu.memory_space<vmem>>, vector<16xf32>,
      tpu.vector_store %arg19[%swap3A_264], %max3A_263 {strides = array<i32>} : memref<256xf32, #tpu.memory_space<vmem>>, vector<16xf32>,
      %dma_wait3A = arith.constant 0 : i32
      %dma_wait3A_266 = arith.constant 0 : i32
      %dma_wait3A_267 = tpu.memref_slice %arg5[%dma_wait3A, %dma_wait3A_266] : memref<100352x16xf32, #tpu.memory_space<hbm>> -> memref<100352x16xf32, #tpu.memory_space<hbm>>
      tpu.wait_indirect_dma semaphore(%arg16 : memref<!tpu.dma_semaphore, #tpu.memory_space<semaphore_mem>>) src(%dma_wait3A_267 : memref<100352x16xf32, #tpu.memory_space<hbm>>) dst(%arg14 : memref<256x16xf32, #tpu.memory_space<vmem>>)
      %dma_wait3A_268 = arith.constant 0 : i32
      %dma_wait3A_269 = arith.constant 0 : i32
      %dma_wait3A_270 = tpu.memref_slice %arg6[%dma_wait3A_268, %dma_wait3A_269] : memref<100352x16xf32, #tpu.memory_space<hbm>> -> memref<100352x16xf32, #tpu.memory_space<hbm>>
      tpu.wait_indirect_dma semaphore(%arg16 : memref<!tpu.dma_semaphore, #tpu.memory_space<semaphore_mem>>) src(%dma_wait3A_270 : memref<100352x16xf32, #tpu.memory_space<hbm>>) dst(%arg15 : memref<256x16xf32, #tpu.memory_space<vmem>>)
      %parallel_loop3A = arith.constant 0 : i32
      %parallel_loop3A_271 = arith.constant 256 : i32
      %parallel_loop3A_272 = arith.constant 1 : i32
      scf.for %parallel_loop3A_284 = %parallel_loop3A to %parallel_loop3A_271 step %parallel_loop3A_272  : i32 {
        %parallel_loop3A_285 = vector.broadcast %parallel_loop3A_284 : i32 to vector<16xi32>
        %parallel_loop3A_286 = tpu.vector_load_idx %arg13[%parallel_loop3A_285] : memref<256xf32, #tpu.memory_space<vmem>>[vector<16xi32>], vector<16xf32>,
        %parallel_loop3A_287 = arith.index_cast %parallel_loop3A_284 : i32 to index
        %parallel_loop3A_288 = arith.constant 0 : index
        %parallel_loop3A_289 = tpu.vector_load %arg14[%parallel_loop3A_287, %parallel_loop3A_288] {strides = array<i32>} : memref<256x16xf32, #tpu.memory_space<vmem>>, vector<16xf32>,
        %parallel_loop3A_290 = arith.index_cast %parallel_loop3A_284 : i32 to index
        %parallel_loop3A_291 = arith.constant 0 : index
        %parallel_loop3A_292 = tpu.vector_load %arg15[%parallel_loop3A_290, %parallel_loop3A_291] {strides = array<i32>} : memref<256x16xf32, #tpu.memory_space<vmem>>, vector<16xf32>,
        %parallel_loop3A_293 = arith.addf %parallel_loop3A_289, %parallel_loop3A_292 : vector<16xf32>
        %parallel_loop3A_294 = arith.mulf %parallel_loop3A_286, %get3A_5 : vector<16xf32>
        %parallel_loop3A_295 = arith.addf %parallel_loop3A_293, %parallel_loop3A_294 : vector<16xf32>
        %parallel_loop3A_296 = arith.maximumf %parallel_loop3A_295, %broadcast_in_dim3A_14 : vector<16xf32>
        %parallel_loop3A_297 = arith.index_cast %parallel_loop3A_284 : i32 to index
        %parallel_loop3A_298 = arith.constant 0 : index
        %parallel_loop3A_299 = tpu.vector_load %arg14[%parallel_loop3A_297, %parallel_loop3A_298] {strides = array<i32>} : memref<256x16xf32, #tpu.memory_space<vmem>>, vector<16xf32>,
        tpu.vector_store %arg14[%parallel_loop3A_297, %parallel_loop3A_298], %parallel_loop3A_296 {strides = array<i32>} : memref<256x16xf32, #tpu.memory_space<vmem>>, vector<16xf32>,
      } {sc.loop_unroll_factor = 8 : i64, sc.parallel_access}
      "tpu.region"() ({
        %run_scoped3A = tpu.sem_alloc : memref<!tpu.dma_semaphore, #tpu.memory_space<semaphore_mem>>
        %dma_start3A_284 = arith.constant 0 : i32
        %dma_start3A_285 = arith.constant 0 : i32
        %dma_start3A_286 = tpu.memref_slice %arg10[%dma_start3A_284, %dma_start3A_285] : memref<100352x16xf32, #tpu.memory_space<vmem_shared>> -> memref<100352x16xf32, #tpu.memory_space<vmem_shared>>
        tpu.enqueue_indirect_dma source(%arg14 : memref<256x16xf32, #tpu.memory_space<vmem>>) target(%dma_start3A_286 : memref<100352x16xf32, #tpu.memory_space<vmem_shared>>) offsets(%arg12 : memref<256xi32, #tpu.memory_space<vmem>>) semaphore(%run_scoped3A : memref<!tpu.dma_semaphore, #tpu.memory_space<semaphore_mem>>) {add = true}
        %dma_wait3A_287 = arith.constant 0 : i32
        %dma_wait3A_288 = arith.constant 0 : i32
        %dma_wait3A_289 = tpu.memref_slice %arg10[%dma_wait3A_287, %dma_wait3A_288] : memref<100352x16xf32, #tpu.memory_space<vmem_shared>> -> memref<100352x16xf32, #tpu.memory_space<vmem_shared>>
        tpu.wait_indirect_dma semaphore(%run_scoped3A : memref<!tpu.dma_semaphore, #tpu.memory_space<semaphore_mem>>) src(%arg14 : memref<256x16xf32, #tpu.memory_space<vmem>>) dst(%dma_wait3A_289 : memref<100352x16xf32, #tpu.memory_space<vmem_shared>>)
        tpu.yield
      }) : () -> ()
      %lt3A = arith.constant 195 : i32
      %lt3A_273 = arith.cmpi slt, %scan3A_140, %lt3A : i32
      %convert_element_type3A = arith.extui %lt3A_273 : i1 to i32
      %cond3A = arith.constant 0 : i32
      %cond3A_274 = arith.cmpi ne, %convert_element_type3A, %cond3A : i32
      scf.if %cond3A_274 {
        %add3A_284 = arith.constant 2 : i32
        %add3A_285 = arith.addi %mul3A_142, %add3A_284 : i32
        %mul3A_286 = arith.constant 256 : i32
        %mul3A_287 = arith.muli %add3A_285, %mul3A_286 : i32
        %add3A_288 = arith.addi %mul3A_16, %mul3A_287 : i32
        "tpu.region"() ({
          %run_scoped3A = tpu.sem_alloc : memref<!tpu.dma_semaphore, #tpu.memory_space<semaphore_mem>>
          %dma_start3A_407 = tpu.memref_slice %arg2[%add3A_288] : memref<3211264xi32, #tpu.memory_space<hbm>> -> memref<256xi32, #tpu.memory_space<hbm>>
          %dma_start3A_408 = tpu.memref_slice %arg2[%add3A_288] : memref<3211264xi32, #tpu.memory_space<hbm>> -> memref<256xi32, #tpu.memory_space<hbm>>
          tpu.enqueue_dma source(%dma_start3A_408 : memref<256xi32, #tpu.memory_space<hbm>>) target(%arg11 : memref<256xi32, #tpu.memory_space<vmem>>) target_semaphore(%run_scoped3A : memref<!tpu.dma_semaphore, #tpu.memory_space<semaphore_mem>>)
          %dma_wait3A_409 = tpu.memref_slice %arg2[%add3A_288] : memref<3211264xi32, #tpu.memory_space<hbm>> -> memref<256xi32, #tpu.memory_space<hbm>>
          %dma_wait3A_410 = tpu.memref_slice %arg2[%add3A_288] : memref<3211264xi32, #tpu.memory_space<hbm>> -> memref<256xi32, #tpu.memory_space<hbm>>
          tpu.wait_dma2 semaphore(%run_scoped3A : memref<!tpu.dma_semaphore, #tpu.memory_space<semaphore_mem>>) src(%dma_wait3A_410 : memref<256xi32, #tpu.memory_space<hbm>>) dst(%arg11 : memref<256xi32, #tpu.memory_space<vmem>>)
          tpu.yield
        }) : () -> ()
        "tpu.region"() ({
          %run_scoped3A = tpu.sem_alloc : memref<!tpu.dma_semaphore, #tpu.memory_space<semaphore_mem>>
          %dma_start3A_407 = tpu.memref_slice %arg3[%add3A_288] : memref<3211264xi32, #tpu.memory_space<hbm>> -> memref<256xi32, #tpu.memory_space<hbm>>
          %dma_start3A_408 = tpu.memref_slice %arg3[%add3A_288] : memref<3211264xi32, #tpu.memory_space<hbm>> -> memref<256xi32, #tpu.memory_space<hbm>>
          tpu.enqueue_dma source(%dma_start3A_408 : memref<256xi32, #tpu.memory_space<hbm>>) target(%arg12 : memref<256xi32, #tpu.memory_space<vmem>>) target_semaphore(%run_scoped3A : memref<!tpu.dma_semaphore, #tpu.memory_space<semaphore_mem>>)
          %dma_wait3A_409 = tpu.memref_slice %arg3[%add3A_288] : memref<3211264xi32, #tpu.memory_space<hbm>> -> memref<256xi32, #tpu.memory_space<hbm>>
          %dma_wait3A_410 = tpu.memref_slice %arg3[%add3A_288] : memref<3211264xi32, #tpu.memory_space<hbm>> -> memref<256xi32, #tpu.memory_space<hbm>>
          tpu.wait_dma2 semaphore(%run_scoped3A : memref<!tpu.dma_semaphore, #tpu.memory_space<semaphore_mem>>) src(%dma_wait3A_410 : memref<256xi32, #tpu.memory_space<hbm>>) dst(%arg12 : memref<256xi32, #tpu.memory_space<vmem>>)
          tpu.yield
        }) : () -> ()
        "tpu.region"() ({
          %run_scoped3A = tpu.sem_alloc : memref<!tpu.dma_semaphore, #tpu.memory_space<semaphore_mem>>
          %dma_start3A_407 = tpu.memref_slice %arg4[%add3A_288] : memref<3211264xf32, #tpu.memory_space<hbm>> -> memref<256xf32, #tpu.memory_space<hbm>>
          %dma_start3A_408 = tpu.memref_slice %arg4[%add3A_288] : memref<3211264xf32, #tpu.memory_space<hbm>> -> memref<256xf32, #tpu.memory_space<hbm>>
          tpu.enqueue_dma source(%dma_start3A_408 : memref<256xf32, #tpu.memory_space<hbm>>) target(%arg13 : memref<256xf32, #tpu.memory_space<vmem>>) target_semaphore(%run_scoped3A : memref<!tpu.dma_semaphore, #tpu.memory_space<semaphore_mem>>)
          %dma_wait3A_409 = tpu.memref_slice %arg4[%add3A_288] : memref<3211264xf32, #tpu.memory_space<hbm>> -> memref<256xf32, #tpu.memory_space<hbm>>
          %dma_wait3A_410 = tpu.memref_slice %arg4[%add3A_288] : memref<3211264xf32, #tpu.memory_space<hbm>> -> memref<256xf32, #tpu.memory_space<hbm>>
          tpu.wait_dma2 semaphore(%run_scoped3A : memref<!tpu.dma_semaphore, #tpu.memory_space<semaphore_mem>>) src(%dma_wait3A_410 : memref<256xf32, #tpu.memory_space<hbm>>) dst(%arg13 : memref<256xf32, #tpu.memory_space<vmem>>)
          tpu.yield
        }) : () -> ()
        %dma_start3A_289 = arith.constant 0 : i32
        %dma_start3A_290 = arith.constant 0 : i32
        %dma_start3A_291 = tpu.memref_slice %arg5[%dma_start3A_289, %dma_start3A_290] : memref<100352x16xf32, #tpu.memory_space<hbm>> -> memref<100352x16xf32, #tpu.memory_space<hbm>>
        tpu.enqueue_indirect_dma source(%dma_start3A_291 : memref<100352x16xf32, #tpu.memory_space<hbm>>) target(%arg14 : memref<256x16xf32, #tpu.memory_space<vmem>>) offsets(%arg11 : memref<256xi32, #tpu.memory_space<vmem>>) semaphore(%arg16 : memref<!tpu.dma_semaphore, #tpu.memory_space<semaphore_mem>>)
        %dma_start3A_292 = arith.constant 0 : i32
        %dma_start3A_293 = arith.constant 0 : i32
        %dma_start3A_294 = tpu.memref_slice %arg6[%dma_start3A_292, %dma_start3A_293] : memref<100352x16xf32, #tpu.memory_space<hbm>> -> memref<100352x16xf32, #tpu.memory_space<hbm>>
        tpu.enqueue_indirect_dma source(%dma_start3A_294 : memref<100352x16xf32, #tpu.memory_space<hbm>>) target(%arg15 : memref<256x16xf32, #tpu.memory_space<vmem>>) offsets(%arg12 : memref<256xi32, #tpu.memory_space<vmem>>) semaphore(%arg16 : memref<!tpu.dma_semaphore, #tpu.memory_space<semaphore_mem>>)
        %get3A_295 = arith.constant 0 : index
        %get3A_296 = tpu.vector_load %arg13[%get3A_295] {strides = array<i32>} : memref<256xf32, #tpu.memory_space<vmem>>, vector<16xf32>,
        %mul3A_297 = arith.mulf %get3A_296, %get3A_9 : vector<16xf32>
        %add3A_298 = arith.addf %mul3A_297, %get3A_13 : vector<16xf32>
        %max3A_299 = arith.maximumf %add3A_298, %broadcast_in_dim3A_14 : vector<16xf32>
        %swap3A_300 = arith.constant 0 : index
        %swap3A_301 = tpu.vector_load %arg13[%swap3A_300] {strides = array<i32>} : memref<256xf32, #tpu.memory_space<vmem>>, vector<16xf32>,
        tpu.vector_store %arg13[%swap3A_300], %max3A_299 {strides = array<i32>} : memref<256xf32, #tpu.memory_space<vmem>>, vector<16xf32>,
        %get3A_302 = arith.constant 16 : index
        %get3A_303 = tpu.vector_load %arg13[%get3A_302] {strides = array<i32>} : memref<256xf32, #tpu.memory_space<vmem>>, vector<16xf32>,
        %mul3A_304 = arith.mulf %get3A_303, %get3A_9 : vector<16xf32>
        %add3A_305 = arith.addf %mul3A_304, %get3A_13 : vector<16xf32>
        %max3A_306 = arith.maximumf %add3A_305, %broadcast_in_dim3A_14 : vector<16xf32>
        %swap3A_307 = arith.constant 16 : index
        %swap3A_308 = tpu.vector_load %arg13[%swap3A_307] {strides = array<i32>} : memref<256xf32, #tpu.memory_space<vmem>>, vector<16xf32>,
        tpu.vector_store %arg13[%swap3A_307], %max3A_306 {strides = array<i32>} : memref<256xf32, #tpu.memory_space<vmem>>, vector<16xf32>,
        %get3A_309 = arith.constant 32 : index
        %get3A_310 = tpu.vector_load %arg13[%get3A_309] {strides = array<i32>} : memref<256xf32, #tpu.memory_space<vmem>>, vector<16xf32>,
        %mul3A_311 = arith.mulf %get3A_310, %get3A_9 : vector<16xf32>
        %add3A_312 = arith.addf %mul3A_311, %get3A_13 : vector<16xf32>
        %max3A_313 = arith.maximumf %add3A_312, %broadcast_in_dim3A_14 : vector<16xf32>
        %swap3A_314 = arith.constant 32 : index
        %swap3A_315 = tpu.vector_load %arg13[%swap3A_314] {strides = array<i32>} : memref<256xf32, #tpu.memory_space<vmem>>, vector<16xf32>,
        tpu.vector_store %arg13[%swap3A_314], %max3A_313 {strides = array<i32>} : memref<256xf32, #tpu.memory_space<vmem>>, vector<16xf32>,
        %get3A_316 = arith.constant 48 : index
        %get3A_317 = tpu.vector_load %arg13[%get3A_316] {strides = array<i32>} : memref<256xf32, #tpu.memory_space<vmem>>, vector<16xf32>,
        %mul3A_318 = arith.mulf %get3A_317, %get3A_9 : vector<16xf32>
        %add3A_319 = arith.addf %mul3A_318, %get3A_13 : vector<16xf32>
        %max3A_320 = arith.maximumf %add3A_319, %broadcast_in_dim3A_14 : vector<16xf32>
        %swap3A_321 = arith.constant 48 : index
        %swap3A_322 = tpu.vector_load %arg13[%swap3A_321] {strides = array<i32>} : memref<256xf32, #tpu.memory_space<vmem>>, vector<16xf32>,
        tpu.vector_store %arg13[%swap3A_321], %max3A_320 {strides = array<i32>} : memref<256xf32, #tpu.memory_space<vmem>>, vector<16xf32>,
        %get3A_323 = arith.constant 64 : index
        %get3A_324 = tpu.vector_load %arg13[%get3A_323] {strides = array<i32>} : memref<256xf32, #tpu.memory_space<vmem>>, vector<16xf32>,
        %mul3A_325 = arith.mulf %get3A_324, %get3A_9 : vector<16xf32>
        %add3A_326 = arith.addf %mul3A_325, %get3A_13 : vector<16xf32>
        %max3A_327 = arith.maximumf %add3A_326, %broadcast_in_dim3A_14 : vector<16xf32>
        %swap3A_328 = arith.constant 64 : index
        %swap3A_329 = tpu.vector_load %arg13[%swap3A_328] {strides = array<i32>} : memref<256xf32, #tpu.memory_space<vmem>>, vector<16xf32>,
        tpu.vector_store %arg13[%swap3A_328], %max3A_327 {strides = array<i32>} : memref<256xf32, #tpu.memory_space<vmem>>, vector<16xf32>,
        %get3A_330 = arith.constant 80 : index
        %get3A_331 = tpu.vector_load %arg13[%get3A_330] {strides = array<i32>} : memref<256xf32, #tpu.memory_space<vmem>>, vector<16xf32>,
        %mul3A_332 = arith.mulf %get3A_331, %get3A_9 : vector<16xf32>
        %add3A_333 = arith.addf %mul3A_332, %get3A_13 : vector<16xf32>
        %max3A_334 = arith.maximumf %add3A_333, %broadcast_in_dim3A_14 : vector<16xf32>
        %swap3A_335 = arith.constant 80 : index
        %swap3A_336 = tpu.vector_load %arg13[%swap3A_335] {strides = array<i32>} : memref<256xf32, #tpu.memory_space<vmem>>, vector<16xf32>,
        tpu.vector_store %arg13[%swap3A_335], %max3A_334 {strides = array<i32>} : memref<256xf32, #tpu.memory_space<vmem>>, vector<16xf32>,
        %get3A_337 = arith.constant 96 : index
        %get3A_338 = tpu.vector_load %arg13[%get3A_337] {strides = array<i32>} : memref<256xf32, #tpu.memory_space<vmem>>, vector<16xf32>,
        %mul3A_339 = arith.mulf %get3A_338, %get3A_9 : vector<16xf32>
        %add3A_340 = arith.addf %mul3A_339, %get3A_13 : vector<16xf32>
        %max3A_341 = arith.maximumf %add3A_340, %broadcast_in_dim3A_14 : vector<16xf32>
        %swap3A_342 = arith.constant 96 : index
        %swap3A_343 = tpu.vector_load %arg13[%swap3A_342] {strides = array<i32>} : memref<256xf32, #tpu.memory_space<vmem>>, vector<16xf32>,
        tpu.vector_store %arg13[%swap3A_342], %max3A_341 {strides = array<i32>} : memref<256xf32, #tpu.memory_space<vmem>>, vector<16xf32>,
        %get3A_344 = arith.constant 112 : index
        %get3A_345 = tpu.vector_load %arg13[%get3A_344] {strides = array<i32>} : memref<256xf32, #tpu.memory_space<vmem>>, vector<16xf32>,
        %mul3A_346 = arith.mulf %get3A_345, %get3A_9 : vector<16xf32>
        %add3A_347 = arith.addf %mul3A_346, %get3A_13 : vector<16xf32>
        %max3A_348 = arith.maximumf %add3A_347, %broadcast_in_dim3A_14 : vector<16xf32>
        %swap3A_349 = arith.constant 112 : index
        %swap3A_350 = tpu.vector_load %arg13[%swap3A_349] {strides = array<i32>} : memref<256xf32, #tpu.memory_space<vmem>>, vector<16xf32>,
        tpu.vector_store %arg13[%swap3A_349], %max3A_348 {strides = array<i32>} : memref<256xf32, #tpu.memory_space<vmem>>, vector<16xf32>,
        %get3A_351 = arith.constant 128 : index
        %get3A_352 = tpu.vector_load %arg13[%get3A_351] {strides = array<i32>} : memref<256xf32, #tpu.memory_space<vmem>>, vector<16xf32>,
        %mul3A_353 = arith.mulf %get3A_352, %get3A_9 : vector<16xf32>
        %add3A_354 = arith.addf %mul3A_353, %get3A_13 : vector<16xf32>
        %max3A_355 = arith.maximumf %add3A_354, %broadcast_in_dim3A_14 : vector<16xf32>
        %swap3A_356 = arith.constant 128 : index
        %swap3A_357 = tpu.vector_load %arg13[%swap3A_356] {strides = array<i32>} : memref<256xf32, #tpu.memory_space<vmem>>, vector<16xf32>,
        tpu.vector_store %arg13[%swap3A_356], %max3A_355 {strides = array<i32>} : memref<256xf32, #tpu.memory_space<vmem>>, vector<16xf32>,
        %get3A_358 = arith.constant 144 : index
        %get3A_359 = tpu.vector_load %arg13[%get3A_358] {strides = array<i32>} : memref<256xf32, #tpu.memory_space<vmem>>, vector<16xf32>,
        %mul3A_360 = arith.mulf %get3A_359, %get3A_9 : vector<16xf32>
        %add3A_361 = arith.addf %mul3A_360, %get3A_13 : vector<16xf32>
        %max3A_362 = arith.maximumf %add3A_361, %broadcast_in_dim3A_14 : vector<16xf32>
        %swap3A_363 = arith.constant 144 : index
        %swap3A_364 = tpu.vector_load %arg13[%swap3A_363] {strides = array<i32>} : memref<256xf32, #tpu.memory_space<vmem>>, vector<16xf32>,
        tpu.vector_store %arg13[%swap3A_363], %max3A_362 {strides = array<i32>} : memref<256xf32, #tpu.memory_space<vmem>>, vector<16xf32>,
        %get3A_365 = arith.constant 160 : index
        %get3A_366 = tpu.vector_load %arg13[%get3A_365] {strides = array<i32>} : memref<256xf32, #tpu.memory_space<vmem>>, vector<16xf32>,
        %mul3A_367 = arith.mulf %get3A_366, %get3A_9 : vector<16xf32>
        %add3A_368 = arith.addf %mul3A_367, %get3A_13 : vector<16xf32>
        %max3A_369 = arith.maximumf %add3A_368, %broadcast_in_dim3A_14 : vector<16xf32>
        %swap3A_370 = arith.constant 160 : index
        %swap3A_371 = tpu.vector_load %arg13[%swap3A_370] {strides = array<i32>} : memref<256xf32, #tpu.memory_space<vmem>>, vector<16xf32>,
        tpu.vector_store %arg13[%swap3A_370], %max3A_369 {strides = array<i32>} : memref<256xf32, #tpu.memory_space<vmem>>, vector<16xf32>,
        %get3A_372 = arith.constant 176 : index
        %get3A_373 = tpu.vector_load %arg13[%get3A_372] {strides = array<i32>} : memref<256xf32, #tpu.memory_space<vmem>>, vector<16xf32>,
        %mul3A_374 = arith.mulf %get3A_373, %get3A_9 : vector<16xf32>
        %add3A_375 = arith.addf %mul3A_374, %get3A_13 : vector<16xf32>
        %max3A_376 = arith.maximumf %add3A_375, %broadcast_in_dim3A_14 : vector<16xf32>
        %swap3A_377 = arith.constant 176 : index
        %swap3A_378 = tpu.vector_load %arg13[%swap3A_377] {strides = array<i32>} : memref<256xf32, #tpu.memory_space<vmem>>, vector<16xf32>,
        tpu.vector_store %arg13[%swap3A_377], %max3A_376 {strides = array<i32>} : memref<256xf32, #tpu.memory_space<vmem>>, vector<16xf32>,
        %get3A_379 = arith.constant 192 : index
        %get3A_380 = tpu.vector_load %arg13[%get3A_379] {strides = array<i32>} : memref<256xf32, #tpu.memory_space<vmem>>, vector<16xf32>,
        %mul3A_381 = arith.mulf %get3A_380, %get3A_9 : vector<16xf32>
        %add3A_382 = arith.addf %mul3A_381, %get3A_13 : vector<16xf32>
        %max3A_383 = arith.maximumf %add3A_382, %broadcast_in_dim3A_14 : vector<16xf32>
        %swap3A_384 = arith.constant 192 : index
        %swap3A_385 = tpu.vector_load %arg13[%swap3A_384] {strides = array<i32>} : memref<256xf32, #tpu.memory_space<vmem>>, vector<16xf32>,
        tpu.vector_store %arg13[%swap3A_384], %max3A_383 {strides = array<i32>} : memref<256xf32, #tpu.memory_space<vmem>>, vector<16xf32>,
        %get3A_386 = arith.constant 208 : index
        %get3A_387 = tpu.vector_load %arg13[%get3A_386] {strides = array<i32>} : memref<256xf32, #tpu.memory_space<vmem>>, vector<16xf32>,
        %mul3A_388 = arith.mulf %get3A_387, %get3A_9 : vector<16xf32>
        %add3A_389 = arith.addf %mul3A_388, %get3A_13 : vector<16xf32>
        %max3A_390 = arith.maximumf %add3A_389, %broadcast_in_dim3A_14 : vector<16xf32>
        %swap3A_391 = arith.constant 208 : index
        %swap3A_392 = tpu.vector_load %arg13[%swap3A_391] {strides = array<i32>} : memref<256xf32, #tpu.memory_space<vmem>>, vector<16xf32>,
        tpu.vector_store %arg13[%swap3A_391], %max3A_390 {strides = array<i32>} : memref<256xf32, #tpu.memory_space<vmem>>, vector<16xf32>,
        %get3A_393 = arith.constant 224 : index
        %get3A_394 = tpu.vector_load %arg13[%get3A_393] {strides = array<i32>} : memref<256xf32, #tpu.memory_space<vmem>>, vector<16xf32>,
        %mul3A_395 = arith.mulf %get3A_394, %get3A_9 : vector<16xf32>
        %add3A_396 = arith.addf %mul3A_395, %get3A_13 : vector<16xf32>
        %max3A_397 = arith.maximumf %add3A_396, %broadcast_in_dim3A_14 : vector<16xf32>
        %swap3A_398 = arith.constant 224 : index
        %swap3A_399 = tpu.vector_load %arg13[%swap3A_398] {strides = array<i32>} : memref<256xf32, #tpu.memory_space<vmem>>, vector<16xf32>,
        tpu.vector_store %arg13[%swap3A_398], %max3A_397 {strides = array<i32>} : memref<256xf32, #tpu.memory_space<vmem>>, vector<16xf32>,
        %get3A_400 = arith.constant 240 : index
        %get3A_401 = tpu.vector_load %arg13[%get3A_400] {strides = array<i32>} : memref<256xf32, #tpu.memory_space<vmem>>, vector<16xf32>,
        %mul3A_402 = arith.mulf %get3A_401, %get3A_9 : vector<16xf32>
        %add3A_403 = arith.addf %mul3A_402, %get3A_13 : vector<16xf32>
        %max3A_404 = arith.maximumf %add3A_403, %broadcast_in_dim3A_14 : vector<16xf32>
        %swap3A_405 = arith.constant 240 : index
        %swap3A_406 = tpu.vector_load %arg13[%swap3A_405] {strides = array<i32>} : memref<256xf32, #tpu.memory_space<vmem>>, vector<16xf32>,
        tpu.vector_store %arg13[%swap3A_405], %max3A_404 {strides = array<i32>} : memref<256xf32, #tpu.memory_space<vmem>>, vector<16xf32>,
      } else {
      }
      %dma_wait3A_275 = arith.constant 0 : i32
      %dma_wait3A_276 = arith.constant 0 : i32
      %dma_wait3A_277 = tpu.memref_slice %arg5[%dma_wait3A_275, %dma_wait3A_276] : memref<100352x16xf32, #tpu.memory_space<hbm>> -> memref<100352x16xf32, #tpu.memory_space<hbm>>
      tpu.wait_indirect_dma semaphore(%arg22 : memref<!tpu.dma_semaphore, #tpu.memory_space<semaphore_mem>>) src(%dma_wait3A_277 : memref<100352x16xf32, #tpu.memory_space<hbm>>) dst(%arg20 : memref<256x16xf32, #tpu.memory_space<vmem>>)
      %dma_wait3A_278 = arith.constant 0 : i32
      %dma_wait3A_279 = arith.constant 0 : i32
      %dma_wait3A_280 = tpu.memref_slice %arg6[%dma_wait3A_278, %dma_wait3A_279] : memref<100352x16xf32, #tpu.memory_space<hbm>> -> memref<100352x16xf32, #tpu.memory_space<hbm>>
      tpu.wait_indirect_dma semaphore(%arg22 : memref<!tpu.dma_semaphore, #tpu.memory_space<semaphore_mem>>) src(%dma_wait3A_280 : memref<100352x16xf32, #tpu.memory_space<hbm>>) dst(%arg21 : memref<256x16xf32, #tpu.memory_space<vmem>>)
      %parallel_loop3A_281 = arith.constant 0 : i32
      %parallel_loop3A_282 = arith.constant 256 : i32
      %parallel_loop3A_283 = arith.constant 1 : i32
      scf.for %parallel_loop3A_284 = %parallel_loop3A_281 to %parallel_loop3A_282 step %parallel_loop3A_283  : i32 {
        %parallel_loop3A_285 = vector.broadcast %parallel_loop3A_284 : i32 to vector<16xi32>
        %parallel_loop3A_286 = tpu.vector_load_idx %arg19[%parallel_loop3A_285] : memref<256xf32, #tpu.memory_space<vmem>>[vector<16xi32>], vector<16xf32>,
        %parallel_loop3A_287 = arith.index_cast %parallel_loop3A_284 : i32 to index
        %parallel_loop3A_288 = arith.constant 0 : index
        %parallel_loop3A_289 = tpu.vector_load %arg20[%parallel_loop3A_287, %parallel_loop3A_288] {strides = array<i32>} : memref<256x16xf32, #tpu.memory_space<vmem>>, vector<16xf32>,
        %parallel_loop3A_290 = arith.index_cast %parallel_loop3A_284 : i32 to index
        %parallel_loop3A_291 = arith.constant 0 : index
        %parallel_loop3A_292 = tpu.vector_load %arg21[%parallel_loop3A_290, %parallel_loop3A_291] {strides = array<i32>} : memref<256x16xf32, #tpu.memory_space<vmem>>, vector<16xf32>,
        %parallel_loop3A_293 = arith.addf %parallel_loop3A_289, %parallel_loop3A_292 : vector<16xf32>
        %parallel_loop3A_294 = arith.mulf %parallel_loop3A_286, %get3A_5 : vector<16xf32>
        %parallel_loop3A_295 = arith.addf %parallel_loop3A_293, %parallel_loop3A_294 : vector<16xf32>
        %parallel_loop3A_296 = arith.maximumf %parallel_loop3A_295, %broadcast_in_dim3A_14 : vector<16xf32>
        %parallel_loop3A_297 = arith.index_cast %parallel_loop3A_284 : i32 to index
        %parallel_loop3A_298 = arith.constant 0 : index
        %parallel_loop3A_299 = tpu.vector_load %arg20[%parallel_loop3A_297, %parallel_loop3A_298] {strides = array<i32>} : memref<256x16xf32, #tpu.memory_space<vmem>>, vector<16xf32>,
        tpu.vector_store %arg20[%parallel_loop3A_297, %parallel_loop3A_298], %parallel_loop3A_296 {strides = array<i32>} : memref<256x16xf32, #tpu.memory_space<vmem>>, vector<16xf32>,
      } {sc.loop_unroll_factor = 8 : i64, sc.parallel_access}
      "tpu.region"() ({
        %run_scoped3A = tpu.sem_alloc : memref<!tpu.dma_semaphore, #tpu.memory_space<semaphore_mem>>
        %dma_start3A_284 = arith.constant 0 : i32
        %dma_start3A_285 = arith.constant 0 : i32
        %dma_start3A_286 = tpu.memref_slice %arg10[%dma_start3A_284, %dma_start3A_285] : memref<100352x16xf32, #tpu.memory_space<vmem_shared>> -> memref<100352x16xf32, #tpu.memory_space<vmem_shared>>
        tpu.enqueue_indirect_dma source(%arg20 : memref<256x16xf32, #tpu.memory_space<vmem>>) target(%dma_start3A_286 : memref<100352x16xf32, #tpu.memory_space<vmem_shared>>) offsets(%arg18 : memref<256xi32, #tpu.memory_space<vmem>>) semaphore(%run_scoped3A : memref<!tpu.dma_semaphore, #tpu.memory_space<semaphore_mem>>) {add = true}
        %dma_wait3A_287 = arith.constant 0 : i32
        %dma_wait3A_288 = arith.constant 0 : i32
        %dma_wait3A_289 = tpu.memref_slice %arg10[%dma_wait3A_287, %dma_wait3A_288] : memref<100352x16xf32, #tpu.memory_space<vmem_shared>> -> memref<100352x16xf32, #tpu.memory_space<vmem_shared>>
        tpu.wait_indirect_dma semaphore(%run_scoped3A : memref<!tpu.dma_semaphore, #tpu.memory_space<semaphore_mem>>) src(%arg20 : memref<256x16xf32, #tpu.memory_space<vmem>>) dst(%dma_wait3A_289 : memref<100352x16xf32, #tpu.memory_space<vmem_shared>>)
        tpu.yield
      }) : () -> ()
    }
    %scan3A_138 = arith.constant 196 : i32
    %barrier3A_139 = arith.constant 0 : index
    tpu.barrier barrier_id(%barrier3A_139)
    "tpu.region"() ({
      %run_scoped3A = tpu.sem_alloc : memref<!tpu.dma_semaphore, #tpu.memory_space<semaphore_mem>>
      %dma_start3A_140 = arith.constant 0 : i32
      %dma_start3A_141 = tpu.memref_slice %arg9[%arg0, %mul3A_2, %dma_start3A_140] : memref<2x100352x16xf32, #tpu.memory_space<hbm>> -> memref<1x6272x16xf32, #tpu.memory_space<hbm>>
      %dma_start3A_142 = tpu.memref_squeeze %dma_start3A_141 : memref<1x6272x16xf32, #tpu.memory_space<hbm>> -> memref<6272x16xf32, #tpu.memory_space<hbm>>
      %dma_start3A_143 = arith.constant 0 : i32
      %dma_start3A_144 = tpu.memref_slice %arg10[%mul3A_2, %dma_start3A_143] : memref<100352x16xf32, #tpu.memory_space<vmem_shared>> -> memref<6272x16xf32, #tpu.memory_space<vmem_shared>>
      tpu.enqueue_dma source(%dma_start3A_144 : memref<6272x16xf32, #tpu.memory_space<vmem_shared>>) target(%dma_start3A_142 : memref<6272x16xf32, #tpu.memory_space<hbm>>) target_semaphore(%run_scoped3A : memref<!tpu.dma_semaphore, #tpu.memory_space<semaphore_mem>>)
      %dma_wait3A = arith.constant 0 : i32
      %dma_wait3A_145 = tpu.memref_slice %arg9[%arg0, %mul3A_2, %dma_wait3A] : memref<2x100352x16xf32, #tpu.memory_space<hbm>> -> memref<1x6272x16xf32, #tpu.memory_space<hbm>>
      %dma_wait3A_146 = tpu.memref_squeeze %dma_wait3A_145 : memref<1x6272x16xf32, #tpu.memory_space<hbm>> -> memref<6272x16xf32, #tpu.memory_space<hbm>>
      %dma_wait3A_147 = arith.constant 0 : i32
      %dma_wait3A_148 = tpu.memref_slice %arg10[%mul3A_2, %dma_wait3A_147] : memref<100352x16xf32, #tpu.memory_space<vmem_shared>> -> memref<6272x16xf32, #tpu.memory_space<vmem_shared>>
      tpu.wait_dma2 semaphore(%run_scoped3A : memref<!tpu.dma_semaphore, #tpu.memory_space<semaphore_mem>>) src(%dma_wait3A_148 : memref<6272x16xf32, #tpu.memory_space<vmem_shared>>) dst(%dma_wait3A_146 : memref<6272x16xf32, #tpu.memory_space<hbm>>)
      tpu.yield
    }) : () -> ()
    return
  }
}

module attributes {stable_mosaic.version = 14 : i64} {
  func.func @_tc_embed_kernel(%arg0: i32, %arg1: memref<3136x128xf32, #tpu.memory_space<vmem>>, %arg2: memref<3136x128xf32, #tpu.memory_space<vmem>>, %arg3: memref<128x128xf32, #tpu.memory_space<vmem>>, %arg4: memref<1x128xf32, #tpu.memory_space<vmem>>, %arg5: memref<128x128xf32, #tpu.memory_space<vmem>>, %arg6: memref<1x128xf32, #tpu.memory_space<vmem>>, %arg7: memref<128x128xf32, #tpu.memory_space<vmem>>, %arg8: memref<1x128xf32, #tpu.memory_space<vmem>>, %arg9: memref<128x128xf32, #tpu.memory_space<vmem>>, %arg10: memref<1x128xf32, #tpu.memory_space<vmem>>, %arg11: memref<128x128xf32, #tpu.memory_space<vmem>>, %arg12: memref<1x128xf32, #tpu.memory_space<vmem>>, %arg13: memref<128x128xf32, #tpu.memory_space<vmem>>, %arg14: memref<128x128xf32, #tpu.memory_space<vmem>>, %arg15: memref<1x128xf32, #tpu.memory_space<vmem>>, %arg16: memref<3136x128xf32, #tpu.memory_space<vmem>>, %arg17: memref<3136x128xf32, #tpu.memory_space<vmem>>, %arg18: memref<3136x128xf32, #tpu.memory_space<vmem>>, %arg19: memref<3136x128xf32, #tpu.memory_space<vmem>>, %arg20: memref<3136x128xf32, #tpu.memory_space<vmem>>) attributes {dimension_semantics = [#tpu.dimension_semantics<arbitrary>], iteration_bounds = array<i64: 4>, scalar_prefetch = 0 : i64, scratch_operands = 0 : i64, tpu.core_type = #tpu.core_type<tc>, window_params = [{transform_indices = @transform_0, window_bounds = array<i64: 3136, 128>}, {transform_indices = @transform_1, window_bounds = array<i64: 3136, 128>}, {pipeline_mode = #tpu.pipeline_mode<synchronous>, transform_indices = @transform_2, window_bounds = array<i64: 128, 128>}, {pipeline_mode = #tpu.pipeline_mode<synchronous>, transform_indices = @transform_3, window_bounds = array<i64: 1, 128>}, {pipeline_mode = #tpu.pipeline_mode<synchronous>, transform_indices = @transform_4, window_bounds = array<i64: 128, 128>}, {pipeline_mode = #tpu.pipeline_mode<synchronous>, transform_indices = @transform_5, window_bounds = array<i64: 1, 128>}, {pipeline_mode = #tpu.pipeline_mode<synchronous>, transform_indices = @transform_6, window_bounds = array<i64: 128, 128>}, {pipeline_mode = #tpu.pipeline_mode<synchronous>, transform_indices = @transform_7, window_bounds = array<i64: 1, 128>}, {pipeline_mode = #tpu.pipeline_mode<synchronous>, transform_indices = @transform_8, window_bounds = array<i64: 128, 128>}, {pipeline_mode = #tpu.pipeline_mode<synchronous>, transform_indices = @transform_9, window_bounds = array<i64: 1, 128>}, {pipeline_mode = #tpu.pipeline_mode<synchronous>, transform_indices = @transform_10, window_bounds = array<i64: 128, 128>}, {pipeline_mode = #tpu.pipeline_mode<synchronous>, transform_indices = @transform_11, window_bounds = array<i64: 1, 128>}, {pipeline_mode = #tpu.pipeline_mode<synchronous>, transform_indices = @transform_12, window_bounds = array<i64: 128, 128>}, {pipeline_mode = #tpu.pipeline_mode<synchronous>, transform_indices = @transform_13, window_bounds = array<i64: 128, 128>}, {pipeline_mode = #tpu.pipeline_mode<synchronous>, transform_indices = @transform_14, window_bounds = array<i64: 1, 128>}, {transform_indices = @transform_15, window_bounds = array<i64: 3136, 128>}, {transform_indices = @transform_16, window_bounds = array<i64: 3136, 128>}, {transform_indices = @transform_17, window_bounds = array<i64: 3136, 128>}, {transform_indices = @transform_18, window_bounds = array<i64: 3136, 128>}, {transform_indices = @transform_19, window_bounds = array<i64: 3136, 128>}]} {
    %get3A = arith.constant 0 : index
    %get3A_0 = arith.constant 0 : index
    %get3A_1 = vector.load %arg1[%get3A, %get3A_0] : memref<3136x128xf32, #tpu.memory_space<vmem>>, vector<3136x128xf32>
    %get3A_2 = arith.constant 0 : index
    %get3A_3 = arith.constant 0 : index
    %get3A_4 = vector.load %arg3[%get3A_2, %get3A_3] : memref<128x128xf32, #tpu.memory_space<vmem>>, vector<128x128xf32>
    %dot_general3A = arith.constant dense<0.000000e+00> : vector<3136x128xf32>
    %dot_general3A_5 = tpu.matmul %get3A_1, %get3A_4, %dot_general3A {dimension_numbers = #tpu.dot_dimension_numbers<[1], [0], [0], [1], [0, 0, 1, 1], [], []>, precision = #tpu.contract_precision<fp32>, transpose_lhs_hint = false} : vector<3136x128xf32>, vector<128x128xf32>, vector<3136x128xf32> -> vector<3136x128xf32>
    %get3A_6 = arith.constant 0 : index
    %get3A_7 = arith.constant 0 : index
    %get3A_8 = vector.load %arg4[%get3A_6, %get3A_7] : memref<1x128xf32, #tpu.memory_space<vmem>>, vector<1x128xf32>
    %add3A = vector.broadcast %get3A_8 : vector<1x128xf32> to vector<3136x128xf32>
    %add3A_9 = arith.addf %dot_general3A_5, %add3A : vector<3136x128xf32>
    %max3A = arith.constant 0.000000e+00 : f32
    %max3A_10 = vector.broadcast %max3A : f32 to vector<3136x128xf32>
    %max3A_11 = arith.maximumf %add3A_9, %max3A_10 : vector<3136x128xf32>
    %get3A_12 = arith.constant 0 : index
    %get3A_13 = arith.constant 0 : index
    %get3A_14 = vector.load %arg5[%get3A_12, %get3A_13] : memref<128x128xf32, #tpu.memory_space<vmem>>, vector<128x128xf32>
    %dot_general3A_15 = arith.constant dense<0.000000e+00> : vector<3136x128xf32>
    %dot_general3A_16 = tpu.matmul %max3A_11, %get3A_14, %dot_general3A_15 {dimension_numbers = #tpu.dot_dimension_numbers<[1], [0], [0], [1], [0, 0, 1, 1], [], []>, precision = #tpu.contract_precision<fp32>, transpose_lhs_hint = false} : vector<3136x128xf32>, vector<128x128xf32>, vector<3136x128xf32> -> vector<3136x128xf32>
    %get3A_17 = arith.constant 0 : index
    %get3A_18 = arith.constant 0 : index
    %get3A_19 = vector.load %arg6[%get3A_17, %get3A_18] : memref<1x128xf32, #tpu.memory_space<vmem>>, vector<1x128xf32>
    %add3A_20 = vector.broadcast %get3A_19 : vector<1x128xf32> to vector<3136x128xf32>
    %add3A_21 = arith.addf %dot_general3A_16, %add3A_20 : vector<3136x128xf32>
    %max3A_22 = arith.constant 0.000000e+00 : f32
    %max3A_23 = vector.broadcast %max3A_22 : f32 to vector<3136x128xf32>
    %max3A_24 = arith.maximumf %add3A_21, %max3A_23 : vector<3136x128xf32>
    %swap3A = arith.constant 0 : index
    %swap3A_25 = arith.constant 0 : index
    %swap3A_26 = vector.load %arg16[%swap3A, %swap3A_25] : memref<3136x128xf32, #tpu.memory_space<vmem>>, vector<3136x128xf32>
    tpu.vector_store %arg16[%swap3A, %swap3A_25], %max3A_24 {strides = array<i32>} : memref<3136x128xf32, #tpu.memory_space<vmem>>, vector<3136x128xf32>,
    %get3A_27 = arith.constant 0 : index
    %get3A_28 = arith.constant 0 : index
    %get3A_29 = vector.load %arg11[%get3A_27, %get3A_28] : memref<128x128xf32, #tpu.memory_space<vmem>>, vector<128x128xf32>
    %dot_general3A_30 = arith.constant dense<0.000000e+00> : vector<3136x128xf32>
    %dot_general3A_31 = tpu.matmul %max3A_24, %get3A_29, %dot_general3A_30 {dimension_numbers = #tpu.dot_dimension_numbers<[1], [0], [0], [1], [0, 0, 1, 1], [], []>, precision = #tpu.contract_precision<fp32>, transpose_lhs_hint = false} : vector<3136x128xf32>, vector<128x128xf32>, vector<3136x128xf32> -> vector<3136x128xf32>
    %get3A_32 = arith.constant 0 : index
    %get3A_33 = arith.constant 0 : index
    %get3A_34 = vector.load %arg12[%get3A_32, %get3A_33] : memref<1x128xf32, #tpu.memory_space<vmem>>, vector<1x128xf32>
    %add3A_35 = vector.broadcast %get3A_34 : vector<1x128xf32> to vector<3136x128xf32>
    %add3A_36 = arith.addf %dot_general3A_31, %add3A_35 : vector<3136x128xf32>
    %swap3A_37 = arith.constant 0 : index
    %swap3A_38 = arith.constant 0 : index
    %swap3A_39 = vector.load %arg17[%swap3A_37, %swap3A_38] : memref<3136x128xf32, #tpu.memory_space<vmem>>, vector<3136x128xf32>
    tpu.vector_store %arg17[%swap3A_37, %swap3A_38], %add3A_36 {strides = array<i32>} : memref<3136x128xf32, #tpu.memory_space<vmem>>, vector<3136x128xf32>,
    %get3A_40 = arith.constant 0 : index
    %get3A_41 = arith.constant 0 : index
    %get3A_42 = vector.load %arg2[%get3A_40, %get3A_41] : memref<3136x128xf32, #tpu.memory_space<vmem>>, vector<3136x128xf32>
    %get3A_43 = arith.constant 0 : index
    %get3A_44 = arith.constant 0 : index
    %get3A_45 = vector.load %arg7[%get3A_43, %get3A_44] : memref<128x128xf32, #tpu.memory_space<vmem>>, vector<128x128xf32>
    %dot_general3A_46 = arith.constant dense<0.000000e+00> : vector<3136x128xf32>
    %dot_general3A_47 = tpu.matmul %get3A_42, %get3A_45, %dot_general3A_46 {dimension_numbers = #tpu.dot_dimension_numbers<[1], [0], [0], [1], [0, 0, 1, 1], [], []>, precision = #tpu.contract_precision<fp32>, transpose_lhs_hint = false} : vector<3136x128xf32>, vector<128x128xf32>, vector<3136x128xf32> -> vector<3136x128xf32>
    %get3A_48 = arith.constant 0 : index
    %get3A_49 = arith.constant 0 : index
    %get3A_50 = vector.load %arg8[%get3A_48, %get3A_49] : memref<1x128xf32, #tpu.memory_space<vmem>>, vector<1x128xf32>
    %add3A_51 = vector.broadcast %get3A_50 : vector<1x128xf32> to vector<3136x128xf32>
    %add3A_52 = arith.addf %dot_general3A_47, %add3A_51 : vector<3136x128xf32>
    %max3A_53 = arith.constant 0.000000e+00 : f32
    %max3A_54 = vector.broadcast %max3A_53 : f32 to vector<3136x128xf32>
    %max3A_55 = arith.maximumf %add3A_52, %max3A_54 : vector<3136x128xf32>
    %get3A_56 = arith.constant 0 : index
    %get3A_57 = arith.constant 0 : index
    %get3A_58 = vector.load %arg9[%get3A_56, %get3A_57] : memref<128x128xf32, #tpu.memory_space<vmem>>, vector<128x128xf32>
    %dot_general3A_59 = arith.constant dense<0.000000e+00> : vector<3136x128xf32>
    %dot_general3A_60 = tpu.matmul %max3A_55, %get3A_58, %dot_general3A_59 {dimension_numbers = #tpu.dot_dimension_numbers<[1], [0], [0], [1], [0, 0, 1, 1], [], []>, precision = #tpu.contract_precision<fp32>, transpose_lhs_hint = false} : vector<3136x128xf32>, vector<128x128xf32>, vector<3136x128xf32> -> vector<3136x128xf32>
    %get3A_61 = arith.constant 0 : index
    %get3A_62 = arith.constant 0 : index
    %get3A_63 = vector.load %arg10[%get3A_61, %get3A_62] : memref<1x128xf32, #tpu.memory_space<vmem>>, vector<1x128xf32>
    %add3A_64 = vector.broadcast %get3A_63 : vector<1x128xf32> to vector<3136x128xf32>
    %add3A_65 = arith.addf %dot_general3A_60, %add3A_64 : vector<3136x128xf32>
    %max3A_66 = arith.constant 0.000000e+00 : f32
    %max3A_67 = vector.broadcast %max3A_66 : f32 to vector<3136x128xf32>
    %max3A_68 = arith.maximumf %add3A_65, %max3A_67 : vector<3136x128xf32>
    %swap3A_69 = arith.constant 0 : index
    %swap3A_70 = arith.constant 0 : index
    %swap3A_71 = vector.load %arg18[%swap3A_69, %swap3A_70] : memref<3136x128xf32, #tpu.memory_space<vmem>>, vector<3136x128xf32>
    tpu.vector_store %arg18[%swap3A_69, %swap3A_70], %max3A_68 {strides = array<i32>} : memref<3136x128xf32, #tpu.memory_space<vmem>>, vector<3136x128xf32>,
    %get3A_72 = arith.constant 0 : index
    %get3A_73 = arith.constant 0 : index
    %get3A_74 = vector.load %arg13[%get3A_72, %get3A_73] : memref<128x128xf32, #tpu.memory_space<vmem>>, vector<128x128xf32>
    %dot_general3A_75 = arith.constant dense<0.000000e+00> : vector<3136x128xf32>
    %dot_general3A_76 = tpu.matmul %max3A_68, %get3A_74, %dot_general3A_75 {dimension_numbers = #tpu.dot_dimension_numbers<[1], [0], [0], [1], [0, 0, 1, 1], [], []>, precision = #tpu.contract_precision<fp32>, transpose_lhs_hint = false} : vector<3136x128xf32>, vector<128x128xf32>, vector<3136x128xf32> -> vector<3136x128xf32>
    %swap3A_77 = arith.constant 0 : index
    %swap3A_78 = arith.constant 0 : index
    %swap3A_79 = vector.load %arg19[%swap3A_77, %swap3A_78] : memref<3136x128xf32, #tpu.memory_space<vmem>>, vector<3136x128xf32>
    tpu.vector_store %arg19[%swap3A_77, %swap3A_78], %dot_general3A_76 {strides = array<i32>} : memref<3136x128xf32, #tpu.memory_space<vmem>>, vector<3136x128xf32>,
    %get3A_80 = arith.constant 0 : index
    %get3A_81 = arith.constant 0 : index
    %get3A_82 = vector.load %arg14[%get3A_80, %get3A_81] : memref<128x128xf32, #tpu.memory_space<vmem>>, vector<128x128xf32>
    %dot_general3A_83 = arith.constant dense<0.000000e+00> : vector<3136x128xf32>
    %dot_general3A_84 = tpu.matmul %max3A_68, %get3A_82, %dot_general3A_83 {dimension_numbers = #tpu.dot_dimension_numbers<[1], [0], [0], [1], [0, 0, 1, 1], [], []>, precision = #tpu.contract_precision<fp32>, transpose_lhs_hint = false} : vector<3136x128xf32>, vector<128x128xf32>, vector<3136x128xf32> -> vector<3136x128xf32>
    %get3A_85 = arith.constant 0 : index
    %get3A_86 = arith.constant 0 : index
    %get3A_87 = vector.load %arg15[%get3A_85, %get3A_86] : memref<1x128xf32, #tpu.memory_space<vmem>>, vector<1x128xf32>
    %add3A_88 = vector.broadcast %get3A_87 : vector<1x128xf32> to vector<3136x128xf32>
    %add3A_89 = arith.addf %dot_general3A_84, %add3A_88 : vector<3136x128xf32>
    %swap3A_90 = arith.constant 0 : index
    %swap3A_91 = arith.constant 0 : index
    %swap3A_92 = vector.load %arg20[%swap3A_90, %swap3A_91] : memref<3136x128xf32, #tpu.memory_space<vmem>>, vector<3136x128xf32>
    tpu.vector_store %arg20[%swap3A_90, %swap3A_91], %add3A_89 {strides = array<i32>} : memref<3136x128xf32, #tpu.memory_space<vmem>>, vector<3136x128xf32>,
    return
  }
  func.func @transform_0(%arg0: i32) -> (i32, i32) {
    %c0_i32 = arith.constant 0 : i32
    %c0_i32_0 = arith.constant 0 : i32
    return %arg0, %c0_i32 : i32, i32
  }
  func.func @transform_1(%arg0: i32) -> (i32, i32) {
    %c0_i32 = arith.constant 0 : i32
    %c0_i32_0 = arith.constant 0 : i32
    return %arg0, %c0_i32 : i32, i32
  }
  func.func @transform_2(%arg0: i32) -> (i32, i32) {
    %c0_i32 = arith.constant 0 : i32
    %c0_i32_0 = arith.constant 0 : i32
    %c0_i32_1 = arith.constant 0 : i32
    return %c0_i32, %c0_i32_0 : i32, i32
  }
  func.func @transform_3(%arg0: i32) -> (i32, i32) {
    %c0_i32 = arith.constant 0 : i32
    %c0_i32_0 = arith.constant 0 : i32
    %c0_i32_1 = arith.constant 0 : i32
    return %c0_i32, %c0_i32_0 : i32, i32
  }
  func.func @transform_4(%arg0: i32) -> (i32, i32) {
    %c0_i32 = arith.constant 0 : i32
    %c0_i32_0 = arith.constant 0 : i32
    %c0_i32_1 = arith.constant 0 : i32
    return %c0_i32, %c0_i32_0 : i32, i32
  }
  func.func @transform_5(%arg0: i32) -> (i32, i32) {
    %c0_i32 = arith.constant 0 : i32
    %c0_i32_0 = arith.constant 0 : i32
    %c0_i32_1 = arith.constant 0 : i32
    return %c0_i32, %c0_i32_0 : i32, i32
  }
  func.func @transform_6(%arg0: i32) -> (i32, i32) {
    %c0_i32 = arith.constant 0 : i32
    %c0_i32_0 = arith.constant 0 : i32
    %c0_i32_1 = arith.constant 0 : i32
    return %c0_i32, %c0_i32_0 : i32, i32
  }
  func.func @transform_7(%arg0: i32) -> (i32, i32) {
    %c0_i32 = arith.constant 0 : i32
    %c0_i32_0 = arith.constant 0 : i32
    %c0_i32_1 = arith.constant 0 : i32
    return %c0_i32, %c0_i32_0 : i32, i32
  }
  func.func @transform_8(%arg0: i32) -> (i32, i32) {
    %c0_i32 = arith.constant 0 : i32
    %c0_i32_0 = arith.constant 0 : i32
    %c0_i32_1 = arith.constant 0 : i32
    return %c0_i32, %c0_i32_0 : i32, i32
  }
  func.func @transform_9(%arg0: i32) -> (i32, i32) {
    %c0_i32 = arith.constant 0 : i32
    %c0_i32_0 = arith.constant 0 : i32
    %c0_i32_1 = arith.constant 0 : i32
    return %c0_i32, %c0_i32_0 : i32, i32
  }
  func.func @transform_10(%arg0: i32) -> (i32, i32) {
    %c0_i32 = arith.constant 0 : i32
    %c0_i32_0 = arith.constant 0 : i32
    %c0_i32_1 = arith.constant 0 : i32
    return %c0_i32, %c0_i32_0 : i32, i32
  }
  func.func @transform_11(%arg0: i32) -> (i32, i32) {
    %c0_i32 = arith.constant 0 : i32
    %c0_i32_0 = arith.constant 0 : i32
    %c0_i32_1 = arith.constant 0 : i32
    return %c0_i32, %c0_i32_0 : i32, i32
  }
  func.func @transform_12(%arg0: i32) -> (i32, i32) {
    %c0_i32 = arith.constant 0 : i32
    %c0_i32_0 = arith.constant 0 : i32
    %c0_i32_1 = arith.constant 0 : i32
    return %c0_i32, %c0_i32_0 : i32, i32
  }
  func.func @transform_13(%arg0: i32) -> (i32, i32) {
    %c0_i32 = arith.constant 0 : i32
    %c0_i32_0 = arith.constant 0 : i32
    %c0_i32_1 = arith.constant 0 : i32
    return %c0_i32, %c0_i32_0 : i32, i32
  }
  func.func @transform_14(%arg0: i32) -> (i32, i32) {
    %c0_i32 = arith.constant 0 : i32
    %c0_i32_0 = arith.constant 0 : i32
    %c0_i32_1 = arith.constant 0 : i32
    return %c0_i32, %c0_i32_0 : i32, i32
  }
  func.func @transform_15(%arg0: i32) -> (i32, i32) {
    %c0_i32 = arith.constant 0 : i32
    %c0_i32_0 = arith.constant 0 : i32
    return %arg0, %c0_i32 : i32, i32
  }
  func.func @transform_16(%arg0: i32) -> (i32, i32) {
    %c0_i32 = arith.constant 0 : i32
    %c0_i32_0 = arith.constant 0 : i32
    return %arg0, %c0_i32 : i32, i32
  }
  func.func @transform_17(%arg0: i32) -> (i32, i32) {
    %c0_i32 = arith.constant 0 : i32
    %c0_i32_0 = arith.constant 0 : i32
    return %arg0, %c0_i32 : i32, i32
  }
  func.func @transform_18(%arg0: i32) -> (i32, i32) {
    %c0_i32 = arith.constant 0 : i32
    %c0_i32_0 = arith.constant 0 : i32
    return %arg0, %c0_i32 : i32, i32
  }
  func.func @transform_19(%arg0: i32) -> (i32, i32) {
    %c0_i32 = arith.constant 0 : i32
    %c0_i32_0 = arith.constant 0 : i32
    return %arg0, %c0_i32 : i32, i32
  }
}

module attributes {stable_mosaic.version = 14 : i64} {
  func.func @_lambda_(%arg0: i32, %arg1: memref<2x3136x128xf32, #tpu.memory_space<vmem>>, %arg2: memref<2x3136x8xf32, #tpu.memory_space<vmem>>, %arg3: memref<3136x128xf32, #tpu.memory_space<vmem>>, %arg4: memref<8x128xf32, #tpu.memory_space<vmem>>, %arg5: memref<128x128xf32, #tpu.memory_space<vmem>>, %arg6: memref<1x128xf32, #tpu.memory_space<vmem>>, %arg7: memref<128x128xf32, #tpu.memory_space<vmem>>, %arg8: memref<1x128xf32, #tpu.memory_space<vmem>>, %arg9: memref<128x128xf32, #tpu.memory_space<vmem>>, %arg10: memref<128x128xf32, #tpu.memory_space<vmem>>, %arg11: memref<1x128xf32, #tpu.memory_space<vmem>>, %arg12: memref<128x128xf32, #tpu.memory_space<vmem>>, %arg13: memref<1x128xf32, #tpu.memory_space<vmem>>, %arg14: memref<128x128xf32, #tpu.memory_space<vmem>>, %arg15: memref<128x128xf32, #tpu.memory_space<vmem>>, %arg16: memref<1x128xf32, #tpu.memory_space<vmem>>, %arg17: memref<3136x128xf32, #tpu.memory_space<vmem>>, %arg18: memref<3136x128xf32, #tpu.memory_space<vmem>>) attributes {dimension_semantics = [#tpu.dimension_semantics<arbitrary>], iteration_bounds = array<i64: 4>, scalar_prefetch = 0 : i64, scratch_operands = 0 : i64, tpu.core_type = #tpu.core_type<tc>, window_params = [{transform_indices = @transform_0, window_bounds = array<i64: 2, 3136, 128>}, {transform_indices = @transform_1, window_bounds = array<i64: 2, 3136, 8>}, {transform_indices = @transform_2, window_bounds = array<i64: 3136, 128>}, {pipeline_mode = #tpu.pipeline_mode<synchronous>, transform_indices = @transform_3, window_bounds = array<i64: 8, 128>}, {pipeline_mode = #tpu.pipeline_mode<synchronous>, transform_indices = @transform_4, window_bounds = array<i64: 128, 128>}, {pipeline_mode = #tpu.pipeline_mode<synchronous>, transform_indices = @transform_5, window_bounds = array<i64: 1, 128>}, {pipeline_mode = #tpu.pipeline_mode<synchronous>, transform_indices = @transform_6, window_bounds = array<i64: 128, 128>}, {pipeline_mode = #tpu.pipeline_mode<synchronous>, transform_indices = @transform_7, window_bounds = array<i64: 1, 128>}, {pipeline_mode = #tpu.pipeline_mode<synchronous>, transform_indices = @transform_8, window_bounds = array<i64: 128, 128>}, {pipeline_mode = #tpu.pipeline_mode<synchronous>, transform_indices = @transform_9, window_bounds = array<i64: 128, 128>}, {pipeline_mode = #tpu.pipeline_mode<synchronous>, transform_indices = @transform_10, window_bounds = array<i64: 1, 128>}, {pipeline_mode = #tpu.pipeline_mode<synchronous>, transform_indices = @transform_11, window_bounds = array<i64: 128, 128>}, {pipeline_mode = #tpu.pipeline_mode<synchronous>, transform_indices = @transform_12, window_bounds = array<i64: 1, 128>}, {pipeline_mode = #tpu.pipeline_mode<synchronous>, transform_indices = @transform_13, window_bounds = array<i64: 128, 128>}, {pipeline_mode = #tpu.pipeline_mode<synchronous>, transform_indices = @transform_14, window_bounds = array<i64: 128, 128>}, {pipeline_mode = #tpu.pipeline_mode<synchronous>, transform_indices = @transform_15, window_bounds = array<i64: 1, 128>}, {transform_indices = @transform_16, window_bounds = array<i64: 3136, 128>}, {transform_indices = @transform_17, window_bounds = array<i64: 3136, 128>}]} {
    %get3A = arith.constant 0 : index
    %get3A_0 = arith.constant 0 : index
    %get3A_1 = arith.constant 0 : index
    %get3A_2 = vector.load %arg1[%get3A, %get3A_0, %get3A_1] : memref<2x3136x128xf32, #tpu.memory_space<vmem>>, vector<2x3136x128xf32>
    %reduce_sum3A = arith.constant dense<0.000000e+00> : vector<3136x128xf32>
    %reduce_sum3A_3 = vector.multi_reduction <add>, %get3A_2, %reduce_sum3A [0] : vector<2x3136x128xf32> to vector<3136x128xf32>
    %get3A_4 = arith.constant 0 : index
    %get3A_5 = arith.constant 0 : index
    %get3A_6 = arith.constant 0 : index
    %get3A_7 = vector.load %arg2[%get3A_4, %get3A_5, %get3A_6] : memref<2x3136x8xf32, #tpu.memory_space<vmem>>, vector<2x3136x8xf32>
    %reduce_sum3A_8 = arith.constant dense<0.000000e+00> : vector<3136x8xf32>
    %reduce_sum3A_9 = vector.multi_reduction <add>, %get3A_7, %reduce_sum3A_8 [0] : vector<2x3136x8xf32> to vector<3136x8xf32>
    %get3A_10 = arith.constant 0 : index
    %get3A_11 = arith.constant 0 : index
    %get3A_12 = vector.load %arg5[%get3A_10, %get3A_11] : memref<128x128xf32, #tpu.memory_space<vmem>>, vector<128x128xf32>
    %dot_general3A = arith.constant dense<0.000000e+00> : vector<3136x128xf32>
    %dot_general3A_13 = tpu.matmul %reduce_sum3A_3, %get3A_12, %dot_general3A {dimension_numbers = #tpu.dot_dimension_numbers<[1], [0], [0], [1], [0, 0, 1, 1], [], []>, precision = #tpu.contract_precision<fp32>, transpose_lhs_hint = false} : vector<3136x128xf32>, vector<128x128xf32>, vector<3136x128xf32> -> vector<3136x128xf32>
    %get3A_14 = arith.constant 0 : index
    %get3A_15 = arith.constant 0 : index
    %get3A_16 = vector.load %arg4[%get3A_14, %get3A_15] : memref<8x128xf32, #tpu.memory_space<vmem>>, vector<8x128xf32>
    %dot_general3A_17 = arith.constant dense<0.000000e+00> : vector<3136x128xf32>
    %dot_general3A_18 = tpu.matmul %reduce_sum3A_9, %get3A_16, %dot_general3A_17 {dimension_numbers = #tpu.dot_dimension_numbers<[1], [0], [0], [1], [0, 0, 1, 1], [], []>, precision = #tpu.contract_precision<fp32>, transpose_lhs_hint = false} : vector<3136x8xf32>, vector<8x128xf32>, vector<3136x128xf32> -> vector<3136x128xf32>
    %get3A_19 = arith.constant 0 : index
    %get3A_20 = arith.constant 0 : index
    %get3A_21 = vector.load %arg6[%get3A_19, %get3A_20] : memref<1x128xf32, #tpu.memory_space<vmem>>, vector<1x128xf32>
    %mul3A = vector.broadcast %get3A_21 : vector<1x128xf32> to vector<3136x128xf32>
    %mul3A_22 = arith.mulf %dot_general3A_18, %mul3A : vector<3136x128xf32>
    %add3A = arith.addf %dot_general3A_13, %mul3A_22 : vector<3136x128xf32>
    %max3A = arith.constant 0.000000e+00 : f32
    %max3A_23 = vector.broadcast %max3A : f32 to vector<3136x128xf32>
    %max3A_24 = arith.maximumf %add3A, %max3A_23 : vector<3136x128xf32>
    %get3A_25 = arith.constant 0 : index
    %get3A_26 = arith.constant 0 : index
    %get3A_27 = vector.load %arg7[%get3A_25, %get3A_26] : memref<128x128xf32, #tpu.memory_space<vmem>>, vector<128x128xf32>
    %dot_general3A_28 = arith.constant dense<0.000000e+00> : vector<3136x128xf32>
    %dot_general3A_29 = tpu.matmul %max3A_24, %get3A_27, %dot_general3A_28 {dimension_numbers = #tpu.dot_dimension_numbers<[1], [0], [0], [1], [0, 0, 1, 1], [], []>, precision = #tpu.contract_precision<fp32>, transpose_lhs_hint = false} : vector<3136x128xf32>, vector<128x128xf32>, vector<3136x128xf32> -> vector<3136x128xf32>
    %get3A_30 = arith.constant 0 : index
    %get3A_31 = arith.constant 0 : index
    %get3A_32 = vector.load %arg8[%get3A_30, %get3A_31] : memref<1x128xf32, #tpu.memory_space<vmem>>, vector<1x128xf32>
    %add3A_33 = vector.broadcast %get3A_32 : vector<1x128xf32> to vector<3136x128xf32>
    %add3A_34 = arith.addf %dot_general3A_29, %add3A_33 : vector<3136x128xf32>
    %get3A_35 = arith.constant 0 : index
    %get3A_36 = arith.constant 0 : index
    %get3A_37 = vector.load %arg3[%get3A_35, %get3A_36] : memref<3136x128xf32, #tpu.memory_space<vmem>>, vector<3136x128xf32>
    %get3A_38 = arith.constant 0 : index
    %get3A_39 = arith.constant 0 : index
    %get3A_40 = vector.load %arg9[%get3A_38, %get3A_39] : memref<128x128xf32, #tpu.memory_space<vmem>>, vector<128x128xf32>
    %dot_general3A_41 = arith.constant dense<0.000000e+00> : vector<3136x128xf32>
    %dot_general3A_42 = tpu.matmul %add3A_34, %get3A_40, %dot_general3A_41 {dimension_numbers = #tpu.dot_dimension_numbers<[1], [0], [0], [1], [0, 0, 1, 1], [], []>, precision = #tpu.contract_precision<fp32>, transpose_lhs_hint = false} : vector<3136x128xf32>, vector<128x128xf32>, vector<3136x128xf32> -> vector<3136x128xf32>
    %get3A_43 = arith.constant 0 : index
    %get3A_44 = arith.constant 0 : index
    %get3A_45 = vector.load %arg10[%get3A_43, %get3A_44] : memref<128x128xf32, #tpu.memory_space<vmem>>, vector<128x128xf32>
    %dot_general3A_46 = arith.constant dense<0.000000e+00> : vector<3136x128xf32>
    %dot_general3A_47 = tpu.matmul %get3A_37, %get3A_45, %dot_general3A_46 {dimension_numbers = #tpu.dot_dimension_numbers<[1], [0], [0], [1], [0, 0, 1, 1], [], []>, precision = #tpu.contract_precision<fp32>, transpose_lhs_hint = false} : vector<3136x128xf32>, vector<128x128xf32>, vector<3136x128xf32> -> vector<3136x128xf32>
    %add3A_48 = arith.addf %dot_general3A_42, %dot_general3A_47 : vector<3136x128xf32>
    %get3A_49 = arith.constant 0 : index
    %get3A_50 = arith.constant 0 : index
    %get3A_51 = vector.load %arg11[%get3A_49, %get3A_50] : memref<1x128xf32, #tpu.memory_space<vmem>>, vector<1x128xf32>
    %add3A_52 = vector.broadcast %get3A_51 : vector<1x128xf32> to vector<3136x128xf32>
    %add3A_53 = arith.addf %add3A_48, %add3A_52 : vector<3136x128xf32>
    %max3A_54 = arith.constant 0.000000e+00 : f32
    %max3A_55 = vector.broadcast %max3A_54 : f32 to vector<3136x128xf32>
    %max3A_56 = arith.maximumf %add3A_53, %max3A_55 : vector<3136x128xf32>
    %get3A_57 = arith.constant 0 : index
    %get3A_58 = arith.constant 0 : index
    %get3A_59 = vector.load %arg12[%get3A_57, %get3A_58] : memref<128x128xf32, #tpu.memory_space<vmem>>, vector<128x128xf32>
    %dot_general3A_60 = arith.constant dense<0.000000e+00> : vector<3136x128xf32>
    %dot_general3A_61 = tpu.matmul %max3A_56, %get3A_59, %dot_general3A_60 {dimension_numbers = #tpu.dot_dimension_numbers<[1], [0], [0], [1], [0, 0, 1, 1], [], []>, precision = #tpu.contract_precision<fp32>, transpose_lhs_hint = false} : vector<3136x128xf32>, vector<128x128xf32>, vector<3136x128xf32> -> vector<3136x128xf32>
    %get3A_62 = arith.constant 0 : index
    %get3A_63 = arith.constant 0 : index
    %get3A_64 = vector.load %arg13[%get3A_62, %get3A_63] : memref<1x128xf32, #tpu.memory_space<vmem>>, vector<1x128xf32>
    %add3A_65 = vector.broadcast %get3A_64 : vector<1x128xf32> to vector<3136x128xf32>
    %add3A_66 = arith.addf %dot_general3A_61, %add3A_65 : vector<3136x128xf32>
    %get3A_67 = arith.constant 0 : index
    %get3A_68 = arith.constant 0 : index
    %get3A_69 = vector.load %arg14[%get3A_67, %get3A_68] : memref<128x128xf32, #tpu.memory_space<vmem>>, vector<128x128xf32>
    %dot_general3A_70 = arith.constant dense<0.000000e+00> : vector<3136x128xf32>
    %dot_general3A_71 = tpu.matmul %add3A_66, %get3A_69, %dot_general3A_70 {dimension_numbers = #tpu.dot_dimension_numbers<[1], [0], [0], [1], [0, 0, 1, 1], [], []>, precision = #tpu.contract_precision<fp32>, transpose_lhs_hint = false} : vector<3136x128xf32>, vector<128x128xf32>, vector<3136x128xf32> -> vector<3136x128xf32>
    %swap3A = arith.constant 0 : index
    %swap3A_72 = arith.constant 0 : index
    %swap3A_73 = vector.load %arg17[%swap3A, %swap3A_72] : memref<3136x128xf32, #tpu.memory_space<vmem>>, vector<3136x128xf32>
    tpu.vector_store %arg17[%swap3A, %swap3A_72], %dot_general3A_71 {strides = array<i32>} : memref<3136x128xf32, #tpu.memory_space<vmem>>, vector<3136x128xf32>,
    %get3A_74 = arith.constant 0 : index
    %get3A_75 = arith.constant 0 : index
    %get3A_76 = vector.load %arg15[%get3A_74, %get3A_75] : memref<128x128xf32, #tpu.memory_space<vmem>>, vector<128x128xf32>
    %dot_general3A_77 = arith.constant dense<0.000000e+00> : vector<3136x128xf32>
    %dot_general3A_78 = tpu.matmul %add3A_66, %get3A_76, %dot_general3A_77 {dimension_numbers = #tpu.dot_dimension_numbers<[1], [0], [0], [1], [0, 0, 1, 1], [], []>, precision = #tpu.contract_precision<fp32>, transpose_lhs_hint = false} : vector<3136x128xf32>, vector<128x128xf32>, vector<3136x128xf32> -> vector<3136x128xf32>
    %get3A_79 = arith.constant 0 : index
    %get3A_80 = arith.constant 0 : index
    %get3A_81 = vector.load %arg16[%get3A_79, %get3A_80] : memref<1x128xf32, #tpu.memory_space<vmem>>, vector<1x128xf32>
    %add3A_82 = vector.broadcast %get3A_81 : vector<1x128xf32> to vector<3136x128xf32>
    %add3A_83 = arith.addf %dot_general3A_78, %add3A_82 : vector<3136x128xf32>
    %max3A_84 = arith.constant 0.000000e+00 : f32
    %max3A_85 = vector.broadcast %max3A_84 : f32 to vector<3136x128xf32>
    %max3A_86 = arith.maximumf %add3A_83, %max3A_85 : vector<3136x128xf32>
    %swap3A_87 = arith.constant 0 : index
    %swap3A_88 = arith.constant 0 : index
    %swap3A_89 = vector.load %arg18[%swap3A_87, %swap3A_88] : memref<3136x128xf32, #tpu.memory_space<vmem>>, vector<3136x128xf32>
    tpu.vector_store %arg18[%swap3A_87, %swap3A_88], %max3A_86 {strides = array<i32>} : memref<3136x128xf32, #tpu.memory_space<vmem>>, vector<3136x128xf32>,
    return
  }
  func.func @transform_0(%arg0: i32) -> (i32, i32, i32) {
    %c0_i32 = arith.constant 0 : i32
    %c0_i32_0 = arith.constant 0 : i32
    %c0_i32_1 = arith.constant 0 : i32
    return %c0_i32, %arg0, %c0_i32_0 : i32, i32, i32
  }
  func.func @transform_1(%arg0: i32) -> (i32, i32, i32) {
    %c0_i32 = arith.constant 0 : i32
    %c0_i32_0 = arith.constant 0 : i32
    %c0_i32_1 = arith.constant 0 : i32
    return %c0_i32, %arg0, %c0_i32_0 : i32, i32, i32
  }
  func.func @transform_2(%arg0: i32) -> (i32, i32) {
    %c0_i32 = arith.constant 0 : i32
    %c0_i32_0 = arith.constant 0 : i32
    return %arg0, %c0_i32 : i32, i32
  }
  func.func @transform_3(%arg0: i32) -> (i32, i32) {
    %c0_i32 = arith.constant 0 : i32
    %c0_i32_0 = arith.constant 0 : i32
    %c0_i32_1 = arith.constant 0 : i32
    return %c0_i32, %c0_i32_0 : i32, i32
  }
  func.func @transform_4(%arg0: i32) -> (i32, i32) {
    %c0_i32 = arith.constant 0 : i32
    %c0_i32_0 = arith.constant 0 : i32
    %c0_i32_1 = arith.constant 0 : i32
    return %c0_i32, %c0_i32_0 : i32, i32
  }
  func.func @transform_5(%arg0: i32) -> (i32, i32) {
    %c0_i32 = arith.constant 0 : i32
    %c0_i32_0 = arith.constant 0 : i32
    %c0_i32_1 = arith.constant 0 : i32
    return %c0_i32, %c0_i32_0 : i32, i32
  }
  func.func @transform_6(%arg0: i32) -> (i32, i32) {
    %c0_i32 = arith.constant 0 : i32
    %c0_i32_0 = arith.constant 0 : i32
    %c0_i32_1 = arith.constant 0 : i32
    return %c0_i32, %c0_i32_0 : i32, i32
  }
  func.func @transform_7(%arg0: i32) -> (i32, i32) {
    %c0_i32 = arith.constant 0 : i32
    %c0_i32_0 = arith.constant 0 : i32
    %c0_i32_1 = arith.constant 0 : i32
    return %c0_i32, %c0_i32_0 : i32, i32
  }
  func.func @transform_8(%arg0: i32) -> (i32, i32) {
    %c0_i32 = arith.constant 0 : i32
    %c0_i32_0 = arith.constant 0 : i32
    %c0_i32_1 = arith.constant 0 : i32
    return %c0_i32, %c0_i32_0 : i32, i32
  }
  func.func @transform_9(%arg0: i32) -> (i32, i32) {
    %c0_i32 = arith.constant 0 : i32
    %c0_i32_0 = arith.constant 0 : i32
    %c0_i32_1 = arith.constant 0 : i32
    return %c0_i32, %c0_i32_0 : i32, i32
  }
  func.func @transform_10(%arg0: i32) -> (i32, i32) {
    %c0_i32 = arith.constant 0 : i32
    %c0_i32_0 = arith.constant 0 : i32
    %c0_i32_1 = arith.constant 0 : i32
    return %c0_i32, %c0_i32_0 : i32, i32
  }
  func.func @transform_11(%arg0: i32) -> (i32, i32) {
    %c0_i32 = arith.constant 0 : i32
    %c0_i32_0 = arith.constant 0 : i32
    %c0_i32_1 = arith.constant 0 : i32
    return %c0_i32, %c0_i32_0 : i32, i32
  }
  func.func @transform_12(%arg0: i32) -> (i32, i32) {
    %c0_i32 = arith.constant 0 : i32
    %c0_i32_0 = arith.constant 0 : i32
    %c0_i32_1 = arith.constant 0 : i32
    return %c0_i32, %c0_i32_0 : i32, i32
  }
  func.func @transform_13(%arg0: i32) -> (i32, i32) {
    %c0_i32 = arith.constant 0 : i32
    %c0_i32_0 = arith.constant 0 : i32
    %c0_i32_1 = arith.constant 0 : i32
    return %c0_i32, %c0_i32_0 : i32, i32
  }
  func.func @transform_14(%arg0: i32) -> (i32, i32) {
    %c0_i32 = arith.constant 0 : i32
    %c0_i32_0 = arith.constant 0 : i32
    %c0_i32_1 = arith.constant 0 : i32
    return %c0_i32, %c0_i32_0 : i32, i32
  }
  func.func @transform_15(%arg0: i32) -> (i32, i32) {
    %c0_i32 = arith.constant 0 : i32
    %c0_i32_0 = arith.constant 0 : i32
    %c0_i32_1 = arith.constant 0 : i32
    return %c0_i32, %c0_i32_0 : i32, i32
  }
  func.func @transform_16(%arg0: i32) -> (i32, i32) {
    %c0_i32 = arith.constant 0 : i32
    %c0_i32_0 = arith.constant 0 : i32
    return %arg0, %c0_i32 : i32, i32
  }
  func.func @transform_17(%arg0: i32) -> (i32, i32) {
    %c0_i32 = arith.constant 0 : i32
    %c0_i32_0 = arith.constant 0 : i32
    return %arg0, %c0_i32 : i32, i32
  }
}

module attributes {stable_mosaic.version = 14 : i64} {
  func.func @_lambda_(%arg0: i32, %arg1: memref<2x3136x128xf32, #tpu.memory_space<vmem>>, %arg2: memref<2x3136x8xf32, #tpu.memory_space<vmem>>, %arg3: memref<3136x128xf32, #tpu.memory_space<vmem>>, %arg4: memref<8x128xf32, #tpu.memory_space<vmem>>, %arg5: memref<128x128xf32, #tpu.memory_space<vmem>>, %arg6: memref<1x128xf32, #tpu.memory_space<vmem>>, %arg7: memref<128x128xf32, #tpu.memory_space<vmem>>, %arg8: memref<1x128xf32, #tpu.memory_space<vmem>>, %arg9: memref<128x128xf32, #tpu.memory_space<vmem>>, %arg10: memref<128x128xf32, #tpu.memory_space<vmem>>, %arg11: memref<1x128xf32, #tpu.memory_space<vmem>>, %arg12: memref<128x128xf32, #tpu.memory_space<vmem>>, %arg13: memref<1x128xf32, #tpu.memory_space<vmem>>, %arg14: memref<128x128xf32, #tpu.memory_space<vmem>>, %arg15: memref<1x128xf32, #tpu.memory_space<vmem>>, %arg16: memref<3136x128xf32, #tpu.memory_space<vmem>>) attributes {dimension_semantics = [#tpu.dimension_semantics<arbitrary>], iteration_bounds = array<i64: 4>, scalar_prefetch = 0 : i64, scratch_operands = 0 : i64, tpu.core_type = #tpu.core_type<tc>, window_params = [{transform_indices = @transform_0, window_bounds = array<i64: 2, 3136, 128>}, {transform_indices = @transform_1, window_bounds = array<i64: 2, 3136, 8>}, {transform_indices = @transform_2, window_bounds = array<i64: 3136, 128>}, {pipeline_mode = #tpu.pipeline_mode<synchronous>, transform_indices = @transform_3, window_bounds = array<i64: 8, 128>}, {pipeline_mode = #tpu.pipeline_mode<synchronous>, transform_indices = @transform_4, window_bounds = array<i64: 128, 128>}, {pipeline_mode = #tpu.pipeline_mode<synchronous>, transform_indices = @transform_5, window_bounds = array<i64: 1, 128>}, {pipeline_mode = #tpu.pipeline_mode<synchronous>, transform_indices = @transform_6, window_bounds = array<i64: 128, 128>}, {pipeline_mode = #tpu.pipeline_mode<synchronous>, transform_indices = @transform_7, window_bounds = array<i64: 1, 128>}, {pipeline_mode = #tpu.pipeline_mode<synchronous>, transform_indices = @transform_8, window_bounds = array<i64: 128, 128>}, {pipeline_mode = #tpu.pipeline_mode<synchronous>, transform_indices = @transform_9, window_bounds = array<i64: 128, 128>}, {pipeline_mode = #tpu.pipeline_mode<synchronous>, transform_indices = @transform_10, window_bounds = array<i64: 1, 128>}, {pipeline_mode = #tpu.pipeline_mode<synchronous>, transform_indices = @transform_11, window_bounds = array<i64: 128, 128>}, {pipeline_mode = #tpu.pipeline_mode<synchronous>, transform_indices = @transform_12, window_bounds = array<i64: 1, 128>}, {pipeline_mode = #tpu.pipeline_mode<synchronous>, transform_indices = @transform_13, window_bounds = array<i64: 128, 128>}, {pipeline_mode = #tpu.pipeline_mode<synchronous>, transform_indices = @transform_14, window_bounds = array<i64: 1, 128>}, {transform_indices = @transform_15, window_bounds = array<i64: 3136, 128>}]} {
    %get3A = arith.constant 0 : index
    %get3A_0 = arith.constant 0 : index
    %get3A_1 = arith.constant 0 : index
    %get3A_2 = vector.load %arg1[%get3A, %get3A_0, %get3A_1] : memref<2x3136x128xf32, #tpu.memory_space<vmem>>, vector<2x3136x128xf32>
    %reduce_sum3A = arith.constant dense<0.000000e+00> : vector<3136x128xf32>
    %reduce_sum3A_3 = vector.multi_reduction <add>, %get3A_2, %reduce_sum3A [0] : vector<2x3136x128xf32> to vector<3136x128xf32>
    %get3A_4 = arith.constant 0 : index
    %get3A_5 = arith.constant 0 : index
    %get3A_6 = arith.constant 0 : index
    %get3A_7 = vector.load %arg2[%get3A_4, %get3A_5, %get3A_6] : memref<2x3136x8xf32, #tpu.memory_space<vmem>>, vector<2x3136x8xf32>
    %reduce_sum3A_8 = arith.constant dense<0.000000e+00> : vector<3136x8xf32>
    %reduce_sum3A_9 = vector.multi_reduction <add>, %get3A_7, %reduce_sum3A_8 [0] : vector<2x3136x8xf32> to vector<3136x8xf32>
    %get3A_10 = arith.constant 0 : index
    %get3A_11 = arith.constant 0 : index
    %get3A_12 = vector.load %arg5[%get3A_10, %get3A_11] : memref<128x128xf32, #tpu.memory_space<vmem>>, vector<128x128xf32>
    %dot_general3A = arith.constant dense<0.000000e+00> : vector<3136x128xf32>
    %dot_general3A_13 = tpu.matmul %reduce_sum3A_3, %get3A_12, %dot_general3A {dimension_numbers = #tpu.dot_dimension_numbers<[1], [0], [0], [1], [0, 0, 1, 1], [], []>, precision = #tpu.contract_precision<fp32>, transpose_lhs_hint = false} : vector<3136x128xf32>, vector<128x128xf32>, vector<3136x128xf32> -> vector<3136x128xf32>
    %get3A_14 = arith.constant 0 : index
    %get3A_15 = arith.constant 0 : index
    %get3A_16 = vector.load %arg4[%get3A_14, %get3A_15] : memref<8x128xf32, #tpu.memory_space<vmem>>, vector<8x128xf32>
    %dot_general3A_17 = arith.constant dense<0.000000e+00> : vector<3136x128xf32>
    %dot_general3A_18 = tpu.matmul %reduce_sum3A_9, %get3A_16, %dot_general3A_17 {dimension_numbers = #tpu.dot_dimension_numbers<[1], [0], [0], [1], [0, 0, 1, 1], [], []>, precision = #tpu.contract_precision<fp32>, transpose_lhs_hint = false} : vector<3136x8xf32>, vector<8x128xf32>, vector<3136x128xf32> -> vector<3136x128xf32>
    %get3A_19 = arith.constant 0 : index
    %get3A_20 = arith.constant 0 : index
    %get3A_21 = vector.load %arg6[%get3A_19, %get3A_20] : memref<1x128xf32, #tpu.memory_space<vmem>>, vector<1x128xf32>
    %mul3A = vector.broadcast %get3A_21 : vector<1x128xf32> to vector<3136x128xf32>
    %mul3A_22 = arith.mulf %dot_general3A_18, %mul3A : vector<3136x128xf32>
    %add3A = arith.addf %dot_general3A_13, %mul3A_22 : vector<3136x128xf32>
    %max3A = arith.constant 0.000000e+00 : f32
    %max3A_23 = vector.broadcast %max3A : f32 to vector<3136x128xf32>
    %max3A_24 = arith.maximumf %add3A, %max3A_23 : vector<3136x128xf32>
    %get3A_25 = arith.constant 0 : index
    %get3A_26 = arith.constant 0 : index
    %get3A_27 = vector.load %arg7[%get3A_25, %get3A_26] : memref<128x128xf32, #tpu.memory_space<vmem>>, vector<128x128xf32>
    %dot_general3A_28 = arith.constant dense<0.000000e+00> : vector<3136x128xf32>
    %dot_general3A_29 = tpu.matmul %max3A_24, %get3A_27, %dot_general3A_28 {dimension_numbers = #tpu.dot_dimension_numbers<[1], [0], [0], [1], [0, 0, 1, 1], [], []>, precision = #tpu.contract_precision<fp32>, transpose_lhs_hint = false} : vector<3136x128xf32>, vector<128x128xf32>, vector<3136x128xf32> -> vector<3136x128xf32>
    %get3A_30 = arith.constant 0 : index
    %get3A_31 = arith.constant 0 : index
    %get3A_32 = vector.load %arg8[%get3A_30, %get3A_31] : memref<1x128xf32, #tpu.memory_space<vmem>>, vector<1x128xf32>
    %add3A_33 = vector.broadcast %get3A_32 : vector<1x128xf32> to vector<3136x128xf32>
    %add3A_34 = arith.addf %dot_general3A_29, %add3A_33 : vector<3136x128xf32>
    %get3A_35 = arith.constant 0 : index
    %get3A_36 = arith.constant 0 : index
    %get3A_37 = vector.load %arg3[%get3A_35, %get3A_36] : memref<3136x128xf32, #tpu.memory_space<vmem>>, vector<3136x128xf32>
    %get3A_38 = arith.constant 0 : index
    %get3A_39 = arith.constant 0 : index
    %get3A_40 = vector.load %arg9[%get3A_38, %get3A_39] : memref<128x128xf32, #tpu.memory_space<vmem>>, vector<128x128xf32>
    %dot_general3A_41 = arith.constant dense<0.000000e+00> : vector<3136x128xf32>
    %dot_general3A_42 = tpu.matmul %add3A_34, %get3A_40, %dot_general3A_41 {dimension_numbers = #tpu.dot_dimension_numbers<[1], [0], [0], [1], [0, 0, 1, 1], [], []>, precision = #tpu.contract_precision<fp32>, transpose_lhs_hint = false} : vector<3136x128xf32>, vector<128x128xf32>, vector<3136x128xf32> -> vector<3136x128xf32>
    %get3A_43 = arith.constant 0 : index
    %get3A_44 = arith.constant 0 : index
    %get3A_45 = vector.load %arg10[%get3A_43, %get3A_44] : memref<128x128xf32, #tpu.memory_space<vmem>>, vector<128x128xf32>
    %dot_general3A_46 = arith.constant dense<0.000000e+00> : vector<3136x128xf32>
    %dot_general3A_47 = tpu.matmul %get3A_37, %get3A_45, %dot_general3A_46 {dimension_numbers = #tpu.dot_dimension_numbers<[1], [0], [0], [1], [0, 0, 1, 1], [], []>, precision = #tpu.contract_precision<fp32>, transpose_lhs_hint = false} : vector<3136x128xf32>, vector<128x128xf32>, vector<3136x128xf32> -> vector<3136x128xf32>
    %add3A_48 = arith.addf %dot_general3A_42, %dot_general3A_47 : vector<3136x128xf32>
    %get3A_49 = arith.constant 0 : index
    %get3A_50 = arith.constant 0 : index
    %get3A_51 = vector.load %arg11[%get3A_49, %get3A_50] : memref<1x128xf32, #tpu.memory_space<vmem>>, vector<1x128xf32>
    %add3A_52 = vector.broadcast %get3A_51 : vector<1x128xf32> to vector<3136x128xf32>
    %add3A_53 = arith.addf %add3A_48, %add3A_52 : vector<3136x128xf32>
    %max3A_54 = arith.constant 0.000000e+00 : f32
    %max3A_55 = vector.broadcast %max3A_54 : f32 to vector<3136x128xf32>
    %max3A_56 = arith.maximumf %add3A_53, %max3A_55 : vector<3136x128xf32>
    %get3A_57 = arith.constant 0 : index
    %get3A_58 = arith.constant 0 : index
    %get3A_59 = vector.load %arg12[%get3A_57, %get3A_58] : memref<128x128xf32, #tpu.memory_space<vmem>>, vector<128x128xf32>
    %dot_general3A_60 = arith.constant dense<0.000000e+00> : vector<3136x128xf32>
    %dot_general3A_61 = tpu.matmul %max3A_56, %get3A_59, %dot_general3A_60 {dimension_numbers = #tpu.dot_dimension_numbers<[1], [0], [0], [1], [0, 0, 1, 1], [], []>, precision = #tpu.contract_precision<fp32>, transpose_lhs_hint = false} : vector<3136x128xf32>, vector<128x128xf32>, vector<3136x128xf32> -> vector<3136x128xf32>
    %get3A_62 = arith.constant 0 : index
    %get3A_63 = arith.constant 0 : index
    %get3A_64 = vector.load %arg13[%get3A_62, %get3A_63] : memref<1x128xf32, #tpu.memory_space<vmem>>, vector<1x128xf32>
    %add3A_65 = vector.broadcast %get3A_64 : vector<1x128xf32> to vector<3136x128xf32>
    %add3A_66 = arith.addf %dot_general3A_61, %add3A_65 : vector<3136x128xf32>
    %get3A_67 = arith.constant 0 : index
    %get3A_68 = arith.constant 0 : index
    %get3A_69 = vector.load %arg14[%get3A_67, %get3A_68] : memref<128x128xf32, #tpu.memory_space<vmem>>, vector<128x128xf32>
    %dot_general3A_70 = arith.constant dense<0.000000e+00> : vector<3136x128xf32>
    %dot_general3A_71 = tpu.matmul %add3A_66, %get3A_69, %dot_general3A_70 {dimension_numbers = #tpu.dot_dimension_numbers<[1], [0], [0], [1], [0, 0, 1, 1], [], []>, precision = #tpu.contract_precision<fp32>, transpose_lhs_hint = false} : vector<3136x128xf32>, vector<128x128xf32>, vector<3136x128xf32> -> vector<3136x128xf32>
    %get3A_72 = arith.constant 0 : index
    %get3A_73 = arith.constant 0 : index
    %get3A_74 = vector.load %arg15[%get3A_72, %get3A_73] : memref<1x128xf32, #tpu.memory_space<vmem>>, vector<1x128xf32>
    %add3A_75 = vector.broadcast %get3A_74 : vector<1x128xf32> to vector<3136x128xf32>
    %add3A_76 = arith.addf %dot_general3A_71, %add3A_75 : vector<3136x128xf32>
    %max3A_77 = arith.constant 0.000000e+00 : f32
    %max3A_78 = vector.broadcast %max3A_77 : f32 to vector<3136x128xf32>
    %max3A_79 = arith.maximumf %add3A_76, %max3A_78 : vector<3136x128xf32>
    %swap3A = arith.constant 0 : index
    %swap3A_80 = arith.constant 0 : index
    %swap3A_81 = vector.load %arg16[%swap3A, %swap3A_80] : memref<3136x128xf32, #tpu.memory_space<vmem>>, vector<3136x128xf32>
    tpu.vector_store %arg16[%swap3A, %swap3A_80], %max3A_79 {strides = array<i32>} : memref<3136x128xf32, #tpu.memory_space<vmem>>, vector<3136x128xf32>,
    return
  }
  func.func @transform_0(%arg0: i32) -> (i32, i32, i32) {
    %c0_i32 = arith.constant 0 : i32
    %c0_i32_0 = arith.constant 0 : i32
    %c0_i32_1 = arith.constant 0 : i32
    return %c0_i32, %arg0, %c0_i32_0 : i32, i32, i32
  }
  func.func @transform_1(%arg0: i32) -> (i32, i32, i32) {
    %c0_i32 = arith.constant 0 : i32
    %c0_i32_0 = arith.constant 0 : i32
    %c0_i32_1 = arith.constant 0 : i32
    return %c0_i32, %arg0, %c0_i32_0 : i32, i32, i32
  }
  func.func @transform_2(%arg0: i32) -> (i32, i32) {
    %c0_i32 = arith.constant 0 : i32
    %c0_i32_0 = arith.constant 0 : i32
    return %arg0, %c0_i32 : i32, i32
  }
  func.func @transform_3(%arg0: i32) -> (i32, i32) {
    %c0_i32 = arith.constant 0 : i32
    %c0_i32_0 = arith.constant 0 : i32
    %c0_i32_1 = arith.constant 0 : i32
    return %c0_i32, %c0_i32_0 : i32, i32
  }
  func.func @transform_4(%arg0: i32) -> (i32, i32) {
    %c0_i32 = arith.constant 0 : i32
    %c0_i32_0 = arith.constant 0 : i32
    %c0_i32_1 = arith.constant 0 : i32
    return %c0_i32, %c0_i32_0 : i32, i32
  }
  func.func @transform_5(%arg0: i32) -> (i32, i32) {
    %c0_i32 = arith.constant 0 : i32
    %c0_i32_0 = arith.constant 0 : i32
    %c0_i32_1 = arith.constant 0 : i32
    return %c0_i32, %c0_i32_0 : i32, i32
  }
  func.func @transform_6(%arg0: i32) -> (i32, i32) {
    %c0_i32 = arith.constant 0 : i32
    %c0_i32_0 = arith.constant 0 : i32
    %c0_i32_1 = arith.constant 0 : i32
    return %c0_i32, %c0_i32_0 : i32, i32
  }
  func.func @transform_7(%arg0: i32) -> (i32, i32) {
    %c0_i32 = arith.constant 0 : i32
    %c0_i32_0 = arith.constant 0 : i32
    %c0_i32_1 = arith.constant 0 : i32
    return %c0_i32, %c0_i32_0 : i32, i32
  }
  func.func @transform_8(%arg0: i32) -> (i32, i32) {
    %c0_i32 = arith.constant 0 : i32
    %c0_i32_0 = arith.constant 0 : i32
    %c0_i32_1 = arith.constant 0 : i32
    return %c0_i32, %c0_i32_0 : i32, i32
  }
  func.func @transform_9(%arg0: i32) -> (i32, i32) {
    %c0_i32 = arith.constant 0 : i32
    %c0_i32_0 = arith.constant 0 : i32
    %c0_i32_1 = arith.constant 0 : i32
    return %c0_i32, %c0_i32_0 : i32, i32
  }
  func.func @transform_10(%arg0: i32) -> (i32, i32) {
    %c0_i32 = arith.constant 0 : i32
    %c0_i32_0 = arith.constant 0 : i32
    %c0_i32_1 = arith.constant 0 : i32
    return %c0_i32, %c0_i32_0 : i32, i32
  }
  func.func @transform_11(%arg0: i32) -> (i32, i32) {
    %c0_i32 = arith.constant 0 : i32
    %c0_i32_0 = arith.constant 0 : i32
    %c0_i32_1 = arith.constant 0 : i32
    return %c0_i32, %c0_i32_0 : i32, i32
  }
  func.func @transform_12(%arg0: i32) -> (i32, i32) {
    %c0_i32 = arith.constant 0 : i32
    %c0_i32_0 = arith.constant 0 : i32
    %c0_i32_1 = arith.constant 0 : i32
    return %c0_i32, %c0_i32_0 : i32, i32
  }
  func.func @transform_13(%arg0: i32) -> (i32, i32) {
    %c0_i32 = arith.constant 0 : i32
    %c0_i32_0 = arith.constant 0 : i32
    %c0_i32_1 = arith.constant 0 : i32
    return %c0_i32, %c0_i32_0 : i32, i32
  }
  func.func @transform_14(%arg0: i32) -> (i32, i32) {
    %c0_i32 = arith.constant 0 : i32
    %c0_i32_0 = arith.constant 0 : i32
    %c0_i32_1 = arith.constant 0 : i32
    return %c0_i32, %c0_i32_0 : i32, i32
  }
  func.func @transform_15(%arg0: i32) -> (i32, i32) {
    %c0_i32 = arith.constant 0 : i32
    %c0_i32_0 = arith.constant 0 : i32
    return %arg0, %c0_i32 : i32, i32
  }
}

</mosaic_0001>

<sc_bundles>
// kernel: kernel.11.cloned.1.call-start
scs
__scs_entry_jumppad:
0x0: {  	(pc) =	sbr.rel $0x88, $3  }
0x1: {  	(tag) =	ssettag $0x0;
	lr =	simm.s32 $0x1  }
0x2: {  	[smem:$0x3F77] =	sst lr;
	_ =	strace $0xD0000000  }
0x3: {  	_ = 	snop  }
0x4: {  	_ = 	snop  }
0x5: {  	_ = 	snop  }
0x6: {  	_ = 	snop  }
0x7: {  	_ = 	snop  }
__scs_overlays_trampoline_lowered:
0x8: {  	[smem:$0x3F86] =	sst s0  }
0x9: {  	[smem:$0x3F87] =	sst s1  }
0xa: {  	[smem:$0x3F88] =	sst s2  }
0xb: {  	[smem:$0x3F89] =	sst s3  }
0xc: {  	[smem:$0x3F8A] =	sst s4  }
0xd: {  	[smem:$0x3F8B] =	sst s5  }
0xe: {  	[smem:$0x3F8C] =	sst s6  }
0xf: {  	[smem:$0x3F8D] =	sst s7  }
0x10: {  	[smem:$0x3F8E] =	sst s8  }
0x11: {  	[smem:$0x3F8F] =	sst s9;
	s0 =	simm.s32 @!p0 $0x0  }
0x12: {  	s1 =	sld [smem:$0x3F75];
	s0 =	simm.s32 @p0 $0x1  }
0x13: {  	[smem:$0x3F90] =	sst s0;
	s0 =	simm.s32 @!p1 $0x0  }
0x14: {  	s2 =	sld [smem:$0x3F74];
	s0 =	simm.s32 @p1 $0x1  }
0x15: {  	[smem:$0x3F91] =	sst s0;
	s0 =	simm.s32 @!p2 $0x0  }
0x16: {  	s3 =	sld [smem:$0x3FDB];
	s0 =	simm.s32 @p2 $0x1  }
0x17: {  	s4 =	simm.s32 $0x1BF5;
	[smem:$0x3F93] =	sst s0  }
0x18: {  	s0 =	sld [smem:$0x3F76];
	_ =	swait.ge [sflag:s4], $0x0  }
0x19: {  	s7 =	sld [smem:$0x3F77]  }
0x1a: {  	s8 =	sadd.s32 $0xFFFFE003, lr  }
0x1b: {  	s9 =	sadd.s32 $0xFFFFFEF7, lr;
	s5 =	simm.s32 $0xFFFFFFFF;
	p2 =	slt.u32 s8, $0xFFFFF086  }
0x1c: {  	p1 =	slt.u32 s9, $0xF7A;
	s5 =	simm.s32 @!p2 $0x0  }
0x1d: {  	s5 =	simm.s32 @p1 $0x1;
	p0 =	seq.s32 s7, s2  }
0x1e: {  	s7 =	smul.u32 @!p0 $0xF7A, s2;
	p2 =	seq.s32 @!p0 s5, $0x0  }
0x1f: {  	s9 =	smul.u32 $0xF7A, s1;
	s8 =	simm.s32 @!p0 $0x1BF5;
	p2 =	por !p2, p0  }
0x20: {  	[sflag:s8] =	ssyncset.s32 @!p0 $0xFFFFF086;
	s6 =	sadd.s32 @!p0 s3, s7;
	s7 =	simm.s32 @!p0 $0x108  }
0x21: {  	s3 =	sadd.s32 s3, s9;
	s6 =	sadd.s32 @!p0 $0x88, s6;
	s7 =	simm.s32 @p2 $0x1082  }
0x22: {  	[simem:s7], [sflag:s8] =	dma.local @!p0 [hbm:s6], $0xF7A  }
0x23: {  	s9 =	sor.u32 $0xD0000000, s2;
	s6 =	simm.s32 $0x108;
	_ =	swait.ge @!p0 [sflag:s8], $0x0  }
0x24: {  	s3 =	sadd.s32 $0x88, s3;
	s6 =	simm.s32 @!p1 $0x1082;
	[sflag:s4] =	ssyncset.s32 $0xFFFFF086  }
0x25: {  	[simem:s6], [sflag:s4] =	dma.local [hbm:s3], $0xF7A  }
0x26: {  	[smem:$0x3F77] =	sst s1;
	(tag) =	ssettag s2;
	_ =	strace s9  }
0x27: {  	s1 =	sld [smem:$0x3F87]  }
0x28: {  	s2 =	sld [smem:$0x3F88]  }
0x29: {  	s4 =	sld [smem:$0x3F8A]  }
0x2a: {  	p0 =	seq.s32 s5, $0x0;
	s5 =	sld [smem:$0x3F8B]  }
0x2b: {  	s6 =	sld [smem:$0x3F8C]  }
0x2c: {  	s7 =	sld [smem:$0x3F8D]  }
0x2d: {  	s3 =	simm.s32 $0x108;
	s8 =	sld [smem:$0x3F8E]  }
0x2e: {  	s3 =	simm.s32 @!p0 $0x1082;
	s9 =	sld [smem:$0x3F8F]  }
0x2f: {  	lr =	sadd.s32 s0, s3;
	s0 =	sld [smem:$0x3F86]  }
0x30: {  	s3 =	sld [smem:$0x3F89]  }
0x31: {  	[smem:$0x3F92] =	sst s10  }
0x32: {  	s10 =	sld [smem:$0x3F90];
	_ =	sdelay $0x3  }
0x33: {  	p0 =	seq.s32 s10, $0x1;
	s10 =	sld [smem:$0x3F92];
	_ =	sdelay $0x3  }
0x34: {  	[smem:$0x3F92] =	sst s10  }
0x35: {  	s10 =	sld [smem:$0x3F91];
	_ =	sdelay $0x3  }
0x36: {  	p1 =	seq.s32 s10, $0x1;
	s10 =	sld [smem:$0x3F92];
	_ =	sdelay $0x3  }
0x37: {  	[smem:$0x3F92] =	sst s10  }
0x38: {  	s10 =	sld [smem:$0x3F93]  }
0x39: {  	_ = 	snop;
	(pc) =	sbr.ind lr, $3  }
0x3a: {  	_ = 	snop  }
0x3b: {  	_ = 	snop  }
0x3c: {  	p2 =	seq.s32 s10, $0x1;
	s10 =	sld [smem:$0x3F92]  }
0x3d: {  	_ =	shalt  }
0x3e: {  	_ =	shalt  }
0x3f: {  	_ =	shalt  }
0x40: {  	_ =	shalt  }
0x41: {  	_ =	shalt  }
0x42: {  	_ =	shalt  }
0x43: {  	_ =	shalt  }
0x44: {  	_ =	shalt  }
0x45: {  	_ =	shalt  }
0x46: {  	_ =	shalt  }
0x47: {  	_ =	shalt  }
0x48: {  	_ =	shalt  }
0x49: {  	_ =	shalt  }
0x4a: {  	_ =	shalt  }
0x4b: {  	_ =	shalt  }
0x4c: {  	_ =	shalt  }
0x4d: {  	_ =	shalt  }
0x4e: {  	_ =	shalt  }
0x4f: {  	_ =	shalt  }
0x50: {  	_ =	shalt  }
0x51: {  	_ =	shalt  }
0x52: {  	_ =	shalt  }
0x53: {  	_ =	shalt  }
0x54: {  	_ =	shalt  }
0x55: {  	_ =	shalt  }
0x56: {  	_ =	shalt  }
0x57: {  	_ =	shalt  }
0x58: {  	_ =	shalt  }
0x59: {  	_ =	shalt  }
0x5a: {  	_ =	shalt  }
0x5b: {  	_ =	shalt  }
0x5c: {  	_ =	shalt  }
0x5d: {  	_ =	shalt  }
0x5e: {  	_ =	shalt  }
0x5f: {  	_ =	shalt  }
0x60: {  	_ =	shalt  }
0x61: {  	_ =	shalt  }
0x62: {  	_ =	shalt  }
0x63: {  	_ =	shalt  }
0x64: {  	_ =	shalt  }
0x65: {  	_ =	shalt  }
0x66: {  	_ =	shalt  }
0x67: {  	_ =	shalt  }
0x68: {  	_ =	shalt  }
0x69: {  	_ =	shalt  }
0x6a: {  	_ =	shalt  }
0x6b: {  	_ =	shalt  }
0x6c: {  	_ =	shalt  }
0x6d: {  	_ =	shalt  }
0x6e: {  	_ =	shalt  }
0x6f: {  	_ =	shalt  }
0x70: {  	_ =	shalt  }
0x71: {  	_ =	shalt  }
0x72: {  	_ =	shalt  }
0x73: {  	_ =	shalt  }
0x74: {  	_ =	shalt  }
0x75: {  	_ =	shalt  }
0x76: {  	_ =	shalt  }
0x77: {  	_ =	shalt  }
0x78: {  	_ =	shalt  }
0x79: {  	_ =	shalt  }
0x7a: {  	_ =	shalt  }
0x7b: {  	_ =	shalt  }
0x7c: {  	_ =	shalt  }
0x7d: {  	_ =	shalt  }
0x7e: {  	_ =	shalt  }
0x7f: {  	_ =	shalt  }
0x80: {  	_ =	shalt  }
0x81: {  	_ =	shalt  }
0x82: {  	_ =	shalt  }
0x83: {  	_ =	shalt  }
0x84: {  	_ =	shalt  }
0x85: {  	_ =	shalt  }
0x86: {  	_ =	shalt  }
0x87: {  	_ =	shalt  }
.Lfunc_end0:
.L_simem_size_0:
called_computation.1_lowered:
.L_overlay_start_0:
0x88: {  	s2 =	sld [smem:$0x3FD9]  }
0x89: {  	s3 =	sld [smem:$0x3FFE];
	_ =	sdelay $0x1  }
0x8a: {  	s1 =	srdreg.scid  }
0x8b: {  	s0 =	sand.u32 $0x1, s1  }
0x8c: {  	s17 =	sshll.u32 s0, $0xA;
	s2 =	sadd.s32 s3, s2  }
0x8d: {  	s2 =	sadd.s32 s2, s17  }
0x8e: {  	[smem:$0x3F9E] =	sst s2  }
0x8f: {  	_ = 	snop  }
0x90: {  	(tm) =	ssettm $0x1  }
0x91: {  	s18 =	sld [smem:$0x3FFB];
	_ =	sdelay $0x3  }
0x92: {  	_ =	strace s18  }
0x93: {  	s2 =	sld [smem:$0x3FFC];
	_ =	sdelay $0x3  }
0x94: {  	_ =	strace s2  }
0x95: {  	s2 =	sld [smem:$0x3FFD];
	_ =	sdelay $0x3  }
0x96: {  	_ =	strace s2  }
0x97: {  	_ =	strace $0x8FFFFFFF  }
0x98: {  	s19 =	sld [smem:$0x3FDB];
	_ =	sdelay $0x1  }
0x99: {  	s20 =	simm.s32 $_scs_section_size  }
0x9a: {  	s4 =	simm.s32 $_size__tile_overlayer_lowered;
	s5 =	simm.s32 $_tile_overlayer_lowered  }
0x9b: {  	s6 =	simm.s32 $0x1BFF;
	s21 =	sshll.u32 s5, $0x1;
	s3 =	sadd.s32 s20, s19  }
0x9c: {  	s22 =	simm.s32 $0x0;
	s4 =	sshll.u32 s4, $0x1;
	s5 =	sadd.s32 s21, s3  }
0x9d: {  	[timem:s22], [sflag:s6] =	dma.local [hbm:s5], s4  }
0x9e: {  	_ =	swait.ge [sflag:s6], s4  }
0x9f: {  	s4 =	ssub.s32 $0x0, s4;
	[sflag:s6] =	ssyncset.done $0x0  }
0xa0: {  	[sflag:s6] =	ssyncadd.s32 s4;
	_ =	sdelay $0x1  }
0xa1: {  	s23 =	simm.s32 $0x1B8B  }
0xa2: {  	_ =	swait.ge [sflag:s23], $0x1  }
0xa3: {  	[sflag:s23] =	ssyncset.done $0x0  }
0xa4: {  	[sflag:s23] =	ssyncadd.s32 $0xFFFFFFFF  }
0xa5: {  	s4 =	sld [smem:$0x0]  }
0xa6: {  	s5 =	sand.u32 $0xFFFFFFFE, s1  }
0xa7: {  	p0 =	sne.s32 s1, s5  }
0xa8: {  	s5 =	sshll.u32 @p0 s5, $0xE  }
0xa9: {  	s5 =	sadd.s32 @p0 $0x11B8D, s5;
	s6 =	sshll.u32 @p0 s4, $0x11  }
0xaa: {  	s5 =	sor.u32 @p0 s6, s5  }
0xab: {  	[sflag:s5] =	ssyncadd.remote.s32 @p0 $0x1;
	_ =	sdelay $0x1  }
0xac: {  	s5 =	simm.s32 @p0 $0x1B8D  }
0xad: {  	_ =	swait.eq @p0 [sflag:s5], $0x1  }
0xae: {  	[sflag:s5] =	ssyncadd.s32 @p0 $0xFFFFFFFF  }
0xaf: {  	s6 =	sshll.u32 @!p0 s1, $0xE  }
0xb0: {  	s6 =	sor.u32 @!p0 $0x4000, s6;
	s5 =	simm.s32 @!p0 $0x1B8D  }
0xb1: {  	s4 =	sshll.u32 @!p0 s4, $0x11;
	s6 =	sadd.s32 @!p0 $0x11B8D, s6;
	_ =	swait.eq @!p0 [sflag:s5], $0x1  }
0xb2: {  	s4 =	sor.u32 @!p0 s4, s6;
	[sflag:s5] =	ssyncadd.s32 @!p0 $0xFFFFFFFF  }
0xb3: {  	s25 =	simm.s32 $0x1B8E;
	s24 =	sld [smem:$0x3FFE];
	[sflag:s4] =	ssyncadd.remote.s32 @!p0 $0x1  }
0xb4: {  	s26 =	simm.s32 $execute0_lowered;
	[smem:$0x3FD2] =	sst s25  }
0xb5: {  	s5 =	sshll.u32 s26, $0x1;
	_ =	strace $0x80000049;
	[dreg:$0x1] =	wrdreg $0xFFFFFFFF  }
0xb6: {  	s28 =	simm.s32 $_size_execute0_lowered;
	s3 =	sadd.s32 s3, s5;
	[dreg:$0x0] =	wrdreg $0x0  }
0xb7: {  	s5 =	sshll.u32 s28, $0x1;
	[dreg:$0x2] =	wrdreg s3  }
0xb8: {  	[dreg:$0x3] =	wrdreg s5  }
0xb9: {  	[dreg:$0x4] =	wrdreg $0xC0  }
0xba: {  	_ =	task [dreg:s22], $0x5FFFF  }
0xbb: {  	[dreg:$0x1] =	wrdreg $0xFFFFFFFF  }
0xbc: {  	[dreg:$0x0] =	wrdreg $0x60  }
0xbd: {  	[dreg:$0x2] =	wrdreg s24  }
0xbe: {  	[dreg:$0x3] =	wrdreg $0x0  }
0xbf: {  	[dreg:$0x4] =	wrdreg $0xA  }
0xc0: {  	_ =	task.clear_ibuf [dreg:s22], $0x5FFFF;
	_ =	strace $0x90000049  }
0xc1: {  	s29 =	simm.s32 $0xA;
	_ =	strace $0x8000004B  }
0xc2: {  	_ =	swait.ge [sflag:s29], $0x1  }
0xc3: {  	[sflag:s29] =	ssyncadd.s32 $0xFFFFFFFF  }
0xc4: {  	_ =	strace $0x9000004B  }
0xc5: {  	_ =	sfence  }
0xc6: {  	s30 =	sld [smem:$0x0];
	_ =	sdelay $0x2  }
0xc7: {  	s31 =	sshll.u32 s1, $0xD;
	s1 =	sshrl.u32 s1, $0x2  }
0xc8: {  	s4 =	sand.u32 $0x4000, s31;
	s1 =	sadd.s32 s1, s30  }
0xc9: {  	s0 =	sor.u32 s4, s0;
	s1 =	sshll.u32 s1, $0x11  }
0xca: {  	s0 =	sor.u32 s1, s0  }
0xcb: {  	s0 =	sadd.s32 $0x8F2B, s0  }
0xcc: {  	[sflag:s0] =	ssyncadd.remote.s32 $0x1  }
0xcd: {  	_ =	sfence.sel $0xFFFF  }
0xce: {  	[dreg:$0x0] =	wrdreg $0xFFFFFFFF;
	(pc) =	sbr.abs _section_cstart, $3  }
0xcf: {  	[dreg:$0x1] =	wrdreg $0xFFFFFFFF  }
0xd0: {  	_ =	task.clear_ibuf [dreg:s22], $0x2FFFF;
	_ =	strace $0x9FFFFFFF  }
0xd1: {  	(tm) =	ssettm $0x7FFFFFFF  }
tec
execute0_lowered:
.L_overlay_start_1:
0x0: {  	(tag) =	ssettag $0x1  }
0x1: {  	s0 =	rddreg [dreg:$0x0]  }
0x2: {  	s1 =	rddreg [dreg:$0x1];
	s2 =	simm.s32 $0x0  }
0x3: {  	s3 =	srdreg.scid;
	s29 =	simm.s32 $0x1AB00;
	s30 =	simm.s32 $0x1AC00  }
0x4: {  	s31 =	simm.s32 $0x1AD00;
	[smem:$0x7FF] =	sst s2;
	s4 =	sadd.s32 $0xB600, s0  }
0x5: {  	s13 =	stileid.u32;
	s5 =	sadd.s32 $0x162600, s0;
	s6 =	sadd.s32 $0x1C4800, s0  }
0x6: {  	s9 =	smul.u32 $0x18800, s13;
	s7 =	sadd.s32 $0x6D600, s0;
	s8 =	sadd.s32 $0x100600, s0  }
0x7: {  	s3 =	sand.u32 $0x1, s3;
	s11 =	sadd.s32 $0x1C4600, s0;
	s20 =	sadd.s32 $0x226800, s0  }
0x8: {  	s22 =	sshll.u32 s13, $0x6;
	_ =	strace $0x8000004A;
	[dreg:$0x3] =	wrdreg s11  }
0x9: {  	s10 =	smul.u32 $0x188000, s3;
	[dreg:$0x4] =	wrdreg s20;
	s21 =	sshll.u32 s3, $0x4  }
0xa: {  	s3 =	ssub.s32 $0x2, s3;
	s20 =	simm.s32 $0x3;
	s11 =	sor.u32 s13, s21  }
0xb: {  	s12 =	sshrl.u32 s3, $0x1;
	s21 =	simm.s32 $0x1;
	s10 =	sadd.s32 s9, s10  }
0xc: {  	s11 =	smul.u32 $0x18800, s11;
	s3 =	ssub.s32 s3, s12;
	s12 =	sor.u32 $0x1C03, s22  }
0xd: {  	s9 =	sadd.s32 s9, s1;
	s28 =	smax.u32 s3, $0x1;
	[dreg:$0x5] =	wrdreg s12  }
0xe: {  	s23 =	sshrl.u32 s11, $0x3;
	s26 =	sor.u32 $0x200, s11;
	[dreg:$0xb] =	wrdreg s28  }
0xf: {  	s10 =	sshrl.u32 s10, $0x3;
	s24 =	sadd.s32 s4, s23;
	[dreg:$0x9] =	wrdreg s26  }
0x10: {  	s0 =	sadd.s32 s10, s0;
	s25 =	sadd.s32 s7, s23;
	[dreg:$0x6] =	wrdreg s24  }
0x11: {  	s15 =	sor.u32 $0x100, s11;
	s10 =	sadd.s32 s5, s23;
	[dreg:$0x7] =	wrdreg s25  }
0x12: {  	s11 =	simm.s32 $0x0;
	s0 =	sadd.s32 $0x229A00, s0;
	[dreg:$0x8] =	wrdreg s10  }
0x13: {  	s23 =	simm.s32 $0x18900;
	s26 =	simm.s32 $0x18B00;
	[dreg:$0xa] =	wrdreg s0  }
0x14: {  	v0 =	vimm.s32 $0x0;
	vm0 =	vcmask $0x300;
	s10 =	sshrl.u32 s9, $0x3;
	s24 =	simm.s32 $0x18A00;
	s25 =	simm.s32 $0x100  }
0x15: {  	v0 =	vsel vm0, $0x3, v0;
	s0 =	simm.s32 $0x1AE00;
	s9 =	simm.s32 $0x2;
	[dreg:$0xc] =	wrdreg s10  }
.LBB2_1:
0x16: {  	[dreg:$0xd] =	wrdreg s11  }
0x17: {  	s3 =	rddreg [dreg:$0x4]  }
0x18: {  	[spmem:s10], [sflag:s12] =	dma.local [hbm:s3], $0x3100  }
0x19: {  	_ =	swait.ge [sflag:s20], $0x3100  }
0x1a: {  	[sflag:s20] =	ssyncset.done $0x0  }
0x1b: {  	s16 =	simm.s32 $0x1CE00;
	s14 =	rddreg [dreg:$0x3];
	[sflag:s20] =	ssyncadd.s32 $0xFFFFCF00  }
0x1c: {  	[tilespmem:s16], [sflag:$0x3] =	stream.linear.gather [hbm4b:s14+s2], $0x40, $0x38;
	[tilespmem:$0x1CE40] =	vst v63  }
0x1d: {  	_ =	swait.ge [sflag:s20], $0x40  }
0x1e: {  	[sflag:s20] =	ssyncset.done $0x0  }
0x1f: {  	[sflag:s20] =	ssyncadd.s32 $0xFFFFFFC0  }
0x20: {  	[bflag:$0x0] =	sbarrier.arrive $0xFFFF  }
0x21: {  	v1 =	vld [tilespmem:$0x1CE00]  }
0x22: {  	s18 =	simm.s32 $0x18800;
	v2 =	vld [tilespmem:$0x1CE10];
	s17 =	rddreg [dreg:$0x6]  }
0x23: {  	v3 =	vld [tilespmem:$0x1CE20];
	[tilespmem:s18], [sflag:$0x3] =	stream.linear.gather [hbm4b:s17+s2], $0x100, $0x38  }
0x24: {  	_ =	swait.ge [sflag:s20], $0x100  }
0x25: {  	[sflag:s20] =	ssyncset.done $0x0  }
0x26: {  	s19 =	rddreg [dreg:$0x7];
	[sflag:s20] =	ssyncadd.s32 $0xFFFFFF00  }
0x27: {  	[tilespmem:s23], [sflag:$0x3] =	stream.linear.gather [hbm4b:s19+s2], $0x100, $0x38;
	[tilespmem:$0x1CE40] =	vst v63  }
0x28: {  	_ =	swait.ge [sflag:s20], $0x100  }
0x29: {  	[sflag:s20] =	ssyncset.done $0x0  }
0x2a: {  	s22 =	rddreg [dreg:$0x8];
	[sflag:s20] =	ssyncadd.s32 $0xFFFFFF00  }
0x2b: {  	[tilespmem:s24], [sflag:$0x3] =	stream.linear.gather [hbm4b:s22+s2], $0x100, $0x38;
	[tilespmem:$0x1CE40] =	vst v63  }
0x2c: {  	_ =	swait.ge [sflag:s20], $0x100  }
0x2d: {  	[sflag:s20] =	ssyncset.done $0x0  }
0x2e: {  	[sflag:s20] =	ssyncadd.s32 $0xFFFFFF00  }
0x2f: {  	[tilespmem:s26], [sflag:$0x1] =	stream.indirect.gather [hbm4b:s6+s25], $0x10, s18, s25, $0xb8;
	[tilespmem:$0x1CE40] =	vst v63  }
0x30: {  	s28 =	simm.s32 $0x19B00  }
0x31: {  	[tilespmem:s28], [sflag:$0x1] =	stream.indirect.gather [hbm4b:s8+s25], $0x10, s23, s25, $0xb8;
	[tilespmem:$0x1CE40] =	vst v63  }
0x32: {  	v4 =	vld [tilespmem:$0x18A00]  }
0x33: {  	v5 =	vld [tilespmem:$0x18A10]  }
0x34: {  	v6 =	vld [tilespmem:$0x18A20]  }
0x35: {  	v7 =	vld [tilespmem:$0x18A30]  }
0x36: {  	v8 =	vld [tilespmem:$0x18A40]  }
0x37: {  	v9 =	vld [tilespmem:$0x18A50];
	v4 =	vmul.f32 v4, v2  }
0x38: {  	v10 =	vld [tilespmem:$0x18A60];
	v5 =	vmul.f32 v5, v2  }
0x39: {  	v11 =	vld [tilespmem:$0x18A70];
	v6 =	vmul.f32 v6, v2;
	v4 =	vadd.f32 v4, v3  }
0x3a: {  	v12 =	vld [tilespmem:$0x18A80];
	v7 =	vmul.f32 v7, v2;
	v5 =	vadd.f32 v5, v3  }
0x3b: {  	v13 =	vld [tilespmem:$0x18A90];
	v8 =	vmul.f32 v8, v2;
	v6 =	vadd.f32 v6, v3;
	v4 =	vmax.f32 v4, $0.0e+00  }
0x3c: {  	v42 =	vld [tilespmem:$0x18AA0];
	v41 =	vmul.f32 v9, v2;
	[tilespmem:$0x18A00] =	vst v4;
	v4 =	vmax.f32 v5, $0.0e+00;
	v5 =	vadd.f32 v7, v3  }
0x3d: {  	v45 =	vld [tilespmem:$0x18AB0];
	v44 =	vmul.f32 v10, v2;
	v43 =	vadd.f32 v8, v3;
	[tilespmem:$0x18A10] =	vst v4;
	v4 =	vmax.f32 v6, $0.0e+00  }
0x3e: {  	v47 =	vld [tilespmem:$0x18AC0];
	v46 =	vmul.f32 v11, v2;
	[tilespmem:$0x18A20] =	vst v4;
	v4 =	vmax.f32 v5, $0.0e+00;
	v5 =	vadd.f32 v41, v3  }
0x3f: {  	v50 =	vld [tilespmem:$0x18AD0];
	v49 =	vmul.f32 v12, v2;
	v48 =	vadd.f32 v44, v3;
	[tilespmem:$0x18A30] =	vst v4;
	v4 =	vmax.f32 v43, $0.0e+00  }
0x40: {  	v52 =	vld [tilespmem:$0x18AE0];
	v51 =	vmul.f32 v13, v2;
	[tilespmem:$0x18A40] =	vst v4;
	v4 =	vmax.f32 v5, $0.0e+00;
	v5 =	vadd.f32 v46, v3  }
0x41: {  	v55 =	vld [tilespmem:$0x18AF0];
	v54 =	vmul.f32 v42, v2;
	v53 =	vadd.f32 v49, v3;
	[tilespmem:$0x18A50] =	vst v4;
	v4 =	vmax.f32 v48, $0.0e+00  }
0x42: {  	v56 =	vmul.f32 v45, v2;
	[tilespmem:$0x18A60] =	vst v4;
	v4 =	vmax.f32 v5, $0.0e+00;
	v5 =	vadd.f32 v51, v3  }
0x43: {  	v58 =	vmul.f32 v47, v2;
	v57 =	vadd.f32 v54, v3;
	[tilespmem:$0x18A70] =	vst v4;
	v4 =	vmax.f32 v53, $0.0e+00  }
0x44: {  	v59 =	vmul.f32 v50, v2;
	[tilespmem:$0x18A80] =	vst v4;
	v4 =	vmax.f32 v5, $0.0e+00;
	v5 =	vadd.f32 v56, v3  }
0x45: {  	v61 =	vmul.f32 v52, v2;
	v60 =	vadd.f32 v58, v3;
	[tilespmem:$0x18A90] =	vst v4;
	v4 =	vmax.f32 v57, $0.0e+00  }
0x46: {  	v62 =	vmul.f32 v55, v2;
	[tilespmem:$0x18AA0] =	vst v4;
	v4 =	vmax.f32 v5, $0.0e+00;
	v5 =	vadd.f32 v59, v3  }
0x47: {  	v63 =	vadd.f32 v61, v3;
	[tilespmem:$0x18AB0] =	vst v4;
	v4 =	vmax.f32 v60, $0.0e+00  }
0x48: {  	[tilespmem:$0x18AC0] =	vst v4;
	v4 =	vmax.f32 v5, $0.0e+00;
	v5 =	vadd.f32 v62, v3  }
0x49: {  	[tilespmem:$0x18AD0] =	vst v4;
	v4 =	vmax.f32 v63, $0.0e+00  }
0x4a: {  	[tilespmem:$0x18AE0] =	vst v4;
	v4 =	vmax.f32 v5, $0.0e+00  }
0x4b: {  	s12 =	simm.s32 $0x0;
	[tilespmem:$0x18AF0] =	vst v4  }
.LBB2_2:
0x4c: {  	s13 =	sshll.u32 s12, $0x9  }
0x4d: {  	s10 =	sadd.s32 s13, s15  }
0x4e: {  	s10 =	sshrl.u32 s10, $0x3  }
0x4f: {  	s11 =	simm.s32 $0x0;
	s14 =	sadd.s32 s4, s10  }
0x50: {  	[tilespmem:s29], [sflag:$0x3] =	stream.linear.gather [hbm4b:s14+s11], $0x100, $0x38;
	[tilespmem:$0x1CE40] =	vst v63  }
0x51: {  	_ =	swait.ge [sflag:s20], $0x100  }
0x52: {  	[sflag:s20] =	ssyncset.done $0x0  }
0x53: {  	s3 =	sadd.s32 s7, s10;
	[sflag:s20] =	ssyncadd.s32 $0xFFFFFF00  }
0x54: {  	[tilespmem:s30], [sflag:$0x3] =	stream.linear.gather [hbm4b:s3+s11], $0x100, $0x38;
	[tilespmem:$0x1CE40] =	vst v63  }
0x55: {  	_ =	swait.ge [sflag:s20], $0x100  }
0x56: {  	[sflag:s20] =	ssyncset.done $0x0  }
0x57: {  	s10 =	sadd.s32 s5, s10;
	[sflag:s20] =	ssyncadd.s32 $0xFFFFFF00  }
0x58: {  	[tilespmem:s31], [sflag:$0x3] =	stream.linear.gather [hbm4b:s10+s11], $0x100, $0x38;
	[tilespmem:$0x1CE40] =	vst v63  }
0x59: {  	_ =	swait.ge [sflag:s20], $0x100  }
0x5a: {  	[sflag:s20] =	ssyncset.done $0x0  }
0x5b: {  	[sflag:s20] =	ssyncadd.s32 $0xFFFFFF00  }
0x5c: {  	[tilespmem:s0], [sflag:$0x2] =	stream.indirect.gather [hbm4b:s6+s25], $0x10, s29, s25, $0xb8;
	[tilespmem:$0x1CE40] =	vst v63  }
0x5d: {  	s3 =	simm.s32 $0x1BE00  }
0x5e: {  	[tilespmem:s3], [sflag:$0x2] =	stream.indirect.gather [hbm4b:s8+s25], $0x10, s30, s25, $0xb8;
	[tilespmem:$0x1CE40] =	vst v63  }
0x5f: {  	v4 =	vld [tilespmem:$0x1AD00]  }
0x60: {  	v5 =	vld [tilespmem:$0x1AD10]  }
0x61: {  	v6 =	vld [tilespmem:$0x1AD20]  }
0x62: {  	v7 =	vld [tilespmem:$0x1AD30]  }
0x63: {  	v8 =	vld [tilespmem:$0x1AD40]  }
0x64: {  	v9 =	vld [tilespmem:$0x1AD50];
	v4 =	vmul.f32 v4, v2  }
0x65: {  	v10 =	vld [tilespmem:$0x1AD60];
	v5 =	vmul.f32 v5, v2  }
0x66: {  	v11 =	vld [tilespmem:$0x1AD70];
	v6 =	vmul.f32 v6, v2;
	v4 =	vadd.f32 v4, v3  }
0x67: {  	v12 =	vld [tilespmem:$0x1AD80];
	v7 =	vmul.f32 v7, v2;
	v5 =	vadd.f32 v5, v3  }
0x68: {  	v13 =	vld [tilespmem:$0x1AD90];
	v8 =	vmul.f32 v8, v2;
	v6 =	vadd.f32 v6, v3;
	v4 =	vmax.f32 v4, $0.0e+00  }
0x69: {  	[tilespmem:$0x1AD00] =	vst v4;
	v4 =	vmax.f32 v5, $0.0e+00;
	v5 =	vadd.f32 v7, v3;
	v7 =	vmul.f32 v9, v2;
	v9 =	vld [tilespmem:$0x1ADA0]  }
0x6a: {  	[tilespmem:$0x1AD10] =	vst v4;
	v4 =	vmax.f32 v6, $0.0e+00;
	v6 =	vadd.f32 v8, v3;
	v8 =	vmul.f32 v10, v2;
	v10 =	vld [tilespmem:$0x1ADB0]  }
0x6b: {  	[tilespmem:$0x1AD20] =	vst v4;
	v4 =	vmax.f32 v5, $0.0e+00;
	v5 =	vadd.f32 v7, v3;
	v7 =	vmul.f32 v11, v2;
	v11 =	vld [tilespmem:$0x1ADC0]  }
0x6c: {  	[tilespmem:$0x1AD30] =	vst v4;
	v4 =	vmax.f32 v6, $0.0e+00;
	v6 =	vadd.f32 v8, v3;
	v8 =	vmul.f32 v12, v2;
	v12 =	vld [tilespmem:$0x1ADD0]  }
0x6d: {  	[tilespmem:$0x1AD40] =	vst v4;
	v4 =	vmax.f32 v5, $0.0e+00;
	v5 =	vadd.f32 v7, v3;
	v7 =	vmul.f32 v13, v2;
	v13 =	vld [tilespmem:$0x1ADE0]  }
0x6e: {  	[tilespmem:$0x1AD50] =	vst v4;
	v4 =	vmax.f32 v6, $0.0e+00;
	v6 =	vadd.f32 v8, v3;
	v8 =	vmul.f32 v9, v2;
	v9 =	vld [tilespmem:$0x1ADF0]  }
0x6f: {  	[tilespmem:$0x1AD60] =	vst v4;
	v4 =	vmax.f32 v5, $0.0e+00;
	v5 =	vadd.f32 v7, v3;
	v7 =	vmul.f32 v10, v2  }
0x70: {  	[tilespmem:$0x1AD70] =	vst v4;
	v4 =	vmax.f32 v6, $0.0e+00;
	v6 =	vadd.f32 v8, v3;
	v8 =	vmul.f32 v11, v2  }
0x71: {  	[tilespmem:$0x1AD80] =	vst v4;
	v4 =	vmax.f32 v5, $0.0e+00;
	v5 =	vadd.f32 v7, v3;
	v7 =	vmul.f32 v12, v2  }
0x72: {  	[tilespmem:$0x1AD90] =	vst v4;
	v4 =	vmax.f32 v6, $0.0e+00;
	v6 =	vadd.f32 v8, v3;
	v8 =	vmul.f32 v13, v2  }
0x73: {  	[tilespmem:$0x1ADA0] =	vst v4;
	v4 =	vmax.f32 v5, $0.0e+00;
	v5 =	vadd.f32 v7, v3;
	v7 =	vmul.f32 v9, v2  }
0x74: {  	[tilespmem:$0x1ADB0] =	vst v4;
	v4 =	vmax.f32 v6, $0.0e+00;
	v6 =	vadd.f32 v8, v3  }
0x75: {  	[tilespmem:$0x1ADC0] =	vst v4;
	v4 =	vmax.f32 v5, $0.0e+00;
	v5 =	vadd.f32 v7, v3  }
0x76: {  	[tilespmem:$0x1ADD0] =	vst v4;
	v4 =	vmax.f32 v6, $0.0e+00  }
0x77: {  	[tilespmem:$0x1ADE0] =	vst v4;
	v4 =	vmax.f32 v5, $0.0e+00  }
0x78: {  	[tilespmem:$0x1ADF0] =	vst v4  }
0x79: {  	_ =	swait.ge [sflag:s21], $0x1000  }
0x7a: {  	s18 =	simm.s32 $0x3;
	s22 =	simm.s32 $0x1;
	[sflag:s21] =	ssyncset.done $0x0  }
0x7b: {  	s19 =	simm.s32 $0x2;
	v14 =	vmov s22;
	v7 =	vmov s18;
	[sflag:s21] =	ssyncadd.s32 $0xFFFFF000  }
0x7c: {  	v14 =	vshrl.u32 v14, $0x3;
	v11 =	vmov s19;
	v7 =	vshrl.u32 v7, $0x3;
	_ =	swait.ge [sflag:s21], $0x1000  }
0x7d: {  	v14 =	vshll.u32 v14, v0;
	v11 =	vshrl.u32 v11, $0x3;
	v7 =	vshll.u32 v7, v0;
	[sflag:s21] =	ssyncset.done $0x0  }
0x7e: {  	s14 =	simm.s32 $0x5;
	v14 =	vadd.s32 $0x1, v14;
	s10 =	simm.s32 $0x19B40;
	v11 =	vshll.u32 v11, v0;
	v7 =	vadd.s32 $0x3, v7;
	[sflag:s21] =	ssyncadd.s32 $0xFFFFF000  }
0x7f: {  	s16 =	simm.s32 $0x7;
	v11 =	vadd.s32 $0x2, v11;
	v5 =	vmov s14;
	v7 =	vbroadcast v7, $0x0;
	v9 =	vld [tilespmem:s10+$0x30]  }
0x80: {  	v11 =	vbroadcast v11, $0x0;
	s14 =	simm.s32 $0x18B40;
	v4 =	vshrl.u32 v5, $0x3;
	v5 =	vmov s16;
	v10 =	vld [tilespmem:s10+$0x10]  }
0x81: {  	v14 =	vbroadcast v14, $0x0;
	v4 =	vshll.u32 v4, v0;
	v5 =	vshrl.u32 v5, $0x3;
	v12 =	vld [tilespmem:s14+$0x10]  }
0x82: {  	v4 =	vadd.s32 $0x5, v4;
	v5 =	vshll.u32 v5, v0;
	v13 =	vld [tilespmem:s14+$0x30]  }
0x83: {  	v4 =	vbroadcast v4, $0x0;
	v5 =	vadd.s32 $0x7, v5;
	v15 =	vld [tilespmem:s10+$0x0]  }
0x84: {  	v5 =	vbroadcast v5, $0x0;
	v17 =	vld [tilespmem:s10+$0xFFFFFFD0]  }
0x85: {  	v7 =	vld.idx.msk [tilespmem:v7+s24+$0x0], $0xffff  }
0x86: {  	s22 =	simm.s32 $0xE;
	v11 =	vld.idx.msk [tilespmem:v11+s24+$0x0], $0xffff  }
0x87: {  	v16 =	vmov s11;
	v25 =	vmov s22;
	v14 =	vld.idx.msk [tilespmem:v14+s24+$0x0], $0xffff  }
0x88: {  	s17 =	simm.s32 $0x6;
	v16 =	vshrl.u32 v16, $0x3;
	v25 =	vshrl.u32 v25, $0x3;
	v23 =	vld [tilespmem:s10+$0xFFFFFFC0]  }
0x89: {  	v16 =	vshll.u32 v16, v0;
	v25 =	vshll.u32 v25, v0;
	v6 =	vmov s17;
	s17 =	simm.s32 $0x4;
	v4 =	vld.idx.msk [tilespmem:v4+s24+$0x0], $0xffff  }
0x8a: {  	v25 =	vadd.s32 $0x6, v25;
	v6 =	vshrl.u32 v6, $0x3;
	v8 =	vmov s17;
	v5 =	vld.idx.msk [tilespmem:v5+s24+$0x0], $0xffff  }
0x8b: {  	v25 =	vbroadcast v25, $0x0;
	s19 =	simm.s32 $0xF;
	v6 =	vshll.u32 v6, v0;
	v8 =	vshrl.u32 v8, $0x3;
	v24 =	vld [tilespmem:s14+$0xFFFFFFC0]  }
0x8c: {  	v22 =	vmov s19;
	v6 =	vadd.s32 $0x6, v6;
	v8 =	vshll.u32 v8, v0;
	v55 =	vld [tilespmem:s14+$0x20]  }
0x8d: {  	v22 =	vshrl.u32 v22, $0x3;
	v6 =	vbroadcast v6, $0x0;
	v8 =	vadd.s32 $0x4, v8;
	v26 =	vld [tilespmem:s14+$0xFFFFFFF0]  }
0x8e: {  	v8 =	vbroadcast v8, $0x0;
	v28 =	vld [tilespmem:s10+$0xFFFFFFF0];
	v10 =	vadd.f32 v10, v12;
	v4 =	vmul.f32 v4, v1  }
0x8f: {  	s18 =	simm.s32 $0xD;
	v12 =	vbroadcast v16, $0x0;
	v16 =	vld [tilespmem:s14+$0xFFFFFFD0];
	v9 =	vadd.f32 v9, v13;
	v5 =	vmul.f32 v5, v1  }
0x90: {  	v22 =	vshll.u32 v22, v0;
	v21 =	vmov s18;
	v4 =	vadd.f32 v10, v4;
	v10 =	vld [tilespmem:s10+$0xFFFFFFE0]  }
0x91: {  	v54 =	vadd.s32 $0x7, v22;
	s17 =	simm.s32 $0xC;
	v21 =	vshrl.u32 v21, $0x3;
	s16 =	simm.s32 $0xA;
	v19 =	vadd.f32 v9, v5;
	v9 =	vld [tilespmem:s14+$0xFFFFFFE0]  }
0x92: {  	v20 =	vmov s17;
	v21 =	vshll.u32 v21, v0;
	v18 =	vmov s16;
	v29 =	vld [tilespmem:s14+$0x0]  }
0x93: {  	s3 =	simm.s32 $0x9;
	v21 =	vadd.s32 $0x5, v21;
	v20 =	vshrl.u32 v20, $0x3;
	v18 =	vshrl.u32 v18, $0x3;
	v6 =	vld.idx.msk [tilespmem:v6+s24+$0x0], $0xffff  }
0x94: {  	s28 =	simm.s32 $0x8;
	v20 =	vshll.u32 v20, v0;
	v8 =	vld.idx.msk [tilespmem:v8+s24+$0x0], $0xffff;
	v13 =	vmov s3;
	v27 =	vmul.f32 v7, v1  }
0x95: {  	v14 =	vmul.f32 v14, v1;
	v5 =	vmov s28;
	v16 =	vadd.f32 v17, v16;
	v17 =	vld [tilespmem:s10+$0x20]  }
0x96: {  	s28 =	simm.s32 $0xB;
	v9 =	vadd.f32 v10, v9;
	v10 =	vshrl.u32 v13, $0x3;
	v13 =	vbroadcast v21, $0x0  }
0x97: {  	s18 =	simm.s32 $0x19BC0;
	v11 =	vmul.f32 v11, v1;
	v23 =	vadd.f32 v23, v24;
	v12 =	vld.idx.msk [tilespmem:v12+s24+$0x0], $0xffff;
	v7 =	vmov s28  }
0x98: {  	v56 =	vld [tilespmem:s18+$0x30];
	v15 =	vadd.f32 v15, v29;
	v7 =	vshrl.u32 v7, $0x3;
	v21 =	vbroadcast v54, $0x0  }
0x99: {  	s17 =	simm.s32 $0x18BC0;
	v57 =	vld [tilespmem:s18+$0x10];
	v59 =	vadd.f32 v28, v26;
	v6 =	vmul.f32 v6, v1;
	v7 =	vshll.u32 v7, v0  }
0x9a: {  	v58 =	vld [tilespmem:s17+$0x30];
	v8 =	vmul.f32 v8, v1;
	v7 =	vadd.s32 $0x3, v7;
	v17 =	vadd.f32 v17, v55  }
0x9b: {  	v9 =	vadd.f32 v9, v11;
	v11 =	vbroadcast v7, $0x0;
	v7 =	vadd.s32 $0x4, v20;
	v20 =	vld [tilespmem:s17+$0x10]  }
0x9c: {  	v8 =	vadd.f32 v15, v8;
	v12 =	vmul.f32 v12, v1;
	v6 =	vadd.f32 v17, v6;
	v13 =	vld.idx.msk [tilespmem:v13+s24+$0x0], $0xffff  }
0x9d: {  	v17 =	vshrl.u32 v5, $0x3;
	v5 =	vld [tilespmem:s18+$0x0];
	v30 =	vbroadcast v7, $0x0;
	v7 =	vshll.u32 v18, v0  }
0x9e: {  	v10 =	vshll.u32 v10, v0;
	v23 =	vadd.f32 v23, v12;
	v60 =	vadd.s32 $0x2, v7;
	v18 =	vld.idx.msk [tilespmem:v21+s24+$0x0], $0xffff  }
0x9f: {  	v12 =	vshll.u32 v17, v0;
	v17 =	vadd.f32 v16, v14;
	v14 =	vld [tilespmem:s17+$0xFFFFFFD0];
	v26 =	vbroadcast v60, $0x0  }
0xa0: {  	v4 =	vmax.f32 v4, $0.0e+00;
	v8 =	vmax.f32 v8, $0.0e+00;
	v10 =	vadd.s32 $0x1, v10;
	v7 =	vld [tilespmem:s18+$0xFFFFFFD0]  }
0xa1: {  	[tilespmem:s14+$0x10] =	vst v4;
	v15 =	vbroadcast v10, $0x0;
	v20 =	vadd.f32 v57, v20;
	v62 =	vmul.f32 v13, v1;
	v13 =	vld.idx.msk [tilespmem:v25+s24+$0x0], $0xffff  }
0xa2: {  	[tilespmem:s14+$0x0] =	vst v8;
	v19 =	vmax.f32 v19, $0.0e+00;
	v61 =	vmax.f32 v6, $0.0e+00;
	v16 =	vbroadcast v12, $0x0;
	v6 =	vld.idx.msk [tilespmem:v11+s24+$0x0], $0xffff  }
0xa3: {  	v12 =	vld.idx.msk [tilespmem:v30+s24+$0x0], $0xffff;
	v18 =	vmul.f32 v18, v1;
	v4 =	vadd.f32 v20, v62;
	v20 =	vadd.f32 v56, v58  }
0xa4: {  	[tilespmem:s14+$0x20] =	vst v61;
	v63 =	vmax.f32 v23, $0.0e+00;
	v17 =	vmax.f32 v17, $0.0e+00;
	v11 =	vmax.f32 v9, $0.0e+00;
	v9 =	vld [tilespmem:s18+$0xFFFFFFE0]  }
0xa5: {  	s11 =	simm.s32 $0x10;
	s19 =	simm.s32 $0x19C40;
	s10 =	simm.s32 $0x18C40;
	[tilespmem:s14+$0xFFFFFFC0] =	vst v63;
	v8 =	vld.idx.msk [tilespmem:v26+s24+$0x0], $0xffff;
	v10 =	vmax.f32 v4, $0.0e+00;
	v4 =	vadd.f32 v20, v18;
	v18 =	vadd.f32 v59, v27  }
.LBB2_3:
0xa6: {  	v20 =	vmov s11;
	s28 =	sadd.s32 $0x1, s11;
	s16 =	sadd.s32 $0x2, s11;
	s3 =	sadd.s32 $0x3, s11;
	v21 =	vld [tilespmem:s17+$0xFFFFFFE0];
	v13 =	vmul.f32 v13, v1;
	[tilespmem:s14+$0x30] =	vst v19  }
0xa7: {  	s22 =	sadd.s32 $0x6, s11;
	v19 =	vmov s28;
	v22 =	vmov s16;
	s16 =	sadd.s32 $0x4, s11;
	s28 =	sadd.s32 $0x5, s11;
	v15 =	vld.idx.msk [tilespmem:v15+s24+$0x0], $0xffff;
	[tilespmem:s14+$0xFFFFFFD0] =	vst v17;
	v17 =	vmax.f32 v18, $0.0e+00  }
0xa8: {  	p0 =	slt.u32 s11, $0xF8;
	v12 =	vmul.f32 v12, v1;
	v18 =	vmov s16;
	v23 =	vmov s28;
	s16 =	sadd.s32 $0x7, s11;
	s11 =	sadd.s32 $0x8, s11;
	v16 =	vld.idx.msk [tilespmem:v16+s24+$0x0], $0xffff;
	[tilespmem:s14+$0xFFFFFFF0] =	vst v17  }
0xa9: {  	v14 =	vadd.f32 v7, v14;
	v17 =	vshrl.u32 v23, $0x3;
	v23 =	vmov s16;
	v7 =	vld [tilespmem:s18+$0x20];
	[tilespmem:s14+$0xFFFFFFE0] =	vst v11;
	s14 =	smov.u32 s17;
	s17 =	smov.u32 s10  }
0xaa: {  	v11 =	vshrl.u32 v22, $0x3;
	v17 =	vshll.u32 v17, v0;
	v22 =	vshrl.u32 v23, $0x3;
	v23 =	vld [tilespmem:s18+$0xFFFFFFC0];
	[tilespmem:s14+$0x10] =	vst v10  }
0xab: {  	v10 =	vadd.s32 $0x5, v17;
	v17 =	vshll.u32 v22, v0;
	v22 =	vld [tilespmem:s14+$0xFFFFFFC0];
	v9 =	vadd.f32 v9, v21  }
0xac: {  	v19 =	vshrl.u32 v19, $0x3;
	v10 =	vbroadcast v10, $0x0;
	v17 =	vadd.s32 $0x7, v17;
	v21 =	vld [tilespmem:s14+$0x20]  }
0xad: {  	v26 =	vmul.f32 v6, v1;
	v24 =	vmov s22;
	v17 =	vbroadcast v17, $0x0;
	v25 =	vld [tilespmem:s14+$0xFFFFFFF0]  }
0xae: {  	v6 =	vmov s3;
	v24 =	vshrl.u32 v24, $0x3;
	v27 =	vmul.f32 v15, v1;
	v15 =	vld [tilespmem:s18+$0xFFFFFFF0];
	s18 =	smov.u32 s19  }
0xaf: {  	v18 =	vshrl.u32 v18, $0x3;
	v24 =	vshll.u32 v24, v0;
	v8 =	vmul.f32 v8, v1;
	v28 =	vld [tilespmem:s14+$0x0]  }
0xb0: {  	v6 =	vshrl.u32 v6, $0x3;
	v24 =	vadd.s32 $0x6, v24;
	v29 =	vld [tilespmem:s19+$0x30];
	v22 =	vadd.f32 v23, v22  }
0xb1: {  	v6 =	vshll.u32 v6, v0;
	v24 =	vbroadcast v24, $0x0;
	v23 =	vld [tilespmem:s19+$0x10];
	v7 =	vadd.f32 v7, v21  }
0xb2: {  	v6 =	vadd.s32 $0x3, v6;
	v18 =	vshll.u32 v18, v0;
	v8 =	vadd.f32 v9, v8;
	v10 =	vld.idx.msk [tilespmem:v10+s24+$0x0], $0xffff  }
0xb3: {  	v6 =	vbroadcast v6, $0x0;
	v9 =	vadd.s32 $0x4, v18;
	v16 =	vmul.f32 v16, v1;
	v18 =	vld [tilespmem:s10+$0x10]  }
0xb4: {  	v19 =	vshll.u32 v19, v0;
	v9 =	vbroadcast v9, $0x0;
	v21 =	vld [tilespmem:s10+$0x30];
	v28 =	vadd.f32 v5, v28  }
0xb5: {  	v25 =	vadd.f32 v15, v25;
	v13 =	vadd.f32 v7, v13;
	v5 =	vshll.u32 v11, v0;
	v11 =	vld.idx.msk [tilespmem:v17+s24+$0x0], $0xffff  }
0xb6: {  	v15 =	vshrl.u32 v20, $0x3;
	v20 =	vadd.f32 v22, v16;
	v17 =	vadd.s32 $0x2, v5;
	v5 =	vld [tilespmem:s19+$0x0]  }
0xb7: {  	v16 =	vadd.s32 $0x1, v19;
	v19 =	vbroadcast v17, $0x0;
	v17 =	vmax.f32 v13, $0.0e+00;
	v7 =	vld [tilespmem:s19+$0xFFFFFFD0]  }
0xb8: {  	v22 =	vadd.f32 v28, v12;
	v10 =	vmul.f32 v10, v1;
	v18 =	vadd.f32 v23, v18;
	v13 =	vld.idx.msk [tilespmem:v24+s24+$0x0], $0xffff  }
.Ltmp0:
0xb9: {  	v12 =	vshll.u32 v15, v0;
	v15 =	vbroadcast v16, $0x0;
	v23 =	vadd.f32 v14, v27;
	v6 =	vld.idx.msk [tilespmem:v6+s24+$0x0], $0xffff;
	(pc) =	sbr.rel @p0 .LBB2_3-.Ltmp0, $4  }
0xba: {  	v16 =	vbroadcast v12, $0x0;
	v21 =	vadd.f32 v29, v21;
	v12 =	vld.idx.msk [tilespmem:v9+s24+$0x0], $0xffff;
	v10 =	vadd.f32 v18, v10  }
0xbb: {  	v24 =	vmul.f32 v11, v1;
	v11 =	vmax.f32 v8, $0.0e+00;
	v8 =	vmax.f32 v22, $0.0e+00;
	v14 =	vld [tilespmem:s10+$0xFFFFFFD0];
	[tilespmem:s14+$0x20] =	vst v17  }
0xbc: {  	v18 =	vmax.f32 v20, $0.0e+00;
	v17 =	vmax.f32 v23, $0.0e+00;
	v9 =	vld [tilespmem:s19+$0xFFFFFFE0];
	v10 =	vmax.f32 v10, $0.0e+00;
	[tilespmem:s14+$0x0] =	vst v8  }
0xbd: {  	s10 =	sadd.s32 $0x80, s10;
	s19 =	sadd.s32 $0x80, s19;
	v8 =	vld.idx.msk [tilespmem:v19+s24+$0x0], $0xffff;
	[tilespmem:s14+$0xFFFFFFC0] =	vst v18;
	v18 =	vadd.f32 v25, v26;
	v19 =	vmax.f32 v4, $0.0e+00;
	v4 =	vadd.f32 v21, v24  }
0xbe: {  	_ =	sdelay $0x3  }
0xbf: {  	v16 =	vld.idx.msk [tilespmem:v16+s24+$0x0], $0xffff  }
0xc0: {  	v21 =	vld [tilespmem:s18+$0x20]  }
0xc1: {  	v22 =	vld [tilespmem:s18+$0xFFFFFFC0]  }
0xc2: {  	v23 =	vld [tilespmem:s17+$0x20]  }
0xc3: {  	v24 =	vld [tilespmem:s17+$0x0]  }
0xc4: {  	v25 =	vld [tilespmem:s17+$0xFFFFFFC0]  }
0xc5: {  	v15 =	vld.idx.msk [tilespmem:v15+s24+$0x0], $0xffff  }
0xc6: {  	v26 =	vld [tilespmem:s17+$0xFFFFFFF0]  }
0xc7: {  	[tilespmem:s14+$0x30] =	vst v19;
	v13 =	vmul.f32 v13, v1;
	v55 =	vld [tilespmem:s18+$0xFFFFFFF0];
	v6 =	vmul.f32 v6, v1  }
0xc8: {  	v20 =	vld [tilespmem:s17+$0xFFFFFFE0];
	[tilespmem:s14+$0xFFFFFFD0] =	vst v17;
	v56 =	vmax.f32 v18, $0.0e+00;
	v12 =	vmul.f32 v12, v1;
	v54 =	vadd.f32 v21, v23  }
0xc9: {  	[tilespmem:s14+$0xFFFFFFE0] =	vst v11;
	v4 =	vmax.f32 v4, $0.0e+00;
	v7 =	vadd.f32 v7, v14;
	v5 =	vadd.f32 v5, v24  }
0xca: {  	[tilespmem:s17+$0x10] =	vst v10;
	v57 =	vadd.f32 v22, v25;
	v16 =	vmul.f32 v16, v1;
	v13 =	vadd.f32 v54, v13  }
0xcb: {  	[tilespmem:s14+$0xFFFFFFF0] =	vst v56;
	v8 =	vmul.f32 v8, v1;
	v58 =	vmul.f32 v15, v1;
	v5 =	vadd.f32 v5, v12  }
0xcc: {  	[tilespmem:s17+$0x30] =	vst v4;
	v61 =	vadd.f32 v55, v26;
	v59 =	vadd.f32 v57, v16;
	v60 =	vmax.f32 v13, $0.0e+00  }
0xcd: {  	v9 =	vadd.f32 v9, v20;
	v7 =	vadd.f32 v7, v58;
	v5 =	vmax.f32 v5, $0.0e+00;
	[tilespmem:s17+$0x20] =	vst v60  }
0xce: {  	v62 =	vmax.f32 v59, $0.0e+00;
	[tilespmem:s17+$0x0] =	vst v5;
	v5 =	vadd.f32 v61, v6  }
0xcf: {  	v63 =	vadd.f32 v9, v8;
	v7 =	vmax.f32 v7, $0.0e+00;
	[tilespmem:s17+$0xFFFFFFC0] =	vst v62  }
0xd0: {  	[tilespmem:s17+$0xFFFFFFD0] =	vst v7;
	v4 =	vmax.f32 v5, $0.0e+00  }
0xd1: {  	p0 =	seq.s32 s12, $0xC3;
	v5 =	vmax.f32 v63, $0.0e+00;
	[tilespmem:s17+$0xFFFFFFF0] =	vst v4  }
.Ltmp1:
0xd2: {  	[tilespmem:s17+$0xFFFFFFE0] =	vst v5;
	(pc) =	sbr.rel @p0 .LBB2_6-.Ltmp1, $4  }
0xd3: {  	[spmem:s1] =	stream.indirect.scatter.add.f32 [tilespmem:s26], [sflag:$0x3], $0x10, s23, s25, $0xb8;
	[tilespmem:$0x1CE40] =	vst v63  }
0xd4: {  	_ =	swait.ge [sflag:s20], $0x1000  }
0xd5: {  	[sflag:s20] =	ssyncset.done $0x0  }
0xd6: {  	[sflag:s20] =	ssyncadd.s32 $0xFFFFF000  }
0xd7: {  	s3 =	rddreg [dreg:$0x9]  }
0xd8: {  	s3 =	sadd.s32 s13, s3  }
0xd9: {  	s3 =	sshrl.u32 s3, $0x3  }
0xda: {  	s11 =	simm.s32 $0x18800;
	s10 =	sadd.s32 s4, s3  }
0xdb: {  	[tilespmem:s11], [sflag:$0x3] =	stream.linear.gather [hbm4b:s10+s2], $0x100, $0x38;
	[tilespmem:$0x1CE40] =	vst v63  }
0xdc: {  	_ =	swait.ge [sflag:s20], $0x100  }
0xdd: {  	[sflag:s20] =	ssyncset.done $0x0  }
0xde: {  	s22 =	sadd.s32 s7, s3;
	[sflag:s20] =	ssyncadd.s32 $0xFFFFFF00  }
0xdf: {  	[tilespmem:s23], [sflag:$0x3] =	stream.linear.gather [hbm4b:s22+s2], $0x100, $0x38;
	[tilespmem:$0x1CE40] =	vst v63  }
0xe0: {  	_ =	swait.ge [sflag:s20], $0x100  }
0xe1: {  	[sflag:s20] =	ssyncset.done $0x0  }
0xe2: {  	s3 =	sadd.s32 s5, s3;
	[sflag:s20] =	ssyncadd.s32 $0xFFFFFF00  }
0xe3: {  	[tilespmem:s24], [sflag:$0x3] =	stream.linear.gather [hbm4b:s3+s2], $0x100, $0x38;
	[tilespmem:$0x1CE40] =	vst v63  }
0xe4: {  	_ =	swait.ge [sflag:s20], $0x100  }
0xe5: {  	[sflag:s20] =	ssyncset.done $0x0  }
0xe6: {  	[sflag:s20] =	ssyncadd.s32 $0xFFFFFF00  }
0xe7: {  	[tilespmem:s26], [sflag:$0x1] =	stream.indirect.gather [hbm4b:s6+s25], $0x10, s11, s25, $0xb8;
	[tilespmem:$0x1CE40] =	vst v63  }
0xe8: {  	s28 =	simm.s32 $0x19B00  }
0xe9: {  	[tilespmem:s28], [sflag:$0x1] =	stream.indirect.gather [hbm4b:s8+s25], $0x10, s23, s25, $0xb8;
	[tilespmem:$0x1CE40] =	vst v63  }
0xea: {  	v4 =	vld [tilespmem:$0x18A00]  }
0xeb: {  	v5 =	vld [tilespmem:$0x18A10]  }
0xec: {  	v6 =	vld [tilespmem:$0x18A20]  }
0xed: {  	v7 =	vld [tilespmem:$0x18A30]  }
0xee: {  	v8 =	vld [tilespmem:$0x18A40]  }
0xef: {  	v9 =	vld [tilespmem:$0x18A50];
	v4 =	vmul.f32 v4, v2  }
0xf0: {  	v10 =	vld [tilespmem:$0x18A60];
	v5 =	vmul.f32 v5, v2  }
0xf1: {  	v11 =	vld [tilespmem:$0x18A70];
	v6 =	vmul.f32 v6, v2;
	v4 =	vadd.f32 v4, v3  }
0xf2: {  	v12 =	vld [tilespmem:$0x18A80];
	v7 =	vmul.f32 v7, v2;
	v5 =	vadd.f32 v5, v3  }
0xf3: {  	v13 =	vld [tilespmem:$0x18A90];
	v8 =	vmul.f32 v8, v2;
	v6 =	vadd.f32 v6, v3;
	v4 =	vmax.f32 v4, $0.0e+00  }
0xf4: {  	v42 =	vld [tilespmem:$0x18AA0];
	v41 =	vmul.f32 v9, v2;
	[tilespmem:$0x18A00] =	vst v4;
	v4 =	vmax.f32 v5, $0.0e+00;
	v5 =	vadd.f32 v7, v3  }
0xf5: {  	v45 =	vld [tilespmem:$0x18AB0];
	v44 =	vmul.f32 v10, v2;
	v43 =	vadd.f32 v8, v3;
	[tilespmem:$0x18A10] =	vst v4;
	v4 =	vmax.f32 v6, $0.0e+00  }
0xf6: {  	v47 =	vld [tilespmem:$0x18AC0];
	v46 =	vmul.f32 v11, v2;
	[tilespmem:$0x18A20] =	vst v4;
	v4 =	vmax.f32 v5, $0.0e+00;
	v5 =	vadd.f32 v41, v3  }
0xf7: {  	v50 =	vld [tilespmem:$0x18AD0];
	v49 =	vmul.f32 v12, v2;
	v48 =	vadd.f32 v44, v3;
	[tilespmem:$0x18A30] =	vst v4;
	v4 =	vmax.f32 v43, $0.0e+00  }
0xf8: {  	v52 =	vld [tilespmem:$0x18AE0];
	v51 =	vmul.f32 v13, v2;
	[tilespmem:$0x18A40] =	vst v4;
	v4 =	vmax.f32 v5, $0.0e+00;
	v5 =	vadd.f32 v46, v3  }
0xf9: {  	v55 =	vld [tilespmem:$0x18AF0];
	v54 =	vmul.f32 v42, v2;
	v53 =	vadd.f32 v49, v3;
	[tilespmem:$0x18A50] =	vst v4;
	v4 =	vmax.f32 v48, $0.0e+00  }
0xfa: {  	v56 =	vmul.f32 v45, v2;
	[tilespmem:$0x18A60] =	vst v4;
	v4 =	vmax.f32 v5, $0.0e+00;
	v5 =	vadd.f32 v51, v3  }
0xfb: {  	v58 =	vmul.f32 v47, v2;
	v57 =	vadd.f32 v54, v3;
	[tilespmem:$0x18A70] =	vst v4;
	v4 =	vmax.f32 v53, $0.0e+00  }
0xfc: {  	v59 =	vmul.f32 v50, v2;
	[tilespmem:$0x18A80] =	vst v4;
	v4 =	vmax.f32 v5, $0.0e+00;
	v5 =	vadd.f32 v56, v3  }
0xfd: {  	v61 =	vmul.f32 v52, v2;
	v60 =	vadd.f32 v58, v3;
	[tilespmem:$0x18A90] =	vst v4;
	v4 =	vmax.f32 v57, $0.0e+00  }
0xfe: {  	v62 =	vmul.f32 v55, v2;
	[tilespmem:$0x18AA0] =	vst v4;
	v4 =	vmax.f32 v5, $0.0e+00;
	v5 =	vadd.f32 v59, v3  }
0xff: {  	v63 =	vadd.f32 v61, v3;
	[tilespmem:$0x18AB0] =	vst v4;
	v4 =	vmax.f32 v60, $0.0e+00  }
0x100: {  	[tilespmem:$0x18AC0] =	vst v4;
	v4 =	vmax.f32 v5, $0.0e+00;
	v5 =	vadd.f32 v62, v3  }
0x101: {  	[tilespmem:$0x18AD0] =	vst v4;
	v4 =	vmax.f32 v63, $0.0e+00  }
0x102: {  	[tilespmem:$0x18AE0] =	vst v4;
	v4 =	vmax.f32 v5, $0.0e+00  }
0x103: {  	[tilespmem:$0x18AF0] =	vst v4  }
.LBB2_6:
0x104: {  	_ =	swait.ge [sflag:s9], $0x1000  }
0x105: {  	[sflag:s9] =	ssyncset.done $0x0  }
0x106: {  	[sflag:s9] =	ssyncadd.s32 $0xFFFFF000  }
0x107: {  	_ =	swait.ge [sflag:s9], $0x1000  }
0x108: {  	s3 =	simm.s32 $0x5;
	[sflag:s9] =	ssyncset.done $0x0  }
0x109: {  	s16 =	simm.s32 $0x7;
	s10 =	simm.s32 $0x1BE40;
	[sflag:s9] =	ssyncadd.s32 $0xFFFFF000  }
0x10a: {  	s17 =	simm.s32 $0x6;
	s11 =	simm.s32 $0x3;
	v4 =	vmov s3;
	v5 =	vmov s16;
	v9 =	vld [tilespmem:s10+$0x30]  }
0x10b: {  	s18 =	simm.s32 $0x4;
	s13 =	simm.s32 $0x1AE40;
	v6 =	vmov s17;
	v7 =	vmov s11;
	v4 =	vshrl.u32 v4, $0x3;
	v10 =	vld [tilespmem:s10+$0x10]  }
0x10c: {  	s19 =	simm.s32 $0x2;
	v8 =	vmov s18;
	v5 =	vshrl.u32 v5, $0x3;
	v4 =	vshll.u32 v4, v0;
	v12 =	vld [tilespmem:s13+$0x10]  }
0x10d: {  	s22 =	simm.s32 $0x1;
	v11 =	vmov s19;
	v5 =	vshll.u32 v5, v0;
	v4 =	vadd.s32 $0x5, v4;
	v13 =	vld [tilespmem:s13+$0x30]  }
0x10e: {  	s28 =	simm.s32 $0x0;
	v14 =	vmov s22;
	v5 =	vadd.s32 $0x7, v5;
	v4 =	vbroadcast v4, $0x0;
	v15 =	vld [tilespmem:s10+$0x0]  }
0x10f: {  	v16 =	vmov s28;
	v6 =	vshrl.u32 v6, $0x3;
	v5 =	vbroadcast v5, $0x0;
	v17 =	vld [tilespmem:s10+$0xFFFFFFD0]  }
0x110: {  	v7 =	vshrl.u32 v7, $0x3;
	v8 =	vshrl.u32 v8, $0x3;
	v6 =	vshll.u32 v6, v0;
	v23 =	vld [tilespmem:s10+$0xFFFFFFC0]  }
0x111: {  	v11 =	vshrl.u32 v11, $0x3;
	v7 =	vshll.u32 v7, v0;
	v6 =	vadd.s32 $0x6, v6;
	v24 =	vld [tilespmem:s13+$0xFFFFFFC0]  }
0x112: {  	s16 =	simm.s32 $0xA;
	v14 =	vshrl.u32 v14, $0x3;
	v7 =	vadd.s32 $0x3, v7;
	v6 =	vbroadcast v6, $0x0;
	v55 =	vld [tilespmem:s13+$0x20]  }
0x113: {  	s17 =	simm.s32 $0xC;
	s18 =	simm.s32 $0xD;
	s19 =	simm.s32 $0xF;
	v16 =	vshrl.u32 v16, $0x3;
	v18 =	vmov s16;
	v7 =	vbroadcast v7, $0x0;
	v26 =	vld [tilespmem:s13+$0xFFFFFFF0]  }
0x114: {  	s22 =	simm.s32 $0xE;
	v20 =	vmov s17;
	v21 =	vmov s18;
	v22 =	vmov s19;
	v4 =	vld.idx.msk [tilespmem:v4+s31+$0x0], $0xffff  }
0x115: {  	v25 =	vmov s22;
	v8 =	vshll.u32 v8, v0;
	v11 =	vshll.u32 v11, v0;
	v5 =	vld.idx.msk [tilespmem:v5+s31+$0x0], $0xffff  }
0x116: {  	v14 =	vshll.u32 v14, v0;
	v16 =	vshll.u32 v16, v0;
	v8 =	vadd.s32 $0x4, v8;
	v28 =	vld [tilespmem:s10+$0xFFFFFFF0]  }
0x117: {  	v21 =	vshrl.u32 v21, $0x3;
	v11 =	vadd.s32 $0x2, v11;
	v8 =	vbroadcast v8, $0x0;
	v29 =	vld [tilespmem:s13+$0x0]  }
0x118: {  	v18 =	vshrl.u32 v18, $0x3;
	v14 =	vadd.s32 $0x1, v14;
	v11 =	vbroadcast v11, $0x0;
	v6 =	vld.idx.msk [tilespmem:v6+s31+$0x0], $0xffff  }
0x119: {  	v14 =	vbroadcast v14, $0x0;
	v7 =	vld.idx.msk [tilespmem:v7+s31+$0x0], $0xffff;
	v10 =	vadd.f32 v10, v12;
	v4 =	vmul.f32 v4, v1  }
0x11a: {  	v12 =	vbroadcast v16, $0x0;
	v16 =	vld [tilespmem:s13+$0xFFFFFFD0];
	v9 =	vadd.f32 v9, v13;
	v5 =	vmul.f32 v5, v1  }
0x11b: {  	v22 =	vshrl.u32 v22, $0x3;
	v25 =	vshrl.u32 v25, $0x3;
	v4 =	vadd.f32 v10, v4;
	v10 =	vld [tilespmem:s10+$0xFFFFFFE0]  }
0x11c: {  	v20 =	vshrl.u32 v20, $0x3;
	v21 =	vshll.u32 v21, v0;
	v19 =	vadd.f32 v9, v5;
	v9 =	vld [tilespmem:s13+$0xFFFFFFE0]  }
0x11d: {  	v22 =	vshll.u32 v22, v0;
	v25 =	vshll.u32 v25, v0;
	v20 =	vshll.u32 v20, v0;
	v8 =	vld.idx.msk [tilespmem:v8+s31+$0x0], $0xffff  }
0x11e: {  	v21 =	vadd.s32 $0x5, v21;
	v54 =	vadd.s32 $0x7, v22;
	v25 =	vadd.s32 $0x6, v25;
	v11 =	vld.idx.msk [tilespmem:v11+s31+$0x0], $0xffff  }
0x11f: {  	s14 =	simm.s32 $0x9;
	v25 =	vbroadcast v25, $0x0;
	v14 =	vld.idx.msk [tilespmem:v14+s31+$0x0], $0xffff;
	v23 =	vadd.f32 v23, v24;
	v15 =	vadd.f32 v15, v29  }
0x120: {  	v13 =	vmov s14;
	v59 =	vadd.f32 v28, v26;
	v16 =	vadd.f32 v17, v16;
	v17 =	vld [tilespmem:s10+$0x20]  }
0x121: {  	s28 =	simm.s32 $0xB;
	v9 =	vadd.f32 v10, v9;
	v10 =	vshrl.u32 v13, $0x3;
	v13 =	vbroadcast v21, $0x0  }
0x122: {  	s17 =	simm.s32 $0x1BEC0;
	v6 =	vmul.f32 v6, v1;
	v27 =	vmul.f32 v7, v1;
	v7 =	vmov s28;
	v12 =	vld.idx.msk [tilespmem:v12+s31+$0x0], $0xffff  }
0x123: {  	v56 =	vld [tilespmem:s17+$0x30];
	v8 =	vmul.f32 v8, v1;
	v7 =	vshrl.u32 v7, $0x3;
	v21 =	vbroadcast v54, $0x0  }
0x124: {  	s11 =	simm.s32 $0x8;
	v57 =	vld [tilespmem:s17+$0x10];
	s14 =	simm.s32 $0x1AEC0;
	v14 =	vmul.f32 v14, v1;
	v11 =	vmul.f32 v11, v1;
	v7 =	vshll.u32 v7, v0  }
0x125: {  	v58 =	vld [tilespmem:s14+$0x30];
	v5 =	vmov s11;
	v7 =	vadd.s32 $0x3, v7;
	v17 =	vadd.f32 v17, v55  }
0x126: {  	v9 =	vadd.f32 v9, v11;
	v11 =	vbroadcast v7, $0x0;
	v7 =	vadd.s32 $0x4, v20;
	v20 =	vld [tilespmem:s14+$0x10]  }
0x127: {  	v8 =	vadd.f32 v15, v8;
	v12 =	vmul.f32 v12, v1;
	v6 =	vadd.f32 v17, v6;
	v13 =	vld.idx.msk [tilespmem:v13+s31+$0x0], $0xffff  }
0x128: {  	v17 =	vshrl.u32 v5, $0x3;
	v5 =	vld [tilespmem:s17+$0x0];
	v30 =	vbroadcast v7, $0x0;
	v7 =	vshll.u32 v18, v0  }
0x129: {  	v10 =	vshll.u32 v10, v0;
	v23 =	vadd.f32 v23, v12;
	v60 =	vadd.s32 $0x2, v7;
	v18 =	vld.idx.msk [tilespmem:v21+s31+$0x0], $0xffff  }
0x12a: {  	v12 =	vshll.u32 v17, v0;
	v17 =	vadd.f32 v16, v14;
	v14 =	vld [tilespmem:s14+$0xFFFFFFD0];
	v26 =	vbroadcast v60, $0x0  }
0x12b: {  	v4 =	vmax.f32 v4, $0.0e+00;
	v8 =	vmax.f32 v8, $0.0e+00;
	v10 =	vadd.s32 $0x1, v10;
	v7 =	vld [tilespmem:s17+$0xFFFFFFD0]  }
0x12c: {  	[tilespmem:s13+$0x10] =	vst v4;
	v15 =	vbroadcast v10, $0x0;
	v20 =	vadd.f32 v57, v20;
	v62 =	vmul.f32 v13, v1;
	v13 =	vld.idx.msk [tilespmem:v25+s31+$0x0], $0xffff  }
0x12d: {  	v19 =	vmax.f32 v19, $0.0e+00;
	[tilespmem:s13+$0x0] =	vst v8;
	v61 =	vmax.f32 v6, $0.0e+00;
	v16 =	vbroadcast v12, $0x0;
	v6 =	vld.idx.msk [tilespmem:v11+s31+$0x0], $0xffff  }
0x12e: {  	v12 =	vld.idx.msk [tilespmem:v30+s31+$0x0], $0xffff;
	v18 =	vmul.f32 v18, v1;
	v4 =	vadd.f32 v20, v62;
	v20 =	vadd.f32 v56, v58  }
0x12f: {  	[tilespmem:s13+$0x20] =	vst v61;
	v63 =	vmax.f32 v23, $0.0e+00;
	v17 =	vmax.f32 v17, $0.0e+00;
	v11 =	vmax.f32 v9, $0.0e+00;
	v9 =	vld [tilespmem:s17+$0xFFFFFFE0]  }
0x130: {  	s18 =	simm.s32 $0x1BF40;
	s11 =	simm.s32 $0x10;
	s10 =	simm.s32 $0x1AF40;
	[tilespmem:s13+$0xFFFFFFC0] =	vst v63;
	v8 =	vld.idx.msk [tilespmem:v26+s31+$0x0], $0xffff;
	v10 =	vmax.f32 v4, $0.0e+00;
	v4 =	vadd.f32 v20, v18;
	v18 =	vadd.f32 v59, v27  }
.LBB2_7:
0x131: {  	v20 =	vmov s11;
	s3 =	sadd.s32 $0x1, s11;
	s16 =	sadd.s32 $0x2, s11;
	s19 =	sadd.s32 $0x3, s11;
	v21 =	vld [tilespmem:s14+$0xFFFFFFE0];
	v13 =	vmul.f32 v13, v1;
	[tilespmem:s13+$0x30] =	vst v19  }
0x132: {  	s22 =	sadd.s32 $0x6, s11;
	v19 =	vmov s3;
	v22 =	vmov s16;
	s3 =	sadd.s32 $0x4, s11;
	s16 =	sadd.s32 $0x5, s11;
	v15 =	vld.idx.msk [tilespmem:v15+s31+$0x0], $0xffff;
	[tilespmem:s13+$0xFFFFFFD0] =	vst v17;
	v17 =	vmax.f32 v18, $0.0e+00  }
0x133: {  	p0 =	slt.u32 s11, $0xF8;
	v12 =	vmul.f32 v12, v1;
	v18 =	vmov s3;
	v23 =	vmov s16;
	s3 =	sadd.s32 $0x7, s11;
	s11 =	sadd.s32 $0x8, s11;
	v16 =	vld.idx.msk [tilespmem:v16+s31+$0x0], $0xffff;
	[tilespmem:s13+$0xFFFFFFF0] =	vst v17  }
0x134: {  	v14 =	vadd.f32 v7, v14;
	v17 =	vshrl.u32 v23, $0x3;
	v23 =	vmov s3;
	v7 =	vld [tilespmem:s17+$0x20];
	[tilespmem:s13+$0xFFFFFFE0] =	vst v11;
	s13 =	smov.u32 s14;
	s14 =	smov.u32 s10  }
0x135: {  	v11 =	vshrl.u32 v22, $0x3;
	v17 =	vshll.u32 v17, v0;
	v22 =	vshrl.u32 v23, $0x3;
	v23 =	vld [tilespmem:s17+$0xFFFFFFC0];
	[tilespmem:s13+$0x10] =	vst v10  }
0x136: {  	v10 =	vadd.s32 $0x5, v17;
	v17 =	vshll.u32 v22, v0;
	v22 =	vld [tilespmem:s13+$0xFFFFFFC0];
	v9 =	vadd.f32 v9, v21  }
0x137: {  	v19 =	vshrl.u32 v19, $0x3;
	v10 =	vbroadcast v10, $0x0;
	v17 =	vadd.s32 $0x7, v17;
	v21 =	vld [tilespmem:s13+$0x20]  }
0x138: {  	v26 =	vmul.f32 v6, v1;
	v24 =	vmov s22;
	v17 =	vbroadcast v17, $0x0;
	v25 =	vld [tilespmem:s13+$0xFFFFFFF0]  }
0x139: {  	v6 =	vmov s19;
	v24 =	vshrl.u32 v24, $0x3;
	v27 =	vmul.f32 v15, v1;
	v15 =	vld [tilespmem:s17+$0xFFFFFFF0];
	s17 =	smov.u32 s18  }
0x13a: {  	v18 =	vshrl.u32 v18, $0x3;
	v24 =	vshll.u32 v24, v0;
	v8 =	vmul.f32 v8, v1;
	v28 =	vld [tilespmem:s13+$0x0]  }
0x13b: {  	v6 =	vshrl.u32 v6, $0x3;
	v24 =	vadd.s32 $0x6, v24;
	v29 =	vld [tilespmem:s18+$0x30];
	v22 =	vadd.f32 v23, v22  }
0x13c: {  	v6 =	vshll.u32 v6, v0;
	v24 =	vbroadcast v24, $0x0;
	v23 =	vld [tilespmem:s18+$0x10];
	v7 =	vadd.f32 v7, v21  }
0x13d: {  	v6 =	vadd.s32 $0x3, v6;
	v18 =	vshll.u32 v18, v0;
	v8 =	vadd.f32 v9, v8;
	v10 =	vld.idx.msk [tilespmem:v10+s31+$0x0], $0xffff  }
0x13e: {  	v6 =	vbroadcast v6, $0x0;
	v9 =	vadd.s32 $0x4, v18;
	v16 =	vmul.f32 v16, v1;
	v18 =	vld [tilespmem:s10+$0x10]  }
0x13f: {  	v19 =	vshll.u32 v19, v0;
	v9 =	vbroadcast v9, $0x0;
	v21 =	vld [tilespmem:s10+$0x30];
	v28 =	vadd.f32 v5, v28  }
0x140: {  	v25 =	vadd.f32 v15, v25;
	v13 =	vadd.f32 v7, v13;
	v5 =	vshll.u32 v11, v0;
	v11 =	vld.idx.msk [tilespmem:v17+s31+$0x0], $0xffff  }
0x141: {  	v15 =	vshrl.u32 v20, $0x3;
	v20 =	vadd.f32 v22, v16;
	v17 =	vadd.s32 $0x2, v5;
	v5 =	vld [tilespmem:s18+$0x0]  }
0x142: {  	v16 =	vadd.s32 $0x1, v19;
	v19 =	vbroadcast v17, $0x0;
	v17 =	vmax.f32 v13, $0.0e+00;
	v7 =	vld [tilespmem:s18+$0xFFFFFFD0]  }
0x143: {  	v22 =	vadd.f32 v28, v12;
	v10 =	vmul.f32 v10, v1;
	v18 =	vadd.f32 v23, v18;
	v13 =	vld.idx.msk [tilespmem:v24+s31+$0x0], $0xffff  }
.Ltmp2:
0x144: {  	v12 =	vshll.u32 v15, v0;
	v15 =	vbroadcast v16, $0x0;
	v23 =	vadd.f32 v14, v27;
	v6 =	vld.idx.msk [tilespmem:v6+s31+$0x0], $0xffff;
	(pc) =	sbr.rel @p0 .LBB2_7-.Ltmp2, $4  }
0x145: {  	v16 =	vbroadcast v12, $0x0;
	v21 =	vadd.f32 v29, v21;
	v12 =	vld.idx.msk [tilespmem:v9+s31+$0x0], $0xffff;
	v10 =	vadd.f32 v18, v10  }
0x146: {  	v24 =	vmul.f32 v11, v1;
	v11 =	vmax.f32 v8, $0.0e+00;
	v8 =	vmax.f32 v22, $0.0e+00;
	v14 =	vld [tilespmem:s10+$0xFFFFFFD0];
	[tilespmem:s13+$0x20] =	vst v17  }
0x147: {  	v18 =	vmax.f32 v20, $0.0e+00;
	v17 =	vmax.f32 v23, $0.0e+00;
	v9 =	vld [tilespmem:s18+$0xFFFFFFE0];
	v10 =	vmax.f32 v10, $0.0e+00;
	[tilespmem:s13+$0x0] =	vst v8  }
0x148: {  	s10 =	sadd.s32 $0x80, s10;
	s18 =	sadd.s32 $0x80, s18;
	v8 =	vld.idx.msk [tilespmem:v19+s31+$0x0], $0xffff;
	[tilespmem:s13+$0xFFFFFFC0] =	vst v18;
	v18 =	vadd.f32 v25, v26;
	v19 =	vmax.f32 v4, $0.0e+00;
	v4 =	vadd.f32 v21, v24  }
0x149: {  	_ =	sdelay $0x3  }
0x14a: {  	v16 =	vld.idx.msk [tilespmem:v16+s31+$0x0], $0xffff  }
0x14b: {  	v21 =	vld [tilespmem:s17+$0x20]  }
0x14c: {  	v22 =	vld [tilespmem:s17+$0xFFFFFFC0]  }
0x14d: {  	v23 =	vld [tilespmem:s14+$0x20]  }
0x14e: {  	v24 =	vld [tilespmem:s14+$0x0]  }
0x14f: {  	v25 =	vld [tilespmem:s14+$0xFFFFFFC0]  }
0x150: {  	v15 =	vld.idx.msk [tilespmem:v15+s31+$0x0], $0xffff  }
0x151: {  	v26 =	vld [tilespmem:s14+$0xFFFFFFF0]  }
0x152: {  	[tilespmem:s13+$0x30] =	vst v19;
	v13 =	vmul.f32 v13, v1;
	v55 =	vld [tilespmem:s17+$0xFFFFFFF0];
	v6 =	vmul.f32 v6, v1  }
0x153: {  	v20 =	vld [tilespmem:s14+$0xFFFFFFE0];
	[tilespmem:s13+$0xFFFFFFD0] =	vst v17;
	v56 =	vmax.f32 v18, $0.0e+00;
	v12 =	vmul.f32 v12, v1;
	v54 =	vadd.f32 v21, v23  }
0x154: {  	[tilespmem:s13+$0xFFFFFFE0] =	vst v11;
	v4 =	vmax.f32 v4, $0.0e+00;
	v7 =	vadd.f32 v7, v14;
	v5 =	vadd.f32 v5, v24  }
0x155: {  	[tilespmem:s14+$0x10] =	vst v10;
	v57 =	vadd.f32 v22, v25;
	v16 =	vmul.f32 v16, v1;
	v13 =	vadd.f32 v54, v13  }
0x156: {  	[tilespmem:s13+$0xFFFFFFF0] =	vst v56;
	v8 =	vmul.f32 v8, v1;
	v58 =	vmul.f32 v15, v1;
	v5 =	vadd.f32 v5, v12  }
0x157: {  	[tilespmem:s14+$0x30] =	vst v4;
	v61 =	vadd.f32 v55, v26;
	v59 =	vadd.f32 v57, v16;
	v60 =	vmax.f32 v13, $0.0e+00  }
0x158: {  	v9 =	vadd.f32 v9, v20;
	v7 =	vadd.f32 v7, v58;
	v5 =	vmax.f32 v5, $0.0e+00;
	[tilespmem:s14+$0x20] =	vst v60  }
0x159: {  	v62 =	vmax.f32 v59, $0.0e+00;
	[tilespmem:s14+$0x0] =	vst v5;
	v5 =	vadd.f32 v61, v6  }
0x15a: {  	v63 =	vadd.f32 v9, v8;
	v7 =	vmax.f32 v7, $0.0e+00;
	[tilespmem:s14+$0xFFFFFFC0] =	vst v62  }
0x15b: {  	s12 =	sadd.s32 $0x1, s12;
	[tilespmem:s14+$0xFFFFFFD0] =	vst v7;
	v4 =	vmax.f32 v5, $0.0e+00  }
0x15c: {  	p0 =	sne.s32 s12, $0xC4;
	v5 =	vmax.f32 v63, $0.0e+00;
	[tilespmem:s14+$0xFFFFFFF0] =	vst v4  }
.Ltmp3:
0x15d: {  	[tilespmem:s14+$0xFFFFFFE0] =	vst v5;
	(pc) =	sbr.rel @p0 .LBB2_2-.Ltmp3, $4  }
0x15e: {  	[spmem:s1] =	stream.indirect.scatter.add.f32 [tilespmem:s0], [sflag:$0x3], $0x10, s30, s25, $0xb8;
	[tilespmem:$0x1CE40] =	vst v63  }
0x15f: {  	_ =	swait.ge [sflag:s20], $0x1000  }
0x160: {  	[sflag:s20] =	ssyncset.done $0x0  }
0x161: {  	[sflag:s20] =	ssyncadd.s32 $0xFFFFF000  }
0x162: {  	[bflag:$0x0] =	sbarrier.arrive $0xFFFF  }
0x163: {  	s12 =	rddreg [dreg:$0x5]  }
0x164: {  	s3 =	rddreg [dreg:$0xa]  }
0x165: {  	s10 =	rddreg [dreg:$0xc]  }
0x166: {  	[hbm:s3], [sflag:s12] =	dma.local [spmem:s10], $0x3100  }
0x167: {  	_ =	swait.ge [sflag:s20], $0x3100  }
0x168: {  	s11 =	rddreg [dreg:$0xd]  }
0x169: {  	s28 =	rddreg [dreg:$0xb];
	s11 =	sadd.s32 $0x1, s11  }
0x16a: {  	p0 =	sne.s32 s11, s28  }
.Ltmp4:
0x16b: {  	_ = 	snop;
	(pc) =	sbr.rel @p0 .LBB2_1-.Ltmp4, $3  }
0x16c: {  	_ =	sdelay $0x1  }
0x16d: {  	[sflag:s20] =	ssyncset.done $0x0  }
0x16e: {  	[sflag:s20] =	ssyncadd.s32 $0xFFFFCF00  }
0x16f: {  	_ =	sfence.sel $0x180000  }
0x170: {  	[bflag:$0x0] =	sbarrier.arrive $0xFFFF  }
0x171: {  	_ =	strace $0x9000004A  }
0x172: {  	s0 =	stileid.u32;
	[bflag:$0x2] =	sbarrier.arrive $0xFFFF  }
0x173: {  	p0 =	sne.s32 s0, $0x0;
	s0 =	rddreg [dreg:$0x2]  }
0x174: {  	s0 =	sadd.s32 @!p0 $0x100000, s0  }
0x175: {  	[sflag:s0] =	ssyncadd.tile.s32 @!p0 $0x1;
	_ =	shalt  }
.Lfunc_end2:
_tile_overlayer_lowered:
.L_overlay_start_2:
0x176: {  	(tag) =	ssettag $0x2  }
0x177: {  	s0 =	rddreg [dreg:$0x0];
	s2 =	stileid.u32  }
0x178: {  	s1 =	rddreg [dreg:$0x1];
	p0 =	sne.s32 s2, $0x0  }
0x179: {  	s3 =	rddreg [dreg:$0x2];
	[bflag:$0x3] =	sbarrier.arrive $0xFFFF;
	s2 =	simm.s32 @!p0 $0x1C03  }
0x17a: {  	[timem:s3], [sflag:s2] =	dma.local @!p0 [hbm:s0], s1  }
0x17b: {  	s0 =	simm.s32 @!p0 $0x3  }
0x17c: {  	_ =	swait.ge @!p0 [sflag:s0], s1  }
0x17d: {  	s1 =	ssub.s32 @!p0 $0x0, s1;
	[sflag:s0] =	ssyncset.done @!p0 $0x0  }
0x17e: {  	[sflag:s0] =	ssyncadd.s32 @!p0 s1  }
0x17f: {  	[bflag:$0x3] =	sbarrier.arrive $0xFFFF  }
0x180: {  	_ =	shalt  }

// kernel: kernel.14.cloned.1.call-start
scs
__scs_entry_jumppad:
0x0: {  	(pc) =	sbr.rel $0x88, $3  }
0x1: {  	(tag) =	ssettag $0x0;
	lr =	simm.s32 $0x1  }
0x2: {  	[smem:$0x3F77] =	sst lr;
	_ =	strace $0xD0000000  }
0x3: {  	_ = 	snop  }
0x4: {  	_ = 	snop  }
0x5: {  	_ = 	snop  }
0x6: {  	_ = 	snop  }
0x7: {  	_ = 	snop  }
__scs_overlays_trampoline_lowered:
0x8: {  	[smem:$0x3F86] =	sst s0  }
0x9: {  	[smem:$0x3F87] =	sst s1  }
0xa: {  	[smem:$0x3F88] =	sst s2  }
0xb: {  	[smem:$0x3F89] =	sst s3  }
0xc: {  	[smem:$0x3F8A] =	sst s4  }
0xd: {  	[smem:$0x3F8B] =	sst s5  }
0xe: {  	[smem:$0x3F8C] =	sst s6  }
0xf: {  	[smem:$0x3F8D] =	sst s7  }
0x10: {  	[smem:$0x3F8E] =	sst s8  }
0x11: {  	[smem:$0x3F8F] =	sst s9;
	s0 =	simm.s32 @!p0 $0x0  }
0x12: {  	s1 =	sld [smem:$0x3F75];
	s0 =	simm.s32 @p0 $0x1  }
0x13: {  	[smem:$0x3F90] =	sst s0;
	s0 =	simm.s32 @!p1 $0x0  }
0x14: {  	s2 =	sld [smem:$0x3F74];
	s0 =	simm.s32 @p1 $0x1  }
0x15: {  	[smem:$0x3F91] =	sst s0;
	s0 =	simm.s32 @!p2 $0x0  }
0x16: {  	s3 =	sld [smem:$0x3FDB];
	s0 =	simm.s32 @p2 $0x1  }
0x17: {  	s4 =	simm.s32 $0x1BF5;
	[smem:$0x3F93] =	sst s0  }
0x18: {  	s0 =	sld [smem:$0x3F76];
	_ =	swait.ge [sflag:s4], $0x0  }
0x19: {  	s7 =	sld [smem:$0x3F77]  }
0x1a: {  	s8 =	sadd.s32 $0xFFFFE003, lr  }
0x1b: {  	s9 =	sadd.s32 $0xFFFFFEF7, lr;
	s5 =	simm.s32 $0xFFFFFFFF;
	p2 =	slt.u32 s8, $0xFFFFF086  }
0x1c: {  	p1 =	slt.u32 s9, $0xF7A;
	s5 =	simm.s32 @!p2 $0x0  }
0x1d: {  	s5 =	simm.s32 @p1 $0x1;
	p0 =	seq.s32 s7, s2  }
0x1e: {  	s7 =	smul.u32 @!p0 $0xF7A, s2;
	p2 =	seq.s32 @!p0 s5, $0x0  }
0x1f: {  	s9 =	smul.u32 $0xF7A, s1;
	s8 =	simm.s32 @!p0 $0x1BF5;
	p2 =	por !p2, p0  }
0x20: {  	[sflag:s8] =	ssyncset.s32 @!p0 $0xFFFFF086;
	s6 =	sadd.s32 @!p0 s3, s7;
	s7 =	simm.s32 @!p0 $0x108  }
0x21: {  	s3 =	sadd.s32 s3, s9;
	s6 =	sadd.s32 @!p0 $0x88, s6;
	s7 =	simm.s32 @p2 $0x1082  }
0x22: {  	[simem:s7], [sflag:s8] =	dma.local @!p0 [hbm:s6], $0xF7A  }
0x23: {  	s9 =	sor.u32 $0xD0000000, s2;
	s6 =	simm.s32 $0x108;
	_ =	swait.ge @!p0 [sflag:s8], $0x0  }
0x24: {  	s3 =	sadd.s32 $0x88, s3;
	s6 =	simm.s32 @!p1 $0x1082;
	[sflag:s4] =	ssyncset.s32 $0xFFFFF086  }
0x25: {  	[simem:s6], [sflag:s4] =	dma.local [hbm:s3], $0xF7A  }
0x26: {  	[smem:$0x3F77] =	sst s1;
	(tag) =	ssettag s2;
	_ =	strace s9  }
0x27: {  	s1 =	sld [smem:$0x3F87]  }
0x28: {  	s2 =	sld [smem:$0x3F88]  }
0x29: {  	s4 =	sld [smem:$0x3F8A]  }
0x2a: {  	p0 =	seq.s32 s5, $0x0;
	s5 =	sld [smem:$0x3F8B]  }
0x2b: {  	s6 =	sld [smem:$0x3F8C]  }
0x2c: {  	s7 =	sld [smem:$0x3F8D]  }
0x2d: {  	s3 =	simm.s32 $0x108;
	s8 =	sld [smem:$0x3F8E]  }
0x2e: {  	s3 =	simm.s32 @!p0 $0x1082;
	s9 =	sld [smem:$0x3F8F]  }
0x2f: {  	lr =	sadd.s32 s0, s3;
	s0 =	sld [smem:$0x3F86]  }
0x30: {  	s3 =	sld [smem:$0x3F89]  }
0x31: {  	[smem:$0x3F92] =	sst s10  }
0x32: {  	s10 =	sld [smem:$0x3F90];
	_ =	sdelay $0x3  }
0x33: {  	p0 =	seq.s32 s10, $0x1;
	s10 =	sld [smem:$0x3F92];
	_ =	sdelay $0x3  }
0x34: {  	[smem:$0x3F92] =	sst s10  }
0x35: {  	s10 =	sld [smem:$0x3F91];
	_ =	sdelay $0x3  }
0x36: {  	p1 =	seq.s32 s10, $0x1;
	s10 =	sld [smem:$0x3F92];
	_ =	sdelay $0x3  }
0x37: {  	[smem:$0x3F92] =	sst s10  }
0x38: {  	s10 =	sld [smem:$0x3F93]  }
0x39: {  	_ = 	snop;
	(pc) =	sbr.ind lr, $3  }
0x3a: {  	_ = 	snop  }
0x3b: {  	_ = 	snop  }
0x3c: {  	p2 =	seq.s32 s10, $0x1;
	s10 =	sld [smem:$0x3F92]  }
0x3d: {  	_ =	shalt  }
0x3e: {  	_ =	shalt  }
0x3f: {  	_ =	shalt  }
0x40: {  	_ =	shalt  }
0x41: {  	_ =	shalt  }
0x42: {  	_ =	shalt  }
0x43: {  	_ =	shalt  }
0x44: {  	_ =	shalt  }
0x45: {  	_ =	shalt  }
0x46: {  	_ =	shalt  }
0x47: {  	_ =	shalt  }
0x48: {  	_ =	shalt  }
0x49: {  	_ =	shalt  }
0x4a: {  	_ =	shalt  }
0x4b: {  	_ =	shalt  }
0x4c: {  	_ =	shalt  }
0x4d: {  	_ =	shalt  }
0x4e: {  	_ =	shalt  }
0x4f: {  	_ =	shalt  }
0x50: {  	_ =	shalt  }
0x51: {  	_ =	shalt  }
0x52: {  	_ =	shalt  }
0x53: {  	_ =	shalt  }
0x54: {  	_ =	shalt  }
0x55: {  	_ =	shalt  }
0x56: {  	_ =	shalt  }
0x57: {  	_ =	shalt  }
0x58: {  	_ =	shalt  }
0x59: {  	_ =	shalt  }
0x5a: {  	_ =	shalt  }
0x5b: {  	_ =	shalt  }
0x5c: {  	_ =	shalt  }
0x5d: {  	_ =	shalt  }
0x5e: {  	_ =	shalt  }
0x5f: {  	_ =	shalt  }
0x60: {  	_ =	shalt  }
0x61: {  	_ =	shalt  }
0x62: {  	_ =	shalt  }
0x63: {  	_ =	shalt  }
0x64: {  	_ =	shalt  }
0x65: {  	_ =	shalt  }
0x66: {  	_ =	shalt  }
0x67: {  	_ =	shalt  }
0x68: {  	_ =	shalt  }
0x69: {  	_ =	shalt  }
0x6a: {  	_ =	shalt  }
0x6b: {  	_ =	shalt  }
0x6c: {  	_ =	shalt  }
0x6d: {  	_ =	shalt  }
0x6e: {  	_ =	shalt  }
0x6f: {  	_ =	shalt  }
0x70: {  	_ =	shalt  }
0x71: {  	_ =	shalt  }
0x72: {  	_ =	shalt  }
0x73: {  	_ =	shalt  }
0x74: {  	_ =	shalt  }
0x75: {  	_ =	shalt  }
0x76: {  	_ =	shalt  }
0x77: {  	_ =	shalt  }
0x78: {  	_ =	shalt  }
0x79: {  	_ =	shalt  }
0x7a: {  	_ =	shalt  }
0x7b: {  	_ =	shalt  }
0x7c: {  	_ =	shalt  }
0x7d: {  	_ =	shalt  }
0x7e: {  	_ =	shalt  }
0x7f: {  	_ =	shalt  }
0x80: {  	_ =	shalt  }
0x81: {  	_ =	shalt  }
0x82: {  	_ =	shalt  }
0x83: {  	_ =	shalt  }
0x84: {  	_ =	shalt  }
0x85: {  	_ =	shalt  }
0x86: {  	_ =	shalt  }
0x87: {  	_ =	shalt  }
.Lfunc_end0:
.L_simem_size_0:
called_computation.2_lowered:
.L_overlay_start_0:
0x88: {  	s2 =	sld [smem:$0x3FD9]  }
0x89: {  	s3 =	sld [smem:$0x3FFE];
	_ =	sdelay $0x1  }
0x8a: {  	s1 =	srdreg.scid  }
0x8b: {  	s0 =	sand.u32 $0x1, s1  }
0x8c: {  	s14 =	sshll.u32 s0, $0xA;
	s2 =	sadd.s32 s3, s2  }
0x8d: {  	s2 =	sadd.s32 s2, s14  }
0x8e: {  	[smem:$0x3F9E] =	sst s2  }
0x8f: {  	_ = 	snop  }
0x90: {  	s2 =	sld [smem:$0x3FD0];
	_ =	sdelay $0x2  }
0x91: {  	s15 =	simm.s32 $0xB;
	s4 =	simm.s32 $0x10  }
0x92: {  	[smem:s4], [sflag:s15] =	dma.local [hbm:s2], $0x1  }
0x93: {  	_ =	swait.eq [sflag:s15], $0x1  }
0x94: {  	[sflag:s15] =	ssyncset.done $0x0  }
0x95: {  	[sflag:s15] =	ssyncadd.s32 $0xFFFFFFFF  }
0x96: {  	s16 =	sld [smem:$0x10];
	(tm) =	ssettm $0x1  }
0x97: {  	s17 =	sld [smem:$0x3FFB];
	_ =	sdelay $0x3  }
0x98: {  	_ =	strace s17  }
0x99: {  	s3 =	sld [smem:$0x3FFC];
	_ =	sdelay $0x3  }
0x9a: {  	_ =	strace s3  }
0x9b: {  	s3 =	sld [smem:$0x3FFD];
	_ =	sdelay $0x3  }
0x9c: {  	_ =	strace s3  }
0x9d: {  	_ =	strace $0x8FFFFFFF  }
0x9e: {  	s18 =	sld [smem:$0x3FDB];
	_ =	sdelay $0x1  }
0x9f: {  	s19 =	simm.s32 $_scs_section_size  }
0xa0: {  	s5 =	simm.s32 $_size__tile_overlayer_lowered;
	s6 =	simm.s32 $_tile_overlayer_lowered  }
0xa1: {  	s22 =	simm.s32 $0x1BFF;
	s21 =	sshll.u32 s6, $0x1;
	s3 =	sadd.s32 s19, s18  }
0xa2: {  	s7 =	simm.s32 $0x0;
	s20 =	sshll.u32 s5, $0x1;
	s5 =	sadd.s32 s21, s3  }
0xa3: {  	[timem:s7], [sflag:s22] =	dma.local [hbm:s5], s20  }
0xa4: {  	_ =	swait.ge [sflag:s22], s20  }
0xa5: {  	s4 =	ssub.s32 $0x0, s20;
	[sflag:s22] =	ssyncset.done $0x0  }
0xa6: {  	[sflag:s22] =	ssyncadd.s32 s4;
	_ =	sdelay $0x1  }
0xa7: {  	s23 =	simm.s32 $0x1B8B  }
0xa8: {  	_ =	swait.ge [sflag:s23], $0x1  }
0xa9: {  	[sflag:s23] =	ssyncset.done $0x0  }
0xaa: {  	s25 =	simm.s32 $0x1B8E;
	s24 =	sld [smem:$0x3FFE];
	[sflag:s23] =	ssyncadd.s32 $0xFFFFFFFF  }
0xab: {  	s26 =	simm.s32 $execute0_lowered;
	[smem:$0x3FD2] =	sst s25  }
0xac: {  	s5 =	sshll.u32 s26, $0x1;
	_ =	strace $0x8000004C;
	[dreg:$0x1] =	wrdreg $0xFFFFFFFF  }
0xad: {  	s28 =	simm.s32 $_size_execute0_lowered;
	s3 =	sadd.s32 s3, s5;
	[dreg:$0x0] =	wrdreg $0x0  }
0xae: {  	s5 =	sshll.u32 s28, $0x1;
	[dreg:$0x2] =	wrdreg s3  }
0xaf: {  	[dreg:$0x3] =	wrdreg s5  }
0xb0: {  	[dreg:$0x4] =	wrdreg $0xC0  }
0xb1: {  	_ =	task [dreg:s7], $0x5FFFF  }
0xb2: {  	[dreg:$0x1] =	wrdreg $0xFFFFFFFF  }
0xb3: {  	[dreg:$0x0] =	wrdreg $0x60  }
0xb4: {  	[dreg:$0x2] =	wrdreg s24  }
0xb5: {  	[dreg:$0x3] =	wrdreg s16  }
0xb6: {  	[dreg:$0x4] =	wrdreg $0x0  }
0xb7: {  	[dreg:$0x5] =	wrdreg $0x9  }
0xb8: {  	_ =	task.clear_ibuf [dreg:s7], $0x6FFFF;
	_ =	strace $0x9000004C  }
0xb9: {  	s29 =	simm.s32 $0x9;
	_ =	strace $0x8000004E  }
0xba: {  	_ =	swait.ge [sflag:s29], $0x1  }
0xbb: {  	[sflag:s29] =	ssyncadd.s32 $0xFFFFFFFF  }
0xbc: {  	_ =	strace $0x9000004E  }
0xbd: {  	_ =	sfence  }
0xbe: {  	s30 =	sld [smem:$0x0];
	_ =	sdelay $0x2  }
0xbf: {  	s31 =	sshll.u32 s1, $0xD;
	s1 =	sshrl.u32 s1, $0x2  }
0xc0: {  	s3 =	sand.u32 $0x4000, s31;
	s1 =	sadd.s32 s1, s30  }
0xc1: {  	s0 =	sor.u32 s3, s0;
	s1 =	sshll.u32 s1, $0x11  }
0xc2: {  	s0 =	sor.u32 s1, s0  }
0xc3: {  	s0 =	sadd.s32 $0x8F2B, s0  }
0xc4: {  	[sflag:s0] =	ssyncadd.remote.s32 $0x1  }
0xc5: {  	_ =	sfence.sel $0xFFFF  }
0xc6: {  	[dreg:$0x0] =	wrdreg $0xFFFFFFFF;
	(pc) =	sbr.abs _section_cstart, $3  }
0xc7: {  	[dreg:$0x1] =	wrdreg $0xFFFFFFFF  }
0xc8: {  	_ =	task.clear_ibuf [dreg:s7], $0x2FFFF;
	_ =	strace $0x9FFFFFFF  }
0xc9: {  	(tm) =	ssettm $0x7FFFFFFF  }
tec
execute0_lowered:
.L_overlay_start_1:
0x0: {  	(tag) =	ssettag $0x1  }
0x1: {  	s0 =	rddreg [dreg:$0x0]  }
0x2: {  	s2 =	rddreg [dreg:$0x2];
	s3 =	simm.s32 $0x0;
	s1 =	srdreg.scid  }
0x3: {  	s13 =	stileid.u32;
	s20 =	simm.s32 $0x3;
	s29 =	simm.s32 $0x1AB00  }
0x4: {  	s30 =	simm.s32 $0x1AC00;
	s31 =	simm.s32 $0x1AD00;
	[smem:$0x7FF] =	sst s3  }
0x5: {  	s5 =	sadd.s32 $0x6D600, s0;
	s6 =	sadd.s32 $0x162600, s0;
	s1 =	sand.u32 $0x1, s1  }
0x6: {  	s4 =	smul.u32 $0x18800, s13;
	s7 =	sadd.s32 $0xB600, s0;
	s8 =	sadd.s32 $0x100600, s0  }
0x7: {  	s9 =	sadd.s32 $0x1F5800, s0;
	s11 =	sadd.s32 $0x226800, s0;
	s22 =	sshll.u32 s13, $0x6  }
0x8: {  	_ =	strace $0x8000004D;
	s10 =	smul.u32 $0x188000, s1;
	s21 =	sshll.u32 s1, $0x4  }
0x9: {  	[dreg:$0x4] =	wrdreg s11;
	s1 =	ssub.s32 $0x2, s1;
	s11 =	sor.u32 s13, s21  }
0xa: {  	s12 =	sshrl.u32 s1, $0x1;
	s21 =	simm.s32 $0x2;
	s10 =	sadd.s32 s4, s10  }
0xb: {  	s11 =	smul.u32 $0x18800, s11;
	s1 =	ssub.s32 s1, s12;
	s4 =	sadd.s32 s4, s2  }
0xc: {  	s12 =	sor.u32 $0x1C03, s22;
	s10 =	sshrl.u32 s10, $0x3;
	s28 =	smax.u32 s1, $0x1  }
0xd: {  	s1 =	simm.s32 $0x1;
	[dreg:$0x5] =	wrdreg s12;
	s0 =	sadd.s32 s10, s0  }
0xe: {  	s23 =	sshrl.u32 s11, $0x3;
	s26 =	sor.u32 $0x200, s11;
	[dreg:$0xb] =	wrdreg s28  }
0xf: {  	s15 =	sor.u32 $0x100, s11;
	s24 =	sadd.s32 s5, s23;
	[dreg:$0x9] =	wrdreg s26  }
0x10: {  	s11 =	simm.s32 $0x0;
	s25 =	sadd.s32 s7, s23;
	[dreg:$0x6] =	wrdreg s24  }
0x11: {  	s10 =	sadd.s32 s6, s23;
	s0 =	sadd.s32 $0x229A00, s0;
	[dreg:$0x7] =	wrdreg s25  }
0x12: {  	s23 =	simm.s32 $0x18900;
	s26 =	simm.s32 $0x18B00;
	[dreg:$0x8] =	wrdreg s10  }
0x13: {  	v0 =	vimm.s32 $0x0;
	vm0 =	vcmask $0x300;
	[dreg:$0xa] =	wrdreg s0;
	s10 =	sshrl.u32 s4, $0x3;
	s24 =	simm.s32 $0x18A00  }
0x14: {  	v0 =	vsel vm0, $0x3, v0;
	s25 =	simm.s32 $0x100;
	s0 =	simm.s32 $0x1AE00;
	[dreg:$0xc] =	wrdreg s10  }
.LBB2_1:
0x15: {  	[dreg:$0xd] =	wrdreg s11  }
0x16: {  	s4 =	rddreg [dreg:$0x4]  }
0x17: {  	[spmem:s10], [sflag:s12] =	dma.local [hbm:s4], $0x3100  }
0x18: {  	_ =	swait.ge [sflag:s20], $0x3100  }
0x19: {  	[sflag:s20] =	ssyncset.done $0x0  }
0x1a: {  	[sflag:s20] =	ssyncadd.s32 $0xFFFFCF00  }
0x1b: {  	s16 =	simm.s32 $0x1CE00;
	s14 =	rddreg [dreg:$0x1]  }
0x1c: {  	[tilespmem:s16], [sflag:$0x3] =	stream.linear.gather [hbm4b:s14+s3], $0x40, $0x38;
	[tilespmem:$0x1CE40] =	vst v63  }
0x1d: {  	_ =	swait.ge [sflag:s20], $0x40  }
0x1e: {  	[sflag:s20] =	ssyncset.done $0x0  }
0x1f: {  	[sflag:s20] =	ssyncadd.s32 $0xFFFFFFC0  }
0x20: {  	[bflag:$0x0] =	sbarrier.arrive $0xFFFF  }
0x21: {  	v1 =	vld [tilespmem:$0x1CE00]  }
0x22: {  	s18 =	simm.s32 $0x18800;
	v2 =	vld [tilespmem:$0x1CE10];
	s17 =	rddreg [dreg:$0x6]  }
0x23: {  	v3 =	vld [tilespmem:$0x1CE20];
	[tilespmem:s18], [sflag:$0x3] =	stream.linear.gather [hbm4b:s17+s3], $0x100, $0x38  }
0x24: {  	_ =	swait.ge [sflag:s20], $0x100  }
0x25: {  	[sflag:s20] =	ssyncset.done $0x0  }
0x26: {  	s19 =	rddreg [dreg:$0x7];
	[sflag:s20] =	ssyncadd.s32 $0xFFFFFF00  }
0x27: {  	[tilespmem:s23], [sflag:$0x3] =	stream.linear.gather [hbm4b:s19+s3], $0x100, $0x38;
	[tilespmem:$0x1CE40] =	vst v63  }
0x28: {  	_ =	swait.ge [sflag:s20], $0x100  }
0x29: {  	[sflag:s20] =	ssyncset.done $0x0  }
0x2a: {  	s22 =	rddreg [dreg:$0x8];
	[sflag:s20] =	ssyncadd.s32 $0xFFFFFF00  }
0x2b: {  	[tilespmem:s24], [sflag:$0x3] =	stream.linear.gather [hbm4b:s22+s3], $0x100, $0x38;
	[tilespmem:$0x1CE40] =	vst v63  }
0x2c: {  	_ =	swait.ge [sflag:s20], $0x100  }
0x2d: {  	[sflag:s20] =	ssyncset.done $0x0  }
0x2e: {  	[sflag:s20] =	ssyncadd.s32 $0xFFFFFF00  }
0x2f: {  	[tilespmem:s26], [sflag:$0x1] =	stream.indirect.gather [hbm4b:s8+s25], $0x10, s18, s25, $0xb8;
	[tilespmem:$0x1CE40] =	vst v63  }
0x30: {  	s28 =	simm.s32 $0x19B00  }
0x31: {  	[tilespmem:s28], [sflag:$0x1] =	stream.indirect.gather [hbm4b:s9+s25], $0x10, s23, s25, $0xb8;
	[tilespmem:$0x1CE40] =	vst v63  }
0x32: {  	v4 =	vld [tilespmem:$0x18A00]  }
0x33: {  	v5 =	vld [tilespmem:$0x18A10]  }
0x34: {  	v6 =	vld [tilespmem:$0x18A20]  }
0x35: {  	v7 =	vld [tilespmem:$0x18A30]  }
0x36: {  	v8 =	vld [tilespmem:$0x18A40]  }
0x37: {  	v9 =	vld [tilespmem:$0x18A50];
	v4 =	vmul.f32 v4, v2  }
0x38: {  	v10 =	vld [tilespmem:$0x18A60];
	v5 =	vmul.f32 v5, v2  }
0x39: {  	v11 =	vld [tilespmem:$0x18A70];
	v6 =	vmul.f32 v6, v2;
	v4 =	vadd.f32 v4, v3  }
0x3a: {  	v12 =	vld [tilespmem:$0x18A80];
	v7 =	vmul.f32 v7, v2;
	v5 =	vadd.f32 v5, v3  }
0x3b: {  	v13 =	vld [tilespmem:$0x18A90];
	v8 =	vmul.f32 v8, v2;
	v6 =	vadd.f32 v6, v3;
	v4 =	vmax.f32 v4, $0.0e+00  }
0x3c: {  	v42 =	vld [tilespmem:$0x18AA0];
	v41 =	vmul.f32 v9, v2;
	[tilespmem:$0x18A00] =	vst v4;
	v4 =	vmax.f32 v5, $0.0e+00;
	v5 =	vadd.f32 v7, v3  }
0x3d: {  	v45 =	vld [tilespmem:$0x18AB0];
	v44 =	vmul.f32 v10, v2;
	v43 =	vadd.f32 v8, v3;
	[tilespmem:$0x18A10] =	vst v4;
	v4 =	vmax.f32 v6, $0.0e+00  }
0x3e: {  	v47 =	vld [tilespmem:$0x18AC0];
	v46 =	vmul.f32 v11, v2;
	[tilespmem:$0x18A20] =	vst v4;
	v4 =	vmax.f32 v5, $0.0e+00;
	v5 =	vadd.f32 v41, v3  }
0x3f: {  	v50 =	vld [tilespmem:$0x18AD0];
	v49 =	vmul.f32 v12, v2;
	v48 =	vadd.f32 v44, v3;
	[tilespmem:$0x18A30] =	vst v4;
	v4 =	vmax.f32 v43, $0.0e+00  }
0x40: {  	v52 =	vld [tilespmem:$0x18AE0];
	v51 =	vmul.f32 v13, v2;
	[tilespmem:$0x18A40] =	vst v4;
	v4 =	vmax.f32 v5, $0.0e+00;
	v5 =	vadd.f32 v46, v3  }
0x41: {  	v55 =	vld [tilespmem:$0x18AF0];
	v54 =	vmul.f32 v42, v2;
	v53 =	vadd.f32 v49, v3;
	[tilespmem:$0x18A50] =	vst v4;
	v4 =	vmax.f32 v48, $0.0e+00  }
0x42: {  	v56 =	vmul.f32 v45, v2;
	[tilespmem:$0x18A60] =	vst v4;
	v4 =	vmax.f32 v5, $0.0e+00;
	v5 =	vadd.f32 v51, v3  }
0x43: {  	v58 =	vmul.f32 v47, v2;
	v57 =	vadd.f32 v54, v3;
	[tilespmem:$0x18A70] =	vst v4;
	v4 =	vmax.f32 v53, $0.0e+00  }
0x44: {  	v59 =	vmul.f32 v50, v2;
	[tilespmem:$0x18A80] =	vst v4;
	v4 =	vmax.f32 v5, $0.0e+00;
	v5 =	vadd.f32 v56, v3  }
0x45: {  	v61 =	vmul.f32 v52, v2;
	v60 =	vadd.f32 v58, v3;
	[tilespmem:$0x18A90] =	vst v4;
	v4 =	vmax.f32 v57, $0.0e+00  }
0x46: {  	v62 =	vmul.f32 v55, v2;
	[tilespmem:$0x18AA0] =	vst v4;
	v4 =	vmax.f32 v5, $0.0e+00;
	v5 =	vadd.f32 v59, v3  }
0x47: {  	v63 =	vadd.f32 v61, v3;
	[tilespmem:$0x18AB0] =	vst v4;
	v4 =	vmax.f32 v60, $0.0e+00  }
0x48: {  	[tilespmem:$0x18AC0] =	vst v4;
	v4 =	vmax.f32 v5, $0.0e+00;
	v5 =	vadd.f32 v62, v3  }
0x49: {  	[tilespmem:$0x18AD0] =	vst v4;
	v4 =	vmax.f32 v63, $0.0e+00  }
0x4a: {  	[tilespmem:$0x18AE0] =	vst v4;
	v4 =	vmax.f32 v5, $0.0e+00  }
0x4b: {  	s12 =	simm.s32 $0x0;
	[tilespmem:$0x18AF0] =	vst v4  }
.LBB2_2:
0x4c: {  	s13 =	sshll.u32 s12, $0x9  }
0x4d: {  	s10 =	sadd.s32 s13, s15  }
0x4e: {  	s10 =	sshrl.u32 s10, $0x3  }
0x4f: {  	s11 =	simm.s32 $0x0;
	s14 =	sadd.s32 s5, s10  }
0x50: {  	[tilespmem:s29], [sflag:$0x3] =	stream.linear.gather [hbm4b:s14+s11], $0x100, $0x38;
	[tilespmem:$0x1CE40] =	vst v63  }
0x51: {  	_ =	swait.ge [sflag:s20], $0x100  }
0x52: {  	[sflag:s20] =	ssyncset.done $0x0  }
0x53: {  	s4 =	sadd.s32 s7, s10;
	[sflag:s20] =	ssyncadd.s32 $0xFFFFFF00  }
0x54: {  	[tilespmem:s30], [sflag:$0x3] =	stream.linear.gather [hbm4b:s4+s11], $0x100, $0x38;
	[tilespmem:$0x1CE40] =	vst v63  }
0x55: {  	_ =	swait.ge [sflag:s20], $0x100  }
0x56: {  	[sflag:s20] =	ssyncset.done $0x0  }
0x57: {  	s10 =	sadd.s32 s6, s10;
	[sflag:s20] =	ssyncadd.s32 $0xFFFFFF00  }
0x58: {  	[tilespmem:s31], [sflag:$0x3] =	stream.linear.gather [hbm4b:s10+s11], $0x100, $0x38;
	[tilespmem:$0x1CE40] =	vst v63  }
0x59: {  	_ =	swait.ge [sflag:s20], $0x100  }
0x5a: {  	[sflag:s20] =	ssyncset.done $0x0  }
0x5b: {  	[sflag:s20] =	ssyncadd.s32 $0xFFFFFF00  }
0x5c: {  	[tilespmem:s0], [sflag:$0x2] =	stream.indirect.gather [hbm4b:s8+s25], $0x10, s29, s25, $0xb8;
	[tilespmem:$0x1CE40] =	vst v63  }
0x5d: {  	s4 =	simm.s32 $0x1BE00  }
0x5e: {  	[tilespmem:s4], [sflag:$0x2] =	stream.indirect.gather [hbm4b:s9+s25], $0x10, s30, s25, $0xb8;
	[tilespmem:$0x1CE40] =	vst v63  }
0x5f: {  	v4 =	vld [tilespmem:$0x1AD00]  }
0x60: {  	v5 =	vld [tilespmem:$0x1AD10]  }
0x61: {  	v6 =	vld [tilespmem:$0x1AD20]  }
0x62: {  	v7 =	vld [tilespmem:$0x1AD30]  }
0x63: {  	v8 =	vld [tilespmem:$0x1AD40]  }
0x64: {  	v9 =	vld [tilespmem:$0x1AD50];
	v4 =	vmul.f32 v4, v2  }
0x65: {  	v10 =	vld [tilespmem:$0x1AD60];
	v5 =	vmul.f32 v5, v2  }
0x66: {  	v11 =	vld [tilespmem:$0x1AD70];
	v6 =	vmul.f32 v6, v2;
	v4 =	vadd.f32 v4, v3  }
0x67: {  	v12 =	vld [tilespmem:$0x1AD80];
	v7 =	vmul.f32 v7, v2;
	v5 =	vadd.f32 v5, v3  }
0x68: {  	v13 =	vld [tilespmem:$0x1AD90];
	v8 =	vmul.f32 v8, v2;
	v6 =	vadd.f32 v6, v3;
	v4 =	vmax.f32 v4, $0.0e+00  }
0x69: {  	[tilespmem:$0x1AD00] =	vst v4;
	v4 =	vmax.f32 v5, $0.0e+00;
	v5 =	vadd.f32 v7, v3;
	v7 =	vmul.f32 v9, v2;
	v9 =	vld [tilespmem:$0x1ADA0]  }
0x6a: {  	[tilespmem:$0x1AD10] =	vst v4;
	v4 =	vmax.f32 v6, $0.0e+00;
	v6 =	vadd.f32 v8, v3;
	v8 =	vmul.f32 v10, v2;
	v10 =	vld [tilespmem:$0x1ADB0]  }
0x6b: {  	[tilespmem:$0x1AD20] =	vst v4;
	v4 =	vmax.f32 v5, $0.0e+00;
	v5 =	vadd.f32 v7, v3;
	v7 =	vmul.f32 v11, v2;
	v11 =	vld [tilespmem:$0x1ADC0]  }
0x6c: {  	[tilespmem:$0x1AD30] =	vst v4;
	v4 =	vmax.f32 v6, $0.0e+00;
	v6 =	vadd.f32 v8, v3;
	v8 =	vmul.f32 v12, v2;
	v12 =	vld [tilespmem:$0x1ADD0]  }
0x6d: {  	[tilespmem:$0x1AD40] =	vst v4;
	v4 =	vmax.f32 v5, $0.0e+00;
	v5 =	vadd.f32 v7, v3;
	v7 =	vmul.f32 v13, v2;
	v13 =	vld [tilespmem:$0x1ADE0]  }
0x6e: {  	[tilespmem:$0x1AD50] =	vst v4;
	v4 =	vmax.f32 v6, $0.0e+00;
	v6 =	vadd.f32 v8, v3;
	v8 =	vmul.f32 v9, v2;
	v9 =	vld [tilespmem:$0x1ADF0]  }
0x6f: {  	[tilespmem:$0x1AD60] =	vst v4;
	v4 =	vmax.f32 v5, $0.0e+00;
	v5 =	vadd.f32 v7, v3;
	v7 =	vmul.f32 v10, v2  }
0x70: {  	[tilespmem:$0x1AD70] =	vst v4;
	v4 =	vmax.f32 v6, $0.0e+00;
	v6 =	vadd.f32 v8, v3;
	v8 =	vmul.f32 v11, v2  }
0x71: {  	[tilespmem:$0x1AD80] =	vst v4;
	v4 =	vmax.f32 v5, $0.0e+00;
	v5 =	vadd.f32 v7, v3;
	v7 =	vmul.f32 v12, v2  }
0x72: {  	[tilespmem:$0x1AD90] =	vst v4;
	v4 =	vmax.f32 v6, $0.0e+00;
	v6 =	vadd.f32 v8, v3;
	v8 =	vmul.f32 v13, v2  }
0x73: {  	[tilespmem:$0x1ADA0] =	vst v4;
	v4 =	vmax.f32 v5, $0.0e+00;
	v5 =	vadd.f32 v7, v3;
	v7 =	vmul.f32 v9, v2  }
0x74: {  	[tilespmem:$0x1ADB0] =	vst v4;
	v4 =	vmax.f32 v6, $0.0e+00;
	v6 =	vadd.f32 v8, v3  }
0x75: {  	[tilespmem:$0x1ADC0] =	vst v4;
	v4 =	vmax.f32 v5, $0.0e+00;
	v5 =	vadd.f32 v7, v3  }
0x76: {  	[tilespmem:$0x1ADD0] =	vst v4;
	v4 =	vmax.f32 v6, $0.0e+00  }
0x77: {  	[tilespmem:$0x1ADE0] =	vst v4;
	v4 =	vmax.f32 v5, $0.0e+00  }
0x78: {  	[tilespmem:$0x1ADF0] =	vst v4  }
0x79: {  	_ =	swait.ge [sflag:s1], $0x1000  }
0x7a: {  	s18 =	simm.s32 $0x3;
	s22 =	simm.s32 $0x1;
	[sflag:s1] =	ssyncset.done $0x0  }
0x7b: {  	s19 =	simm.s32 $0x2;
	v14 =	vmov s22;
	v7 =	vmov s18;
	[sflag:s1] =	ssyncadd.s32 $0xFFFFF000  }
0x7c: {  	v14 =	vshrl.u32 v14, $0x3;
	v11 =	vmov s19;
	v7 =	vshrl.u32 v7, $0x3;
	_ =	swait.ge [sflag:s1], $0x1000  }
0x7d: {  	v14 =	vshll.u32 v14, v0;
	v11 =	vshrl.u32 v11, $0x3;
	v7 =	vshll.u32 v7, v0;
	[sflag:s1] =	ssyncset.done $0x0  }
0x7e: {  	s14 =	simm.s32 $0x5;
	v14 =	vadd.s32 $0x1, v14;
	s10 =	simm.s32 $0x19B40;
	v11 =	vshll.u32 v11, v0;
	v7 =	vadd.s32 $0x3, v7;
	[sflag:s1] =	ssyncadd.s32 $0xFFFFF000  }
0x7f: {  	s16 =	simm.s32 $0x7;
	v11 =	vadd.s32 $0x2, v11;
	v5 =	vmov s14;
	v7 =	vbroadcast v7, $0x0;
	v9 =	vld [tilespmem:s10+$0x30]  }
0x80: {  	v11 =	vbroadcast v11, $0x0;
	s14 =	simm.s32 $0x18B40;
	v4 =	vshrl.u32 v5, $0x3;
	v5 =	vmov s16;
	v10 =	vld [tilespmem:s10+$0x10]  }
0x81: {  	v14 =	vbroadcast v14, $0x0;
	v4 =	vshll.u32 v4, v0;
	v5 =	vshrl.u32 v5, $0x3;
	v12 =	vld [tilespmem:s14+$0x10]  }
0x82: {  	v4 =	vadd.s32 $0x5, v4;
	v5 =	vshll.u32 v5, v0;
	v13 =	vld [tilespmem:s14+$0x30]  }
0x83: {  	v4 =	vbroadcast v4, $0x0;
	v5 =	vadd.s32 $0x7, v5;
	v15 =	vld [tilespmem:s10+$0x0]  }
0x84: {  	v5 =	vbroadcast v5, $0x0;
	v17 =	vld [tilespmem:s10+$0xFFFFFFD0]  }
0x85: {  	v7 =	vld.idx.msk [tilespmem:v7+s24+$0x0], $0xffff  }
0x86: {  	s22 =	simm.s32 $0xE;
	v11 =	vld.idx.msk [tilespmem:v11+s24+$0x0], $0xffff  }
0x87: {  	v16 =	vmov s11;
	v25 =	vmov s22;
	v14 =	vld.idx.msk [tilespmem:v14+s24+$0x0], $0xffff  }
0x88: {  	s17 =	simm.s32 $0x6;
	v16 =	vshrl.u32 v16, $0x3;
	v25 =	vshrl.u32 v25, $0x3;
	v23 =	vld [tilespmem:s10+$0xFFFFFFC0]  }
0x89: {  	v16 =	vshll.u32 v16, v0;
	v25 =	vshll.u32 v25, v0;
	v6 =	vmov s17;
	s17 =	simm.s32 $0x4;
	v4 =	vld.idx.msk [tilespmem:v4+s24+$0x0], $0xffff  }
0x8a: {  	v25 =	vadd.s32 $0x6, v25;
	v6 =	vshrl.u32 v6, $0x3;
	v8 =	vmov s17;
	v5 =	vld.idx.msk [tilespmem:v5+s24+$0x0], $0xffff  }
0x8b: {  	v25 =	vbroadcast v25, $0x0;
	s19 =	simm.s32 $0xF;
	v6 =	vshll.u32 v6, v0;
	v8 =	vshrl.u32 v8, $0x3;
	v24 =	vld [tilespmem:s14+$0xFFFFFFC0]  }
0x8c: {  	v22 =	vmov s19;
	v6 =	vadd.s32 $0x6, v6;
	v8 =	vshll.u32 v8, v0;
	v55 =	vld [tilespmem:s14+$0x20]  }
0x8d: {  	v22 =	vshrl.u32 v22, $0x3;
	v6 =	vbroadcast v6, $0x0;
	v8 =	vadd.s32 $0x4, v8;
	v26 =	vld [tilespmem:s14+$0xFFFFFFF0]  }
0x8e: {  	v8 =	vbroadcast v8, $0x0;
	v28 =	vld [tilespmem:s10+$0xFFFFFFF0];
	v10 =	vadd.f32 v10, v12;
	v4 =	vmul.f32 v4, v1  }
0x8f: {  	s18 =	simm.s32 $0xD;
	v12 =	vbroadcast v16, $0x0;
	v16 =	vld [tilespmem:s14+$0xFFFFFFD0];
	v9 =	vadd.f32 v9, v13;
	v5 =	vmul.f32 v5, v1  }
0x90: {  	v22 =	vshll.u32 v22, v0;
	v21 =	vmov s18;
	v4 =	vadd.f32 v10, v4;
	v10 =	vld [tilespmem:s10+$0xFFFFFFE0]  }
0x91: {  	v54 =	vadd.s32 $0x7, v22;
	s17 =	simm.s32 $0xC;
	v21 =	vshrl.u32 v21, $0x3;
	s16 =	simm.s32 $0xA;
	v19 =	vadd.f32 v9, v5;
	v9 =	vld [tilespmem:s14+$0xFFFFFFE0]  }
0x92: {  	v20 =	vmov s17;
	v21 =	vshll.u32 v21, v0;
	v18 =	vmov s16;
	v29 =	vld [tilespmem:s14+$0x0]  }
0x93: {  	s4 =	simm.s32 $0x9;
	v21 =	vadd.s32 $0x5, v21;
	v20 =	vshrl.u32 v20, $0x3;
	v18 =	vshrl.u32 v18, $0x3;
	v6 =	vld.idx.msk [tilespmem:v6+s24+$0x0], $0xffff  }
0x94: {  	s28 =	simm.s32 $0x8;
	v20 =	vshll.u32 v20, v0;
	v8 =	vld.idx.msk [tilespmem:v8+s24+$0x0], $0xffff;
	v13 =	vmov s4;
	v27 =	vmul.f32 v7, v1  }
0x95: {  	v14 =	vmul.f32 v14, v1;
	v5 =	vmov s28;
	v16 =	vadd.f32 v17, v16;
	v17 =	vld [tilespmem:s10+$0x20]  }
0x96: {  	s28 =	simm.s32 $0xB;
	v9 =	vadd.f32 v10, v9;
	v10 =	vshrl.u32 v13, $0x3;
	v13 =	vbroadcast v21, $0x0  }
0x97: {  	s18 =	simm.s32 $0x19BC0;
	v11 =	vmul.f32 v11, v1;
	v23 =	vadd.f32 v23, v24;
	v12 =	vld.idx.msk [tilespmem:v12+s24+$0x0], $0xffff;
	v7 =	vmov s28  }
0x98: {  	v56 =	vld [tilespmem:s18+$0x30];
	v15 =	vadd.f32 v15, v29;
	v7 =	vshrl.u32 v7, $0x3;
	v21 =	vbroadcast v54, $0x0  }
0x99: {  	s17 =	simm.s32 $0x18BC0;
	v57 =	vld [tilespmem:s18+$0x10];
	v59 =	vadd.f32 v28, v26;
	v6 =	vmul.f32 v6, v1;
	v7 =	vshll.u32 v7, v0  }
0x9a: {  	v58 =	vld [tilespmem:s17+$0x30];
	v8 =	vmul.f32 v8, v1;
	v7 =	vadd.s32 $0x3, v7;
	v17 =	vadd.f32 v17, v55  }
0x9b: {  	v9 =	vadd.f32 v9, v11;
	v11 =	vbroadcast v7, $0x0;
	v7 =	vadd.s32 $0x4, v20;
	v20 =	vld [tilespmem:s17+$0x10]  }
0x9c: {  	v8 =	vadd.f32 v15, v8;
	v12 =	vmul.f32 v12, v1;
	v6 =	vadd.f32 v17, v6;
	v13 =	vld.idx.msk [tilespmem:v13+s24+$0x0], $0xffff  }
0x9d: {  	v17 =	vshrl.u32 v5, $0x3;
	v5 =	vld [tilespmem:s18+$0x0];
	v30 =	vbroadcast v7, $0x0;
	v7 =	vshll.u32 v18, v0  }
0x9e: {  	v10 =	vshll.u32 v10, v0;
	v23 =	vadd.f32 v23, v12;
	v60 =	vadd.s32 $0x2, v7;
	v18 =	vld.idx.msk [tilespmem:v21+s24+$0x0], $0xffff  }
0x9f: {  	v12 =	vshll.u32 v17, v0;
	v17 =	vadd.f32 v16, v14;
	v14 =	vld [tilespmem:s17+$0xFFFFFFD0];
	v26 =	vbroadcast v60, $0x0  }
0xa0: {  	v4 =	vmax.f32 v4, $0.0e+00;
	v8 =	vmax.f32 v8, $0.0e+00;
	v10 =	vadd.s32 $0x1, v10;
	v7 =	vld [tilespmem:s18+$0xFFFFFFD0]  }
0xa1: {  	[tilespmem:s14+$0x10] =	vst v4;
	v15 =	vbroadcast v10, $0x0;
	v20 =	vadd.f32 v57, v20;
	v62 =	vmul.f32 v13, v1;
	v13 =	vld.idx.msk [tilespmem:v25+s24+$0x0], $0xffff  }
0xa2: {  	[tilespmem:s14+$0x0] =	vst v8;
	v19 =	vmax.f32 v19, $0.0e+00;
	v61 =	vmax.f32 v6, $0.0e+00;
	v16 =	vbroadcast v12, $0x0;
	v6 =	vld.idx.msk [tilespmem:v11+s24+$0x0], $0xffff  }
0xa3: {  	v12 =	vld.idx.msk [tilespmem:v30+s24+$0x0], $0xffff;
	v18 =	vmul.f32 v18, v1;
	v4 =	vadd.f32 v20, v62;
	v20 =	vadd.f32 v56, v58  }
0xa4: {  	[tilespmem:s14+$0x20] =	vst v61;
	v63 =	vmax.f32 v23, $0.0e+00;
	v17 =	vmax.f32 v17, $0.0e+00;
	v11 =	vmax.f32 v9, $0.0e+00;
	v9 =	vld [tilespmem:s18+$0xFFFFFFE0]  }
0xa5: {  	s11 =	simm.s32 $0x10;
	s19 =	simm.s32 $0x19C40;
	s10 =	simm.s32 $0x18C40;
	[tilespmem:s14+$0xFFFFFFC0] =	vst v63;
	v8 =	vld.idx.msk [tilespmem:v26+s24+$0x0], $0xffff;
	v10 =	vmax.f32 v4, $0.0e+00;
	v4 =	vadd.f32 v20, v18;
	v18 =	vadd.f32 v59, v27  }
.LBB2_3:
0xa6: {  	v20 =	vmov s11;
	s28 =	sadd.s32 $0x1, s11;
	s16 =	sadd.s32 $0x2, s11;
	s4 =	sadd.s32 $0x3, s11;
	v21 =	vld [tilespmem:s17+$0xFFFFFFE0];
	v13 =	vmul.f32 v13, v1;
	[tilespmem:s14+$0x30] =	vst v19  }
0xa7: {  	s22 =	sadd.s32 $0x6, s11;
	v19 =	vmov s28;
	v22 =	vmov s16;
	s16 =	sadd.s32 $0x4, s11;
	s28 =	sadd.s32 $0x5, s11;
	v15 =	vld.idx.msk [tilespmem:v15+s24+$0x0], $0xffff;
	[tilespmem:s14+$0xFFFFFFD0] =	vst v17;
	v17 =	vmax.f32 v18, $0.0e+00  }
0xa8: {  	p0 =	slt.u32 s11, $0xF8;
	v12 =	vmul.f32 v12, v1;
	v18 =	vmov s16;
	v23 =	vmov s28;
	s16 =	sadd.s32 $0x7, s11;
	s11 =	sadd.s32 $0x8, s11;
	v16 =	vld.idx.msk [tilespmem:v16+s24+$0x0], $0xffff;
	[tilespmem:s14+$0xFFFFFFF0] =	vst v17  }
0xa9: {  	v14 =	vadd.f32 v7, v14;
	v17 =	vshrl.u32 v23, $0x3;
	v23 =	vmov s16;
	v7 =	vld [tilespmem:s18+$0x20];
	[tilespmem:s14+$0xFFFFFFE0] =	vst v11;
	s14 =	smov.u32 s17;
	s17 =	smov.u32 s10  }
0xaa: {  	v11 =	vshrl.u32 v22, $0x3;
	v17 =	vshll.u32 v17, v0;
	v22 =	vshrl.u32 v23, $0x3;
	v23 =	vld [tilespmem:s18+$0xFFFFFFC0];
	[tilespmem:s14+$0x10] =	vst v10  }
0xab: {  	v10 =	vadd.s32 $0x5, v17;
	v17 =	vshll.u32 v22, v0;
	v22 =	vld [tilespmem:s14+$0xFFFFFFC0];
	v9 =	vadd.f32 v9, v21  }
0xac: {  	v19 =	vshrl.u32 v19, $0x3;
	v10 =	vbroadcast v10, $0x0;
	v17 =	vadd.s32 $0x7, v17;
	v21 =	vld [tilespmem:s14+$0x20]  }
0xad: {  	v26 =	vmul.f32 v6, v1;
	v24 =	vmov s22;
	v17 =	vbroadcast v17, $0x0;
	v25 =	vld [tilespmem:s14+$0xFFFFFFF0]  }
0xae: {  	v6 =	vmov s4;
	v24 =	vshrl.u32 v24, $0x3;
	v27 =	vmul.f32 v15, v1;
	v15 =	vld [tilespmem:s18+$0xFFFFFFF0];
	s18 =	smov.u32 s19  }
0xaf: {  	v18 =	vshrl.u32 v18, $0x3;
	v24 =	vshll.u32 v24, v0;
	v8 =	vmul.f32 v8, v1;
	v28 =	vld [tilespmem:s14+$0x0]  }
0xb0: {  	v6 =	vshrl.u32 v6, $0x3;
	v24 =	vadd.s32 $0x6, v24;
	v29 =	vld [tilespmem:s19+$0x30];
	v22 =	vadd.f32 v23, v22  }
0xb1: {  	v6 =	vshll.u32 v6, v0;
	v24 =	vbroadcast v24, $0x0;
	v23 =	vld [tilespmem:s19+$0x10];
	v7 =	vadd.f32 v7, v21  }
0xb2: {  	v6 =	vadd.s32 $0x3, v6;
	v18 =	vshll.u32 v18, v0;
	v8 =	vadd.f32 v9, v8;
	v10 =	vld.idx.msk [tilespmem:v10+s24+$0x0], $0xffff  }
0xb3: {  	v6 =	vbroadcast v6, $0x0;
	v9 =	vadd.s32 $0x4, v18;
	v16 =	vmul.f32 v16, v1;
	v18 =	vld [tilespmem:s10+$0x10]  }
0xb4: {  	v19 =	vshll.u32 v19, v0;
	v9 =	vbroadcast v9, $0x0;
	v21 =	vld [tilespmem:s10+$0x30];
	v28 =	vadd.f32 v5, v28  }
0xb5: {  	v25 =	vadd.f32 v15, v25;
	v13 =	vadd.f32 v7, v13;
	v5 =	vshll.u32 v11, v0;
	v11 =	vld.idx.msk [tilespmem:v17+s24+$0x0], $0xffff  }
0xb6: {  	v15 =	vshrl.u32 v20, $0x3;
	v20 =	vadd.f32 v22, v16;
	v17 =	vadd.s32 $0x2, v5;
	v5 =	vld [tilespmem:s19+$0x0]  }
0xb7: {  	v16 =	vadd.s32 $0x1, v19;
	v19 =	vbroadcast v17, $0x0;
	v17 =	vmax.f32 v13, $0.0e+00;
	v7 =	vld [tilespmem:s19+$0xFFFFFFD0]  }
0xb8: {  	v22 =	vadd.f32 v28, v12;
	v10 =	vmul.f32 v10, v1;
	v18 =	vadd.f32 v23, v18;
	v13 =	vld.idx.msk [tilespmem:v24+s24+$0x0], $0xffff  }
.Ltmp0:
0xb9: {  	v12 =	vshll.u32 v15, v0;
	v15 =	vbroadcast v16, $0x0;
	v23 =	vadd.f32 v14, v27;
	v6 =	vld.idx.msk [tilespmem:v6+s24+$0x0], $0xffff;
	(pc) =	sbr.rel @p0 .LBB2_3-.Ltmp0, $4  }
0xba: {  	v16 =	vbroadcast v12, $0x0;
	v21 =	vadd.f32 v29, v21;
	v12 =	vld.idx.msk [tilespmem:v9+s24+$0x0], $0xffff;
	v10 =	vadd.f32 v18, v10  }
0xbb: {  	v24 =	vmul.f32 v11, v1;
	v11 =	vmax.f32 v8, $0.0e+00;
	v8 =	vmax.f32 v22, $0.0e+00;
	v14 =	vld [tilespmem:s10+$0xFFFFFFD0];
	[tilespmem:s14+$0x20] =	vst v17  }
0xbc: {  	v18 =	vmax.f32 v20, $0.0e+00;
	v17 =	vmax.f32 v23, $0.0e+00;
	v9 =	vld [tilespmem:s19+$0xFFFFFFE0];
	v10 =	vmax.f32 v10, $0.0e+00;
	[tilespmem:s14+$0x0] =	vst v8  }
0xbd: {  	s10 =	sadd.s32 $0x80, s10;
	s19 =	sadd.s32 $0x80, s19;
	v8 =	vld.idx.msk [tilespmem:v19+s24+$0x0], $0xffff;
	[tilespmem:s14+$0xFFFFFFC0] =	vst v18;
	v18 =	vadd.f32 v25, v26;
	v19 =	vmax.f32 v4, $0.0e+00;
	v4 =	vadd.f32 v21, v24  }
0xbe: {  	_ =	sdelay $0x3  }
0xbf: {  	v16 =	vld.idx.msk [tilespmem:v16+s24+$0x0], $0xffff  }
0xc0: {  	v21 =	vld [tilespmem:s18+$0x20]  }
0xc1: {  	v22 =	vld [tilespmem:s18+$0xFFFFFFC0]  }
0xc2: {  	v23 =	vld [tilespmem:s17+$0x20]  }
0xc3: {  	v24 =	vld [tilespmem:s17+$0x0]  }
0xc4: {  	v25 =	vld [tilespmem:s17+$0xFFFFFFC0]  }
0xc5: {  	v15 =	vld.idx.msk [tilespmem:v15+s24+$0x0], $0xffff  }
0xc6: {  	v26 =	vld [tilespmem:s17+$0xFFFFFFF0]  }
0xc7: {  	[tilespmem:s14+$0x30] =	vst v19;
	v13 =	vmul.f32 v13, v1;
	v55 =	vld [tilespmem:s18+$0xFFFFFFF0];
	v6 =	vmul.f32 v6, v1  }
0xc8: {  	v20 =	vld [tilespmem:s17+$0xFFFFFFE0];
	[tilespmem:s14+$0xFFFFFFD0] =	vst v17;
	v56 =	vmax.f32 v18, $0.0e+00;
	v12 =	vmul.f32 v12, v1;
	v54 =	vadd.f32 v21, v23  }
0xc9: {  	[tilespmem:s14+$0xFFFFFFE0] =	vst v11;
	v4 =	vmax.f32 v4, $0.0e+00;
	v7 =	vadd.f32 v7, v14;
	v5 =	vadd.f32 v5, v24  }
0xca: {  	[tilespmem:s17+$0x10] =	vst v10;
	v57 =	vadd.f32 v22, v25;
	v16 =	vmul.f32 v16, v1;
	v13 =	vadd.f32 v54, v13  }
0xcb: {  	[tilespmem:s14+$0xFFFFFFF0] =	vst v56;
	v8 =	vmul.f32 v8, v1;
	v58 =	vmul.f32 v15, v1;
	v5 =	vadd.f32 v5, v12  }
0xcc: {  	[tilespmem:s17+$0x30] =	vst v4;
	v61 =	vadd.f32 v55, v26;
	v59 =	vadd.f32 v57, v16;
	v60 =	vmax.f32 v13, $0.0e+00  }
0xcd: {  	v9 =	vadd.f32 v9, v20;
	v7 =	vadd.f32 v7, v58;
	v5 =	vmax.f32 v5, $0.0e+00;
	[tilespmem:s17+$0x20] =	vst v60  }
0xce: {  	v62 =	vmax.f32 v59, $0.0e+00;
	[tilespmem:s17+$0x0] =	vst v5;
	v5 =	vadd.f32 v61, v6  }
0xcf: {  	v63 =	vadd.f32 v9, v8;
	v7 =	vmax.f32 v7, $0.0e+00;
	[tilespmem:s17+$0xFFFFFFC0] =	vst v62  }
0xd0: {  	[tilespmem:s17+$0xFFFFFFD0] =	vst v7;
	v4 =	vmax.f32 v5, $0.0e+00  }
0xd1: {  	p0 =	seq.s32 s12, $0xC3;
	v5 =	vmax.f32 v63, $0.0e+00;
	[tilespmem:s17+$0xFFFFFFF0] =	vst v4  }
.Ltmp1:
0xd2: {  	[tilespmem:s17+$0xFFFFFFE0] =	vst v5;
	(pc) =	sbr.rel @p0 .LBB2_6-.Ltmp1, $4  }
0xd3: {  	[spmem:s2] =	stream.indirect.scatter.add.f32 [tilespmem:s26], [sflag:$0x3], $0x10, s23, s25, $0xb8;
	[tilespmem:$0x1CE40] =	vst v63  }
0xd4: {  	_ =	swait.ge [sflag:s20], $0x1000  }
0xd5: {  	[sflag:s20] =	ssyncset.done $0x0  }
0xd6: {  	[sflag:s20] =	ssyncadd.s32 $0xFFFFF000  }
0xd7: {  	s4 =	rddreg [dreg:$0x9]  }
0xd8: {  	s4 =	sadd.s32 s13, s4  }
0xd9: {  	s4 =	sshrl.u32 s4, $0x3  }
0xda: {  	s11 =	simm.s32 $0x18800;
	s10 =	sadd.s32 s5, s4  }
0xdb: {  	[tilespmem:s11], [sflag:$0x3] =	stream.linear.gather [hbm4b:s10+s3], $0x100, $0x38;
	[tilespmem:$0x1CE40] =	vst v63  }
0xdc: {  	_ =	swait.ge [sflag:s20], $0x100  }
0xdd: {  	[sflag:s20] =	ssyncset.done $0x0  }
0xde: {  	s22 =	sadd.s32 s7, s4;
	[sflag:s20] =	ssyncadd.s32 $0xFFFFFF00  }
0xdf: {  	[tilespmem:s23], [sflag:$0x3] =	stream.linear.gather [hbm4b:s22+s3], $0x100, $0x38;
	[tilespmem:$0x1CE40] =	vst v63  }
0xe0: {  	_ =	swait.ge [sflag:s20], $0x100  }
0xe1: {  	[sflag:s20] =	ssyncset.done $0x0  }
0xe2: {  	s4 =	sadd.s32 s6, s4;
	[sflag:s20] =	ssyncadd.s32 $0xFFFFFF00  }
0xe3: {  	[tilespmem:s24], [sflag:$0x3] =	stream.linear.gather [hbm4b:s4+s3], $0x100, $0x38;
	[tilespmem:$0x1CE40] =	vst v63  }
0xe4: {  	_ =	swait.ge [sflag:s20], $0x100  }
0xe5: {  	[sflag:s20] =	ssyncset.done $0x0  }
0xe6: {  	[sflag:s20] =	ssyncadd.s32 $0xFFFFFF00  }
0xe7: {  	[tilespmem:s26], [sflag:$0x1] =	stream.indirect.gather [hbm4b:s8+s25], $0x10, s11, s25, $0xb8;
	[tilespmem:$0x1CE40] =	vst v63  }
0xe8: {  	s28 =	simm.s32 $0x19B00  }
0xe9: {  	[tilespmem:s28], [sflag:$0x1] =	stream.indirect.gather [hbm4b:s9+s25], $0x10, s23, s25, $0xb8;
	[tilespmem:$0x1CE40] =	vst v63  }
0xea: {  	v4 =	vld [tilespmem:$0x18A00]  }
0xeb: {  	v5 =	vld [tilespmem:$0x18A10]  }
0xec: {  	v6 =	vld [tilespmem:$0x18A20]  }
0xed: {  	v7 =	vld [tilespmem:$0x18A30]  }
0xee: {  	v8 =	vld [tilespmem:$0x18A40]  }
0xef: {  	v9 =	vld [tilespmem:$0x18A50];
	v4 =	vmul.f32 v4, v2  }
0xf0: {  	v10 =	vld [tilespmem:$0x18A60];
	v5 =	vmul.f32 v5, v2  }
0xf1: {  	v11 =	vld [tilespmem:$0x18A70];
	v6 =	vmul.f32 v6, v2;
	v4 =	vadd.f32 v4, v3  }
0xf2: {  	v12 =	vld [tilespmem:$0x18A80];
	v7 =	vmul.f32 v7, v2;
	v5 =	vadd.f32 v5, v3  }
0xf3: {  	v13 =	vld [tilespmem:$0x18A90];
	v8 =	vmul.f32 v8, v2;
	v6 =	vadd.f32 v6, v3;
	v4 =	vmax.f32 v4, $0.0e+00  }
0xf4: {  	v42 =	vld [tilespmem:$0x18AA0];
	v41 =	vmul.f32 v9, v2;
	[tilespmem:$0x18A00] =	vst v4;
	v4 =	vmax.f32 v5, $0.0e+00;
	v5 =	vadd.f32 v7, v3  }
0xf5: {  	v45 =	vld [tilespmem:$0x18AB0];
	v44 =	vmul.f32 v10, v2;
	v43 =	vadd.f32 v8, v3;
	[tilespmem:$0x18A10] =	vst v4;
	v4 =	vmax.f32 v6, $0.0e+00  }
0xf6: {  	v47 =	vld [tilespmem:$0x18AC0];
	v46 =	vmul.f32 v11, v2;
	[tilespmem:$0x18A20] =	vst v4;
	v4 =	vmax.f32 v5, $0.0e+00;
	v5 =	vadd.f32 v41, v3  }
0xf7: {  	v50 =	vld [tilespmem:$0x18AD0];
	v49 =	vmul.f32 v12, v2;
	v48 =	vadd.f32 v44, v3;
	[tilespmem:$0x18A30] =	vst v4;
	v4 =	vmax.f32 v43, $0.0e+00  }
0xf8: {  	v52 =	vld [tilespmem:$0x18AE0];
	v51 =	vmul.f32 v13, v2;
	[tilespmem:$0x18A40] =	vst v4;
	v4 =	vmax.f32 v5, $0.0e+00;
	v5 =	vadd.f32 v46, v3  }
0xf9: {  	v55 =	vld [tilespmem:$0x18AF0];
	v54 =	vmul.f32 v42, v2;
	v53 =	vadd.f32 v49, v3;
	[tilespmem:$0x18A50] =	vst v4;
	v4 =	vmax.f32 v48, $0.0e+00  }
0xfa: {  	v56 =	vmul.f32 v45, v2;
	[tilespmem:$0x18A60] =	vst v4;
	v4 =	vmax.f32 v5, $0.0e+00;
	v5 =	vadd.f32 v51, v3  }
0xfb: {  	v58 =	vmul.f32 v47, v2;
	v57 =	vadd.f32 v54, v3;
	[tilespmem:$0x18A70] =	vst v4;
	v4 =	vmax.f32 v53, $0.0e+00  }
0xfc: {  	v59 =	vmul.f32 v50, v2;
	[tilespmem:$0x18A80] =	vst v4;
	v4 =	vmax.f32 v5, $0.0e+00;
	v5 =	vadd.f32 v56, v3  }
0xfd: {  	v61 =	vmul.f32 v52, v2;
	v60 =	vadd.f32 v58, v3;
	[tilespmem:$0x18A90] =	vst v4;
	v4 =	vmax.f32 v57, $0.0e+00  }
0xfe: {  	v62 =	vmul.f32 v55, v2;
	[tilespmem:$0x18AA0] =	vst v4;
	v4 =	vmax.f32 v5, $0.0e+00;
	v5 =	vadd.f32 v59, v3  }
0xff: {  	v63 =	vadd.f32 v61, v3;
	[tilespmem:$0x18AB0] =	vst v4;
	v4 =	vmax.f32 v60, $0.0e+00  }
0x100: {  	[tilespmem:$0x18AC0] =	vst v4;
	v4 =	vmax.f32 v5, $0.0e+00;
	v5 =	vadd.f32 v62, v3  }
0x101: {  	[tilespmem:$0x18AD0] =	vst v4;
	v4 =	vmax.f32 v63, $0.0e+00  }
0x102: {  	[tilespmem:$0x18AE0] =	vst v4;
	v4 =	vmax.f32 v5, $0.0e+00  }
0x103: {  	[tilespmem:$0x18AF0] =	vst v4  }
.LBB2_6:
0x104: {  	_ =	swait.ge [sflag:s21], $0x1000  }
0x105: {  	[sflag:s21] =	ssyncset.done $0x0  }
0x106: {  	[sflag:s21] =	ssyncadd.s32 $0xFFFFF000  }
0x107: {  	_ =	swait.ge [sflag:s21], $0x1000  }
0x108: {  	s4 =	simm.s32 $0x5;
	[sflag:s21] =	ssyncset.done $0x0  }
0x109: {  	s16 =	simm.s32 $0x7;
	s10 =	simm.s32 $0x1BE40;
	[sflag:s21] =	ssyncadd.s32 $0xFFFFF000  }
0x10a: {  	s17 =	simm.s32 $0x6;
	s11 =	simm.s32 $0x3;
	v4 =	vmov s4;
	v5 =	vmov s16;
	v9 =	vld [tilespmem:s10+$0x30]  }
0x10b: {  	s18 =	simm.s32 $0x4;
	s13 =	simm.s32 $0x1AE40;
	v6 =	vmov s17;
	v7 =	vmov s11;
	v4 =	vshrl.u32 v4, $0x3;
	v10 =	vld [tilespmem:s10+$0x10]  }
0x10c: {  	s19 =	simm.s32 $0x2;
	v8 =	vmov s18;
	v5 =	vshrl.u32 v5, $0x3;
	v4 =	vshll.u32 v4, v0;
	v12 =	vld [tilespmem:s13+$0x10]  }
0x10d: {  	s22 =	simm.s32 $0x1;
	v11 =	vmov s19;
	v5 =	vshll.u32 v5, v0;
	v4 =	vadd.s32 $0x5, v4;
	v13 =	vld [tilespmem:s13+$0x30]  }
0x10e: {  	s28 =	simm.s32 $0x0;
	v14 =	vmov s22;
	v5 =	vadd.s32 $0x7, v5;
	v4 =	vbroadcast v4, $0x0;
	v15 =	vld [tilespmem:s10+$0x0]  }
0x10f: {  	v16 =	vmov s28;
	v6 =	vshrl.u32 v6, $0x3;
	v5 =	vbroadcast v5, $0x0;
	v17 =	vld [tilespmem:s10+$0xFFFFFFD0]  }
0x110: {  	v7 =	vshrl.u32 v7, $0x3;
	v8 =	vshrl.u32 v8, $0x3;
	v6 =	vshll.u32 v6, v0;
	v23 =	vld [tilespmem:s10+$0xFFFFFFC0]  }
0x111: {  	v11 =	vshrl.u32 v11, $0x3;
	v7 =	vshll.u32 v7, v0;
	v6 =	vadd.s32 $0x6, v6;
	v24 =	vld [tilespmem:s13+$0xFFFFFFC0]  }
0x112: {  	s16 =	simm.s32 $0xA;
	v14 =	vshrl.u32 v14, $0x3;
	v7 =	vadd.s32 $0x3, v7;
	v6 =	vbroadcast v6, $0x0;
	v55 =	vld [tilespmem:s13+$0x20]  }
0x113: {  	s17 =	simm.s32 $0xC;
	s18 =	simm.s32 $0xD;
	s19 =	simm.s32 $0xF;
	v16 =	vshrl.u32 v16, $0x3;
	v18 =	vmov s16;
	v7 =	vbroadcast v7, $0x0;
	v26 =	vld [tilespmem:s13+$0xFFFFFFF0]  }
0x114: {  	s22 =	simm.s32 $0xE;
	v20 =	vmov s17;
	v21 =	vmov s18;
	v22 =	vmov s19;
	v4 =	vld.idx.msk [tilespmem:v4+s31+$0x0], $0xffff  }
0x115: {  	v25 =	vmov s22;
	v8 =	vshll.u32 v8, v0;
	v11 =	vshll.u32 v11, v0;
	v5 =	vld.idx.msk [tilespmem:v5+s31+$0x0], $0xffff  }
0x116: {  	v14 =	vshll.u32 v14, v0;
	v16 =	vshll.u32 v16, v0;
	v8 =	vadd.s32 $0x4, v8;
	v28 =	vld [tilespmem:s10+$0xFFFFFFF0]  }
0x117: {  	v21 =	vshrl.u32 v21, $0x3;
	v11 =	vadd.s32 $0x2, v11;
	v8 =	vbroadcast v8, $0x0;
	v29 =	vld [tilespmem:s13+$0x0]  }
0x118: {  	v18 =	vshrl.u32 v18, $0x3;
	v14 =	vadd.s32 $0x1, v14;
	v11 =	vbroadcast v11, $0x0;
	v6 =	vld.idx.msk [tilespmem:v6+s31+$0x0], $0xffff  }
0x119: {  	v14 =	vbroadcast v14, $0x0;
	v7 =	vld.idx.msk [tilespmem:v7+s31+$0x0], $0xffff;
	v10 =	vadd.f32 v10, v12;
	v4 =	vmul.f32 v4, v1  }
0x11a: {  	v12 =	vbroadcast v16, $0x0;
	v16 =	vld [tilespmem:s13+$0xFFFFFFD0];
	v9 =	vadd.f32 v9, v13;
	v5 =	vmul.f32 v5, v1  }
0x11b: {  	v22 =	vshrl.u32 v22, $0x3;
	v25 =	vshrl.u32 v25, $0x3;
	v4 =	vadd.f32 v10, v4;
	v10 =	vld [tilespmem:s10+$0xFFFFFFE0]  }
0x11c: {  	v20 =	vshrl.u32 v20, $0x3;
	v21 =	vshll.u32 v21, v0;
	v19 =	vadd.f32 v9, v5;
	v9 =	vld [tilespmem:s13+$0xFFFFFFE0]  }
0x11d: {  	v22 =	vshll.u32 v22, v0;
	v25 =	vshll.u32 v25, v0;
	v20 =	vshll.u32 v20, v0;
	v8 =	vld.idx.msk [tilespmem:v8+s31+$0x0], $0xffff  }
0x11e: {  	v21 =	vadd.s32 $0x5, v21;
	v54 =	vadd.s32 $0x7, v22;
	v25 =	vadd.s32 $0x6, v25;
	v11 =	vld.idx.msk [tilespmem:v11+s31+$0x0], $0xffff  }
0x11f: {  	s14 =	simm.s32 $0x9;
	v25 =	vbroadcast v25, $0x0;
	v14 =	vld.idx.msk [tilespmem:v14+s31+$0x0], $0xffff;
	v23 =	vadd.f32 v23, v24;
	v15 =	vadd.f32 v15, v29  }
0x120: {  	v13 =	vmov s14;
	v59 =	vadd.f32 v28, v26;
	v16 =	vadd.f32 v17, v16;
	v17 =	vld [tilespmem:s10+$0x20]  }
0x121: {  	s28 =	simm.s32 $0xB;
	v9 =	vadd.f32 v10, v9;
	v10 =	vshrl.u32 v13, $0x3;
	v13 =	vbroadcast v21, $0x0  }
0x122: {  	s17 =	simm.s32 $0x1BEC0;
	v6 =	vmul.f32 v6, v1;
	v27 =	vmul.f32 v7, v1;
	v7 =	vmov s28;
	v12 =	vld.idx.msk [tilespmem:v12+s31+$0x0], $0xffff  }
0x123: {  	v56 =	vld [tilespmem:s17+$0x30];
	v8 =	vmul.f32 v8, v1;
	v7 =	vshrl.u32 v7, $0x3;
	v21 =	vbroadcast v54, $0x0  }
0x124: {  	s11 =	simm.s32 $0x8;
	v57 =	vld [tilespmem:s17+$0x10];
	s14 =	simm.s32 $0x1AEC0;
	v14 =	vmul.f32 v14, v1;
	v11 =	vmul.f32 v11, v1;
	v7 =	vshll.u32 v7, v0  }
0x125: {  	v58 =	vld [tilespmem:s14+$0x30];
	v5 =	vmov s11;
	v7 =	vadd.s32 $0x3, v7;
	v17 =	vadd.f32 v17, v55  }
0x126: {  	v9 =	vadd.f32 v9, v11;
	v11 =	vbroadcast v7, $0x0;
	v7 =	vadd.s32 $0x4, v20;
	v20 =	vld [tilespmem:s14+$0x10]  }
0x127: {  	v8 =	vadd.f32 v15, v8;
	v12 =	vmul.f32 v12, v1;
	v6 =	vadd.f32 v17, v6;
	v13 =	vld.idx.msk [tilespmem:v13+s31+$0x0], $0xffff  }
0x128: {  	v17 =	vshrl.u32 v5, $0x3;
	v5 =	vld [tilespmem:s17+$0x0];
	v30 =	vbroadcast v7, $0x0;
	v7 =	vshll.u32 v18, v0  }
0x129: {  	v10 =	vshll.u32 v10, v0;
	v23 =	vadd.f32 v23, v12;
	v60 =	vadd.s32 $0x2, v7;
	v18 =	vld.idx.msk [tilespmem:v21+s31+$0x0], $0xffff  }
0x12a: {  	v12 =	vshll.u32 v17, v0;
	v17 =	vadd.f32 v16, v14;
	v14 =	vld [tilespmem:s14+$0xFFFFFFD0];
	v26 =	vbroadcast v60, $0x0  }
0x12b: {  	v4 =	vmax.f32 v4, $0.0e+00;
	v8 =	vmax.f32 v8, $0.0e+00;
	v10 =	vadd.s32 $0x1, v10;
	v7 =	vld [tilespmem:s17+$0xFFFFFFD0]  }
0x12c: {  	[tilespmem:s13+$0x10] =	vst v4;
	v15 =	vbroadcast v10, $0x0;
	v20 =	vadd.f32 v57, v20;
	v62 =	vmul.f32 v13, v1;
	v13 =	vld.idx.msk [tilespmem:v25+s31+$0x0], $0xffff  }
0x12d: {  	v19 =	vmax.f32 v19, $0.0e+00;
	[tilespmem:s13+$0x0] =	vst v8;
	v61 =	vmax.f32 v6, $0.0e+00;
	v16 =	vbroadcast v12, $0x0;
	v6 =	vld.idx.msk [tilespmem:v11+s31+$0x0], $0xffff  }
0x12e: {  	v12 =	vld.idx.msk [tilespmem:v30+s31+$0x0], $0xffff;
	v18 =	vmul.f32 v18, v1;
	v4 =	vadd.f32 v20, v62;
	v20 =	vadd.f32 v56, v58  }
0x12f: {  	[tilespmem:s13+$0x20] =	vst v61;
	v63 =	vmax.f32 v23, $0.0e+00;
	v17 =	vmax.f32 v17, $0.0e+00;
	v11 =	vmax.f32 v9, $0.0e+00;
	v9 =	vld [tilespmem:s17+$0xFFFFFFE0]  }
0x130: {  	s18 =	simm.s32 $0x1BF40;
	s11 =	simm.s32 $0x10;
	s10 =	simm.s32 $0x1AF40;
	[tilespmem:s13+$0xFFFFFFC0] =	vst v63;
	v8 =	vld.idx.msk [tilespmem:v26+s31+$0x0], $0xffff;
	v10 =	vmax.f32 v4, $0.0e+00;
	v4 =	vadd.f32 v20, v18;
	v18 =	vadd.f32 v59, v27  }
.LBB2_7:
0x131: {  	v20 =	vmov s11;
	s4 =	sadd.s32 $0x1, s11;
	s16 =	sadd.s32 $0x2, s11;
	s19 =	sadd.s32 $0x3, s11;
	v21 =	vld [tilespmem:s14+$0xFFFFFFE0];
	v13 =	vmul.f32 v13, v1;
	[tilespmem:s13+$0x30] =	vst v19  }
0x132: {  	s22 =	sadd.s32 $0x6, s11;
	v19 =	vmov s4;
	v22 =	vmov s16;
	s4 =	sadd.s32 $0x4, s11;
	s16 =	sadd.s32 $0x5, s11;
	v15 =	vld.idx.msk [tilespmem:v15+s31+$0x0], $0xffff;
	[tilespmem:s13+$0xFFFFFFD0] =	vst v17;
	v17 =	vmax.f32 v18, $0.0e+00  }
0x133: {  	p0 =	slt.u32 s11, $0xF8;
	v12 =	vmul.f32 v12, v1;
	v18 =	vmov s4;
	v23 =	vmov s16;
	s4 =	sadd.s32 $0x7, s11;
	s11 =	sadd.s32 $0x8, s11;
	v16 =	vld.idx.msk [tilespmem:v16+s31+$0x0], $0xffff;
	[tilespmem:s13+$0xFFFFFFF0] =	vst v17  }
0x134: {  	v14 =	vadd.f32 v7, v14;
	v17 =	vshrl.u32 v23, $0x3;
	v23 =	vmov s4;
	v7 =	vld [tilespmem:s17+$0x20];
	[tilespmem:s13+$0xFFFFFFE0] =	vst v11;
	s13 =	smov.u32 s14;
	s14 =	smov.u32 s10  }
0x135: {  	v11 =	vshrl.u32 v22, $0x3;
	v17 =	vshll.u32 v17, v0;
	v22 =	vshrl.u32 v23, $0x3;
	v23 =	vld [tilespmem:s17+$0xFFFFFFC0];
	[tilespmem:s13+$0x10] =	vst v10  }
0x136: {  	v10 =	vadd.s32 $0x5, v17;
	v17 =	vshll.u32 v22, v0;
	v22 =	vld [tilespmem:s13+$0xFFFFFFC0];
	v9 =	vadd.f32 v9, v21  }
0x137: {  	v19 =	vshrl.u32 v19, $0x3;
	v10 =	vbroadcast v10, $0x0;
	v17 =	vadd.s32 $0x7, v17;
	v21 =	vld [tilespmem:s13+$0x20]  }
0x138: {  	v26 =	vmul.f32 v6, v1;
	v24 =	vmov s22;
	v17 =	vbroadcast v17, $0x0;
	v25 =	vld [tilespmem:s13+$0xFFFFFFF0]  }
0x139: {  	v6 =	vmov s19;
	v24 =	vshrl.u32 v24, $0x3;
	v27 =	vmul.f32 v15, v1;
	v15 =	vld [tilespmem:s17+$0xFFFFFFF0];
	s17 =	smov.u32 s18  }
0x13a: {  	v18 =	vshrl.u32 v18, $0x3;
	v24 =	vshll.u32 v24, v0;
	v8 =	vmul.f32 v8, v1;
	v28 =	vld [tilespmem:s13+$0x0]  }
0x13b: {  	v6 =	vshrl.u32 v6, $0x3;
	v24 =	vadd.s32 $0x6, v24;
	v29 =	vld [tilespmem:s18+$0x30];
	v22 =	vadd.f32 v23, v22  }
0x13c: {  	v6 =	vshll.u32 v6, v0;
	v24 =	vbroadcast v24, $0x0;
	v23 =	vld [tilespmem:s18+$0x10];
	v7 =	vadd.f32 v7, v21  }
0x13d: {  	v6 =	vadd.s32 $0x3, v6;
	v18 =	vshll.u32 v18, v0;
	v8 =	vadd.f32 v9, v8;
	v10 =	vld.idx.msk [tilespmem:v10+s31+$0x0], $0xffff  }
0x13e: {  	v6 =	vbroadcast v6, $0x0;
	v9 =	vadd.s32 $0x4, v18;
	v16 =	vmul.f32 v16, v1;
	v18 =	vld [tilespmem:s10+$0x10]  }
0x13f: {  	v19 =	vshll.u32 v19, v0;
	v9 =	vbroadcast v9, $0x0;
	v21 =	vld [tilespmem:s10+$0x30];
	v28 =	vadd.f32 v5, v28  }
0x140: {  	v25 =	vadd.f32 v15, v25;
	v13 =	vadd.f32 v7, v13;
	v5 =	vshll.u32 v11, v0;
	v11 =	vld.idx.msk [tilespmem:v17+s31+$0x0], $0xffff  }
0x141: {  	v15 =	vshrl.u32 v20, $0x3;
	v20 =	vadd.f32 v22, v16;
	v17 =	vadd.s32 $0x2, v5;
	v5 =	vld [tilespmem:s18+$0x0]  }
0x142: {  	v16 =	vadd.s32 $0x1, v19;
	v19 =	vbroadcast v17, $0x0;
	v17 =	vmax.f32 v13, $0.0e+00;
	v7 =	vld [tilespmem:s18+$0xFFFFFFD0]  }
0x143: {  	v22 =	vadd.f32 v28, v12;
	v10 =	vmul.f32 v10, v1;
	v18 =	vadd.f32 v23, v18;
	v13 =	vld.idx.msk [tilespmem:v24+s31+$0x0], $0xffff  }
.Ltmp2:
0x144: {  	v12 =	vshll.u32 v15, v0;
	v15 =	vbroadcast v16, $0x0;
	v23 =	vadd.f32 v14, v27;
	v6 =	vld.idx.msk [tilespmem:v6+s31+$0x0], $0xffff;
	(pc) =	sbr.rel @p0 .LBB2_7-.Ltmp2, $4  }
0x145: {  	v16 =	vbroadcast v12, $0x0;
	v21 =	vadd.f32 v29, v21;
	v12 =	vld.idx.msk [tilespmem:v9+s31+$0x0], $0xffff;
	v10 =	vadd.f32 v18, v10  }
0x146: {  	v24 =	vmul.f32 v11, v1;
	v11 =	vmax.f32 v8, $0.0e+00;
	v8 =	vmax.f32 v22, $0.0e+00;
	v14 =	vld [tilespmem:s10+$0xFFFFFFD0];
	[tilespmem:s13+$0x20] =	vst v17  }
0x147: {  	v18 =	vmax.f32 v20, $0.0e+00;
	v17 =	vmax.f32 v23, $0.0e+00;
	v9 =	vld [tilespmem:s18+$0xFFFFFFE0];
	v10 =	vmax.f32 v10, $0.0e+00;
	[tilespmem:s13+$0x0] =	vst v8  }
0x148: {  	s10 =	sadd.s32 $0x80, s10;
	s18 =	sadd.s32 $0x80, s18;
	v8 =	vld.idx.msk [tilespmem:v19+s31+$0x0], $0xffff;
	[tilespmem:s13+$0xFFFFFFC0] =	vst v18;
	v18 =	vadd.f32 v25, v26;
	v19 =	vmax.f32 v4, $0.0e+00;
	v4 =	vadd.f32 v21, v24  }
0x149: {  	_ =	sdelay $0x3  }
0x14a: {  	v16 =	vld.idx.msk [tilespmem:v16+s31+$0x0], $0xffff  }
0x14b: {  	v21 =	vld [tilespmem:s17+$0x20]  }
0x14c: {  	v22 =	vld [tilespmem:s17+$0xFFFFFFC0]  }
0x14d: {  	v23 =	vld [tilespmem:s14+$0x20]  }
0x14e: {  	v24 =	vld [tilespmem:s14+$0x0]  }
0x14f: {  	v25 =	vld [tilespmem:s14+$0xFFFFFFC0]  }
0x150: {  	v15 =	vld.idx.msk [tilespmem:v15+s31+$0x0], $0xffff  }
0x151: {  	v26 =	vld [tilespmem:s14+$0xFFFFFFF0]  }
0x152: {  	[tilespmem:s13+$0x30] =	vst v19;
	v13 =	vmul.f32 v13, v1;
	v55 =	vld [tilespmem:s17+$0xFFFFFFF0];
	v6 =	vmul.f32 v6, v1  }
0x153: {  	v20 =	vld [tilespmem:s14+$0xFFFFFFE0];
	[tilespmem:s13+$0xFFFFFFD0] =	vst v17;
	v56 =	vmax.f32 v18, $0.0e+00;
	v12 =	vmul.f32 v12, v1;
	v54 =	vadd.f32 v21, v23  }
0x154: {  	[tilespmem:s13+$0xFFFFFFE0] =	vst v11;
	v4 =	vmax.f32 v4, $0.0e+00;
	v7 =	vadd.f32 v7, v14;
	v5 =	vadd.f32 v5, v24  }
0x155: {  	[tilespmem:s14+$0x10] =	vst v10;
	v57 =	vadd.f32 v22, v25;
	v16 =	vmul.f32 v16, v1;
	v13 =	vadd.f32 v54, v13  }
0x156: {  	[tilespmem:s13+$0xFFFFFFF0] =	vst v56;
	v8 =	vmul.f32 v8, v1;
	v58 =	vmul.f32 v15, v1;
	v5 =	vadd.f32 v5, v12  }
0x157: {  	[tilespmem:s14+$0x30] =	vst v4;
	v61 =	vadd.f32 v55, v26;
	v59 =	vadd.f32 v57, v16;
	v60 =	vmax.f32 v13, $0.0e+00  }
0x158: {  	v9 =	vadd.f32 v9, v20;
	v7 =	vadd.f32 v7, v58;
	v5 =	vmax.f32 v5, $0.0e+00;
	[tilespmem:s14+$0x20] =	vst v60  }
0x159: {  	v62 =	vmax.f32 v59, $0.0e+00;
	[tilespmem:s14+$0x0] =	vst v5;
	v5 =	vadd.f32 v61, v6  }
0x15a: {  	v63 =	vadd.f32 v9, v8;
	v7 =	vmax.f32 v7, $0.0e+00;
	[tilespmem:s14+$0xFFFFFFC0] =	vst v62  }
0x15b: {  	s12 =	sadd.s32 $0x1, s12;
	[tilespmem:s14+$0xFFFFFFD0] =	vst v7;
	v4 =	vmax.f32 v5, $0.0e+00  }
0x15c: {  	p0 =	sne.s32 s12, $0xC4;
	v5 =	vmax.f32 v63, $0.0e+00;
	[tilespmem:s14+$0xFFFFFFF0] =	vst v4  }
.Ltmp3:
0x15d: {  	[tilespmem:s14+$0xFFFFFFE0] =	vst v5;
	(pc) =	sbr.rel @p0 .LBB2_2-.Ltmp3, $4  }
0x15e: {  	[spmem:s2] =	stream.indirect.scatter.add.f32 [tilespmem:s0], [sflag:$0x3], $0x10, s30, s25, $0xb8;
	[tilespmem:$0x1CE40] =	vst v63  }
0x15f: {  	_ =	swait.ge [sflag:s20], $0x1000  }
0x160: {  	[sflag:s20] =	ssyncset.done $0x0  }
0x161: {  	[sflag:s20] =	ssyncadd.s32 $0xFFFFF000  }
0x162: {  	[bflag:$0x0] =	sbarrier.arrive $0xFFFF  }
0x163: {  	s12 =	rddreg [dreg:$0x5]  }
0x164: {  	s4 =	rddreg [dreg:$0xa]  }
0x165: {  	s10 =	rddreg [dreg:$0xc]  }
0x166: {  	[hbm:s4], [sflag:s12] =	dma.local [spmem:s10], $0x3100  }
0x167: {  	_ =	swait.ge [sflag:s20], $0x3100  }
0x168: {  	s11 =	rddreg [dreg:$0xd]  }
0x169: {  	s28 =	rddreg [dreg:$0xb];
	s11 =	sadd.s32 $0x1, s11  }
0x16a: {  	p0 =	sne.s32 s11, s28  }
.Ltmp4:
0x16b: {  	_ = 	snop;
	(pc) =	sbr.rel @p0 .LBB2_1-.Ltmp4, $3  }
0x16c: {  	_ =	sdelay $0x1  }
0x16d: {  	[sflag:s20] =	ssyncset.done $0x0  }
0x16e: {  	[sflag:s20] =	ssyncadd.s32 $0xFFFFCF00  }
0x16f: {  	_ =	sfence.sel $0x180000  }
0x170: {  	[bflag:$0x0] =	sbarrier.arrive $0xFFFF  }
0x171: {  	_ =	strace $0x9000004D  }
0x172: {  	s0 =	stileid.u32;
	[bflag:$0x2] =	sbarrier.arrive $0xFFFF  }
0x173: {  	p0 =	sne.s32 s0, $0x0;
	s0 =	rddreg [dreg:$0x3]  }
0x174: {  	s0 =	sadd.s32 @!p0 $0x100000, s0  }
0x175: {  	[sflag:s0] =	ssyncadd.tile.s32 @!p0 $0x1;
	_ =	shalt  }
.Lfunc_end2:
_tile_overlayer_lowered:
.L_overlay_start_2:
0x176: {  	(tag) =	ssettag $0x2  }
0x177: {  	s0 =	rddreg [dreg:$0x0];
	s2 =	stileid.u32  }
0x178: {  	s1 =	rddreg [dreg:$0x1];
	p0 =	sne.s32 s2, $0x0  }
0x179: {  	s3 =	rddreg [dreg:$0x2];
	[bflag:$0x3] =	sbarrier.arrive $0xFFFF;
	s2 =	simm.s32 @!p0 $0x1C03  }
0x17a: {  	[timem:s3], [sflag:s2] =	dma.local @!p0 [hbm:s0], s1  }
0x17b: {  	s0 =	simm.s32 @!p0 $0x3  }
0x17c: {  	_ =	swait.ge @!p0 [sflag:s0], s1  }
0x17d: {  	s1 =	ssub.s32 @!p0 $0x0, s1;
	[sflag:s0] =	ssyncset.done @!p0 $0x0  }
0x17e: {  	[sflag:s0] =	ssyncadd.s32 @!p0 s1  }
0x17f: {  	[bflag:$0x3] =	sbarrier.arrive $0xFFFF  }
0x180: {  	_ =	shalt  }

// kernel: kernel.8.cloned.1.call-start
scs
__scs_entry_jumppad:
0x0: {  	(pc) =	sbr.rel $0x88, $3  }
0x1: {  	(tag) =	ssettag $0x0;
	lr =	simm.s32 $0x1  }
0x2: {  	[smem:$0x3F77] =	sst lr;
	_ =	strace $0xD0000000  }
0x3: {  	_ = 	snop  }
0x4: {  	_ = 	snop  }
0x5: {  	_ = 	snop  }
0x6: {  	_ = 	snop  }
0x7: {  	_ = 	snop  }
__scs_overlays_trampoline_lowered:
0x8: {  	[smem:$0x3F86] =	sst s0  }
0x9: {  	[smem:$0x3F87] =	sst s1  }
0xa: {  	[smem:$0x3F88] =	sst s2  }
0xb: {  	[smem:$0x3F89] =	sst s3  }
0xc: {  	[smem:$0x3F8A] =	sst s4  }
0xd: {  	[smem:$0x3F8B] =	sst s5  }
0xe: {  	[smem:$0x3F8C] =	sst s6  }
0xf: {  	[smem:$0x3F8D] =	sst s7  }
0x10: {  	[smem:$0x3F8E] =	sst s8  }
0x11: {  	[smem:$0x3F8F] =	sst s9;
	s0 =	simm.s32 @!p0 $0x0  }
0x12: {  	s1 =	sld [smem:$0x3F75];
	s0 =	simm.s32 @p0 $0x1  }
0x13: {  	[smem:$0x3F90] =	sst s0;
	s0 =	simm.s32 @!p1 $0x0  }
0x14: {  	s2 =	sld [smem:$0x3F74];
	s0 =	simm.s32 @p1 $0x1  }
0x15: {  	[smem:$0x3F91] =	sst s0;
	s0 =	simm.s32 @!p2 $0x0  }
0x16: {  	s3 =	sld [smem:$0x3FDB];
	s0 =	simm.s32 @p2 $0x1  }
0x17: {  	s4 =	simm.s32 $0x1BF5;
	[smem:$0x3F93] =	sst s0  }
0x18: {  	s0 =	sld [smem:$0x3F76];
	_ =	swait.ge [sflag:s4], $0x0  }
0x19: {  	s7 =	sld [smem:$0x3F77]  }
0x1a: {  	s8 =	sadd.s32 $0xFFFFE003, lr  }
0x1b: {  	s9 =	sadd.s32 $0xFFFFFEF7, lr;
	s5 =	simm.s32 $0xFFFFFFFF;
	p2 =	slt.u32 s8, $0xFFFFF086  }
0x1c: {  	p1 =	slt.u32 s9, $0xF7A;
	s5 =	simm.s32 @!p2 $0x0  }
0x1d: {  	s5 =	simm.s32 @p1 $0x1;
	p0 =	seq.s32 s7, s2  }
0x1e: {  	s7 =	smul.u32 @!p0 $0xF7A, s2;
	p2 =	seq.s32 @!p0 s5, $0x0  }
0x1f: {  	s9 =	smul.u32 $0xF7A, s1;
	s8 =	simm.s32 @!p0 $0x1BF5;
	p2 =	por !p2, p0  }
0x20: {  	[sflag:s8] =	ssyncset.s32 @!p0 $0xFFFFF086;
	s6 =	sadd.s32 @!p0 s3, s7;
	s7 =	simm.s32 @!p0 $0x108  }
0x21: {  	s3 =	sadd.s32 s3, s9;
	s6 =	sadd.s32 @!p0 $0x88, s6;
	s7 =	simm.s32 @p2 $0x1082  }
0x22: {  	[simem:s7], [sflag:s8] =	dma.local @!p0 [hbm:s6], $0xF7A  }
0x23: {  	s9 =	sor.u32 $0xD0000000, s2;
	s6 =	simm.s32 $0x108;
	_ =	swait.ge @!p0 [sflag:s8], $0x0  }
0x24: {  	s3 =	sadd.s32 $0x88, s3;
	s6 =	simm.s32 @!p1 $0x1082;
	[sflag:s4] =	ssyncset.s32 $0xFFFFF086  }
0x25: {  	[simem:s6], [sflag:s4] =	dma.local [hbm:s3], $0xF7A  }
0x26: {  	[smem:$0x3F77] =	sst s1;
	(tag) =	ssettag s2;
	_ =	strace s9  }
0x27: {  	s1 =	sld [smem:$0x3F87]  }
0x28: {  	s2 =	sld [smem:$0x3F88]  }
0x29: {  	s4 =	sld [smem:$0x3F8A]  }
0x2a: {  	p0 =	seq.s32 s5, $0x0;
	s5 =	sld [smem:$0x3F8B]  }
0x2b: {  	s6 =	sld [smem:$0x3F8C]  }
0x2c: {  	s7 =	sld [smem:$0x3F8D]  }
0x2d: {  	s3 =	simm.s32 $0x108;
	s8 =	sld [smem:$0x3F8E]  }
0x2e: {  	s3 =	simm.s32 @!p0 $0x1082;
	s9 =	sld [smem:$0x3F8F]  }
0x2f: {  	lr =	sadd.s32 s0, s3;
	s0 =	sld [smem:$0x3F86]  }
0x30: {  	s3 =	sld [smem:$0x3F89]  }
0x31: {  	[smem:$0x3F92] =	sst s10  }
0x32: {  	s10 =	sld [smem:$0x3F90];
	_ =	sdelay $0x3  }
0x33: {  	p0 =	seq.s32 s10, $0x1;
	s10 =	sld [smem:$0x3F92];
	_ =	sdelay $0x3  }
0x34: {  	[smem:$0x3F92] =	sst s10  }
0x35: {  	s10 =	sld [smem:$0x3F91];
	_ =	sdelay $0x3  }
0x36: {  	p1 =	seq.s32 s10, $0x1;
	s10 =	sld [smem:$0x3F92];
	_ =	sdelay $0x3  }
0x37: {  	[smem:$0x3F92] =	sst s10  }
0x38: {  	s10 =	sld [smem:$0x3F93]  }
0x39: {  	_ = 	snop;
	(pc) =	sbr.ind lr, $3  }
0x3a: {  	_ = 	snop  }
0x3b: {  	_ = 	snop  }
0x3c: {  	p2 =	seq.s32 s10, $0x1;
	s10 =	sld [smem:$0x3F92]  }
0x3d: {  	_ =	shalt  }
0x3e: {  	_ =	shalt  }
0x3f: {  	_ =	shalt  }
0x40: {  	_ =	shalt  }
0x41: {  	_ =	shalt  }
0x42: {  	_ =	shalt  }
0x43: {  	_ =	shalt  }
0x44: {  	_ =	shalt  }
0x45: {  	_ =	shalt  }
0x46: {  	_ =	shalt  }
0x47: {  	_ =	shalt  }
0x48: {  	_ =	shalt  }
0x49: {  	_ =	shalt  }
0x4a: {  	_ =	shalt  }
0x4b: {  	_ =	shalt  }
0x4c: {  	_ =	shalt  }
0x4d: {  	_ =	shalt  }
0x4e: {  	_ =	shalt  }
0x4f: {  	_ =	shalt  }
0x50: {  	_ =	shalt  }
0x51: {  	_ =	shalt  }
0x52: {  	_ =	shalt  }
0x53: {  	_ =	shalt  }
0x54: {  	_ =	shalt  }
0x55: {  	_ =	shalt  }
0x56: {  	_ =	shalt  }
0x57: {  	_ =	shalt  }
0x58: {  	_ =	shalt  }
0x59: {  	_ =	shalt  }
0x5a: {  	_ =	shalt  }
0x5b: {  	_ =	shalt  }
0x5c: {  	_ =	shalt  }
0x5d: {  	_ =	shalt  }
0x5e: {  	_ =	shalt  }
0x5f: {  	_ =	shalt  }
0x60: {  	_ =	shalt  }
0x61: {  	_ =	shalt  }
0x62: {  	_ =	shalt  }
0x63: {  	_ =	shalt  }
0x64: {  	_ =	shalt  }
0x65: {  	_ =	shalt  }
0x66: {  	_ =	shalt  }
0x67: {  	_ =	shalt  }
0x68: {  	_ =	shalt  }
0x69: {  	_ =	shalt  }
0x6a: {  	_ =	shalt  }
0x6b: {  	_ =	shalt  }
0x6c: {  	_ =	shalt  }
0x6d: {  	_ =	shalt  }
0x6e: {  	_ =	shalt  }
0x6f: {  	_ =	shalt  }
0x70: {  	_ =	shalt  }
0x71: {  	_ =	shalt  }
0x72: {  	_ =	shalt  }
0x73: {  	_ =	shalt  }
0x74: {  	_ =	shalt  }
0x75: {  	_ =	shalt  }
0x76: {  	_ =	shalt  }
0x77: {  	_ =	shalt  }
0x78: {  	_ =	shalt  }
0x79: {  	_ =	shalt  }
0x7a: {  	_ =	shalt  }
0x7b: {  	_ =	shalt  }
0x7c: {  	_ =	shalt  }
0x7d: {  	_ =	shalt  }
0x7e: {  	_ =	shalt  }
0x7f: {  	_ =	shalt  }
0x80: {  	_ =	shalt  }
0x81: {  	_ =	shalt  }
0x82: {  	_ =	shalt  }
0x83: {  	_ =	shalt  }
0x84: {  	_ =	shalt  }
0x85: {  	_ =	shalt  }
0x86: {  	_ =	shalt  }
0x87: {  	_ =	shalt  }
.Lfunc_end0:
.L_simem_size_0:
called_computation_lowered:
.L_overlay_start_0:
0x88: {  	s2 =	sld [smem:$0x3FD9]  }
0x89: {  	s3 =	sld [smem:$0x3FFE];
	_ =	sdelay $0x1  }
0x8a: {  	s1 =	srdreg.scid  }
0x8b: {  	s0 =	sand.u32 $0x1, s1  }
0x8c: {  	s16 =	sshll.u32 s0, $0xA;
	s2 =	sadd.s32 s3, s2  }
0x8d: {  	s2 =	sadd.s32 s2, s16  }
0x8e: {  	[smem:$0x3F9E] =	sst s2  }
0x8f: {  	_ = 	snop  }
0x90: {  	(tm) =	ssettm $0x1  }
0x91: {  	s17 =	sld [smem:$0x3FFB];
	_ =	sdelay $0x3  }
0x92: {  	_ =	strace s17  }
0x93: {  	s2 =	sld [smem:$0x3FFC];
	_ =	sdelay $0x3  }
0x94: {  	_ =	strace s2  }
0x95: {  	s2 =	sld [smem:$0x3FFD];
	_ =	sdelay $0x3  }
0x96: {  	_ =	strace s2  }
0x97: {  	_ =	strace $0x8FFFFFFF  }
0x98: {  	s18 =	sld [smem:$0x3FDB];
	_ =	sdelay $0x1  }
0x99: {  	s19 =	simm.s32 $_scs_section_size  }
0x9a: {  	s4 =	simm.s32 $_size__tile_overlayer_lowered;
	s5 =	simm.s32 $_tile_overlayer_lowered  }
0x9b: {  	s22 =	simm.s32 $0x1BFF;
	s21 =	sshll.u32 s5, $0x1;
	s2 =	sadd.s32 s19, s18  }
0x9c: {  	s6 =	simm.s32 $0x0;
	s20 =	sshll.u32 s4, $0x1;
	s4 =	sadd.s32 s21, s2  }
0x9d: {  	[timem:s6], [sflag:s22] =	dma.local [hbm:s4], s20  }
0x9e: {  	_ =	swait.ge [sflag:s22], s20  }
0x9f: {  	s3 =	ssub.s32 $0x0, s20;
	[sflag:s22] =	ssyncset.done $0x0  }
0xa0: {  	[sflag:s22] =	ssyncadd.s32 s3;
	_ =	sdelay $0x1  }
0xa1: {  	s23 =	simm.s32 $0x1B8B  }
0xa2: {  	_ =	swait.ge [sflag:s23], $0x1  }
0xa3: {  	[sflag:s23] =	ssyncset.done $0x0  }
0xa4: {  	s25 =	simm.s32 $0x1B8E;
	s24 =	sld [smem:$0x3FFE];
	[sflag:s23] =	ssyncadd.s32 $0xFFFFFFFF  }
0xa5: {  	s26 =	simm.s32 $execute0_lowered;
	[smem:$0x3FD2] =	sst s25  }
0xa6: {  	s4 =	sshll.u32 s26, $0x1;
	_ =	strace $0x80000046;
	[dreg:$0x1] =	wrdreg $0xFFFFFFFF  }
0xa7: {  	s28 =	simm.s32 $_size_execute0_lowered;
	s2 =	sadd.s32 s2, s4;
	[dreg:$0x0] =	wrdreg $0x0  }
0xa8: {  	s4 =	sshll.u32 s28, $0x1;
	[dreg:$0x2] =	wrdreg s2  }
0xa9: {  	[dreg:$0x3] =	wrdreg s4  }
0xaa: {  	[dreg:$0x4] =	wrdreg $0xC0  }
0xab: {  	_ =	task [dreg:s6], $0x5FFFF  }
0xac: {  	[dreg:$0x1] =	wrdreg $0xFFFFFFFF  }
0xad: {  	[dreg:$0x0] =	wrdreg $0x60  }
0xae: {  	[dreg:$0x2] =	wrdreg s24  }
0xaf: {  	[dreg:$0x3] =	wrdreg $0x0  }
0xb0: {  	[dreg:$0x4] =	wrdreg $0x18800  }
0xb1: {  	[dreg:$0x5] =	wrdreg $0x9  }
0xb2: {  	_ =	task.clear_ibuf [dreg:s6], $0x6FFFF;
	_ =	strace $0x90000046  }
0xb3: {  	s29 =	simm.s32 $0x9;
	_ =	strace $0x80000048  }
0xb4: {  	_ =	swait.ge [sflag:s29], $0x1  }
0xb5: {  	[sflag:s29] =	ssyncadd.s32 $0xFFFFFFFF  }
0xb6: {  	_ =	strace $0x90000048  }
0xb7: {  	_ =	sfence  }
0xb8: {  	s30 =	sld [smem:$0x0];
	_ =	sdelay $0x2  }
0xb9: {  	s31 =	sshll.u32 s1, $0xD;
	s1 =	sshrl.u32 s1, $0x2  }
0xba: {  	s3 =	sand.u32 $0x4000, s31;
	s1 =	sadd.s32 s1, s30  }
0xbb: {  	s0 =	sor.u32 s3, s0;
	s1 =	sshll.u32 s1, $0x11  }
0xbc: {  	s0 =	sor.u32 s1, s0  }
0xbd: {  	s0 =	sadd.s32 $0x8F2B, s0  }
0xbe: {  	[sflag:s0] =	ssyncadd.remote.s32 $0x1  }
0xbf: {  	_ =	sfence.sel $0xFFFF  }
0xc0: {  	[dreg:$0x0] =	wrdreg $0xFFFFFFFF;
	(pc) =	sbr.abs _section_cstart, $3  }
0xc1: {  	[dreg:$0x1] =	wrdreg $0xFFFFFFFF  }
0xc2: {  	_ =	task.clear_ibuf [dreg:s6], $0x2FFFF;
	_ =	strace $0x9FFFFFFF  }
0xc3: {  	(tm) =	ssettm $0x7FFFFFFF  }
tec
execute0_lowered:
.L_overlay_start_1:
0x0: {  	(tag) =	ssettag $0x1  }
0x1: {  	s6 =	rddreg [dreg:$0x0]  }
0x2: {  	s2 =	rddreg [dreg:$0x1]  }
0x3: {  	s3 =	rddreg [dreg:$0x2]  }
0x4: {  	s0 =	srdreg.scid;
	s1 =	rddreg [dreg:$0x3];
	s4 =	simm.s32 $0x0  }
0x5: {  	s17 =	simm.s32 $0x800;
	s18 =	simm.s32 $0x4100;
	s19 =	simm.s32 $0x0  }
0x6: {  	s7 =	sand.u32 $0x1, s0;
	s0 =	stileid.u32;
	[smem:$0x7FF] =	sst s4  }
0x7: {  	s9 =	sadd.s32 $0xD9000, s6;
	s10 =	sadd.s32 $0xCFA00, s6;
	s5 =	smul.u32 $0x188000, s7  }
0x8: {  	s14 =	sadd.s32 $0xD2C00, s6;
	s8 =	smul.u32 $0x18800, s0;
	_ =	strace $0x80000047  }
0x9: {  	s12 =	ssub.s32 $0x2, s7;
	s13 =	smul.u32 $0x1880, s0;
	p0 =	seq.s32 s7, $0x1  }
0xa: {  	s15 =	sshll.u32 s0, $0x6;
	s30 =	sshrl.u32 s12, $0x1;
	s10 =	smov.u32 @p0 s14  }
0xb: {  	s5 =	sadd.s32 s8, s5;
	s8 =	sadd.s32 $0xD5E00, s6;
	s12 =	ssub.s32 s12, s30  }
0xc: {  	s16 =	sadd.s32 s13, s2;
	s31 =	sadd.s32 s13, s3;
	s13 =	sshrl.u32 s13, $0x3  }
0xd: {  	s5 =	sshrl.u32 s5, $0x3;
	s7 =	smax.u32 s12, $0x1;
	s8 =	smov.u32 @p0 s9  }
0xe: {  	s9 =	sadd.s32 s10, s13;
	s12 =	sshrl.u32 s16, $0x3;
	s14 =	sshrl.u32 s31, $0x3  }
0xf: {  	s16 =	simm.s32 $0x3900;
	s11 =	sadd.s32 s5, s6;
	s5 =	sadd.s32 $0xCF600, s6  }
0x10: {  	s6 =	sor.u32 $0x1C01, s15;
	s8 =	sadd.s32 s8, s13;
	s13 =	simm.s32 $0x1  }
0x11: {  	v0 =	vimm.f32 $1.000000000e+00;
	s15 =	simm.s32 $0x3100;
	s10 =	sadd.s32 $0x6D600, s11;
	s11 =	sadd.s32 $0xB600, s11  }
.LBB2_1:
0x12: {  	[spmem:s12], [sflag:s6] =	dma.local [hbm:s5], $0x310  }
0x13: {  	_ =	swait.ge [sflag:s13], $0x310  }
0x14: {  	[sflag:s13] =	ssyncset.done $0x0  }
0x15: {  	[sflag:s13] =	ssyncadd.s32 $0xFFFFFCF0  }
0x16: {  	[spmem:s14], [sflag:s6] =	dma.local [hbm:s5], $0x310  }
0x17: {  	_ =	swait.ge [sflag:s13], $0x310  }
0x18: {  	[sflag:s13] =	ssyncset.done $0x0  }
0x19: {  	[sflag:s13] =	ssyncadd.s32 $0xFFFFFCF0  }
0x1a: {  	[tilespmem:$0x4100] =	vst v0  }
0x1b: {  	[tilespmem:$0x4110] =	vst v0  }
0x1c: {  	[tilespmem:$0x4120] =	vst v0  }
0x1d: {  	[tilespmem:$0x4130] =	vst v0  }
0x1e: {  	[tilespmem:$0x4140] =	vst v0  }
0x1f: {  	[tilespmem:$0x4150] =	vst v0  }
0x20: {  	[tilespmem:$0x4160] =	vst v0  }
0x21: {  	[tilespmem:$0x4170] =	vst v0  }
0x22: {  	[tilespmem:$0x4180] =	vst v0  }
0x23: {  	[tilespmem:$0x4190] =	vst v0  }
0x24: {  	[tilespmem:$0x41A0] =	vst v0  }
0x25: {  	[tilespmem:$0x41B0] =	vst v0  }
0x26: {  	[tilespmem:$0x41C0] =	vst v0  }
0x27: {  	[tilespmem:$0x41D0] =	vst v0  }
0x28: {  	[tilespmem:$0x41E0] =	vst v0  }
0x29: {  	[tilespmem:$0x41F0] =	vst v0  }
0x2a: {  	[tilespmem:$0x4200] =	vst v0  }
0x2b: {  	[tilespmem:$0x4210] =	vst v0  }
0x2c: {  	[tilespmem:$0x4220] =	vst v0  }
0x2d: {  	[tilespmem:$0x4230] =	vst v0  }
0x2e: {  	[tilespmem:$0x4240] =	vst v0  }
0x2f: {  	[tilespmem:$0x4250] =	vst v0  }
0x30: {  	[tilespmem:$0x4260] =	vst v0  }
0x31: {  	[tilespmem:$0x4270] =	vst v0  }
0x32: {  	[tilespmem:$0x4280] =	vst v0  }
0x33: {  	[tilespmem:$0x4290] =	vst v0  }
0x34: {  	[tilespmem:$0x42A0] =	vst v0  }
0x35: {  	[tilespmem:$0x42B0] =	vst v0  }
0x36: {  	[tilespmem:$0x42C0] =	vst v0  }
0x37: {  	[tilespmem:$0x42D0] =	vst v0  }
0x38: {  	[tilespmem:$0x42E0] =	vst v0  }
0x39: {  	[tilespmem:$0x42F0] =	vst v0  }
0x3a: {  	[tilespmem:$0x4300] =	vst v0  }
0x3b: {  	[tilespmem:$0x4310] =	vst v0  }
0x3c: {  	[tilespmem:$0x4320] =	vst v0  }
0x3d: {  	[tilespmem:$0x4330] =	vst v0  }
0x3e: {  	[tilespmem:$0x4340] =	vst v0  }
0x3f: {  	[tilespmem:$0x4350] =	vst v0  }
0x40: {  	[tilespmem:$0x4360] =	vst v0  }
0x41: {  	[tilespmem:$0x4370] =	vst v0  }
0x42: {  	[tilespmem:$0x4380] =	vst v0  }
0x43: {  	[tilespmem:$0x4390] =	vst v0  }
0x44: {  	[tilespmem:$0x43A0] =	vst v0  }
0x45: {  	[tilespmem:$0x43B0] =	vst v0  }
0x46: {  	[tilespmem:$0x43C0] =	vst v0  }
0x47: {  	[tilespmem:$0x43D0] =	vst v0  }
0x48: {  	[tilespmem:$0x43E0] =	vst v0  }
0x49: {  	[tilespmem:$0x43F0] =	vst v0  }
0x4a: {  	[tilespmem:$0x4400] =	vst v0  }
0x4b: {  	[tilespmem:$0x4410] =	vst v0  }
0x4c: {  	[tilespmem:$0x4420] =	vst v0  }
0x4d: {  	[tilespmem:$0x4430] =	vst v0  }
0x4e: {  	[tilespmem:$0x4440] =	vst v0  }
0x4f: {  	[tilespmem:$0x4450] =	vst v0  }
0x50: {  	[tilespmem:$0x4460] =	vst v0  }
0x51: {  	[tilespmem:$0x4470] =	vst v0  }
0x52: {  	[tilespmem:$0x4480] =	vst v0  }
0x53: {  	[tilespmem:$0x4490] =	vst v0  }
0x54: {  	[tilespmem:$0x44A0] =	vst v0  }
0x55: {  	[tilespmem:$0x44B0] =	vst v0  }
0x56: {  	[tilespmem:$0x44C0] =	vst v0  }
0x57: {  	[tilespmem:$0x44D0] =	vst v0  }
0x58: {  	[tilespmem:$0x44E0] =	vst v0  }
0x59: {  	[tilespmem:$0x44F0] =	vst v0  }
0x5a: {  	[tilespmem:$0x4500] =	vst v0  }
0x5b: {  	[tilespmem:$0x4510] =	vst v0  }
0x5c: {  	[tilespmem:$0x4520] =	vst v0  }
0x5d: {  	[tilespmem:$0x4530] =	vst v0  }
0x5e: {  	[tilespmem:$0x4540] =	vst v0  }
0x5f: {  	[tilespmem:$0x4550] =	vst v0  }
0x60: {  	[tilespmem:$0x4560] =	vst v0  }
0x61: {  	[tilespmem:$0x4570] =	vst v0  }
0x62: {  	[tilespmem:$0x4580] =	vst v0  }
0x63: {  	[tilespmem:$0x4590] =	vst v0  }
0x64: {  	[tilespmem:$0x45A0] =	vst v0  }
0x65: {  	[tilespmem:$0x45B0] =	vst v0  }
0x66: {  	[tilespmem:$0x45C0] =	vst v0  }
0x67: {  	[tilespmem:$0x45D0] =	vst v0  }
0x68: {  	[tilespmem:$0x45E0] =	vst v0  }
0x69: {  	[tilespmem:$0x45F0] =	vst v0  }
0x6a: {  	[tilespmem:$0x4600] =	vst v0  }
0x6b: {  	[tilespmem:$0x4610] =	vst v0  }
0x6c: {  	[tilespmem:$0x4620] =	vst v0  }
0x6d: {  	[tilespmem:$0x4630] =	vst v0  }
0x6e: {  	[tilespmem:$0x4640] =	vst v0  }
0x6f: {  	[tilespmem:$0x4650] =	vst v0  }
0x70: {  	[tilespmem:$0x4660] =	vst v0  }
0x71: {  	[tilespmem:$0x4670] =	vst v0  }
0x72: {  	[tilespmem:$0x4680] =	vst v0  }
0x73: {  	[tilespmem:$0x4690] =	vst v0  }
0x74: {  	[tilespmem:$0x46A0] =	vst v0  }
0x75: {  	[tilespmem:$0x46B0] =	vst v0  }
0x76: {  	[tilespmem:$0x46C0] =	vst v0  }
0x77: {  	[tilespmem:$0x46D0] =	vst v0  }
0x78: {  	[tilespmem:$0x46E0] =	vst v0  }
0x79: {  	[tilespmem:$0x46F0] =	vst v0  }
0x7a: {  	[tilespmem:$0x4700] =	vst v0  }
0x7b: {  	[tilespmem:$0x4710] =	vst v0  }
0x7c: {  	[tilespmem:$0x4720] =	vst v0  }
0x7d: {  	[tilespmem:$0x4730] =	vst v0  }
0x7e: {  	[tilespmem:$0x4740] =	vst v0  }
0x7f: {  	[tilespmem:$0x4750] =	vst v0  }
0x80: {  	[tilespmem:$0x4760] =	vst v0  }
0x81: {  	[tilespmem:$0x4770] =	vst v0  }
0x82: {  	[tilespmem:$0x4780] =	vst v0  }
0x83: {  	[tilespmem:$0x4790] =	vst v0  }
0x84: {  	[tilespmem:$0x47A0] =	vst v0  }
0x85: {  	[tilespmem:$0x47B0] =	vst v0  }
0x86: {  	[tilespmem:$0x47C0] =	vst v0  }
0x87: {  	[tilespmem:$0x47D0] =	vst v0  }
0x88: {  	[tilespmem:$0x47E0] =	vst v0  }
0x89: {  	[tilespmem:$0x47F0] =	vst v0  }
0x8a: {  	[tilespmem:$0x4800] =	vst v0  }
0x8b: {  	[tilespmem:$0x4810] =	vst v0  }
0x8c: {  	[tilespmem:$0x4820] =	vst v0  }
0x8d: {  	[tilespmem:$0x4830] =	vst v0  }
0x8e: {  	[tilespmem:$0x4840] =	vst v0  }
0x8f: {  	[tilespmem:$0x4850] =	vst v0  }
0x90: {  	[tilespmem:$0x4860] =	vst v0  }
0x91: {  	[tilespmem:$0x4870] =	vst v0  }
0x92: {  	[tilespmem:$0x4880] =	vst v0  }
0x93: {  	[tilespmem:$0x4890] =	vst v0  }
0x94: {  	[tilespmem:$0x48A0] =	vst v0  }
0x95: {  	[tilespmem:$0x48B0] =	vst v0  }
0x96: {  	[tilespmem:$0x48C0] =	vst v0  }
0x97: {  	[tilespmem:$0x48D0] =	vst v0  }
0x98: {  	[tilespmem:$0x48E0] =	vst v0  }
0x99: {  	[tilespmem:$0x48F0] =	vst v0  }
0x9a: {  	s20 =	sadd.s32 $0x0, s11;
	[bflag:$0x0] =	sbarrier.arrive $0xFFFF  }
0x9b: {  	[tilespmem:s15], [sflag:$0x1] =	stream.linear.gather [hbm4b:s20+s4], $0x800, $0x38;
	[tilespmem:$0x4900] =	vst v63  }
0x9c: {  	_ =	swait.ge [sflag:s13], $0x800  }
0x9d: {  	[sflag:s13] =	ssyncset.done $0x0  }
0x9e: {  	s31 =	sadd.s32 $0x0, s10;
	[sflag:s13] =	ssyncadd.s32 $0xFFFFF800  }
0x9f: {  	[tilespmem:s16], [sflag:$0x1] =	stream.linear.gather [hbm4b:s31+s4], $0x800, $0x38;
	[tilespmem:$0x4900] =	vst v63  }
0xa0: {  	_ =	swait.ge [sflag:s13], $0x800  }
0xa1: {  	[sflag:s13] =	ssyncset.done $0x0  }
0xa2: {  	[sflag:s13] =	ssyncadd.s32 $0xFFFFF800  }
0xa3: {  	[spmem:s2] =	stream.indirect.scatter.add.f32 [tilespmem:s18], [sflag:$0x1], $0x1, s15, s17, $0xb8;
	[tilespmem:$0x4900] =	vst v63  }
0xa4: {  	_ =	swait.ge [sflag:s13], $0x800  }
0xa5: {  	[sflag:s13] =	ssyncset.done $0x0  }
0xa6: {  	[sflag:s13] =	ssyncadd.s32 $0xFFFFF800  }
0xa7: {  	[spmem:s3] =	stream.indirect.scatter.add.f32 [tilespmem:s18], [sflag:$0x1], $0x1, s16, s17, $0xb8;
	[tilespmem:$0x4900] =	vst v63  }
0xa8: {  	_ =	swait.ge [sflag:s13], $0x800  }
0xa9: {  	s21 =	simm.s32 $0x200;
	s20 =	simm.s32 $0x100;
	[sflag:s13] =	ssyncset.done $0x0  }
.LBB2_2:
0xaa: {  	s22 =	sadd.s32 s20, s11  }
0xab: {  	[sflag:s13] =	ssyncadd.s32 $0xFFFFF800;
	s23 =	smov.u32 s21;
	s24 =	sadd.s32 $0x100, s21  }
0xac: {  	[tilespmem:s15], [sflag:$0x1] =	stream.linear.gather [hbm4b:s22+s4], $0x800, $0x38;
	[tilespmem:$0x4900] =	vst v63  }
0xad: {  	p0 =	sne.s32 s21, $0x3000;
	_ =	swait.ge [sflag:s13], $0x800  }
0xae: {  	[sflag:s13] =	ssyncset.done $0x0  }
0xaf: {  	s21 =	sadd.s32 s20, s10;
	s20 =	smov.u32 s23;
	[sflag:s13] =	ssyncadd.s32 $0xFFFFF800  }
0xb0: {  	[tilespmem:s16], [sflag:$0x1] =	stream.linear.gather [hbm4b:s21+s4], $0x800, $0x38;
	[tilespmem:$0x4900] =	vst v63  }
0xb1: {  	_ =	swait.ge [sflag:s13], $0x800  }
0xb2: {  	[sflag:s13] =	ssyncset.done $0x0  }
0xb3: {  	[sflag:s13] =	ssyncadd.s32 $0xFFFFF800  }
0xb4: {  	[spmem:s2] =	stream.indirect.scatter.add.f32 [tilespmem:s18], [sflag:$0x1], $0x1, s15, s17, $0xb8;
	[tilespmem:$0x4900] =	vst v63  }
0xb5: {  	_ =	swait.ge [sflag:s13], $0x800  }
.Ltmp0:
0xb6: {  	[sflag:s13] =	ssyncset.done $0x0;
	(pc) =	sbr.rel @p0 .LBB2_2-.Ltmp0, $4  }
0xb7: {  	[sflag:s13] =	ssyncadd.s32 $0xFFFFF800  }
0xb8: {  	[spmem:s3] =	stream.indirect.scatter.add.f32 [tilespmem:s18], [sflag:$0x1], $0x1, s16, s17, $0xb8;
	[tilespmem:$0x4900] =	vst v63  }
0xb9: {  	_ =	swait.ge [sflag:s13], $0x800  }
0xba: {  	s21 =	smov.u32 s24;
	[sflag:s13] =	ssyncset.done $0x0  }
0xbb: {  	s21 =	sadd.s32 s20, s11;
	[sflag:s13] =	ssyncadd.s32 $0xFFFFF800  }
0xbc: {  	[tilespmem:s15], [sflag:$0x1] =	stream.linear.gather [hbm4b:s21+s4], $0x800, $0x38;
	[tilespmem:$0x4900] =	vst v63  }
0xbd: {  	_ =	swait.ge [sflag:s13], $0x800  }
0xbe: {  	[sflag:s13] =	ssyncset.done $0x0  }
0xbf: {  	s31 =	sadd.s32 s20, s10;
	[sflag:s13] =	ssyncadd.s32 $0xFFFFF800  }
0xc0: {  	[tilespmem:s16], [sflag:$0x1] =	stream.linear.gather [hbm4b:s31+s4], $0x800, $0x38;
	[tilespmem:$0x4900] =	vst v63  }
0xc1: {  	_ =	swait.ge [sflag:s13], $0x800  }
0xc2: {  	[sflag:s13] =	ssyncset.done $0x0  }
0xc3: {  	[sflag:s13] =	ssyncadd.s32 $0xFFFFF800  }
0xc4: {  	[spmem:s2] =	stream.indirect.scatter.add.f32 [tilespmem:s18], [sflag:$0x1], $0x1, s15, s17, $0xb8;
	[tilespmem:$0x4900] =	vst v63  }
0xc5: {  	_ =	swait.ge [sflag:s13], $0x800  }
0xc6: {  	[sflag:s13] =	ssyncset.done $0x0  }
0xc7: {  	[sflag:s13] =	ssyncadd.s32 $0xFFFFF800  }
0xc8: {  	[spmem:s3] =	stream.indirect.scatter.add.f32 [tilespmem:s18], [sflag:$0x1], $0x1, s16, s17, $0xb8;
	[tilespmem:$0x4900] =	vst v63  }
0xc9: {  	_ =	swait.ge [sflag:s13], $0x800  }
0xca: {  	[sflag:s13] =	ssyncset.done $0x0  }
0xcb: {  	[sflag:s13] =	ssyncadd.s32 $0xFFFFF800  }
0xcc: {  	[bflag:$0x0] =	sbarrier.arrive $0xFFFF  }
0xcd: {  	[hbm:s8], [sflag:s6] =	dma.local [spmem:s12], $0x310  }
0xce: {  	s19 =	sadd.s32 $0x1, s19;
	_ =	swait.ge [sflag:s13], $0x310  }
0xcf: {  	p0 =	sne.s32 s19, s7;
	[sflag:s13] =	ssyncset.done $0x0  }
.Ltmp1:
0xd0: {  	[sflag:s13] =	ssyncadd.s32 $0xFFFFFCF0;
	(pc) =	sbr.rel @p0 .LBB2_1-.Ltmp1, $4  }
0xd1: {  	[hbm:s9], [sflag:s6] =	dma.local [spmem:s14], $0x310  }
0xd2: {  	_ =	swait.ge [sflag:s13], $0x310  }
0xd3: {  	[sflag:s13] =	ssyncset.done $0x0  }
0xd4: {  	[sflag:s13] =	ssyncadd.s32 $0xFFFFFCF0  }
0xd5: {  	_ =	sfence.sel $0x180000  }
0xd6: {  	[bflag:$0x0] =	sbarrier.arrive $0xFFFF  }
0xd7: {  	p0 =	sne.s32 s0, $0x0;
	_ =	strace $0x90000047  }
0xd8: {  	s0 =	sadd.s32 @!p0 $0x100000, s1;
	[bflag:$0x2] =	sbarrier.arrive $0xFFFF  }
0xd9: {  	[sflag:s0] =	ssyncadd.tile.s32 @!p0 $0x1;
	_ =	shalt  }
.Lfunc_end2:
_tile_overlayer_lowered:
.L_overlay_start_2:
0xda: {  	(tag) =	ssettag $0x2  }
0xdb: {  	s0 =	rddreg [dreg:$0x0];
	s2 =	stileid.u32  }
0xdc: {  	s1 =	rddreg [dreg:$0x1];
	p0 =	sne.s32 s2, $0x0  }
0xdd: {  	s3 =	rddreg [dreg:$0x2];
	[bflag:$0x3] =	sbarrier.arrive $0xFFFF;
	s2 =	simm.s32 @!p0 $0x1C01  }
0xde: {  	[timem:s3], [sflag:s2] =	dma.local @!p0 [hbm:s0], s1  }
0xdf: {  	s0 =	simm.s32 @!p0 $0x1  }
0xe0: {  	_ =	swait.ge @!p0 [sflag:s0], s1  }
0xe1: {  	s1 =	ssub.s32 @!p0 $0x0, s1;
	[sflag:s0] =	ssyncset.done @!p0 $0x0  }
0xe2: {  	[sflag:s0] =	ssyncadd.s32 @!p0 s1  }
0xe3: {  	[bflag:$0x3] =	sbarrier.arrive $0xFFFF  }
0xe4: {  	_ =	shalt  }

</sc_bundles>
